<compile_context>
chip_gen: v7x
topology: tpu7x:2x2x1
jax: 0.10.2.dev20260603
libtpu: 0.0.44.dev20260713+nightly
codegen_flags: <defaults>
</compile_context>

<pallas_src>
import jax
import jax.numpy as jnp
from jax import lax
from jax.experimental import pallas as pl
from jax.experimental.pallas import tpu as pltpu
from jax.experimental.pallas import tpu_sc as plsc

N = 10000
E = 320000
D = 128
NC = 2
NS = 16
NW = NC * NS
EPW = E // NW
CB = 80
G = 25
NG = EPW // (G * CB)
NPAD = 10112
RPT = NPAD // NS
ZROW = N

_mesh = plsc.VectorSubcoreMesh(
    core_axis_name="c", subcore_axis_name="s", num_cores=NC, num_subcores=NS
)


def _fill_rows(ref, nrows, value):

    def row(j, _):
        def lane(k, _):
            ref[j, pl.ds(k * 16, 16)] = jnp.full((16,), value, jnp.float32)
            return 0

        return lax.fori_loop(0, D // 16, lane, 0)

    lax.fori_loop(0, nrows, row, 0)


def _zero_stripe(acc_s, zb, s):
    base = s * RPT
    for t in range(RPT // CB):
        pltpu.sync_copy(zb, acc_s.at[pl.ds(base + t * CB, CB)])
    rem = RPT % CB
    if rem:
        pltpu.sync_copy(
            zb.at[pl.ds(0, rem)], acc_s.at[pl.ds(base + (RPT // CB) * CB, rem)]
        )


def _deg_body(src_hbm, dst_hbm, srcp_hbm, degp_hbm, sv0, sv1, dv, ones_v,
              deg_s, sem_s):
    c = lax.axis_index("c")
    s = lax.axis_index("s")
    w = c * NS + s
    svs = [sv0, sv1]

    _fill_rows(ones_v, CB, 0.0)
    _zero_stripe(deg_s, ones_v, s)
    _fill_rows(ones_v, CB, 1.0)
    plsc.subcore_barrier()

    def stage_remap(g, sv):
        pltpu.sync_copy(src_hbm.at[w, g], sv)
        pltpu.sync_copy(dst_hbm.at[w, g], dv)

        def remap_row(j, _):
            def remap_lane(k, _):
                sl = sv[j, pl.ds(k * 16, 16)]
                dl = dv[j, pl.ds(k * 16, 16)]
                sv[j, pl.ds(k * 16, 16)] = jnp.where(
                    sl == dl, jnp.int32(ZROW), sl
                )
                return 0

            return lax.fori_loop(0, CB // 16, remap_lane, 0)

        lax.fori_loop(0, G, remap_row, 0)
        pltpu.sync_copy(sv, srcp_hbm.at[w, g])

    stage_remap(0, svs[0])
    for g in range(NG):
        sv = svs[g % 2]

        def fire(j, _):
            pltpu.async_copy(ones_v, deg_s.at[sv.at[j]], sem_s, add=True)
            return 0

        lax.fori_loop(0, G, fire, 0)
        if g + 1 < NG:
            stage_remap(g + 1, svs[(g + 1) % 2])

        def drain(j, _):
            pltpu.make_async_copy(ones_v, deg_s.at[sv.at[j]], sem_s).wait()
            return 0

        lax.fori_loop(0, G, drain, 0)

    plsc.subcore_barrier()
    pltpu.sync_copy(
        deg_s.at[pl.ds(s * RPT, RPT)], degp_hbm.at[c, pl.ds(s * RPT, RPT)]
    )


_deg_kernel = pl.kernel(
    _deg_body,
    out_type=(
        jax.ShapeDtypeStruct((NW, NG, G, CB), jnp.int32),
        jax.ShapeDtypeStruct((NC, NPAD, D), jnp.float32),
    ),
    mesh=_mesh,
    scratch_types=[
        pltpu.VMEM((G, CB), jnp.int32),
        pltpu.VMEM((G, CB), jnp.int32),
        pltpu.VMEM((G, CB), jnp.int32),
        pltpu.VMEM((CB, D), jnp.float32),
        pltpu.VMEM_SHARED((NPAD, D), jnp.float32),
        pltpu.SemaphoreType.DMA,
    ],
)


def _scale_body(degp_ref, x_ref, y_ref, dinv_ref):
    deg = degp_ref[0, :, 0:1] + degp_ref[1, :, 0:1]
    dinv = jnp.where(deg > 0.0, lax.rsqrt(deg), 0.0)
    dinv_ref[...] = dinv
    y_ref[0:N, :] = x_ref[...] * dinv[0:N]
    y_ref[N:NPAD, :] = jnp.zeros((NPAD - N, D), jnp.float32)


def _mm0_body(x_ref, w_ref, b_ref, o_ref):
    out = jnp.dot(x_ref[...], w_ref[0], preferred_element_type=jnp.float32)
    o_ref[...] = out + b_ref[0]


def _agg_body(y_hbm, srcp_hbm, dst_hbm, sp_hbm, sv, dv, b0, b1, b2, b3,
              acc_s, sg0, sg1, sg2, sg3, ss0, ss1, ss2, ss3):
    c = lax.axis_index("c")
    s = lax.axis_index("s")
    w = c * NS + s
    bufs = [b0, b1, b2, b3]
    sgs = [sg0, sg1, sg2, sg3]
    sss = [ss0, ss1, ss2, ss3]

    _fill_rows(b0, CB, 0.0)
    _zero_stripe(acc_s, b0, s)
    plsc.subcore_barrier()

    def gstart(j, b):
        pltpu.async_copy(y_hbm.at[sv.at[j]], bufs[b], sgs[b])

    def gwait(j, b):
        pltpu.make_async_copy(y_hbm.at[sv.at[j]], bufs[b], sgs[b]).wait()

    def sstart(j, b):
        pltpu.async_copy(bufs[b], acc_s.at[dv.at[j]], sss[b], add=True)

    def swait(j, b):
        pltpu.make_async_copy(bufs[b], acc_s.at[dv.at[j]], sss[b]).wait()

    for g in range(NG):
        pltpu.sync_copy(srcp_hbm.at[w, g], sv)
        pltpu.sync_copy(dst_hbm.at[w, g], dv)

        gstart(0, 0)
        gstart(1, 1)
        gwait(0, 0); sstart(0, 0); gstart(2, 2)
        gwait(1, 1); sstart(1, 1); gstart(3, 3)
        gwait(2, 2); sstart(2, 2); swait(0, 0); gstart(4, 0)

        def quad(p, _):
            j = 4 * p + 3
            gwait(j, 3); sstart(j, 3); swait(j - 2, 1); gstart(j + 2, 1)
            gwait(j + 1, 0); sstart(j + 1, 0); swait(j - 1, 2); gstart(j + 3, 2)
            gwait(j + 2, 1); sstart(j + 2, 1); swait(j, 3); gstart(j + 4, 3)
            gwait(j + 3, 2); sstart(j + 3, 2); swait(j + 1, 0); gstart(j + 5, 0)
            return 0

        lax.fori_loop(0, (G - 5) // 4, quad, 0)

        gwait(G - 2, 3); sstart(G - 2, 3); swait(G - 4, 1)
        gwait(G - 1, 0); sstart(G - 1, 0); swait(G - 3, 2)
        swait(G - 2, 3)
        swait(G - 1, 0)

    plsc.subcore_barrier()
    pltpu.sync_copy(
        acc_s.at[pl.ds(s * RPT, RPT)], sp_hbm.at[c, pl.ds(s * RPT, RPT)]
    )


_agg_kernel = pl.kernel(
    _agg_body,
    out_type=jax.ShapeDtypeStruct((NC, NPAD, D), jnp.float32),
    mesh=_mesh,
    scratch_types=[
        pltpu.VMEM((G, CB), jnp.int32),
        pltpu.VMEM((G, CB), jnp.int32),
        pltpu.VMEM((CB, D), jnp.float32),
        pltpu.VMEM((CB, D), jnp.float32),
        pltpu.VMEM((CB, D), jnp.float32),
        pltpu.VMEM((CB, D), jnp.float32),
        pltpu.VMEM_SHARED((NPAD, D), jnp.float32),
        pltpu.SemaphoreType.DMA,
        pltpu.SemaphoreType.DMA,
        pltpu.SemaphoreType.DMA,
        pltpu.SemaphoreType.DMA,
        pltpu.SemaphoreType.DMA,
        pltpu.SemaphoreType.DMA,
        pltpu.SemaphoreType.DMA,
        pltpu.SemaphoreType.DMA,
    ],
)


def _out_body(out0_ref, dinv_ref, sp_ref, w_ref, o_ref):
    z = dinv_ref[0:N, :] * (sp_ref[0, 0:N, :] + sp_ref[1, 0:N, :])
    o_ref[...] = out0_ref[...] - jnp.dot(
        z, w_ref[1], preferred_element_type=jnp.float32
    )


def kernel(x, edge_index, W, b):
    src4 = edge_index[0].reshape(NW, NG, G, CB)
    dst4 = edge_index[1].reshape(NW, NG, G, CB)

    out0 = pl.pallas_call(
        _mm0_body,
        out_shape=jax.ShapeDtypeStruct((N, D), jnp.float32),
    )(x, W, b.reshape(1, D))

    srcp, degp = _deg_kernel(src4, dst4)

    y, dinv = pl.pallas_call(
        _scale_body,
        out_shape=(
            jax.ShapeDtypeStruct((NPAD, D), jnp.float32),
            jax.ShapeDtypeStruct((NPAD, 1), jnp.float32),
        ),
    )(degp, x)

    sp = _agg_kernel(y, srcp, dst4)

    out = pl.pallas_call(
        _out_body,
        out_shape=jax.ShapeDtypeStruct((N, D), jnp.float32),
    )(out0, dinv, sp, W)
    return out

# --- scband reference (transcript-rebuilt; emitter-appended) ---
"""Pipeline reference for scband-cheb1-84954453114993 (READ-ONLY COPY).

The authoritative reference and input builder live on the scoring server;
editing this copy changes nothing except your own understanding.
"""

import jax, jax.numpy as jnp
import numpy as np

N = 10000
E = 320000
D_IN = 128
D_OUT = 128
K = 2
LAMBDA_MAX = 2.0


def setup_inputs(seed: int = 0) -> dict:
    key = jax.random.key(seed)
    k1, k2, k3 = jax.random.split(key, 3)
    x = jax.random.normal(k1, (N, D_IN), dtype=jnp.float32)
    edge_index = jax.random.randint(k2, (2, E), 0, N, dtype=jnp.int32)
    # ChebConv parameters: one Linear per Chebyshev order (no per-lin bias, shared bias)
    W = jax.random.normal(k3, (K, D_IN, D_OUT), dtype=jnp.float32) * (1.0 / np.sqrt(D_IN))
    b = jnp.zeros((D_OUT,), dtype=jnp.float32)
    return {"x": x, "edge_index": edge_index, "W": W, "b": b}


def _cheb_forward(x, edge_index, W, b):
    # PyG ChebConv with normalization='sym', lambda_max=2.0, edge_weight=None.
    src = edge_index[0]
    dst = edge_index[1]
    ew = jnp.ones((edge_index.shape[1],), dtype=x.dtype)
    # remove_self_loops: zero out self-loop contributions
    ew = jnp.where(src == dst, jnp.zeros_like(ew), ew)
    # sym-normalized Laplacian L = I - D^-1/2 A D^-1/2
    deg = jnp.zeros((N,), dtype=x.dtype).at[src].add(ew)
    dinv = jnp.where(deg > 0, 1.0 / jnp.sqrt(jnp.where(deg > 0, deg, 1.0)), 0.0)
    off = -dinv[src] * ew * dinv[dst]          # off-diagonal of L
    # scale: L_hat = 2 L / lambda_max - I
    off_hat = (2.0 / LAMBDA_MAX) * off
    diag_hat = (2.0 / LAMBDA_MAX) * 1.0 - 1.0  # = 0 for lambda_max = 2

    def lhat_mul(v):
        agg = jnp.zeros_like(v).at[dst].add(off_hat[:, None] * v[src])
        return agg + diag_hat * v

    Tx0 = x
    out = Tx0 @ W[0]
    Tx1 = lhat_mul(Tx0)
    out = out + Tx1 @ W[1]
    Txkm1, Txkm2 = Tx1, Tx0
    for k in range(2, K):
        Txk = 2.0 * lhat_mul(Txkm1) - Txkm2
        out = out + Txk @ W[k]
        Txkm1, Txkm2 = Txk, Txkm1
    return out + b


def reference(x, edge_index, W, b):
    return _cheb_forward(x, edge_index, W, b)

if __name__ == "__main__":
    import jax
    _d = setup_inputs()
    print(jax.jit(kernel)(*tuple(_d.values())))

</pallas_src>

<mosaic_0001>
#map = affine_map<(d0, d1) -> (0, 0)>
#map1 = affine_map<(d0, d1) -> (0, 0, 0, 0)>
#map2 = affine_map<(d0, d1) -> (0, 0, 0)>
module attributes {stable_mosaic.version = 14 : i64} {
  func.func @_agg_body(%arg0: i32, %arg1: i32, %arg2: memref<10112x128xf32, #tpu.memory_space<hbm>>, %arg3: memref<32x5x25x80xi32, #tpu.memory_space<hbm>>, %arg4: memref<32x5x25x80xi32, #tpu.memory_space<hbm>>, %arg5: memref<2x10112x128xf32, #tpu.memory_space<hbm>>, %arg6: memref<25x80xi32, #tpu.memory_space<vmem>>, %arg7: memref<25x80xi32, #tpu.memory_space<vmem>>, %arg8: memref<80x128xf32, #tpu.memory_space<vmem>>, %arg9: memref<80x128xf32, #tpu.memory_space<vmem>>, %arg10: memref<80x128xf32, #tpu.memory_space<vmem>>, %arg11: memref<80x128xf32, #tpu.memory_space<vmem>>, %arg12: memref<10112x128xf32, #tpu.memory_space<vmem_shared>>, %arg13: memref<!tpu.dma_semaphore, #tpu.memory_space<semaphore_mem>>, %arg14: memref<!tpu.dma_semaphore, #tpu.memory_space<semaphore_mem>>, %arg15: memref<!tpu.dma_semaphore, #tpu.memory_space<semaphore_mem>>, %arg16: memref<!tpu.dma_semaphore, #tpu.memory_space<semaphore_mem>>, %arg17: memref<!tpu.dma_semaphore, #tpu.memory_space<semaphore_mem>>, %arg18: memref<!tpu.dma_semaphore, #tpu.memory_space<semaphore_mem>>, %arg19: memref<!tpu.dma_semaphore, #tpu.memory_space<semaphore_mem>>, %arg20: memref<!tpu.dma_semaphore, #tpu.memory_space<semaphore_mem>>) attributes {dimension_semantics = [#tpu.dimension_semantics<core_parallel>, #tpu.dimension_semantics<subcore_parallel>], iteration_bounds = array<i64: 2, 16>, scalar_prefetch = 0 : i64, scratch_operands = 15 : i64, tpu.core_type = #tpu.core_type<sc_vector_subcore>, window_params = [{transform_indices = #map}, {transform_indices = #map1}, {transform_indices = #map1}, {transform_indices = #map2}]} {
    %mul3A = arith.constant 16 : i32
    %mul3A_0 = arith.muli %arg0, %mul3A : i32
    %add3A = arith.addi %mul3A_0, %arg1 : i32
    %scan3A = arith.constant 0 : i32
    %scan3A_1 = arith.constant 0 : i32
    %scan3A_2 = arith.constant 80 : i32
    %scan3A_3 = arith.addi %scan3A_1, %scan3A_2 : i32
    %scan3A_4 = arith.constant 1 : i32
    %scan3A_5 = scf.for %scan3A_772 = %scan3A_1 to %scan3A_3 step %scan3A_4 iter_args(%scan3A_773 = %scan3A) -> (i32)  : i32 {
      %scan3A_774 = arith.constant 0 : i32
      %scan3A_775 = arith.constant 0 : i32
      %scan3A_776 = arith.constant 8 : i32
      %scan3A_777 = arith.addi %scan3A_775, %scan3A_776 : i32
      %scan3A_778 = arith.constant 1 : i32
      %scan3A_779 = scf.for %scan3A_781 = %scan3A_775 to %scan3A_777 step %scan3A_778 iter_args(%scan3A_782 = %scan3A_774) -> (i32)  : i32 {
        %broadcast_in_dim3A = arith.constant 0.000000e+00 : f32
        %broadcast_in_dim3A_783 = vector.broadcast %broadcast_in_dim3A : f32 to vector<16xf32>
        %mul3A_784 = arith.constant 16 : i32
        %mul3A_785 = arith.muli %scan3A_781, %mul3A_784 : i32
        %swap3A = arith.index_cast %scan3A_772 : i32 to index
        %swap3A_786 = arith.index_cast %mul3A_785 : i32 to index
        %swap3A_787 = tpu.vector_load %arg8[%swap3A, %swap3A_786] {strides = array<i32>} : memref<80x128xf32, #tpu.memory_space<vmem>>, vector<1x16xf32>,
        %swap3A_788 = vector.shape_cast %swap3A_787 : vector<1x16xf32> to vector<16xf32>
        %swap3A_789 = vector.shape_cast %broadcast_in_dim3A_783 : vector<16xf32> to vector<1x16xf32>
        tpu.vector_store %arg8[%swap3A, %swap3A_786], %swap3A_789 {strides = array<i32>} : memref<80x128xf32, #tpu.memory_space<vmem>>, vector<1x16xf32>,
        %scan3A_790 = arith.constant 0 : i32
        scf.yield %scan3A_790 : i32
      }
      %scan3A_780 = arith.constant 8 : i32
      scf.yield %scan3A_779 : i32
    }
    %scan3A_6 = arith.constant 80 : i32
    %mul3A_7 = arith.constant 632 : i32
    %mul3A_8 = arith.muli %arg1, %mul3A_7 : i32
    %add3A_9 = arith.constant 0 : i32
    %add3A_10 = arith.addi %mul3A_8, %add3A_9 : i32
    "tpu.region"() ({
      %run_scoped3A_772 = tpu.sem_alloc : memref<!tpu.dma_semaphore, #tpu.memory_space<semaphore_mem>>
      %dma_start3A_773 = arith.constant 0 : i32
      %dma_start3A_774 = tpu.memref_slice %arg12[%add3A_10, %dma_start3A_773] : memref<10112x128xf32, #tpu.memory_space<vmem_shared>> -> memref<80x128xf32, #tpu.memory_space<vmem_shared>>
      %dma_start3A_775 = arith.constant 0 : i32
      %dma_start3A_776 = tpu.memref_slice %arg12[%add3A_10, %dma_start3A_775] : memref<10112x128xf32, #tpu.memory_space<vmem_shared>> -> memref<80x128xf32, #tpu.memory_space<vmem_shared>>
      tpu.enqueue_dma source(%arg8 : memref<80x128xf32, #tpu.memory_space<vmem>>) target(%dma_start3A_776 : memref<80x128xf32, #tpu.memory_space<vmem_shared>>) target_semaphore(%run_scoped3A_772 : memref<!tpu.dma_semaphore, #tpu.memory_space<semaphore_mem>>)
      %dma_wait3A_777 = arith.constant 0 : i32
      %dma_wait3A_778 = tpu.memref_slice %arg12[%add3A_10, %dma_wait3A_777] : memref<10112x128xf32, #tpu.memory_space<vmem_shared>> -> memref<80x128xf32, #tpu.memory_space<vmem_shared>>
      %dma_wait3A_779 = arith.constant 0 : i32
      %dma_wait3A_780 = tpu.memref_slice %arg12[%add3A_10, %dma_wait3A_779] : memref<10112x128xf32, #tpu.memory_space<vmem_shared>> -> memref<80x128xf32, #tpu.memory_space<vmem_shared>>
      tpu.wait_dma2 semaphore(%run_scoped3A_772 : memref<!tpu.dma_semaphore, #tpu.memory_space<semaphore_mem>>) src(%arg8 : memref<80x128xf32, #tpu.memory_space<vmem>>) dst(%dma_wait3A_780 : memref<80x128xf32, #tpu.memory_space<vmem_shared>>)
      tpu.yield
    }) : () -> ()
    %add3A_11 = arith.constant 80 : i32
    %add3A_12 = arith.addi %mul3A_8, %add3A_11 : i32
    "tpu.region"() ({
      %run_scoped3A_772 = tpu.sem_alloc : memref<!tpu.dma_semaphore, #tpu.memory_space<semaphore_mem>>
      %dma_start3A_773 = arith.constant 0 : i32
      %dma_start3A_774 = tpu.memref_slice %arg12[%add3A_12, %dma_start3A_773] : memref<10112x128xf32, #tpu.memory_space<vmem_shared>> -> memref<80x128xf32, #tpu.memory_space<vmem_shared>>
      %dma_start3A_775 = arith.constant 0 : i32
      %dma_start3A_776 = tpu.memref_slice %arg12[%add3A_12, %dma_start3A_775] : memref<10112x128xf32, #tpu.memory_space<vmem_shared>> -> memref<80x128xf32, #tpu.memory_space<vmem_shared>>
      tpu.enqueue_dma source(%arg8 : memref<80x128xf32, #tpu.memory_space<vmem>>) target(%dma_start3A_776 : memref<80x128xf32, #tpu.memory_space<vmem_shared>>) target_semaphore(%run_scoped3A_772 : memref<!tpu.dma_semaphore, #tpu.memory_space<semaphore_mem>>)
      %dma_wait3A_777 = arith.constant 0 : i32
      %dma_wait3A_778 = tpu.memref_slice %arg12[%add3A_12, %dma_wait3A_777] : memref<10112x128xf32, #tpu.memory_space<vmem_shared>> -> memref<80x128xf32, #tpu.memory_space<vmem_shared>>
      %dma_wait3A_779 = arith.constant 0 : i32
      %dma_wait3A_780 = tpu.memref_slice %arg12[%add3A_12, %dma_wait3A_779] : memref<10112x128xf32, #tpu.memory_space<vmem_shared>> -> memref<80x128xf32, #tpu.memory_space<vmem_shared>>
      tpu.wait_dma2 semaphore(%run_scoped3A_772 : memref<!tpu.dma_semaphore, #tpu.memory_space<semaphore_mem>>) src(%arg8 : memref<80x128xf32, #tpu.memory_space<vmem>>) dst(%dma_wait3A_780 : memref<80x128xf32, #tpu.memory_space<vmem_shared>>)
      tpu.yield
    }) : () -> ()
    %add3A_13 = arith.constant 160 : i32
    %add3A_14 = arith.addi %mul3A_8, %add3A_13 : i32
    "tpu.region"() ({
      %run_scoped3A_772 = tpu.sem_alloc : memref<!tpu.dma_semaphore, #tpu.memory_space<semaphore_mem>>
      %dma_start3A_773 = arith.constant 0 : i32
      %dma_start3A_774 = tpu.memref_slice %arg12[%add3A_14, %dma_start3A_773] : memref<10112x128xf32, #tpu.memory_space<vmem_shared>> -> memref<80x128xf32, #tpu.memory_space<vmem_shared>>
      %dma_start3A_775 = arith.constant 0 : i32
      %dma_start3A_776 = tpu.memref_slice %arg12[%add3A_14, %dma_start3A_775] : memref<10112x128xf32, #tpu.memory_space<vmem_shared>> -> memref<80x128xf32, #tpu.memory_space<vmem_shared>>
      tpu.enqueue_dma source(%arg8 : memref<80x128xf32, #tpu.memory_space<vmem>>) target(%dma_start3A_776 : memref<80x128xf32, #tpu.memory_space<vmem_shared>>) target_semaphore(%run_scoped3A_772 : memref<!tpu.dma_semaphore, #tpu.memory_space<semaphore_mem>>)
      %dma_wait3A_777 = arith.constant 0 : i32
      %dma_wait3A_778 = tpu.memref_slice %arg12[%add3A_14, %dma_wait3A_777] : memref<10112x128xf32, #tpu.memory_space<vmem_shared>> -> memref<80x128xf32, #tpu.memory_space<vmem_shared>>
      %dma_wait3A_779 = arith.constant 0 : i32
      %dma_wait3A_780 = tpu.memref_slice %arg12[%add3A_14, %dma_wait3A_779] : memref<10112x128xf32, #tpu.memory_space<vmem_shared>> -> memref<80x128xf32, #tpu.memory_space<vmem_shared>>
      tpu.wait_dma2 semaphore(%run_scoped3A_772 : memref<!tpu.dma_semaphore, #tpu.memory_space<semaphore_mem>>) src(%arg8 : memref<80x128xf32, #tpu.memory_space<vmem>>) dst(%dma_wait3A_780 : memref<80x128xf32, #tpu.memory_space<vmem_shared>>)
      tpu.yield
    }) : () -> ()
    %add3A_15 = arith.constant 240 : i32
    %add3A_16 = arith.addi %mul3A_8, %add3A_15 : i32
    "tpu.region"() ({
      %run_scoped3A_772 = tpu.sem_alloc : memref<!tpu.dma_semaphore, #tpu.memory_space<semaphore_mem>>
      %dma_start3A_773 = arith.constant 0 : i32
      %dma_start3A_774 = tpu.memref_slice %arg12[%add3A_16, %dma_start3A_773] : memref<10112x128xf32, #tpu.memory_space<vmem_shared>> -> memref<80x128xf32, #tpu.memory_space<vmem_shared>>
      %dma_start3A_775 = arith.constant 0 : i32
      %dma_start3A_776 = tpu.memref_slice %arg12[%add3A_16, %dma_start3A_775] : memref<10112x128xf32, #tpu.memory_space<vmem_shared>> -> memref<80x128xf32, #tpu.memory_space<vmem_shared>>
      tpu.enqueue_dma source(%arg8 : memref<80x128xf32, #tpu.memory_space<vmem>>) target(%dma_start3A_776 : memref<80x128xf32, #tpu.memory_space<vmem_shared>>) target_semaphore(%run_scoped3A_772 : memref<!tpu.dma_semaphore, #tpu.memory_space<semaphore_mem>>)
      %dma_wait3A_777 = arith.constant 0 : i32
      %dma_wait3A_778 = tpu.memref_slice %arg12[%add3A_16, %dma_wait3A_777] : memref<10112x128xf32, #tpu.memory_space<vmem_shared>> -> memref<80x128xf32, #tpu.memory_space<vmem_shared>>
      %dma_wait3A_779 = arith.constant 0 : i32
      %dma_wait3A_780 = tpu.memref_slice %arg12[%add3A_16, %dma_wait3A_779] : memref<10112x128xf32, #tpu.memory_space<vmem_shared>> -> memref<80x128xf32, #tpu.memory_space<vmem_shared>>
      tpu.wait_dma2 semaphore(%run_scoped3A_772 : memref<!tpu.dma_semaphore, #tpu.memory_space<semaphore_mem>>) src(%arg8 : memref<80x128xf32, #tpu.memory_space<vmem>>) dst(%dma_wait3A_780 : memref<80x128xf32, #tpu.memory_space<vmem_shared>>)
      tpu.yield
    }) : () -> ()
    %add3A_17 = arith.constant 320 : i32
    %add3A_18 = arith.addi %mul3A_8, %add3A_17 : i32
    "tpu.region"() ({
      %run_scoped3A_772 = tpu.sem_alloc : memref<!tpu.dma_semaphore, #tpu.memory_space<semaphore_mem>>
      %dma_start3A_773 = arith.constant 0 : i32
      %dma_start3A_774 = tpu.memref_slice %arg12[%add3A_18, %dma_start3A_773] : memref<10112x128xf32, #tpu.memory_space<vmem_shared>> -> memref<80x128xf32, #tpu.memory_space<vmem_shared>>
      %dma_start3A_775 = arith.constant 0 : i32
      %dma_start3A_776 = tpu.memref_slice %arg12[%add3A_18, %dma_start3A_775] : memref<10112x128xf32, #tpu.memory_space<vmem_shared>> -> memref<80x128xf32, #tpu.memory_space<vmem_shared>>
      tpu.enqueue_dma source(%arg8 : memref<80x128xf32, #tpu.memory_space<vmem>>) target(%dma_start3A_776 : memref<80x128xf32, #tpu.memory_space<vmem_shared>>) target_semaphore(%run_scoped3A_772 : memref<!tpu.dma_semaphore, #tpu.memory_space<semaphore_mem>>)
      %dma_wait3A_777 = arith.constant 0 : i32
      %dma_wait3A_778 = tpu.memref_slice %arg12[%add3A_18, %dma_wait3A_777] : memref<10112x128xf32, #tpu.memory_space<vmem_shared>> -> memref<80x128xf32, #tpu.memory_space<vmem_shared>>
      %dma_wait3A_779 = arith.constant 0 : i32
      %dma_wait3A_780 = tpu.memref_slice %arg12[%add3A_18, %dma_wait3A_779] : memref<10112x128xf32, #tpu.memory_space<vmem_shared>> -> memref<80x128xf32, #tpu.memory_space<vmem_shared>>
      tpu.wait_dma2 semaphore(%run_scoped3A_772 : memref<!tpu.dma_semaphore, #tpu.memory_space<semaphore_mem>>) src(%arg8 : memref<80x128xf32, #tpu.memory_space<vmem>>) dst(%dma_wait3A_780 : memref<80x128xf32, #tpu.memory_space<vmem_shared>>)
      tpu.yield
    }) : () -> ()
    %add3A_19 = arith.constant 400 : i32
    %add3A_20 = arith.addi %mul3A_8, %add3A_19 : i32
    "tpu.region"() ({
      %run_scoped3A_772 = tpu.sem_alloc : memref<!tpu.dma_semaphore, #tpu.memory_space<semaphore_mem>>
      %dma_start3A_773 = arith.constant 0 : i32
      %dma_start3A_774 = tpu.memref_slice %arg12[%add3A_20, %dma_start3A_773] : memref<10112x128xf32, #tpu.memory_space<vmem_shared>> -> memref<80x128xf32, #tpu.memory_space<vmem_shared>>
      %dma_start3A_775 = arith.constant 0 : i32
      %dma_start3A_776 = tpu.memref_slice %arg12[%add3A_20, %dma_start3A_775] : memref<10112x128xf32, #tpu.memory_space<vmem_shared>> -> memref<80x128xf32, #tpu.memory_space<vmem_shared>>
      tpu.enqueue_dma source(%arg8 : memref<80x128xf32, #tpu.memory_space<vmem>>) target(%dma_start3A_776 : memref<80x128xf32, #tpu.memory_space<vmem_shared>>) target_semaphore(%run_scoped3A_772 : memref<!tpu.dma_semaphore, #tpu.memory_space<semaphore_mem>>)
      %dma_wait3A_777 = arith.constant 0 : i32
      %dma_wait3A_778 = tpu.memref_slice %arg12[%add3A_20, %dma_wait3A_777] : memref<10112x128xf32, #tpu.memory_space<vmem_shared>> -> memref<80x128xf32, #tpu.memory_space<vmem_shared>>
      %dma_wait3A_779 = arith.constant 0 : i32
      %dma_wait3A_780 = tpu.memref_slice %arg12[%add3A_20, %dma_wait3A_779] : memref<10112x128xf32, #tpu.memory_space<vmem_shared>> -> memref<80x128xf32, #tpu.memory_space<vmem_shared>>
      tpu.wait_dma2 semaphore(%run_scoped3A_772 : memref<!tpu.dma_semaphore, #tpu.memory_space<semaphore_mem>>) src(%arg8 : memref<80x128xf32, #tpu.memory_space<vmem>>) dst(%dma_wait3A_780 : memref<80x128xf32, #tpu.memory_space<vmem_shared>>)
      tpu.yield
    }) : () -> ()
    %add3A_21 = arith.constant 480 : i32
    %add3A_22 = arith.addi %mul3A_8, %add3A_21 : i32
    "tpu.region"() ({
      %run_scoped3A_772 = tpu.sem_alloc : memref<!tpu.dma_semaphore, #tpu.memory_space<semaphore_mem>>
      %dma_start3A_773 = arith.constant 0 : i32
      %dma_start3A_774 = tpu.memref_slice %arg12[%add3A_22, %dma_start3A_773] : memref<10112x128xf32, #tpu.memory_space<vmem_shared>> -> memref<80x128xf32, #tpu.memory_space<vmem_shared>>
      %dma_start3A_775 = arith.constant 0 : i32
      %dma_start3A_776 = tpu.memref_slice %arg12[%add3A_22, %dma_start3A_775] : memref<10112x128xf32, #tpu.memory_space<vmem_shared>> -> memref<80x128xf32, #tpu.memory_space<vmem_shared>>
      tpu.enqueue_dma source(%arg8 : memref<80x128xf32, #tpu.memory_space<vmem>>) target(%dma_start3A_776 : memref<80x128xf32, #tpu.memory_space<vmem_shared>>) target_semaphore(%run_scoped3A_772 : memref<!tpu.dma_semaphore, #tpu.memory_space<semaphore_mem>>)
      %dma_wait3A_777 = arith.constant 0 : i32
      %dma_wait3A_778 = tpu.memref_slice %arg12[%add3A_22, %dma_wait3A_777] : memref<10112x128xf32, #tpu.memory_space<vmem_shared>> -> memref<80x128xf32, #tpu.memory_space<vmem_shared>>
      %dma_wait3A_779 = arith.constant 0 : i32
      %dma_wait3A_780 = tpu.memref_slice %arg12[%add3A_22, %dma_wait3A_779] : memref<10112x128xf32, #tpu.memory_space<vmem_shared>> -> memref<80x128xf32, #tpu.memory_space<vmem_shared>>
      tpu.wait_dma2 semaphore(%run_scoped3A_772 : memref<!tpu.dma_semaphore, #tpu.memory_space<semaphore_mem>>) src(%arg8 : memref<80x128xf32, #tpu.memory_space<vmem>>) dst(%dma_wait3A_780 : memref<80x128xf32, #tpu.memory_space<vmem_shared>>)
      tpu.yield
    }) : () -> ()
    %add3A_23 = arith.constant 560 : i32
    %add3A_24 = arith.addi %mul3A_8, %add3A_23 : i32
    "tpu.region"() ({
      %run_scoped3A_772 = tpu.sem_alloc : memref<!tpu.dma_semaphore, #tpu.memory_space<semaphore_mem>>
      %dma_start3A_773 = arith.constant 0 : i32
      %dma_start3A_774 = arith.constant 0 : i32
      %dma_start3A_775 = tpu.memref_slice %arg8[%dma_start3A_773, %dma_start3A_774] : memref<80x128xf32, #tpu.memory_space<vmem>> -> memref<72x128xf32, #tpu.memory_space<vmem>>
      %dma_start3A_776 = arith.constant 0 : i32
      %dma_start3A_777 = tpu.memref_slice %arg12[%add3A_24, %dma_start3A_776] : memref<10112x128xf32, #tpu.memory_space<vmem_shared>> -> memref<72x128xf32, #tpu.memory_space<vmem_shared>>
      %dma_start3A_778 = arith.constant 0 : i32
      %dma_start3A_779 = tpu.memref_slice %arg12[%add3A_24, %dma_start3A_778] : memref<10112x128xf32, #tpu.memory_space<vmem_shared>> -> memref<72x128xf32, #tpu.memory_space<vmem_shared>>
      %dma_start3A_780 = arith.constant 0 : i32
      %dma_start3A_781 = arith.constant 0 : i32
      %dma_start3A_782 = tpu.memref_slice %arg8[%dma_start3A_780, %dma_start3A_781] : memref<80x128xf32, #tpu.memory_space<vmem>> -> memref<72x128xf32, #tpu.memory_space<vmem>>
      tpu.enqueue_dma source(%dma_start3A_782 : memref<72x128xf32, #tpu.memory_space<vmem>>) target(%dma_start3A_779 : memref<72x128xf32, #tpu.memory_space<vmem_shared>>) target_semaphore(%run_scoped3A_772 : memref<!tpu.dma_semaphore, #tpu.memory_space<semaphore_mem>>)
      %dma_wait3A_783 = arith.constant 0 : i32
      %dma_wait3A_784 = arith.constant 0 : i32
      %dma_wait3A_785 = tpu.memref_slice %arg8[%dma_wait3A_783, %dma_wait3A_784] : memref<80x128xf32, #tpu.memory_space<vmem>> -> memref<72x128xf32, #tpu.memory_space<vmem>>
      %dma_wait3A_786 = arith.constant 0 : i32
      %dma_wait3A_787 = tpu.memref_slice %arg12[%add3A_24, %dma_wait3A_786] : memref<10112x128xf32, #tpu.memory_space<vmem_shared>> -> memref<72x128xf32, #tpu.memory_space<vmem_shared>>
      %dma_wait3A_788 = arith.constant 0 : i32
      %dma_wait3A_789 = tpu.memref_slice %arg12[%add3A_24, %dma_wait3A_788] : memref<10112x128xf32, #tpu.memory_space<vmem_shared>> -> memref<72x128xf32, #tpu.memory_space<vmem_shared>>
      %dma_wait3A_790 = arith.constant 0 : i32
      %dma_wait3A_791 = arith.constant 0 : i32
      %dma_wait3A_792 = tpu.memref_slice %arg8[%dma_wait3A_790, %dma_wait3A_791] : memref<80x128xf32, #tpu.memory_space<vmem>> -> memref<72x128xf32, #tpu.memory_space<vmem>>
      tpu.wait_dma2 semaphore(%run_scoped3A_772 : memref<!tpu.dma_semaphore, #tpu.memory_space<semaphore_mem>>) src(%dma_wait3A_792 : memref<72x128xf32, #tpu.memory_space<vmem>>) dst(%dma_wait3A_789 : memref<72x128xf32, #tpu.memory_space<vmem_shared>>)
      tpu.yield
    }) : () -> ()
    %barrier3A = arith.constant 0 : index
    tpu.barrier barrier_id(%barrier3A)
    %run_scoped3A = arith.constant 0 : i32
    "tpu.region"() ({
      %run_scoped3A_772 = tpu.sem_alloc : memref<!tpu.dma_semaphore, #tpu.memory_space<semaphore_mem>>
      %dma_start3A_773 = arith.constant 0 : i32
      %dma_start3A_774 = arith.constant 0 : i32
      %dma_start3A_775 = tpu.memref_slice %arg3[%add3A, %run_scoped3A, %dma_start3A_773, %dma_start3A_774] : memref<32x5x25x80xi32, #tpu.memory_space<hbm>> -> memref<1x1x25x80xi32, #tpu.memory_space<hbm>>
      %dma_start3A_776 = tpu.memref_squeeze %dma_start3A_775 : memref<1x1x25x80xi32, #tpu.memory_space<hbm>> -> memref<25x80xi32, #tpu.memory_space<hbm>>
      %dma_start3A_777 = arith.constant 0 : i32
      %dma_start3A_778 = arith.constant 0 : i32
      %dma_start3A_779 = tpu.memref_slice %arg3[%add3A, %run_scoped3A, %dma_start3A_777, %dma_start3A_778] : memref<32x5x25x80xi32, #tpu.memory_space<hbm>> -> memref<1x1x25x80xi32, #tpu.memory_space<hbm>>
      %dma_start3A_780 = tpu.memref_squeeze %dma_start3A_779 : memref<1x1x25x80xi32, #tpu.memory_space<hbm>> -> memref<25x80xi32, #tpu.memory_space<hbm>>
      tpu.enqueue_dma source(%dma_start3A_780 : memref<25x80xi32, #tpu.memory_space<hbm>>) target(%arg6 : memref<25x80xi32, #tpu.memory_space<vmem>>) target_semaphore(%run_scoped3A_772 : memref<!tpu.dma_semaphore, #tpu.memory_space<semaphore_mem>>)
      %dma_wait3A_781 = arith.constant 0 : i32
      %dma_wait3A_782 = arith.constant 0 : i32
      %dma_wait3A_783 = tpu.memref_slice %arg3[%add3A, %run_scoped3A, %dma_wait3A_781, %dma_wait3A_782] : memref<32x5x25x80xi32, #tpu.memory_space<hbm>> -> memref<1x1x25x80xi32, #tpu.memory_space<hbm>>
      %dma_wait3A_784 = tpu.memref_squeeze %dma_wait3A_783 : memref<1x1x25x80xi32, #tpu.memory_space<hbm>> -> memref<25x80xi32, #tpu.memory_space<hbm>>
      %dma_wait3A_785 = arith.constant 0 : i32
      %dma_wait3A_786 = arith.constant 0 : i32
      %dma_wait3A_787 = tpu.memref_slice %arg3[%add3A, %run_scoped3A, %dma_wait3A_785, %dma_wait3A_786] : memref<32x5x25x80xi32, #tpu.memory_space<hbm>> -> memref<1x1x25x80xi32, #tpu.memory_space<hbm>>
      %dma_wait3A_788 = tpu.memref_squeeze %dma_wait3A_787 : memref<1x1x25x80xi32, #tpu.memory_space<hbm>> -> memref<25x80xi32, #tpu.memory_space<hbm>>
      tpu.wait_dma2 semaphore(%run_scoped3A_772 : memref<!tpu.dma_semaphore, #tpu.memory_space<semaphore_mem>>) src(%dma_wait3A_788 : memref<25x80xi32, #tpu.memory_space<hbm>>) dst(%arg6 : memref<25x80xi32, #tpu.memory_space<vmem>>)
      tpu.yield
    }) : () -> ()
    %run_scoped3A_25 = arith.constant 0 : i32
    "tpu.region"() ({
      %run_scoped3A_772 = tpu.sem_alloc : memref<!tpu.dma_semaphore, #tpu.memory_space<semaphore_mem>>
      %dma_start3A_773 = arith.constant 0 : i32
      %dma_start3A_774 = arith.constant 0 : i32
      %dma_start3A_775 = tpu.memref_slice %arg4[%add3A, %run_scoped3A_25, %dma_start3A_773, %dma_start3A_774] : memref<32x5x25x80xi32, #tpu.memory_space<hbm>> -> memref<1x1x25x80xi32, #tpu.memory_space<hbm>>
      %dma_start3A_776 = tpu.memref_squeeze %dma_start3A_775 : memref<1x1x25x80xi32, #tpu.memory_space<hbm>> -> memref<25x80xi32, #tpu.memory_space<hbm>>
      %dma_start3A_777 = arith.constant 0 : i32
      %dma_start3A_778 = arith.constant 0 : i32
      %dma_start3A_779 = tpu.memref_slice %arg4[%add3A, %run_scoped3A_25, %dma_start3A_777, %dma_start3A_778] : memref<32x5x25x80xi32, #tpu.memory_space<hbm>> -> memref<1x1x25x80xi32, #tpu.memory_space<hbm>>
      %dma_start3A_780 = tpu.memref_squeeze %dma_start3A_779 : memref<1x1x25x80xi32, #tpu.memory_space<hbm>> -> memref<25x80xi32, #tpu.memory_space<hbm>>
      tpu.enqueue_dma source(%dma_start3A_780 : memref<25x80xi32, #tpu.memory_space<hbm>>) target(%arg7 : memref<25x80xi32, #tpu.memory_space<vmem>>) target_semaphore(%run_scoped3A_772 : memref<!tpu.dma_semaphore, #tpu.memory_space<semaphore_mem>>)
      %dma_wait3A_781 = arith.constant 0 : i32
      %dma_wait3A_782 = arith.constant 0 : i32
      %dma_wait3A_783 = tpu.memref_slice %arg4[%add3A, %run_scoped3A_25, %dma_wait3A_781, %dma_wait3A_782] : memref<32x5x25x80xi32, #tpu.memory_space<hbm>> -> memref<1x1x25x80xi32, #tpu.memory_space<hbm>>
      %dma_wait3A_784 = tpu.memref_squeeze %dma_wait3A_783 : memref<1x1x25x80xi32, #tpu.memory_space<hbm>> -> memref<25x80xi32, #tpu.memory_space<hbm>>
      %dma_wait3A_785 = arith.constant 0 : i32
      %dma_wait3A_786 = arith.constant 0 : i32
      %dma_wait3A_787 = tpu.memref_slice %arg4[%add3A, %run_scoped3A_25, %dma_wait3A_785, %dma_wait3A_786] : memref<32x5x25x80xi32, #tpu.memory_space<hbm>> -> memref<1x1x25x80xi32, #tpu.memory_space<hbm>>
      %dma_wait3A_788 = tpu.memref_squeeze %dma_wait3A_787 : memref<1x1x25x80xi32, #tpu.memory_space<hbm>> -> memref<25x80xi32, #tpu.memory_space<hbm>>
      tpu.wait_dma2 semaphore(%run_scoped3A_772 : memref<!tpu.dma_semaphore, #tpu.memory_space<semaphore_mem>>) src(%dma_wait3A_788 : memref<25x80xi32, #tpu.memory_space<hbm>>) dst(%arg7 : memref<25x80xi32, #tpu.memory_space<vmem>>)
      tpu.yield
    }) : () -> ()
    %dma_start3A = arith.constant 0 : i32
    %dma_start3A_26 = arith.constant 0 : i32
    %dma_start3A_27 = tpu.memref_slice %arg6[%dma_start3A, %dma_start3A_26] : memref<25x80xi32, #tpu.memory_space<vmem>> -> memref<1x80xi32, #tpu.memory_space<vmem>>
    %dma_start3A_28 = tpu.memref_squeeze %dma_start3A_27 : memref<1x80xi32, #tpu.memory_space<vmem>> -> memref<80xi32, #tpu.memory_space<vmem>>
    %dma_start3A_29 = arith.constant 0 : i32
    %dma_start3A_30 = arith.constant 0 : i32
    %dma_start3A_31 = tpu.memref_slice %arg2[%dma_start3A_29, %dma_start3A_30] : memref<10112x128xf32, #tpu.memory_space<hbm>> -> memref<10112x128xf32, #tpu.memory_space<hbm>>
    tpu.enqueue_indirect_dma source(%dma_start3A_31 : memref<10112x128xf32, #tpu.memory_space<hbm>>) target(%arg8 : memref<80x128xf32, #tpu.memory_space<vmem>>) offsets(%dma_start3A_28 : memref<80xi32, #tpu.memory_space<vmem>>) semaphore(%arg13 : memref<!tpu.dma_semaphore, #tpu.memory_space<semaphore_mem>>)
    %dma_start3A_32 = arith.constant 1 : i32
    %dma_start3A_33 = arith.constant 0 : i32
    %dma_start3A_34 = tpu.memref_slice %arg6[%dma_start3A_32, %dma_start3A_33] : memref<25x80xi32, #tpu.memory_space<vmem>> -> memref<1x80xi32, #tpu.memory_space<vmem>>
    %dma_start3A_35 = tpu.memref_squeeze %dma_start3A_34 : memref<1x80xi32, #tpu.memory_space<vmem>> -> memref<80xi32, #tpu.memory_space<vmem>>
    %dma_start3A_36 = arith.constant 0 : i32
    %dma_start3A_37 = arith.constant 0 : i32
    %dma_start3A_38 = tpu.memref_slice %arg2[%dma_start3A_36, %dma_start3A_37] : memref<10112x128xf32, #tpu.memory_space<hbm>> -> memref<10112x128xf32, #tpu.memory_space<hbm>>
    tpu.enqueue_indirect_dma source(%dma_start3A_38 : memref<10112x128xf32, #tpu.memory_space<hbm>>) target(%arg9 : memref<80x128xf32, #tpu.memory_space<vmem>>) offsets(%dma_start3A_35 : memref<80xi32, #tpu.memory_space<vmem>>) semaphore(%arg14 : memref<!tpu.dma_semaphore, #tpu.memory_space<semaphore_mem>>)
    %dma_wait3A = arith.constant 0 : i32
    %dma_wait3A_39 = arith.constant 0 : i32
    %dma_wait3A_40 = tpu.memref_slice %arg6[%dma_wait3A, %dma_wait3A_39] : memref<25x80xi32, #tpu.memory_space<vmem>> -> memref<1x80xi32, #tpu.memory_space<vmem>>
    %dma_wait3A_41 = tpu.memref_squeeze %dma_wait3A_40 : memref<1x80xi32, #tpu.memory_space<vmem>> -> memref<80xi32, #tpu.memory_space<vmem>>
    %dma_wait3A_42 = arith.constant 0 : i32
    %dma_wait3A_43 = arith.constant 0 : i32
    %dma_wait3A_44 = tpu.memref_slice %arg2[%dma_wait3A_42, %dma_wait3A_43] : memref<10112x128xf32, #tpu.memory_space<hbm>> -> memref<10112x128xf32, #tpu.memory_space<hbm>>
    tpu.wait_indirect_dma semaphore(%arg13 : memref<!tpu.dma_semaphore, #tpu.memory_space<semaphore_mem>>) src(%dma_wait3A_44 : memref<10112x128xf32, #tpu.memory_space<hbm>>) dst(%arg8 : memref<80x128xf32, #tpu.memory_space<vmem>>)
    %dma_start3A_45 = arith.constant 0 : i32
    %dma_start3A_46 = arith.constant 0 : i32
    %dma_start3A_47 = tpu.memref_slice %arg7[%dma_start3A_45, %dma_start3A_46] : memref<25x80xi32, #tpu.memory_space<vmem>> -> memref<1x80xi32, #tpu.memory_space<vmem>>
    %dma_start3A_48 = tpu.memref_squeeze %dma_start3A_47 : memref<1x80xi32, #tpu.memory_space<vmem>> -> memref<80xi32, #tpu.memory_space<vmem>>
    %dma_start3A_49 = arith.constant 0 : i32
    %dma_start3A_50 = arith.constant 0 : i32
    %dma_start3A_51 = tpu.memref_slice %arg12[%dma_start3A_49, %dma_start3A_50] : memref<10112x128xf32, #tpu.memory_space<vmem_shared>> -> memref<10112x128xf32, #tpu.memory_space<vmem_shared>>
    tpu.enqueue_indirect_dma source(%arg8 : memref<80x128xf32, #tpu.memory_space<vmem>>) target(%dma_start3A_51 : memref<10112x128xf32, #tpu.memory_space<vmem_shared>>) offsets(%dma_start3A_48 : memref<80xi32, #tpu.memory_space<vmem>>) semaphore(%arg17 : memref<!tpu.dma_semaphore, #tpu.memory_space<semaphore_mem>>) {add = true}
    %dma_start3A_52 = arith.constant 2 : i32
    %dma_start3A_53 = arith.constant 0 : i32
    %dma_start3A_54 = tpu.memref_slice %arg6[%dma_start3A_52, %dma_start3A_53] : memref<25x80xi32, #tpu.memory_space<vmem>> -> memref<1x80xi32, #tpu.memory_space<vmem>>
    %dma_start3A_55 = tpu.memref_squeeze %dma_start3A_54 : memref<1x80xi32, #tpu.memory_space<vmem>> -> memref<80xi32, #tpu.memory_space<vmem>>
    %dma_start3A_56 = arith.constant 0 : i32
    %dma_start3A_57 = arith.constant 0 : i32
    %dma_start3A_58 = tpu.memref_slice %arg2[%dma_start3A_56, %dma_start3A_57] : memref<10112x128xf32, #tpu.memory_space<hbm>> -> memref<10112x128xf32, #tpu.memory_space<hbm>>
    tpu.enqueue_indirect_dma source(%dma_start3A_58 : memref<10112x128xf32, #tpu.memory_space<hbm>>) target(%arg10 : memref<80x128xf32, #tpu.memory_space<vmem>>) offsets(%dma_start3A_55 : memref<80xi32, #tpu.memory_space<vmem>>) semaphore(%arg15 : memref<!tpu.dma_semaphore, #tpu.memory_space<semaphore_mem>>)
    %dma_wait3A_59 = arith.constant 1 : i32
    %dma_wait3A_60 = arith.constant 0 : i32
    %dma_wait3A_61 = tpu.memref_slice %arg6[%dma_wait3A_59, %dma_wait3A_60] : memref<25x80xi32, #tpu.memory_space<vmem>> -> memref<1x80xi32, #tpu.memory_space<vmem>>
    %dma_wait3A_62 = tpu.memref_squeeze %dma_wait3A_61 : memref<1x80xi32, #tpu.memory_space<vmem>> -> memref<80xi32, #tpu.memory_space<vmem>>
    %dma_wait3A_63 = arith.constant 0 : i32
    %dma_wait3A_64 = arith.constant 0 : i32
    %dma_wait3A_65 = tpu.memref_slice %arg2[%dma_wait3A_63, %dma_wait3A_64] : memref<10112x128xf32, #tpu.memory_space<hbm>> -> memref<10112x128xf32, #tpu.memory_space<hbm>>
    tpu.wait_indirect_dma semaphore(%arg14 : memref<!tpu.dma_semaphore, #tpu.memory_space<semaphore_mem>>) src(%dma_wait3A_65 : memref<10112x128xf32, #tpu.memory_space<hbm>>) dst(%arg9 : memref<80x128xf32, #tpu.memory_space<vmem>>)
    %dma_start3A_66 = arith.constant 1 : i32
    %dma_start3A_67 = arith.constant 0 : i32
    %dma_start3A_68 = tpu.memref_slice %arg7[%dma_start3A_66, %dma_start3A_67] : memref<25x80xi32, #tpu.memory_space<vmem>> -> memref<1x80xi32, #tpu.memory_space<vmem>>
    %dma_start3A_69 = tpu.memref_squeeze %dma_start3A_68 : memref<1x80xi32, #tpu.memory_space<vmem>> -> memref<80xi32, #tpu.memory_space<vmem>>
    %dma_start3A_70 = arith.constant 0 : i32
    %dma_start3A_71 = arith.constant 0 : i32
    %dma_start3A_72 = tpu.memref_slice %arg12[%dma_start3A_70, %dma_start3A_71] : memref<10112x128xf32, #tpu.memory_space<vmem_shared>> -> memref<10112x128xf32, #tpu.memory_space<vmem_shared>>
    tpu.enqueue_indirect_dma source(%arg9 : memref<80x128xf32, #tpu.memory_space<vmem>>) target(%dma_start3A_72 : memref<10112x128xf32, #tpu.memory_space<vmem_shared>>) offsets(%dma_start3A_69 : memref<80xi32, #tpu.memory_space<vmem>>) semaphore(%arg18 : memref<!tpu.dma_semaphore, #tpu.memory_space<semaphore_mem>>) {add = true}
    %dma_start3A_73 = arith.constant 3 : i32
    %dma_start3A_74 = arith.constant 0 : i32
    %dma_start3A_75 = tpu.memref_slice %arg6[%dma_start3A_73, %dma_start3A_74] : memref<25x80xi32, #tpu.memory_space<vmem>> -> memref<1x80xi32, #tpu.memory_space<vmem>>
    %dma_start3A_76 = tpu.memref_squeeze %dma_start3A_75 : memref<1x80xi32, #tpu.memory_space<vmem>> -> memref<80xi32, #tpu.memory_space<vmem>>
    %dma_start3A_77 = arith.constant 0 : i32
    %dma_start3A_78 = arith.constant 0 : i32
    %dma_start3A_79 = tpu.memref_slice %arg2[%dma_start3A_77, %dma_start3A_78] : memref<10112x128xf32, #tpu.memory_space<hbm>> -> memref<10112x128xf32, #tpu.memory_space<hbm>>
    tpu.enqueue_indirect_dma source(%dma_start3A_79 : memref<10112x128xf32, #tpu.memory_space<hbm>>) target(%arg11 : memref<80x128xf32, #tpu.memory_space<vmem>>) offsets(%dma_start3A_76 : memref<80xi32, #tpu.memory_space<vmem>>) semaphore(%arg16 : memref<!tpu.dma_semaphore, #tpu.memory_space<semaphore_mem>>)
    %dma_wait3A_80 = arith.constant 2 : i32
    %dma_wait3A_81 = arith.constant 0 : i32
    %dma_wait3A_82 = tpu.memref_slice %arg6[%dma_wait3A_80, %dma_wait3A_81] : memref<25x80xi32, #tpu.memory_space<vmem>> -> memref<1x80xi32, #tpu.memory_space<vmem>>
    %dma_wait3A_83 = tpu.memref_squeeze %dma_wait3A_82 : memref<1x80xi32, #tpu.memory_space<vmem>> -> memref<80xi32, #tpu.memory_space<vmem>>
    %dma_wait3A_84 = arith.constant 0 : i32
    %dma_wait3A_85 = arith.constant 0 : i32
    %dma_wait3A_86 = tpu.memref_slice %arg2[%dma_wait3A_84, %dma_wait3A_85] : memref<10112x128xf32, #tpu.memory_space<hbm>> -> memref<10112x128xf32, #tpu.memory_space<hbm>>
    tpu.wait_indirect_dma semaphore(%arg15 : memref<!tpu.dma_semaphore, #tpu.memory_space<semaphore_mem>>) src(%dma_wait3A_86 : memref<10112x128xf32, #tpu.memory_space<hbm>>) dst(%arg10 : memref<80x128xf32, #tpu.memory_space<vmem>>)
    %dma_start3A_87 = arith.constant 2 : i32
    %dma_start3A_88 = arith.constant 0 : i32
    %dma_start3A_89 = tpu.memref_slice %arg7[%dma_start3A_87, %dma_start3A_88] : memref<25x80xi32, #tpu.memory_space<vmem>> -> memref<1x80xi32, #tpu.memory_space<vmem>>
    %dma_start3A_90 = tpu.memref_squeeze %dma_start3A_89 : memref<1x80xi32, #tpu.memory_space<vmem>> -> memref<80xi32, #tpu.memory_space<vmem>>
    %dma_start3A_91 = arith.constant 0 : i32
    %dma_start3A_92 = arith.constant 0 : i32
    %dma_start3A_93 = tpu.memref_slice %arg12[%dma_start3A_91, %dma_start3A_92] : memref<10112x128xf32, #tpu.memory_space<vmem_shared>> -> memref<10112x128xf32, #tpu.memory_space<vmem_shared>>
    tpu.enqueue_indirect_dma source(%arg10 : memref<80x128xf32, #tpu.memory_space<vmem>>) target(%dma_start3A_93 : memref<10112x128xf32, #tpu.memory_space<vmem_shared>>) offsets(%dma_start3A_90 : memref<80xi32, #tpu.memory_space<vmem>>) semaphore(%arg19 : memref<!tpu.dma_semaphore, #tpu.memory_space<semaphore_mem>>) {add = true}
    %dma_wait3A_94 = arith.constant 0 : i32
    %dma_wait3A_95 = arith.constant 0 : i32
    %dma_wait3A_96 = tpu.memref_slice %arg7[%dma_wait3A_94, %dma_wait3A_95] : memref<25x80xi32, #tpu.memory_space<vmem>> -> memref<1x80xi32, #tpu.memory_space<vmem>>
    %dma_wait3A_97 = tpu.memref_squeeze %dma_wait3A_96 : memref<1x80xi32, #tpu.memory_space<vmem>> -> memref<80xi32, #tpu.memory_space<vmem>>
    %dma_wait3A_98 = arith.constant 0 : i32
    %dma_wait3A_99 = arith.constant 0 : i32
    %dma_wait3A_100 = tpu.memref_slice %arg12[%dma_wait3A_98, %dma_wait3A_99] : memref<10112x128xf32, #tpu.memory_space<vmem_shared>> -> memref<10112x128xf32, #tpu.memory_space<vmem_shared>>
    tpu.wait_indirect_dma semaphore(%arg17 : memref<!tpu.dma_semaphore, #tpu.memory_space<semaphore_mem>>) src(%arg8 : memref<80x128xf32, #tpu.memory_space<vmem>>) dst(%dma_wait3A_100 : memref<10112x128xf32, #tpu.memory_space<vmem_shared>>)
    %dma_start3A_101 = arith.constant 4 : i32
    %dma_start3A_102 = arith.constant 0 : i32
    %dma_start3A_103 = tpu.memref_slice %arg6[%dma_start3A_101, %dma_start3A_102] : memref<25x80xi32, #tpu.memory_space<vmem>> -> memref<1x80xi32, #tpu.memory_space<vmem>>
    %dma_start3A_104 = tpu.memref_squeeze %dma_start3A_103 : memref<1x80xi32, #tpu.memory_space<vmem>> -> memref<80xi32, #tpu.memory_space<vmem>>
    %dma_start3A_105 = arith.constant 0 : i32
    %dma_start3A_106 = arith.constant 0 : i32
    %dma_start3A_107 = tpu.memref_slice %arg2[%dma_start3A_105, %dma_start3A_106] : memref<10112x128xf32, #tpu.memory_space<hbm>> -> memref<10112x128xf32, #tpu.memory_space<hbm>>
    tpu.enqueue_indirect_dma source(%dma_start3A_107 : memref<10112x128xf32, #tpu.memory_space<hbm>>) target(%arg8 : memref<80x128xf32, #tpu.memory_space<vmem>>) offsets(%dma_start3A_104 : memref<80xi32, #tpu.memory_space<vmem>>) semaphore(%arg13 : memref<!tpu.dma_semaphore, #tpu.memory_space<semaphore_mem>>)
    %scan3A_108 = arith.constant 0 : i32
    %scan3A_109 = arith.constant 0 : i32
    %scan3A_110 = arith.constant 5 : i32
    %scan3A_111 = arith.addi %scan3A_109, %scan3A_110 : i32
    %scan3A_112 = arith.constant 1 : i32
    %scan3A_113 = scf.for %scan3A_772 = %scan3A_109 to %scan3A_111 step %scan3A_112 iter_args(%scan3A_773 = %scan3A_108) -> (i32)  : i32 {
      %mul3A_774 = arith.constant 4 : i32
      %mul3A_775 = arith.muli %mul3A_774, %scan3A_772 : i32
      %add3A_776 = arith.constant 3 : i32
      %add3A_777 = arith.addi %mul3A_775, %add3A_776 : i32
      %dma_wait3A_778 = arith.constant 0 : i32
      %dma_wait3A_779 = tpu.memref_slice %arg6[%add3A_777, %dma_wait3A_778] : memref<25x80xi32, #tpu.memory_space<vmem>> -> memref<1x80xi32, #tpu.memory_space<vmem>>
      %dma_wait3A_780 = tpu.memref_squeeze %dma_wait3A_779 : memref<1x80xi32, #tpu.memory_space<vmem>> -> memref<80xi32, #tpu.memory_space<vmem>>
      %dma_wait3A_781 = arith.constant 0 : i32
      %dma_wait3A_782 = arith.constant 0 : i32
      %dma_wait3A_783 = tpu.memref_slice %arg2[%dma_wait3A_781, %dma_wait3A_782] : memref<10112x128xf32, #tpu.memory_space<hbm>> -> memref<10112x128xf32, #tpu.memory_space<hbm>>
      tpu.wait_indirect_dma semaphore(%arg16 : memref<!tpu.dma_semaphore, #tpu.memory_space<semaphore_mem>>) src(%dma_wait3A_783 : memref<10112x128xf32, #tpu.memory_space<hbm>>) dst(%arg11 : memref<80x128xf32, #tpu.memory_space<vmem>>)
      %dma_start3A_784 = arith.constant 0 : i32
      %dma_start3A_785 = tpu.memref_slice %arg7[%add3A_777, %dma_start3A_784] : memref<25x80xi32, #tpu.memory_space<vmem>> -> memref<1x80xi32, #tpu.memory_space<vmem>>
      %dma_start3A_786 = tpu.memref_squeeze %dma_start3A_785 : memref<1x80xi32, #tpu.memory_space<vmem>> -> memref<80xi32, #tpu.memory_space<vmem>>
      %dma_start3A_787 = arith.constant 0 : i32
      %dma_start3A_788 = arith.constant 0 : i32
      %dma_start3A_789 = tpu.memref_slice %arg12[%dma_start3A_787, %dma_start3A_788] : memref<10112x128xf32, #tpu.memory_space<vmem_shared>> -> memref<10112x128xf32, #tpu.memory_space<vmem_shared>>
      tpu.enqueue_indirect_dma source(%arg11 : memref<80x128xf32, #tpu.memory_space<vmem>>) target(%dma_start3A_789 : memref<10112x128xf32, #tpu.memory_space<vmem_shared>>) offsets(%dma_start3A_786 : memref<80xi32, #tpu.memory_space<vmem>>) semaphore(%arg20 : memref<!tpu.dma_semaphore, #tpu.memory_space<semaphore_mem>>) {add = true}
      %sub3A = arith.constant 2 : i32
      %sub3A_790 = arith.subi %add3A_777, %sub3A : i32
      %dma_wait3A_791 = arith.constant 0 : i32
      %dma_wait3A_792 = tpu.memref_slice %arg7[%sub3A_790, %dma_wait3A_791] : memref<25x80xi32, #tpu.memory_space<vmem>> -> memref<1x80xi32, #tpu.memory_space<vmem>>
      %dma_wait3A_793 = tpu.memref_squeeze %dma_wait3A_792 : memref<1x80xi32, #tpu.memory_space<vmem>> -> memref<80xi32, #tpu.memory_space<vmem>>
      %dma_wait3A_794 = arith.constant 0 : i32
      %dma_wait3A_795 = arith.constant 0 : i32
      %dma_wait3A_796 = tpu.memref_slice %arg12[%dma_wait3A_794, %dma_wait3A_795] : memref<10112x128xf32, #tpu.memory_space<vmem_shared>> -> memref<10112x128xf32, #tpu.memory_space<vmem_shared>>
      tpu.wait_indirect_dma semaphore(%arg18 : memref<!tpu.dma_semaphore, #tpu.memory_space<semaphore_mem>>) src(%arg9 : memref<80x128xf32, #tpu.memory_space<vmem>>) dst(%dma_wait3A_796 : memref<10112x128xf32, #tpu.memory_space<vmem_shared>>)
      %add3A_797 = arith.constant 2 : i32
      %add3A_798 = arith.addi %add3A_777, %add3A_797 : i32
      %dma_start3A_799 = arith.constant 0 : i32
      %dma_start3A_800 = tpu.memref_slice %arg6[%add3A_798, %dma_start3A_799] : memref<25x80xi32, #tpu.memory_space<vmem>> -> memref<1x80xi32, #tpu.memory_space<vmem>>
      %dma_start3A_801 = tpu.memref_squeeze %dma_start3A_800 : memref<1x80xi32, #tpu.memory_space<vmem>> -> memref<80xi32, #tpu.memory_space<vmem>>
      %dma_start3A_802 = arith.constant 0 : i32
      %dma_start3A_803 = arith.constant 0 : i32
      %dma_start3A_804 = tpu.memref_slice %arg2[%dma_start3A_802, %dma_start3A_803] : memref<10112x128xf32, #tpu.memory_space<hbm>> -> memref<10112x128xf32, #tpu.memory_space<hbm>>
      tpu.enqueue_indirect_dma source(%dma_start3A_804 : memref<10112x128xf32, #tpu.memory_space<hbm>>) target(%arg9 : memref<80x128xf32, #tpu.memory_space<vmem>>) offsets(%dma_start3A_801 : memref<80xi32, #tpu.memory_space<vmem>>) semaphore(%arg14 : memref<!tpu.dma_semaphore, #tpu.memory_space<semaphore_mem>>)
      %add3A_805 = arith.constant 1 : i32
      %add3A_806 = arith.addi %add3A_777, %add3A_805 : i32
      %dma_wait3A_807 = arith.constant 0 : i32
      %dma_wait3A_808 = tpu.memref_slice %arg6[%add3A_806, %dma_wait3A_807] : memref<25x80xi32, #tpu.memory_space<vmem>> -> memref<1x80xi32, #tpu.memory_space<vmem>>
      %dma_wait3A_809 = tpu.memref_squeeze %dma_wait3A_808 : memref<1x80xi32, #tpu.memory_space<vmem>> -> memref<80xi32, #tpu.memory_space<vmem>>
      %dma_wait3A_810 = arith.constant 0 : i32
      %dma_wait3A_811 = arith.constant 0 : i32
      %dma_wait3A_812 = tpu.memref_slice %arg2[%dma_wait3A_810, %dma_wait3A_811] : memref<10112x128xf32, #tpu.memory_space<hbm>> -> memref<10112x128xf32, #tpu.memory_space<hbm>>
      tpu.wait_indirect_dma semaphore(%arg13 : memref<!tpu.dma_semaphore, #tpu.memory_space<semaphore_mem>>) src(%dma_wait3A_812 : memref<10112x128xf32, #tpu.memory_space<hbm>>) dst(%arg8 : memref<80x128xf32, #tpu.memory_space<vmem>>)
      %add3A_813 = arith.constant 1 : i32
      %add3A_814 = arith.addi %add3A_777, %add3A_813 : i32
      %dma_start3A_815 = arith.constant 0 : i32
      %dma_start3A_816 = tpu.memref_slice %arg7[%add3A_814, %dma_start3A_815] : memref<25x80xi32, #tpu.memory_space<vmem>> -> memref<1x80xi32, #tpu.memory_space<vmem>>
      %dma_start3A_817 = tpu.memref_squeeze %dma_start3A_816 : memref<1x80xi32, #tpu.memory_space<vmem>> -> memref<80xi32, #tpu.memory_space<vmem>>
      %dma_start3A_818 = arith.constant 0 : i32
      %dma_start3A_819 = arith.constant 0 : i32
      %dma_start3A_820 = tpu.memref_slice %arg12[%dma_start3A_818, %dma_start3A_819] : memref<10112x128xf32, #tpu.memory_space<vmem_shared>> -> memref<10112x128xf32, #tpu.memory_space<vmem_shared>>
      tpu.enqueue_indirect_dma source(%arg8 : memref<80x128xf32, #tpu.memory_space<vmem>>) target(%dma_start3A_820 : memref<10112x128xf32, #tpu.memory_space<vmem_shared>>) offsets(%dma_start3A_817 : memref<80xi32, #tpu.memory_space<vmem>>) semaphore(%arg17 : memref<!tpu.dma_semaphore, #tpu.memory_space<semaphore_mem>>) {add = true}
      %sub3A_821 = arith.constant 1 : i32
      %sub3A_822 = arith.subi %add3A_777, %sub3A_821 : i32
      %dma_wait3A_823 = arith.constant 0 : i32
      %dma_wait3A_824 = tpu.memref_slice %arg7[%sub3A_822, %dma_wait3A_823] : memref<25x80xi32, #tpu.memory_space<vmem>> -> memref<1x80xi32, #tpu.memory_space<vmem>>
      %dma_wait3A_825 = tpu.memref_squeeze %dma_wait3A_824 : memref<1x80xi32, #tpu.memory_space<vmem>> -> memref<80xi32, #tpu.memory_space<vmem>>
      %dma_wait3A_826 = arith.constant 0 : i32
      %dma_wait3A_827 = arith.constant 0 : i32
      %dma_wait3A_828 = tpu.memref_slice %arg12[%dma_wait3A_826, %dma_wait3A_827] : memref<10112x128xf32, #tpu.memory_space<vmem_shared>> -> memref<10112x128xf32, #tpu.memory_space<vmem_shared>>
      tpu.wait_indirect_dma semaphore(%arg19 : memref<!tpu.dma_semaphore, #tpu.memory_space<semaphore_mem>>) src(%arg10 : memref<80x128xf32, #tpu.memory_space<vmem>>) dst(%dma_wait3A_828 : memref<10112x128xf32, #tpu.memory_space<vmem_shared>>)
      %add3A_829 = arith.constant 3 : i32
      %add3A_830 = arith.addi %add3A_777, %add3A_829 : i32
      %dma_start3A_831 = arith.constant 0 : i32
      %dma_start3A_832 = tpu.memref_slice %arg6[%add3A_830, %dma_start3A_831] : memref<25x80xi32, #tpu.memory_space<vmem>> -> memref<1x80xi32, #tpu.memory_space<vmem>>
      %dma_start3A_833 = tpu.memref_squeeze %dma_start3A_832 : memref<1x80xi32, #tpu.memory_space<vmem>> -> memref<80xi32, #tpu.memory_space<vmem>>
      %dma_start3A_834 = arith.constant 0 : i32
      %dma_start3A_835 = arith.constant 0 : i32
      %dma_start3A_836 = tpu.memref_slice %arg2[%dma_start3A_834, %dma_start3A_835] : memref<10112x128xf32, #tpu.memory_space<hbm>> -> memref<10112x128xf32, #tpu.memory_space<hbm>>
      tpu.enqueue_indirect_dma source(%dma_start3A_836 : memref<10112x128xf32, #tpu.memory_space<hbm>>) target(%arg10 : memref<80x128xf32, #tpu.memory_space<vmem>>) offsets(%dma_start3A_833 : memref<80xi32, #tpu.memory_space<vmem>>) semaphore(%arg15 : memref<!tpu.dma_semaphore, #tpu.memory_space<semaphore_mem>>)
      %add3A_837 = arith.constant 2 : i32
      %add3A_838 = arith.addi %add3A_777, %add3A_837 : i32
      %dma_wait3A_839 = arith.constant 0 : i32
      %dma_wait3A_840 = tpu.memref_slice %arg6[%add3A_838, %dma_wait3A_839] : memref<25x80xi32, #tpu.memory_space<vmem>> -> memref<1x80xi32, #tpu.memory_space<vmem>>
      %dma_wait3A_841 = tpu.memref_squeeze %dma_wait3A_840 : memref<1x80xi32, #tpu.memory_space<vmem>> -> memref<80xi32, #tpu.memory_space<vmem>>
      %dma_wait3A_842 = arith.constant 0 : i32
      %dma_wait3A_843 = arith.constant 0 : i32
      %dma_wait3A_844 = tpu.memref_slice %arg2[%dma_wait3A_842, %dma_wait3A_843] : memref<10112x128xf32, #tpu.memory_space<hbm>> -> memref<10112x128xf32, #tpu.memory_space<hbm>>
      tpu.wait_indirect_dma semaphore(%arg14 : memref<!tpu.dma_semaphore, #tpu.memory_space<semaphore_mem>>) src(%dma_wait3A_844 : memref<10112x128xf32, #tpu.memory_space<hbm>>) dst(%arg9 : memref<80x128xf32, #tpu.memory_space<vmem>>)
      %add3A_845 = arith.constant 2 : i32
      %add3A_846 = arith.addi %add3A_777, %add3A_845 : i32
      %dma_start3A_847 = arith.constant 0 : i32
      %dma_start3A_848 = tpu.memref_slice %arg7[%add3A_846, %dma_start3A_847] : memref<25x80xi32, #tpu.memory_space<vmem>> -> memref<1x80xi32, #tpu.memory_space<vmem>>
      %dma_start3A_849 = tpu.memref_squeeze %dma_start3A_848 : memref<1x80xi32, #tpu.memory_space<vmem>> -> memref<80xi32, #tpu.memory_space<vmem>>
      %dma_start3A_850 = arith.constant 0 : i32
      %dma_start3A_851 = arith.constant 0 : i32
      %dma_start3A_852 = tpu.memref_slice %arg12[%dma_start3A_850, %dma_start3A_851] : memref<10112x128xf32, #tpu.memory_space<vmem_shared>> -> memref<10112x128xf32, #tpu.memory_space<vmem_shared>>
      tpu.enqueue_indirect_dma source(%arg9 : memref<80x128xf32, #tpu.memory_space<vmem>>) target(%dma_start3A_852 : memref<10112x128xf32, #tpu.memory_space<vmem_shared>>) offsets(%dma_start3A_849 : memref<80xi32, #tpu.memory_space<vmem>>) semaphore(%arg18 : memref<!tpu.dma_semaphore, #tpu.memory_space<semaphore_mem>>) {add = true}
      %dma_wait3A_853 = arith.constant 0 : i32
      %dma_wait3A_854 = tpu.memref_slice %arg7[%add3A_777, %dma_wait3A_853] : memref<25x80xi32, #tpu.memory_space<vmem>> -> memref<1x80xi32, #tpu.memory_space<vmem>>
      %dma_wait3A_855 = tpu.memref_squeeze %dma_wait3A_854 : memref<1x80xi32, #tpu.memory_space<vmem>> -> memref<80xi32, #tpu.memory_space<vmem>>
      %dma_wait3A_856 = arith.constant 0 : i32
      %dma_wait3A_857 = arith.constant 0 : i32
      %dma_wait3A_858 = tpu.memref_slice %arg12[%dma_wait3A_856, %dma_wait3A_857] : memref<10112x128xf32, #tpu.memory_space<vmem_shared>> -> memref<10112x128xf32, #tpu.memory_space<vmem_shared>>
      tpu.wait_indirect_dma semaphore(%arg20 : memref<!tpu.dma_semaphore, #tpu.memory_space<semaphore_mem>>) src(%arg11 : memref<80x128xf32, #tpu.memory_space<vmem>>) dst(%dma_wait3A_858 : memref<10112x128xf32, #tpu.memory_space<vmem_shared>>)
      %add3A_859 = arith.constant 4 : i32
      %add3A_860 = arith.addi %add3A_777, %add3A_859 : i32
      %dma_start3A_861 = arith.constant 0 : i32
      %dma_start3A_862 = tpu.memref_slice %arg6[%add3A_860, %dma_start3A_861] : memref<25x80xi32, #tpu.memory_space<vmem>> -> memref<1x80xi32, #tpu.memory_space<vmem>>
      %dma_start3A_863 = tpu.memref_squeeze %dma_start3A_862 : memref<1x80xi32, #tpu.memory_space<vmem>> -> memref<80xi32, #tpu.memory_space<vmem>>
      %dma_start3A_864 = arith.constant 0 : i32
      %dma_start3A_865 = arith.constant 0 : i32
      %dma_start3A_866 = tpu.memref_slice %arg2[%dma_start3A_864, %dma_start3A_865] : memref<10112x128xf32, #tpu.memory_space<hbm>> -> memref<10112x128xf32, #tpu.memory_space<hbm>>
      tpu.enqueue_indirect_dma source(%dma_start3A_866 : memref<10112x128xf32, #tpu.memory_space<hbm>>) target(%arg11 : memref<80x128xf32, #tpu.memory_space<vmem>>) offsets(%dma_start3A_863 : memref<80xi32, #tpu.memory_space<vmem>>) semaphore(%arg16 : memref<!tpu.dma_semaphore, #tpu.memory_space<semaphore_mem>>)
      %add3A_867 = arith.constant 3 : i32
      %add3A_868 = arith.addi %add3A_777, %add3A_867 : i32
      %dma_wait3A_869 = arith.constant 0 : i32
      %dma_wait3A_870 = tpu.memref_slice %arg6[%add3A_868, %dma_wait3A_869] : memref<25x80xi32, #tpu.memory_space<vmem>> -> memref<1x80xi32, #tpu.memory_space<vmem>>
      %dma_wait3A_871 = tpu.memref_squeeze %dma_wait3A_870 : memref<1x80xi32, #tpu.memory_space<vmem>> -> memref<80xi32, #tpu.memory_space<vmem>>
      %dma_wait3A_872 = arith.constant 0 : i32
      %dma_wait3A_873 = arith.constant 0 : i32
      %dma_wait3A_874 = tpu.memref_slice %arg2[%dma_wait3A_872, %dma_wait3A_873] : memref<10112x128xf32, #tpu.memory_space<hbm>> -> memref<10112x128xf32, #tpu.memory_space<hbm>>
      tpu.wait_indirect_dma semaphore(%arg15 : memref<!tpu.dma_semaphore, #tpu.memory_space<semaphore_mem>>) src(%dma_wait3A_874 : memref<10112x128xf32, #tpu.memory_space<hbm>>) dst(%arg10 : memref<80x128xf32, #tpu.memory_space<vmem>>)
      %add3A_875 = arith.constant 3 : i32
      %add3A_876 = arith.addi %add3A_777, %add3A_875 : i32
      %dma_start3A_877 = arith.constant 0 : i32
      %dma_start3A_878 = tpu.memref_slice %arg7[%add3A_876, %dma_start3A_877] : memref<25x80xi32, #tpu.memory_space<vmem>> -> memref<1x80xi32, #tpu.memory_space<vmem>>
      %dma_start3A_879 = tpu.memref_squeeze %dma_start3A_878 : memref<1x80xi32, #tpu.memory_space<vmem>> -> memref<80xi32, #tpu.memory_space<vmem>>
      %dma_start3A_880 = arith.constant 0 : i32
      %dma_start3A_881 = arith.constant 0 : i32
      %dma_start3A_882 = tpu.memref_slice %arg12[%dma_start3A_880, %dma_start3A_881] : memref<10112x128xf32, #tpu.memory_space<vmem_shared>> -> memref<10112x128xf32, #tpu.memory_space<vmem_shared>>
      tpu.enqueue_indirect_dma source(%arg10 : memref<80x128xf32, #tpu.memory_space<vmem>>) target(%dma_start3A_882 : memref<10112x128xf32, #tpu.memory_space<vmem_shared>>) offsets(%dma_start3A_879 : memref<80xi32, #tpu.memory_space<vmem>>) semaphore(%arg19 : memref<!tpu.dma_semaphore, #tpu.memory_space<semaphore_mem>>) {add = true}
      %add3A_883 = arith.constant 1 : i32
      %add3A_884 = arith.addi %add3A_777, %add3A_883 : i32
      %dma_wait3A_885 = arith.constant 0 : i32
      %dma_wait3A_886 = tpu.memref_slice %arg7[%add3A_884, %dma_wait3A_885] : memref<25x80xi32, #tpu.memory_space<vmem>> -> memref<1x80xi32, #tpu.memory_space<vmem>>
      %dma_wait3A_887 = tpu.memref_squeeze %dma_wait3A_886 : memref<1x80xi32, #tpu.memory_space<vmem>> -> memref<80xi32, #tpu.memory_space<vmem>>
      %dma_wait3A_888 = arith.constant 0 : i32
      %dma_wait3A_889 = arith.constant 0 : i32
      %dma_wait3A_890 = tpu.memref_slice %arg12[%dma_wait3A_888, %dma_wait3A_889] : memref<10112x128xf32, #tpu.memory_space<vmem_shared>> -> memref<10112x128xf32, #tpu.memory_space<vmem_shared>>
      tpu.wait_indirect_dma semaphore(%arg17 : memref<!tpu.dma_semaphore, #tpu.memory_space<semaphore_mem>>) src(%arg8 : memref<80x128xf32, #tpu.memory_space<vmem>>) dst(%dma_wait3A_890 : memref<10112x128xf32, #tpu.memory_space<vmem_shared>>)
      %add3A_891 = arith.constant 5 : i32
      %add3A_892 = arith.addi %add3A_777, %add3A_891 : i32
      %dma_start3A_893 = arith.constant 0 : i32
      %dma_start3A_894 = tpu.memref_slice %arg6[%add3A_892, %dma_start3A_893] : memref<25x80xi32, #tpu.memory_space<vmem>> -> memref<1x80xi32, #tpu.memory_space<vmem>>
      %dma_start3A_895 = tpu.memref_squeeze %dma_start3A_894 : memref<1x80xi32, #tpu.memory_space<vmem>> -> memref<80xi32, #tpu.memory_space<vmem>>
      %dma_start3A_896 = arith.constant 0 : i32
      %dma_start3A_897 = arith.constant 0 : i32
      %dma_start3A_898 = tpu.memref_slice %arg2[%dma_start3A_896, %dma_start3A_897] : memref<10112x128xf32, #tpu.memory_space<hbm>> -> memref<10112x128xf32, #tpu.memory_space<hbm>>
      tpu.enqueue_indirect_dma source(%dma_start3A_898 : memref<10112x128xf32, #tpu.memory_space<hbm>>) target(%arg8 : memref<80x128xf32, #tpu.memory_space<vmem>>) offsets(%dma_start3A_895 : memref<80xi32, #tpu.memory_space<vmem>>) semaphore(%arg13 : memref<!tpu.dma_semaphore, #tpu.memory_space<semaphore_mem>>)
      %scan3A_899 = arith.constant 0 : i32
      scf.yield %scan3A_899 : i32
    }
    %scan3A_114 = arith.constant 5 : i32
    %dma_wait3A_115 = arith.constant 23 : i32
    %dma_wait3A_116 = arith.constant 0 : i32
    %dma_wait3A_117 = tpu.memref_slice %arg6[%dma_wait3A_115, %dma_wait3A_116] : memref<25x80xi32, #tpu.memory_space<vmem>> -> memref<1x80xi32, #tpu.memory_space<vmem>>
    %dma_wait3A_118 = tpu.memref_squeeze %dma_wait3A_117 : memref<1x80xi32, #tpu.memory_space<vmem>> -> memref<80xi32, #tpu.memory_space<vmem>>
    %dma_wait3A_119 = arith.constant 0 : i32
    %dma_wait3A_120 = arith.constant 0 : i32
    %dma_wait3A_121 = tpu.memref_slice %arg2[%dma_wait3A_119, %dma_wait3A_120] : memref<10112x128xf32, #tpu.memory_space<hbm>> -> memref<10112x128xf32, #tpu.memory_space<hbm>>
    tpu.wait_indirect_dma semaphore(%arg16 : memref<!tpu.dma_semaphore, #tpu.memory_space<semaphore_mem>>) src(%dma_wait3A_121 : memref<10112x128xf32, #tpu.memory_space<hbm>>) dst(%arg11 : memref<80x128xf32, #tpu.memory_space<vmem>>)
    %dma_start3A_122 = arith.constant 23 : i32
    %dma_start3A_123 = arith.constant 0 : i32
    %dma_start3A_124 = tpu.memref_slice %arg7[%dma_start3A_122, %dma_start3A_123] : memref<25x80xi32, #tpu.memory_space<vmem>> -> memref<1x80xi32, #tpu.memory_space<vmem>>
    %dma_start3A_125 = tpu.memref_squeeze %dma_start3A_124 : memref<1x80xi32, #tpu.memory_space<vmem>> -> memref<80xi32, #tpu.memory_space<vmem>>
    %dma_start3A_126 = arith.constant 0 : i32
    %dma_start3A_127 = arith.constant 0 : i32
    %dma_start3A_128 = tpu.memref_slice %arg12[%dma_start3A_126, %dma_start3A_127] : memref<10112x128xf32, #tpu.memory_space<vmem_shared>> -> memref<10112x128xf32, #tpu.memory_space<vmem_shared>>
    tpu.enqueue_indirect_dma source(%arg11 : memref<80x128xf32, #tpu.memory_space<vmem>>) target(%dma_start3A_128 : memref<10112x128xf32, #tpu.memory_space<vmem_shared>>) offsets(%dma_start3A_125 : memref<80xi32, #tpu.memory_space<vmem>>) semaphore(%arg20 : memref<!tpu.dma_semaphore, #tpu.memory_space<semaphore_mem>>) {add = true}
    %dma_wait3A_129 = arith.constant 21 : i32
    %dma_wait3A_130 = arith.constant 0 : i32
    %dma_wait3A_131 = tpu.memref_slice %arg7[%dma_wait3A_129, %dma_wait3A_130] : memref<25x80xi32, #tpu.memory_space<vmem>> -> memref<1x80xi32, #tpu.memory_space<vmem>>
    %dma_wait3A_132 = tpu.memref_squeeze %dma_wait3A_131 : memref<1x80xi32, #tpu.memory_space<vmem>> -> memref<80xi32, #tpu.memory_space<vmem>>
    %dma_wait3A_133 = arith.constant 0 : i32
    %dma_wait3A_134 = arith.constant 0 : i32
    %dma_wait3A_135 = tpu.memref_slice %arg12[%dma_wait3A_133, %dma_wait3A_134] : memref<10112x128xf32, #tpu.memory_space<vmem_shared>> -> memref<10112x128xf32, #tpu.memory_space<vmem_shared>>
    tpu.wait_indirect_dma semaphore(%arg18 : memref<!tpu.dma_semaphore, #tpu.memory_space<semaphore_mem>>) src(%arg9 : memref<80x128xf32, #tpu.memory_space<vmem>>) dst(%dma_wait3A_135 : memref<10112x128xf32, #tpu.memory_space<vmem_shared>>)
    %dma_wait3A_136 = arith.constant 24 : i32
    %dma_wait3A_137 = arith.constant 0 : i32
    %dma_wait3A_138 = tpu.memref_slice %arg6[%dma_wait3A_136, %dma_wait3A_137] : memref<25x80xi32, #tpu.memory_space<vmem>> -> memref<1x80xi32, #tpu.memory_space<vmem>>
    %dma_wait3A_139 = tpu.memref_squeeze %dma_wait3A_138 : memref<1x80xi32, #tpu.memory_space<vmem>> -> memref<80xi32, #tpu.memory_space<vmem>>
    %dma_wait3A_140 = arith.constant 0 : i32
    %dma_wait3A_141 = arith.constant 0 : i32
    %dma_wait3A_142 = tpu.memref_slice %arg2[%dma_wait3A_140, %dma_wait3A_141] : memref<10112x128xf32, #tpu.memory_space<hbm>> -> memref<10112x128xf32, #tpu.memory_space<hbm>>
    tpu.wait_indirect_dma semaphore(%arg13 : memref<!tpu.dma_semaphore, #tpu.memory_space<semaphore_mem>>) src(%dma_wait3A_142 : memref<10112x128xf32, #tpu.memory_space<hbm>>) dst(%arg8 : memref<80x128xf32, #tpu.memory_space<vmem>>)
    %dma_start3A_143 = arith.constant 24 : i32
    %dma_start3A_144 = arith.constant 0 : i32
    %dma_start3A_145 = tpu.memref_slice %arg7[%dma_start3A_143, %dma_start3A_144] : memref<25x80xi32, #tpu.memory_space<vmem>> -> memref<1x80xi32, #tpu.memory_space<vmem>>
    %dma_start3A_146 = tpu.memref_squeeze %dma_start3A_145 : memref<1x80xi32, #tpu.memory_space<vmem>> -> memref<80xi32, #tpu.memory_space<vmem>>
    %dma_start3A_147 = arith.constant 0 : i32
    %dma_start3A_148 = arith.constant 0 : i32
    %dma_start3A_149 = tpu.memref_slice %arg12[%dma_start3A_147, %dma_start3A_148] : memref<10112x128xf32, #tpu.memory_space<vmem_shared>> -> memref<10112x128xf32, #tpu.memory_space<vmem_shared>>
    tpu.enqueue_indirect_dma source(%arg8 : memref<80x128xf32, #tpu.memory_space<vmem>>) target(%dma_start3A_149 : memref<10112x128xf32, #tpu.memory_space<vmem_shared>>) offsets(%dma_start3A_146 : memref<80xi32, #tpu.memory_space<vmem>>) semaphore(%arg17 : memref<!tpu.dma_semaphore, #tpu.memory_space<semaphore_mem>>) {add = true}
    %dma_wait3A_150 = arith.constant 22 : i32
    %dma_wait3A_151 = arith.constant 0 : i32
    %dma_wait3A_152 = tpu.memref_slice %arg7[%dma_wait3A_150, %dma_wait3A_151] : memref<25x80xi32, #tpu.memory_space<vmem>> -> memref<1x80xi32, #tpu.memory_space<vmem>>
    %dma_wait3A_153 = tpu.memref_squeeze %dma_wait3A_152 : memref<1x80xi32, #tpu.memory_space<vmem>> -> memref<80xi32, #tpu.memory_space<vmem>>
    %dma_wait3A_154 = arith.constant 0 : i32
    %dma_wait3A_155 = arith.constant 0 : i32
    %dma_wait3A_156 = tpu.memref_slice %arg12[%dma_wait3A_154, %dma_wait3A_155] : memref<10112x128xf32, #tpu.memory_space<vmem_shared>> -> memref<10112x128xf32, #tpu.memory_space<vmem_shared>>
    tpu.wait_indirect_dma semaphore(%arg19 : memref<!tpu.dma_semaphore, #tpu.memory_space<semaphore_mem>>) src(%arg10 : memref<80x128xf32, #tpu.memory_space<vmem>>) dst(%dma_wait3A_156 : memref<10112x128xf32, #tpu.memory_space<vmem_shared>>)
    %dma_wait3A_157 = arith.constant 23 : i32
    %dma_wait3A_158 = arith.constant 0 : i32
    %dma_wait3A_159 = tpu.memref_slice %arg7[%dma_wait3A_157, %dma_wait3A_158] : memref<25x80xi32, #tpu.memory_space<vmem>> -> memref<1x80xi32, #tpu.memory_space<vmem>>
    %dma_wait3A_160 = tpu.memref_squeeze %dma_wait3A_159 : memref<1x80xi32, #tpu.memory_space<vmem>> -> memref<80xi32, #tpu.memory_space<vmem>>
    %dma_wait3A_161 = arith.constant 0 : i32
    %dma_wait3A_162 = arith.constant 0 : i32
    %dma_wait3A_163 = tpu.memref_slice %arg12[%dma_wait3A_161, %dma_wait3A_162] : memref<10112x128xf32, #tpu.memory_space<vmem_shared>> -> memref<10112x128xf32, #tpu.memory_space<vmem_shared>>
    tpu.wait_indirect_dma semaphore(%arg20 : memref<!tpu.dma_semaphore, #tpu.memory_space<semaphore_mem>>) src(%arg11 : memref<80x128xf32, #tpu.memory_space<vmem>>) dst(%dma_wait3A_163 : memref<10112x128xf32, #tpu.memory_space<vmem_shared>>)
    %dma_wait3A_164 = arith.constant 24 : i32
    %dma_wait3A_165 = arith.constant 0 : i32
    %dma_wait3A_166 = tpu.memref_slice %arg7[%dma_wait3A_164, %dma_wait3A_165] : memref<25x80xi32, #tpu.memory_space<vmem>> -> memref<1x80xi32, #tpu.memory_space<vmem>>
    %dma_wait3A_167 = tpu.memref_squeeze %dma_wait3A_166 : memref<1x80xi32, #tpu.memory_space<vmem>> -> memref<80xi32, #tpu.memory_space<vmem>>
    %dma_wait3A_168 = arith.constant 0 : i32
    %dma_wait3A_169 = arith.constant 0 : i32
    %dma_wait3A_170 = tpu.memref_slice %arg12[%dma_wait3A_168, %dma_wait3A_169] : memref<10112x128xf32, #tpu.memory_space<vmem_shared>> -> memref<10112x128xf32, #tpu.memory_space<vmem_shared>>
    tpu.wait_indirect_dma semaphore(%arg17 : memref<!tpu.dma_semaphore, #tpu.memory_space<semaphore_mem>>) src(%arg8 : memref<80x128xf32, #tpu.memory_space<vmem>>) dst(%dma_wait3A_170 : memref<10112x128xf32, #tpu.memory_space<vmem_shared>>)
    %run_scoped3A_171 = arith.constant 1 : i32
    "tpu.region"() ({
      %run_scoped3A_772 = tpu.sem_alloc : memref<!tpu.dma_semaphore, #tpu.memory_space<semaphore_mem>>
      %dma_start3A_773 = arith.constant 0 : i32
      %dma_start3A_774 = arith.constant 0 : i32
      %dma_start3A_775 = tpu.memref_slice %arg3[%add3A, %run_scoped3A_171, %dma_start3A_773, %dma_start3A_774] : memref<32x5x25x80xi32, #tpu.memory_space<hbm>> -> memref<1x1x25x80xi32, #tpu.memory_space<hbm>>
      %dma_start3A_776 = tpu.memref_squeeze %dma_start3A_775 : memref<1x1x25x80xi32, #tpu.memory_space<hbm>> -> memref<25x80xi32, #tpu.memory_space<hbm>>
      %dma_start3A_777 = arith.constant 0 : i32
      %dma_start3A_778 = arith.constant 0 : i32
      %dma_start3A_779 = tpu.memref_slice %arg3[%add3A, %run_scoped3A_171, %dma_start3A_777, %dma_start3A_778] : memref<32x5x25x80xi32, #tpu.memory_space<hbm>> -> memref<1x1x25x80xi32, #tpu.memory_space<hbm>>
      %dma_start3A_780 = tpu.memref_squeeze %dma_start3A_779 : memref<1x1x25x80xi32, #tpu.memory_space<hbm>> -> memref<25x80xi32, #tpu.memory_space<hbm>>
      tpu.enqueue_dma source(%dma_start3A_780 : memref<25x80xi32, #tpu.memory_space<hbm>>) target(%arg6 : memref<25x80xi32, #tpu.memory_space<vmem>>) target_semaphore(%run_scoped3A_772 : memref<!tpu.dma_semaphore, #tpu.memory_space<semaphore_mem>>)
      %dma_wait3A_781 = arith.constant 0 : i32
      %dma_wait3A_782 = arith.constant 0 : i32
      %dma_wait3A_783 = tpu.memref_slice %arg3[%add3A, %run_scoped3A_171, %dma_wait3A_781, %dma_wait3A_782] : memref<32x5x25x80xi32, #tpu.memory_space<hbm>> -> memref<1x1x25x80xi32, #tpu.memory_space<hbm>>
      %dma_wait3A_784 = tpu.memref_squeeze %dma_wait3A_783 : memref<1x1x25x80xi32, #tpu.memory_space<hbm>> -> memref<25x80xi32, #tpu.memory_space<hbm>>
      %dma_wait3A_785 = arith.constant 0 : i32
      %dma_wait3A_786 = arith.constant 0 : i32
      %dma_wait3A_787 = tpu.memref_slice %arg3[%add3A, %run_scoped3A_171, %dma_wait3A_785, %dma_wait3A_786] : memref<32x5x25x80xi32, #tpu.memory_space<hbm>> -> memref<1x1x25x80xi32, #tpu.memory_space<hbm>>
      %dma_wait3A_788 = tpu.memref_squeeze %dma_wait3A_787 : memref<1x1x25x80xi32, #tpu.memory_space<hbm>> -> memref<25x80xi32, #tpu.memory_space<hbm>>
      tpu.wait_dma2 semaphore(%run_scoped3A_772 : memref<!tpu.dma_semaphore, #tpu.memory_space<semaphore_mem>>) src(%dma_wait3A_788 : memref<25x80xi32, #tpu.memory_space<hbm>>) dst(%arg6 : memref<25x80xi32, #tpu.memory_space<vmem>>)
      tpu.yield
    }) : () -> ()
    %run_scoped3A_172 = arith.constant 1 : i32
    "tpu.region"() ({
      %run_scoped3A_772 = tpu.sem_alloc : memref<!tpu.dma_semaphore, #tpu.memory_space<semaphore_mem>>
      %dma_start3A_773 = arith.constant 0 : i32
      %dma_start3A_774 = arith.constant 0 : i32
      %dma_start3A_775 = tpu.memref_slice %arg4[%add3A, %run_scoped3A_172, %dma_start3A_773, %dma_start3A_774] : memref<32x5x25x80xi32, #tpu.memory_space<hbm>> -> memref<1x1x25x80xi32, #tpu.memory_space<hbm>>
      %dma_start3A_776 = tpu.memref_squeeze %dma_start3A_775 : memref<1x1x25x80xi32, #tpu.memory_space<hbm>> -> memref<25x80xi32, #tpu.memory_space<hbm>>
      %dma_start3A_777 = arith.constant 0 : i32
      %dma_start3A_778 = arith.constant 0 : i32
      %dma_start3A_779 = tpu.memref_slice %arg4[%add3A, %run_scoped3A_172, %dma_start3A_777, %dma_start3A_778] : memref<32x5x25x80xi32, #tpu.memory_space<hbm>> -> memref<1x1x25x80xi32, #tpu.memory_space<hbm>>
      %dma_start3A_780 = tpu.memref_squeeze %dma_start3A_779 : memref<1x1x25x80xi32, #tpu.memory_space<hbm>> -> memref<25x80xi32, #tpu.memory_space<hbm>>
      tpu.enqueue_dma source(%dma_start3A_780 : memref<25x80xi32, #tpu.memory_space<hbm>>) target(%arg7 : memref<25x80xi32, #tpu.memory_space<vmem>>) target_semaphore(%run_scoped3A_772 : memref<!tpu.dma_semaphore, #tpu.memory_space<semaphore_mem>>)
      %dma_wait3A_781 = arith.constant 0 : i32
      %dma_wait3A_782 = arith.constant 0 : i32
      %dma_wait3A_783 = tpu.memref_slice %arg4[%add3A, %run_scoped3A_172, %dma_wait3A_781, %dma_wait3A_782] : memref<32x5x25x80xi32, #tpu.memory_space<hbm>> -> memref<1x1x25x80xi32, #tpu.memory_space<hbm>>
      %dma_wait3A_784 = tpu.memref_squeeze %dma_wait3A_783 : memref<1x1x25x80xi32, #tpu.memory_space<hbm>> -> memref<25x80xi32, #tpu.memory_space<hbm>>
      %dma_wait3A_785 = arith.constant 0 : i32
      %dma_wait3A_786 = arith.constant 0 : i32
      %dma_wait3A_787 = tpu.memref_slice %arg4[%add3A, %run_scoped3A_172, %dma_wait3A_785, %dma_wait3A_786] : memref<32x5x25x80xi32, #tpu.memory_space<hbm>> -> memref<1x1x25x80xi32, #tpu.memory_space<hbm>>
      %dma_wait3A_788 = tpu.memref_squeeze %dma_wait3A_787 : memref<1x1x25x80xi32, #tpu.memory_space<hbm>> -> memref<25x80xi32, #tpu.memory_space<hbm>>
      tpu.wait_dma2 semaphore(%run_scoped3A_772 : memref<!tpu.dma_semaphore, #tpu.memory_space<semaphore_mem>>) src(%dma_wait3A_788 : memref<25x80xi32, #tpu.memory_space<hbm>>) dst(%arg7 : memref<25x80xi32, #tpu.memory_space<vmem>>)
      tpu.yield
    }) : () -> ()
    %dma_start3A_173 = arith.constant 0 : i32
    %dma_start3A_174 = arith.constant 0 : i32
    %dma_start3A_175 = tpu.memref_slice %arg6[%dma_start3A_173, %dma_start3A_174] : memref<25x80xi32, #tpu.memory_space<vmem>> -> memref<1x80xi32, #tpu.memory_space<vmem>>
    %dma_start3A_176 = tpu.memref_squeeze %dma_start3A_175 : memref<1x80xi32, #tpu.memory_space<vmem>> -> memref<80xi32, #tpu.memory_space<vmem>>
    %dma_start3A_177 = arith.constant 0 : i32
    %dma_start3A_178 = arith.constant 0 : i32
    %dma_start3A_179 = tpu.memref_slice %arg2[%dma_start3A_177, %dma_start3A_178] : memref<10112x128xf32, #tpu.memory_space<hbm>> -> memref<10112x128xf32, #tpu.memory_space<hbm>>
    tpu.enqueue_indirect_dma source(%dma_start3A_179 : memref<10112x128xf32, #tpu.memory_space<hbm>>) target(%arg8 : memref<80x128xf32, #tpu.memory_space<vmem>>) offsets(%dma_start3A_176 : memref<80xi32, #tpu.memory_space<vmem>>) semaphore(%arg13 : memref<!tpu.dma_semaphore, #tpu.memory_space<semaphore_mem>>)
    %dma_start3A_180 = arith.constant 1 : i32
    %dma_start3A_181 = arith.constant 0 : i32
    %dma_start3A_182 = tpu.memref_slice %arg6[%dma_start3A_180, %dma_start3A_181] : memref<25x80xi32, #tpu.memory_space<vmem>> -> memref<1x80xi32, #tpu.memory_space<vmem>>
    %dma_start3A_183 = tpu.memref_squeeze %dma_start3A_182 : memref<1x80xi32, #tpu.memory_space<vmem>> -> memref<80xi32, #tpu.memory_space<vmem>>
    %dma_start3A_184 = arith.constant 0 : i32
    %dma_start3A_185 = arith.constant 0 : i32
    %dma_start3A_186 = tpu.memref_slice %arg2[%dma_start3A_184, %dma_start3A_185] : memref<10112x128xf32, #tpu.memory_space<hbm>> -> memref<10112x128xf32, #tpu.memory_space<hbm>>
    tpu.enqueue_indirect_dma source(%dma_start3A_186 : memref<10112x128xf32, #tpu.memory_space<hbm>>) target(%arg9 : memref<80x128xf32, #tpu.memory_space<vmem>>) offsets(%dma_start3A_183 : memref<80xi32, #tpu.memory_space<vmem>>) semaphore(%arg14 : memref<!tpu.dma_semaphore, #tpu.memory_space<semaphore_mem>>)
    %dma_wait3A_187 = arith.constant 0 : i32
    %dma_wait3A_188 = arith.constant 0 : i32
    %dma_wait3A_189 = tpu.memref_slice %arg6[%dma_wait3A_187, %dma_wait3A_188] : memref<25x80xi32, #tpu.memory_space<vmem>> -> memref<1x80xi32, #tpu.memory_space<vmem>>
    %dma_wait3A_190 = tpu.memref_squeeze %dma_wait3A_189 : memref<1x80xi32, #tpu.memory_space<vmem>> -> memref<80xi32, #tpu.memory_space<vmem>>
    %dma_wait3A_191 = arith.constant 0 : i32
    %dma_wait3A_192 = arith.constant 0 : i32
    %dma_wait3A_193 = tpu.memref_slice %arg2[%dma_wait3A_191, %dma_wait3A_192] : memref<10112x128xf32, #tpu.memory_space<hbm>> -> memref<10112x128xf32, #tpu.memory_space<hbm>>
    tpu.wait_indirect_dma semaphore(%arg13 : memref<!tpu.dma_semaphore, #tpu.memory_space<semaphore_mem>>) src(%dma_wait3A_193 : memref<10112x128xf32, #tpu.memory_space<hbm>>) dst(%arg8 : memref<80x128xf32, #tpu.memory_space<vmem>>)
    %dma_start3A_194 = arith.constant 0 : i32
    %dma_start3A_195 = arith.constant 0 : i32
    %dma_start3A_196 = tpu.memref_slice %arg7[%dma_start3A_194, %dma_start3A_195] : memref<25x80xi32, #tpu.memory_space<vmem>> -> memref<1x80xi32, #tpu.memory_space<vmem>>
    %dma_start3A_197 = tpu.memref_squeeze %dma_start3A_196 : memref<1x80xi32, #tpu.memory_space<vmem>> -> memref<80xi32, #tpu.memory_space<vmem>>
    %dma_start3A_198 = arith.constant 0 : i32
    %dma_start3A_199 = arith.constant 0 : i32
    %dma_start3A_200 = tpu.memref_slice %arg12[%dma_start3A_198, %dma_start3A_199] : memref<10112x128xf32, #tpu.memory_space<vmem_shared>> -> memref<10112x128xf32, #tpu.memory_space<vmem_shared>>
    tpu.enqueue_indirect_dma source(%arg8 : memref<80x128xf32, #tpu.memory_space<vmem>>) target(%dma_start3A_200 : memref<10112x128xf32, #tpu.memory_space<vmem_shared>>) offsets(%dma_start3A_197 : memref<80xi32, #tpu.memory_space<vmem>>) semaphore(%arg17 : memref<!tpu.dma_semaphore, #tpu.memory_space<semaphore_mem>>) {add = true}
    %dma_start3A_201 = arith.constant 2 : i32
    %dma_start3A_202 = arith.constant 0 : i32
    %dma_start3A_203 = tpu.memref_slice %arg6[%dma_start3A_201, %dma_start3A_202] : memref<25x80xi32, #tpu.memory_space<vmem>> -> memref<1x80xi32, #tpu.memory_space<vmem>>
    %dma_start3A_204 = tpu.memref_squeeze %dma_start3A_203 : memref<1x80xi32, #tpu.memory_space<vmem>> -> memref<80xi32, #tpu.memory_space<vmem>>
    %dma_start3A_205 = arith.constant 0 : i32
    %dma_start3A_206 = arith.constant 0 : i32
    %dma_start3A_207 = tpu.memref_slice %arg2[%dma_start3A_205, %dma_start3A_206] : memref<10112x128xf32, #tpu.memory_space<hbm>> -> memref<10112x128xf32, #tpu.memory_space<hbm>>
    tpu.enqueue_indirect_dma source(%dma_start3A_207 : memref<10112x128xf32, #tpu.memory_space<hbm>>) target(%arg10 : memref<80x128xf32, #tpu.memory_space<vmem>>) offsets(%dma_start3A_204 : memref<80xi32, #tpu.memory_space<vmem>>) semaphore(%arg15 : memref<!tpu.dma_semaphore, #tpu.memory_space<semaphore_mem>>)
    %dma_wait3A_208 = arith.constant 1 : i32
    %dma_wait3A_209 = arith.constant 0 : i32
    %dma_wait3A_210 = tpu.memref_slice %arg6[%dma_wait3A_208, %dma_wait3A_209] : memref<25x80xi32, #tpu.memory_space<vmem>> -> memref<1x80xi32, #tpu.memory_space<vmem>>
    %dma_wait3A_211 = tpu.memref_squeeze %dma_wait3A_210 : memref<1x80xi32, #tpu.memory_space<vmem>> -> memref<80xi32, #tpu.memory_space<vmem>>
    %dma_wait3A_212 = arith.constant 0 : i32
    %dma_wait3A_213 = arith.constant 0 : i32
    %dma_wait3A_214 = tpu.memref_slice %arg2[%dma_wait3A_212, %dma_wait3A_213] : memref<10112x128xf32, #tpu.memory_space<hbm>> -> memref<10112x128xf32, #tpu.memory_space<hbm>>
    tpu.wait_indirect_dma semaphore(%arg14 : memref<!tpu.dma_semaphore, #tpu.memory_space<semaphore_mem>>) src(%dma_wait3A_214 : memref<10112x128xf32, #tpu.memory_space<hbm>>) dst(%arg9 : memref<80x128xf32, #tpu.memory_space<vmem>>)
    %dma_start3A_215 = arith.constant 1 : i32
    %dma_start3A_216 = arith.constant 0 : i32
    %dma_start3A_217 = tpu.memref_slice %arg7[%dma_start3A_215, %dma_start3A_216] : memref<25x80xi32, #tpu.memory_space<vmem>> -> memref<1x80xi32, #tpu.memory_space<vmem>>
    %dma_start3A_218 = tpu.memref_squeeze %dma_start3A_217 : memref<1x80xi32, #tpu.memory_space<vmem>> -> memref<80xi32, #tpu.memory_space<vmem>>
    %dma_start3A_219 = arith.constant 0 : i32
    %dma_start3A_220 = arith.constant 0 : i32
    %dma_start3A_221 = tpu.memref_slice %arg12[%dma_start3A_219, %dma_start3A_220] : memref<10112x128xf32, #tpu.memory_space<vmem_shared>> -> memref<10112x128xf32, #tpu.memory_space<vmem_shared>>
    tpu.enqueue_indirect_dma source(%arg9 : memref<80x128xf32, #tpu.memory_space<vmem>>) target(%dma_start3A_221 : memref<10112x128xf32, #tpu.memory_space<vmem_shared>>) offsets(%dma_start3A_218 : memref<80xi32, #tpu.memory_space<vmem>>) semaphore(%arg18 : memref<!tpu.dma_semaphore, #tpu.memory_space<semaphore_mem>>) {add = true}
    %dma_start3A_222 = arith.constant 3 : i32
    %dma_start3A_223 = arith.constant 0 : i32
    %dma_start3A_224 = tpu.memref_slice %arg6[%dma_start3A_222, %dma_start3A_223] : memref<25x80xi32, #tpu.memory_space<vmem>> -> memref<1x80xi32, #tpu.memory_space<vmem>>
    %dma_start3A_225 = tpu.memref_squeeze %dma_start3A_224 : memref<1x80xi32, #tpu.memory_space<vmem>> -> memref<80xi32, #tpu.memory_space<vmem>>
    %dma_start3A_226 = arith.constant 0 : i32
    %dma_start3A_227 = arith.constant 0 : i32
    %dma_start3A_228 = tpu.memref_slice %arg2[%dma_start3A_226, %dma_start3A_227] : memref<10112x128xf32, #tpu.memory_space<hbm>> -> memref<10112x128xf32, #tpu.memory_space<hbm>>
    tpu.enqueue_indirect_dma source(%dma_start3A_228 : memref<10112x128xf32, #tpu.memory_space<hbm>>) target(%arg11 : memref<80x128xf32, #tpu.memory_space<vmem>>) offsets(%dma_start3A_225 : memref<80xi32, #tpu.memory_space<vmem>>) semaphore(%arg16 : memref<!tpu.dma_semaphore, #tpu.memory_space<semaphore_mem>>)
    %dma_wait3A_229 = arith.constant 2 : i32
    %dma_wait3A_230 = arith.constant 0 : i32
    %dma_wait3A_231 = tpu.memref_slice %arg6[%dma_wait3A_229, %dma_wait3A_230] : memref<25x80xi32, #tpu.memory_space<vmem>> -> memref<1x80xi32, #tpu.memory_space<vmem>>
    %dma_wait3A_232 = tpu.memref_squeeze %dma_wait3A_231 : memref<1x80xi32, #tpu.memory_space<vmem>> -> memref<80xi32, #tpu.memory_space<vmem>>
    %dma_wait3A_233 = arith.constant 0 : i32
    %dma_wait3A_234 = arith.constant 0 : i32
    %dma_wait3A_235 = tpu.memref_slice %arg2[%dma_wait3A_233, %dma_wait3A_234] : memref<10112x128xf32, #tpu.memory_space<hbm>> -> memref<10112x128xf32, #tpu.memory_space<hbm>>
    tpu.wait_indirect_dma semaphore(%arg15 : memref<!tpu.dma_semaphore, #tpu.memory_space<semaphore_mem>>) src(%dma_wait3A_235 : memref<10112x128xf32, #tpu.memory_space<hbm>>) dst(%arg10 : memref<80x128xf32, #tpu.memory_space<vmem>>)
    %dma_start3A_236 = arith.constant 2 : i32
    %dma_start3A_237 = arith.constant 0 : i32
    %dma_start3A_238 = tpu.memref_slice %arg7[%dma_start3A_236, %dma_start3A_237] : memref<25x80xi32, #tpu.memory_space<vmem>> -> memref<1x80xi32, #tpu.memory_space<vmem>>
    %dma_start3A_239 = tpu.memref_squeeze %dma_start3A_238 : memref<1x80xi32, #tpu.memory_space<vmem>> -> memref<80xi32, #tpu.memory_space<vmem>>
    %dma_start3A_240 = arith.constant 0 : i32
    %dma_start3A_241 = arith.constant 0 : i32
    %dma_start3A_242 = tpu.memref_slice %arg12[%dma_start3A_240, %dma_start3A_241] : memref<10112x128xf32, #tpu.memory_space<vmem_shared>> -> memref<10112x128xf32, #tpu.memory_space<vmem_shared>>
    tpu.enqueue_indirect_dma source(%arg10 : memref<80x128xf32, #tpu.memory_space<vmem>>) target(%dma_start3A_242 : memref<10112x128xf32, #tpu.memory_space<vmem_shared>>) offsets(%dma_start3A_239 : memref<80xi32, #tpu.memory_space<vmem>>) semaphore(%arg19 : memref<!tpu.dma_semaphore, #tpu.memory_space<semaphore_mem>>) {add = true}
    %dma_wait3A_243 = arith.constant 0 : i32
    %dma_wait3A_244 = arith.constant 0 : i32
    %dma_wait3A_245 = tpu.memref_slice %arg7[%dma_wait3A_243, %dma_wait3A_244] : memref<25x80xi32, #tpu.memory_space<vmem>> -> memref<1x80xi32, #tpu.memory_space<vmem>>
    %dma_wait3A_246 = tpu.memref_squeeze %dma_wait3A_245 : memref<1x80xi32, #tpu.memory_space<vmem>> -> memref<80xi32, #tpu.memory_space<vmem>>
    %dma_wait3A_247 = arith.constant 0 : i32
    %dma_wait3A_248 = arith.constant 0 : i32
    %dma_wait3A_249 = tpu.memref_slice %arg12[%dma_wait3A_247, %dma_wait3A_248] : memref<10112x128xf32, #tpu.memory_space<vmem_shared>> -> memref<10112x128xf32, #tpu.memory_space<vmem_shared>>
    tpu.wait_indirect_dma semaphore(%arg17 : memref<!tpu.dma_semaphore, #tpu.memory_space<semaphore_mem>>) src(%arg8 : memref<80x128xf32, #tpu.memory_space<vmem>>) dst(%dma_wait3A_249 : memref<10112x128xf32, #tpu.memory_space<vmem_shared>>)
    %dma_start3A_250 = arith.constant 4 : i32
    %dma_start3A_251 = arith.constant 0 : i32
    %dma_start3A_252 = tpu.memref_slice %arg6[%dma_start3A_250, %dma_start3A_251] : memref<25x80xi32, #tpu.memory_space<vmem>> -> memref<1x80xi32, #tpu.memory_space<vmem>>
    %dma_start3A_253 = tpu.memref_squeeze %dma_start3A_252 : memref<1x80xi32, #tpu.memory_space<vmem>> -> memref<80xi32, #tpu.memory_space<vmem>>
    %dma_start3A_254 = arith.constant 0 : i32
    %dma_start3A_255 = arith.constant 0 : i32
    %dma_start3A_256 = tpu.memref_slice %arg2[%dma_start3A_254, %dma_start3A_255] : memref<10112x128xf32, #tpu.memory_space<hbm>> -> memref<10112x128xf32, #tpu.memory_space<hbm>>
    tpu.enqueue_indirect_dma source(%dma_start3A_256 : memref<10112x128xf32, #tpu.memory_space<hbm>>) target(%arg8 : memref<80x128xf32, #tpu.memory_space<vmem>>) offsets(%dma_start3A_253 : memref<80xi32, #tpu.memory_space<vmem>>) semaphore(%arg13 : memref<!tpu.dma_semaphore, #tpu.memory_space<semaphore_mem>>)
    %scan3A_257 = arith.constant 0 : i32
    %scan3A_258 = arith.constant 0 : i32
    %scan3A_259 = arith.constant 5 : i32
    %scan3A_260 = arith.addi %scan3A_258, %scan3A_259 : i32
    %scan3A_261 = arith.constant 1 : i32
    %scan3A_262 = scf.for %scan3A_772 = %scan3A_258 to %scan3A_260 step %scan3A_261 iter_args(%scan3A_773 = %scan3A_257) -> (i32)  : i32 {
      %mul3A_774 = arith.constant 4 : i32
      %mul3A_775 = arith.muli %mul3A_774, %scan3A_772 : i32
      %add3A_776 = arith.constant 3 : i32
      %add3A_777 = arith.addi %mul3A_775, %add3A_776 : i32
      %dma_wait3A_778 = arith.constant 0 : i32
      %dma_wait3A_779 = tpu.memref_slice %arg6[%add3A_777, %dma_wait3A_778] : memref<25x80xi32, #tpu.memory_space<vmem>> -> memref<1x80xi32, #tpu.memory_space<vmem>>
      %dma_wait3A_780 = tpu.memref_squeeze %dma_wait3A_779 : memref<1x80xi32, #tpu.memory_space<vmem>> -> memref<80xi32, #tpu.memory_space<vmem>>
      %dma_wait3A_781 = arith.constant 0 : i32
      %dma_wait3A_782 = arith.constant 0 : i32
      %dma_wait3A_783 = tpu.memref_slice %arg2[%dma_wait3A_781, %dma_wait3A_782] : memref<10112x128xf32, #tpu.memory_space<hbm>> -> memref<10112x128xf32, #tpu.memory_space<hbm>>
      tpu.wait_indirect_dma semaphore(%arg16 : memref<!tpu.dma_semaphore, #tpu.memory_space<semaphore_mem>>) src(%dma_wait3A_783 : memref<10112x128xf32, #tpu.memory_space<hbm>>) dst(%arg11 : memref<80x128xf32, #tpu.memory_space<vmem>>)
      %dma_start3A_784 = arith.constant 0 : i32
      %dma_start3A_785 = tpu.memref_slice %arg7[%add3A_777, %dma_start3A_784] : memref<25x80xi32, #tpu.memory_space<vmem>> -> memref<1x80xi32, #tpu.memory_space<vmem>>
      %dma_start3A_786 = tpu.memref_squeeze %dma_start3A_785 : memref<1x80xi32, #tpu.memory_space<vmem>> -> memref<80xi32, #tpu.memory_space<vmem>>
      %dma_start3A_787 = arith.constant 0 : i32
      %dma_start3A_788 = arith.constant 0 : i32
      %dma_start3A_789 = tpu.memref_slice %arg12[%dma_start3A_787, %dma_start3A_788] : memref<10112x128xf32, #tpu.memory_space<vmem_shared>> -> memref<10112x128xf32, #tpu.memory_space<vmem_shared>>
      tpu.enqueue_indirect_dma source(%arg11 : memref<80x128xf32, #tpu.memory_space<vmem>>) target(%dma_start3A_789 : memref<10112x128xf32, #tpu.memory_space<vmem_shared>>) offsets(%dma_start3A_786 : memref<80xi32, #tpu.memory_space<vmem>>) semaphore(%arg20 : memref<!tpu.dma_semaphore, #tpu.memory_space<semaphore_mem>>) {add = true}
      %sub3A = arith.constant 2 : i32
      %sub3A_790 = arith.subi %add3A_777, %sub3A : i32
      %dma_wait3A_791 = arith.constant 0 : i32
      %dma_wait3A_792 = tpu.memref_slice %arg7[%sub3A_790, %dma_wait3A_791] : memref<25x80xi32, #tpu.memory_space<vmem>> -> memref<1x80xi32, #tpu.memory_space<vmem>>
      %dma_wait3A_793 = tpu.memref_squeeze %dma_wait3A_792 : memref<1x80xi32, #tpu.memory_space<vmem>> -> memref<80xi32, #tpu.memory_space<vmem>>
      %dma_wait3A_794 = arith.constant 0 : i32
      %dma_wait3A_795 = arith.constant 0 : i32
      %dma_wait3A_796 = tpu.memref_slice %arg12[%dma_wait3A_794, %dma_wait3A_795] : memref<10112x128xf32, #tpu.memory_space<vmem_shared>> -> memref<10112x128xf32, #tpu.memory_space<vmem_shared>>
      tpu.wait_indirect_dma semaphore(%arg18 : memref<!tpu.dma_semaphore, #tpu.memory_space<semaphore_mem>>) src(%arg9 : memref<80x128xf32, #tpu.memory_space<vmem>>) dst(%dma_wait3A_796 : memref<10112x128xf32, #tpu.memory_space<vmem_shared>>)
      %add3A_797 = arith.constant 2 : i32
      %add3A_798 = arith.addi %add3A_777, %add3A_797 : i32
      %dma_start3A_799 = arith.constant 0 : i32
      %dma_start3A_800 = tpu.memref_slice %arg6[%add3A_798, %dma_start3A_799] : memref<25x80xi32, #tpu.memory_space<vmem>> -> memref<1x80xi32, #tpu.memory_space<vmem>>
      %dma_start3A_801 = tpu.memref_squeeze %dma_start3A_800 : memref<1x80xi32, #tpu.memory_space<vmem>> -> memref<80xi32, #tpu.memory_space<vmem>>
      %dma_start3A_802 = arith.constant 0 : i32
      %dma_start3A_803 = arith.constant 0 : i32
      %dma_start3A_804 = tpu.memref_slice %arg2[%dma_start3A_802, %dma_start3A_803] : memref<10112x128xf32, #tpu.memory_space<hbm>> -> memref<10112x128xf32, #tpu.memory_space<hbm>>
      tpu.enqueue_indirect_dma source(%dma_start3A_804 : memref<10112x128xf32, #tpu.memory_space<hbm>>) target(%arg9 : memref<80x128xf32, #tpu.memory_space<vmem>>) offsets(%dma_start3A_801 : memref<80xi32, #tpu.memory_space<vmem>>) semaphore(%arg14 : memref<!tpu.dma_semaphore, #tpu.memory_space<semaphore_mem>>)
      %add3A_805 = arith.constant 1 : i32
      %add3A_806 = arith.addi %add3A_777, %add3A_805 : i32
      %dma_wait3A_807 = arith.constant 0 : i32
      %dma_wait3A_808 = tpu.memref_slice %arg6[%add3A_806, %dma_wait3A_807] : memref<25x80xi32, #tpu.memory_space<vmem>> -> memref<1x80xi32, #tpu.memory_space<vmem>>
      %dma_wait3A_809 = tpu.memref_squeeze %dma_wait3A_808 : memref<1x80xi32, #tpu.memory_space<vmem>> -> memref<80xi32, #tpu.memory_space<vmem>>
      %dma_wait3A_810 = arith.constant 0 : i32
      %dma_wait3A_811 = arith.constant 0 : i32
      %dma_wait3A_812 = tpu.memref_slice %arg2[%dma_wait3A_810, %dma_wait3A_811] : memref<10112x128xf32, #tpu.memory_space<hbm>> -> memref<10112x128xf32, #tpu.memory_space<hbm>>
      tpu.wait_indirect_dma semaphore(%arg13 : memref<!tpu.dma_semaphore, #tpu.memory_space<semaphore_mem>>) src(%dma_wait3A_812 : memref<10112x128xf32, #tpu.memory_space<hbm>>) dst(%arg8 : memref<80x128xf32, #tpu.memory_space<vmem>>)
      %add3A_813 = arith.constant 1 : i32
      %add3A_814 = arith.addi %add3A_777, %add3A_813 : i32
      %dma_start3A_815 = arith.constant 0 : i32
      %dma_start3A_816 = tpu.memref_slice %arg7[%add3A_814, %dma_start3A_815] : memref<25x80xi32, #tpu.memory_space<vmem>> -> memref<1x80xi32, #tpu.memory_space<vmem>>
      %dma_start3A_817 = tpu.memref_squeeze %dma_start3A_816 : memref<1x80xi32, #tpu.memory_space<vmem>> -> memref<80xi32, #tpu.memory_space<vmem>>
      %dma_start3A_818 = arith.constant 0 : i32
      %dma_start3A_819 = arith.constant 0 : i32
      %dma_start3A_820 = tpu.memref_slice %arg12[%dma_start3A_818, %dma_start3A_819] : memref<10112x128xf32, #tpu.memory_space<vmem_shared>> -> memref<10112x128xf32, #tpu.memory_space<vmem_shared>>
      tpu.enqueue_indirect_dma source(%arg8 : memref<80x128xf32, #tpu.memory_space<vmem>>) target(%dma_start3A_820 : memref<10112x128xf32, #tpu.memory_space<vmem_shared>>) offsets(%dma_start3A_817 : memref<80xi32, #tpu.memory_space<vmem>>) semaphore(%arg17 : memref<!tpu.dma_semaphore, #tpu.memory_space<semaphore_mem>>) {add = true}
      %sub3A_821 = arith.constant 1 : i32
      %sub3A_822 = arith.subi %add3A_777, %sub3A_821 : i32
      %dma_wait3A_823 = arith.constant 0 : i32
      %dma_wait3A_824 = tpu.memref_slice %arg7[%sub3A_822, %dma_wait3A_823] : memref<25x80xi32, #tpu.memory_space<vmem>> -> memref<1x80xi32, #tpu.memory_space<vmem>>
      %dma_wait3A_825 = tpu.memref_squeeze %dma_wait3A_824 : memref<1x80xi32, #tpu.memory_space<vmem>> -> memref<80xi32, #tpu.memory_space<vmem>>
      %dma_wait3A_826 = arith.constant 0 : i32
      %dma_wait3A_827 = arith.constant 0 : i32
      %dma_wait3A_828 = tpu.memref_slice %arg12[%dma_wait3A_826, %dma_wait3A_827] : memref<10112x128xf32, #tpu.memory_space<vmem_shared>> -> memref<10112x128xf32, #tpu.memory_space<vmem_shared>>
      tpu.wait_indirect_dma semaphore(%arg19 : memref<!tpu.dma_semaphore, #tpu.memory_space<semaphore_mem>>) src(%arg10 : memref<80x128xf32, #tpu.memory_space<vmem>>) dst(%dma_wait3A_828 : memref<10112x128xf32, #tpu.memory_space<vmem_shared>>)
      %add3A_829 = arith.constant 3 : i32
      %add3A_830 = arith.addi %add3A_777, %add3A_829 : i32
      %dma_start3A_831 = arith.constant 0 : i32
      %dma_start3A_832 = tpu.memref_slice %arg6[%add3A_830, %dma_start3A_831] : memref<25x80xi32, #tpu.memory_space<vmem>> -> memref<1x80xi32, #tpu.memory_space<vmem>>
      %dma_start3A_833 = tpu.memref_squeeze %dma_start3A_832 : memref<1x80xi32, #tpu.memory_space<vmem>> -> memref<80xi32, #tpu.memory_space<vmem>>
      %dma_start3A_834 = arith.constant 0 : i32
      %dma_start3A_835 = arith.constant 0 : i32
      %dma_start3A_836 = tpu.memref_slice %arg2[%dma_start3A_834, %dma_start3A_835] : memref<10112x128xf32, #tpu.memory_space<hbm>> -> memref<10112x128xf32, #tpu.memory_space<hbm>>
      tpu.enqueue_indirect_dma source(%dma_start3A_836 : memref<10112x128xf32, #tpu.memory_space<hbm>>) target(%arg10 : memref<80x128xf32, #tpu.memory_space<vmem>>) offsets(%dma_start3A_833 : memref<80xi32, #tpu.memory_space<vmem>>) semaphore(%arg15 : memref<!tpu.dma_semaphore, #tpu.memory_space<semaphore_mem>>)
      %add3A_837 = arith.constant 2 : i32
      %add3A_838 = arith.addi %add3A_777, %add3A_837 : i32
      %dma_wait3A_839 = arith.constant 0 : i32
      %dma_wait3A_840 = tpu.memref_slice %arg6[%add3A_838, %dma_wait3A_839] : memref<25x80xi32, #tpu.memory_space<vmem>> -> memref<1x80xi32, #tpu.memory_space<vmem>>
      %dma_wait3A_841 = tpu.memref_squeeze %dma_wait3A_840 : memref<1x80xi32, #tpu.memory_space<vmem>> -> memref<80xi32, #tpu.memory_space<vmem>>
      %dma_wait3A_842 = arith.constant 0 : i32
      %dma_wait3A_843 = arith.constant 0 : i32
      %dma_wait3A_844 = tpu.memref_slice %arg2[%dma_wait3A_842, %dma_wait3A_843] : memref<10112x128xf32, #tpu.memory_space<hbm>> -> memref<10112x128xf32, #tpu.memory_space<hbm>>
      tpu.wait_indirect_dma semaphore(%arg14 : memref<!tpu.dma_semaphore, #tpu.memory_space<semaphore_mem>>) src(%dma_wait3A_844 : memref<10112x128xf32, #tpu.memory_space<hbm>>) dst(%arg9 : memref<80x128xf32, #tpu.memory_space<vmem>>)
      %add3A_845 = arith.constant 2 : i32
      %add3A_846 = arith.addi %add3A_777, %add3A_845 : i32
      %dma_start3A_847 = arith.constant 0 : i32
      %dma_start3A_848 = tpu.memref_slice %arg7[%add3A_846, %dma_start3A_847] : memref<25x80xi32, #tpu.memory_space<vmem>> -> memref<1x80xi32, #tpu.memory_space<vmem>>
      %dma_start3A_849 = tpu.memref_squeeze %dma_start3A_848 : memref<1x80xi32, #tpu.memory_space<vmem>> -> memref<80xi32, #tpu.memory_space<vmem>>
      %dma_start3A_850 = arith.constant 0 : i32
      %dma_start3A_851 = arith.constant 0 : i32
      %dma_start3A_852 = tpu.memref_slice %arg12[%dma_start3A_850, %dma_start3A_851] : memref<10112x128xf32, #tpu.memory_space<vmem_shared>> -> memref<10112x128xf32, #tpu.memory_space<vmem_shared>>
      tpu.enqueue_indirect_dma source(%arg9 : memref<80x128xf32, #tpu.memory_space<vmem>>) target(%dma_start3A_852 : memref<10112x128xf32, #tpu.memory_space<vmem_shared>>) offsets(%dma_start3A_849 : memref<80xi32, #tpu.memory_space<vmem>>) semaphore(%arg18 : memref<!tpu.dma_semaphore, #tpu.memory_space<semaphore_mem>>) {add = true}
      %dma_wait3A_853 = arith.constant 0 : i32
      %dma_wait3A_854 = tpu.memref_slice %arg7[%add3A_777, %dma_wait3A_853] : memref<25x80xi32, #tpu.memory_space<vmem>> -> memref<1x80xi32, #tpu.memory_space<vmem>>
      %dma_wait3A_855 = tpu.memref_squeeze %dma_wait3A_854 : memref<1x80xi32, #tpu.memory_space<vmem>> -> memref<80xi32, #tpu.memory_space<vmem>>
      %dma_wait3A_856 = arith.constant 0 : i32
      %dma_wait3A_857 = arith.constant 0 : i32
      %dma_wait3A_858 = tpu.memref_slice %arg12[%dma_wait3A_856, %dma_wait3A_857] : memref<10112x128xf32, #tpu.memory_space<vmem_shared>> -> memref<10112x128xf32, #tpu.memory_space<vmem_shared>>
      tpu.wait_indirect_dma semaphore(%arg20 : memref<!tpu.dma_semaphore, #tpu.memory_space<semaphore_mem>>) src(%arg11 : memref<80x128xf32, #tpu.memory_space<vmem>>) dst(%dma_wait3A_858 : memref<10112x128xf32, #tpu.memory_space<vmem_shared>>)
      %add3A_859 = arith.constant 4 : i32
      %add3A_860 = arith.addi %add3A_777, %add3A_859 : i32
      %dma_start3A_861 = arith.constant 0 : i32
      %dma_start3A_862 = tpu.memref_slice %arg6[%add3A_860, %dma_start3A_861] : memref<25x80xi32, #tpu.memory_space<vmem>> -> memref<1x80xi32, #tpu.memory_space<vmem>>
      %dma_start3A_863 = tpu.memref_squeeze %dma_start3A_862 : memref<1x80xi32, #tpu.memory_space<vmem>> -> memref<80xi32, #tpu.memory_space<vmem>>
      %dma_start3A_864 = arith.constant 0 : i32
      %dma_start3A_865 = arith.constant 0 : i32
      %dma_start3A_866 = tpu.memref_slice %arg2[%dma_start3A_864, %dma_start3A_865] : memref<10112x128xf32, #tpu.memory_space<hbm>> -> memref<10112x128xf32, #tpu.memory_space<hbm>>
      tpu.enqueue_indirect_dma source(%dma_start3A_866 : memref<10112x128xf32, #tpu.memory_space<hbm>>) target(%arg11 : memref<80x128xf32, #tpu.memory_space<vmem>>) offsets(%dma_start3A_863 : memref<80xi32, #tpu.memory_space<vmem>>) semaphore(%arg16 : memref<!tpu.dma_semaphore, #tpu.memory_space<semaphore_mem>>)
      %add3A_867 = arith.constant 3 : i32
      %add3A_868 = arith.addi %add3A_777, %add3A_867 : i32
      %dma_wait3A_869 = arith.constant 0 : i32
      %dma_wait3A_870 = tpu.memref_slice %arg6[%add3A_868, %dma_wait3A_869] : memref<25x80xi32, #tpu.memory_space<vmem>> -> memref<1x80xi32, #tpu.memory_space<vmem>>
      %dma_wait3A_871 = tpu.memref_squeeze %dma_wait3A_870 : memref<1x80xi32, #tpu.memory_space<vmem>> -> memref<80xi32, #tpu.memory_space<vmem>>
      %dma_wait3A_872 = arith.constant 0 : i32
      %dma_wait3A_873 = arith.constant 0 : i32
      %dma_wait3A_874 = tpu.memref_slice %arg2[%dma_wait3A_872, %dma_wait3A_873] : memref<10112x128xf32, #tpu.memory_space<hbm>> -> memref<10112x128xf32, #tpu.memory_space<hbm>>
      tpu.wait_indirect_dma semaphore(%arg15 : memref<!tpu.dma_semaphore, #tpu.memory_space<semaphore_mem>>) src(%dma_wait3A_874 : memref<10112x128xf32, #tpu.memory_space<hbm>>) dst(%arg10 : memref<80x128xf32, #tpu.memory_space<vmem>>)
      %add3A_875 = arith.constant 3 : i32
      %add3A_876 = arith.addi %add3A_777, %add3A_875 : i32
      %dma_start3A_877 = arith.constant 0 : i32
      %dma_start3A_878 = tpu.memref_slice %arg7[%add3A_876, %dma_start3A_877] : memref<25x80xi32, #tpu.memory_space<vmem>> -> memref<1x80xi32, #tpu.memory_space<vmem>>
      %dma_start3A_879 = tpu.memref_squeeze %dma_start3A_878 : memref<1x80xi32, #tpu.memory_space<vmem>> -> memref<80xi32, #tpu.memory_space<vmem>>
      %dma_start3A_880 = arith.constant 0 : i32
      %dma_start3A_881 = arith.constant 0 : i32
      %dma_start3A_882 = tpu.memref_slice %arg12[%dma_start3A_880, %dma_start3A_881] : memref<10112x128xf32, #tpu.memory_space<vmem_shared>> -> memref<10112x128xf32, #tpu.memory_space<vmem_shared>>
      tpu.enqueue_indirect_dma source(%arg10 : memref<80x128xf32, #tpu.memory_space<vmem>>) target(%dma_start3A_882 : memref<10112x128xf32, #tpu.memory_space<vmem_shared>>) offsets(%dma_start3A_879 : memref<80xi32, #tpu.memory_space<vmem>>) semaphore(%arg19 : memref<!tpu.dma_semaphore, #tpu.memory_space<semaphore_mem>>) {add = true}
      %add3A_883 = arith.constant 1 : i32
      %add3A_884 = arith.addi %add3A_777, %add3A_883 : i32
      %dma_wait3A_885 = arith.constant 0 : i32
      %dma_wait3A_886 = tpu.memref_slice %arg7[%add3A_884, %dma_wait3A_885] : memref<25x80xi32, #tpu.memory_space<vmem>> -> memref<1x80xi32, #tpu.memory_space<vmem>>
      %dma_wait3A_887 = tpu.memref_squeeze %dma_wait3A_886 : memref<1x80xi32, #tpu.memory_space<vmem>> -> memref<80xi32, #tpu.memory_space<vmem>>
      %dma_wait3A_888 = arith.constant 0 : i32
      %dma_wait3A_889 = arith.constant 0 : i32
      %dma_wait3A_890 = tpu.memref_slice %arg12[%dma_wait3A_888, %dma_wait3A_889] : memref<10112x128xf32, #tpu.memory_space<vmem_shared>> -> memref<10112x128xf32, #tpu.memory_space<vmem_shared>>
      tpu.wait_indirect_dma semaphore(%arg17 : memref<!tpu.dma_semaphore, #tpu.memory_space<semaphore_mem>>) src(%arg8 : memref<80x128xf32, #tpu.memory_space<vmem>>) dst(%dma_wait3A_890 : memref<10112x128xf32, #tpu.memory_space<vmem_shared>>)
      %add3A_891 = arith.constant 5 : i32
      %add3A_892 = arith.addi %add3A_777, %add3A_891 : i32
      %dma_start3A_893 = arith.constant 0 : i32
      %dma_start3A_894 = tpu.memref_slice %arg6[%add3A_892, %dma_start3A_893] : memref<25x80xi32, #tpu.memory_space<vmem>> -> memref<1x80xi32, #tpu.memory_space<vmem>>
      %dma_start3A_895 = tpu.memref_squeeze %dma_start3A_894 : memref<1x80xi32, #tpu.memory_space<vmem>> -> memref<80xi32, #tpu.memory_space<vmem>>
      %dma_start3A_896 = arith.constant 0 : i32
      %dma_start3A_897 = arith.constant 0 : i32
      %dma_start3A_898 = tpu.memref_slice %arg2[%dma_start3A_896, %dma_start3A_897] : memref<10112x128xf32, #tpu.memory_space<hbm>> -> memref<10112x128xf32, #tpu.memory_space<hbm>>
      tpu.enqueue_indirect_dma source(%dma_start3A_898 : memref<10112x128xf32, #tpu.memory_space<hbm>>) target(%arg8 : memref<80x128xf32, #tpu.memory_space<vmem>>) offsets(%dma_start3A_895 : memref<80xi32, #tpu.memory_space<vmem>>) semaphore(%arg13 : memref<!tpu.dma_semaphore, #tpu.memory_space<semaphore_mem>>)
      %scan3A_899 = arith.constant 0 : i32
      scf.yield %scan3A_899 : i32
    }
    %scan3A_263 = arith.constant 5 : i32
    %dma_wait3A_264 = arith.constant 23 : i32
    %dma_wait3A_265 = arith.constant 0 : i32
    %dma_wait3A_266 = tpu.memref_slice %arg6[%dma_wait3A_264, %dma_wait3A_265] : memref<25x80xi32, #tpu.memory_space<vmem>> -> memref<1x80xi32, #tpu.memory_space<vmem>>
    %dma_wait3A_267 = tpu.memref_squeeze %dma_wait3A_266 : memref<1x80xi32, #tpu.memory_space<vmem>> -> memref<80xi32, #tpu.memory_space<vmem>>
    %dma_wait3A_268 = arith.constant 0 : i32
    %dma_wait3A_269 = arith.constant 0 : i32
    %dma_wait3A_270 = tpu.memref_slice %arg2[%dma_wait3A_268, %dma_wait3A_269] : memref<10112x128xf32, #tpu.memory_space<hbm>> -> memref<10112x128xf32, #tpu.memory_space<hbm>>
    tpu.wait_indirect_dma semaphore(%arg16 : memref<!tpu.dma_semaphore, #tpu.memory_space<semaphore_mem>>) src(%dma_wait3A_270 : memref<10112x128xf32, #tpu.memory_space<hbm>>) dst(%arg11 : memref<80x128xf32, #tpu.memory_space<vmem>>)
    %dma_start3A_271 = arith.constant 23 : i32
    %dma_start3A_272 = arith.constant 0 : i32
    %dma_start3A_273 = tpu.memref_slice %arg7[%dma_start3A_271, %dma_start3A_272] : memref<25x80xi32, #tpu.memory_space<vmem>> -> memref<1x80xi32, #tpu.memory_space<vmem>>
    %dma_start3A_274 = tpu.memref_squeeze %dma_start3A_273 : memref<1x80xi32, #tpu.memory_space<vmem>> -> memref<80xi32, #tpu.memory_space<vmem>>
    %dma_start3A_275 = arith.constant 0 : i32
    %dma_start3A_276 = arith.constant 0 : i32
    %dma_start3A_277 = tpu.memref_slice %arg12[%dma_start3A_275, %dma_start3A_276] : memref<10112x128xf32, #tpu.memory_space<vmem_shared>> -> memref<10112x128xf32, #tpu.memory_space<vmem_shared>>
    tpu.enqueue_indirect_dma source(%arg11 : memref<80x128xf32, #tpu.memory_space<vmem>>) target(%dma_start3A_277 : memref<10112x128xf32, #tpu.memory_space<vmem_shared>>) offsets(%dma_start3A_274 : memref<80xi32, #tpu.memory_space<vmem>>) semaphore(%arg20 : memref<!tpu.dma_semaphore, #tpu.memory_space<semaphore_mem>>) {add = true}
    %dma_wait3A_278 = arith.constant 21 : i32
    %dma_wait3A_279 = arith.constant 0 : i32
    %dma_wait3A_280 = tpu.memref_slice %arg7[%dma_wait3A_278, %dma_wait3A_279] : memref<25x80xi32, #tpu.memory_space<vmem>> -> memref<1x80xi32, #tpu.memory_space<vmem>>
    %dma_wait3A_281 = tpu.memref_squeeze %dma_wait3A_280 : memref<1x80xi32, #tpu.memory_space<vmem>> -> memref<80xi32, #tpu.memory_space<vmem>>
    %dma_wait3A_282 = arith.constant 0 : i32
    %dma_wait3A_283 = arith.constant 0 : i32
    %dma_wait3A_284 = tpu.memref_slice %arg12[%dma_wait3A_282, %dma_wait3A_283] : memref<10112x128xf32, #tpu.memory_space<vmem_shared>> -> memref<10112x128xf32, #tpu.memory_space<vmem_shared>>
    tpu.wait_indirect_dma semaphore(%arg18 : memref<!tpu.dma_semaphore, #tpu.memory_space<semaphore_mem>>) src(%arg9 : memref<80x128xf32, #tpu.memory_space<vmem>>) dst(%dma_wait3A_284 : memref<10112x128xf32, #tpu.memory_space<vmem_shared>>)
    %dma_wait3A_285 = arith.constant 24 : i32
    %dma_wait3A_286 = arith.constant 0 : i32
    %dma_wait3A_287 = tpu.memref_slice %arg6[%dma_wait3A_285, %dma_wait3A_286] : memref<25x80xi32, #tpu.memory_space<vmem>> -> memref<1x80xi32, #tpu.memory_space<vmem>>
    %dma_wait3A_288 = tpu.memref_squeeze %dma_wait3A_287 : memref<1x80xi32, #tpu.memory_space<vmem>> -> memref<80xi32, #tpu.memory_space<vmem>>
    %dma_wait3A_289 = arith.constant 0 : i32
    %dma_wait3A_290 = arith.constant 0 : i32
    %dma_wait3A_291 = tpu.memref_slice %arg2[%dma_wait3A_289, %dma_wait3A_290] : memref<10112x128xf32, #tpu.memory_space<hbm>> -> memref<10112x128xf32, #tpu.memory_space<hbm>>
    tpu.wait_indirect_dma semaphore(%arg13 : memref<!tpu.dma_semaphore, #tpu.memory_space<semaphore_mem>>) src(%dma_wait3A_291 : memref<10112x128xf32, #tpu.memory_space<hbm>>) dst(%arg8 : memref<80x128xf32, #tpu.memory_space<vmem>>)
    %dma_start3A_292 = arith.constant 24 : i32
    %dma_start3A_293 = arith.constant 0 : i32
    %dma_start3A_294 = tpu.memref_slice %arg7[%dma_start3A_292, %dma_start3A_293] : memref<25x80xi32, #tpu.memory_space<vmem>> -> memref<1x80xi32, #tpu.memory_space<vmem>>
    %dma_start3A_295 = tpu.memref_squeeze %dma_start3A_294 : memref<1x80xi32, #tpu.memory_space<vmem>> -> memref<80xi32, #tpu.memory_space<vmem>>
    %dma_start3A_296 = arith.constant 0 : i32
    %dma_start3A_297 = arith.constant 0 : i32
    %dma_start3A_298 = tpu.memref_slice %arg12[%dma_start3A_296, %dma_start3A_297] : memref<10112x128xf32, #tpu.memory_space<vmem_shared>> -> memref<10112x128xf32, #tpu.memory_space<vmem_shared>>
    tpu.enqueue_indirect_dma source(%arg8 : memref<80x128xf32, #tpu.memory_space<vmem>>) target(%dma_start3A_298 : memref<10112x128xf32, #tpu.memory_space<vmem_shared>>) offsets(%dma_start3A_295 : memref<80xi32, #tpu.memory_space<vmem>>) semaphore(%arg17 : memref<!tpu.dma_semaphore, #tpu.memory_space<semaphore_mem>>) {add = true}
    %dma_wait3A_299 = arith.constant 22 : i32
    %dma_wait3A_300 = arith.constant 0 : i32
    %dma_wait3A_301 = tpu.memref_slice %arg7[%dma_wait3A_299, %dma_wait3A_300] : memref<25x80xi32, #tpu.memory_space<vmem>> -> memref<1x80xi32, #tpu.memory_space<vmem>>
    %dma_wait3A_302 = tpu.memref_squeeze %dma_wait3A_301 : memref<1x80xi32, #tpu.memory_space<vmem>> -> memref<80xi32, #tpu.memory_space<vmem>>
    %dma_wait3A_303 = arith.constant 0 : i32
    %dma_wait3A_304 = arith.constant 0 : i32
    %dma_wait3A_305 = tpu.memref_slice %arg12[%dma_wait3A_303, %dma_wait3A_304] : memref<10112x128xf32, #tpu.memory_space<vmem_shared>> -> memref<10112x128xf32, #tpu.memory_space<vmem_shared>>
    tpu.wait_indirect_dma semaphore(%arg19 : memref<!tpu.dma_semaphore, #tpu.memory_space<semaphore_mem>>) src(%arg10 : memref<80x128xf32, #tpu.memory_space<vmem>>) dst(%dma_wait3A_305 : memref<10112x128xf32, #tpu.memory_space<vmem_shared>>)
    %dma_wait3A_306 = arith.constant 23 : i32
    %dma_wait3A_307 = arith.constant 0 : i32
    %dma_wait3A_308 = tpu.memref_slice %arg7[%dma_wait3A_306, %dma_wait3A_307] : memref<25x80xi32, #tpu.memory_space<vmem>> -> memref<1x80xi32, #tpu.memory_space<vmem>>
    %dma_wait3A_309 = tpu.memref_squeeze %dma_wait3A_308 : memref<1x80xi32, #tpu.memory_space<vmem>> -> memref<80xi32, #tpu.memory_space<vmem>>
    %dma_wait3A_310 = arith.constant 0 : i32
    %dma_wait3A_311 = arith.constant 0 : i32
    %dma_wait3A_312 = tpu.memref_slice %arg12[%dma_wait3A_310, %dma_wait3A_311] : memref<10112x128xf32, #tpu.memory_space<vmem_shared>> -> memref<10112x128xf32, #tpu.memory_space<vmem_shared>>
    tpu.wait_indirect_dma semaphore(%arg20 : memref<!tpu.dma_semaphore, #tpu.memory_space<semaphore_mem>>) src(%arg11 : memref<80x128xf32, #tpu.memory_space<vmem>>) dst(%dma_wait3A_312 : memref<10112x128xf32, #tpu.memory_space<vmem_shared>>)
    %dma_wait3A_313 = arith.constant 24 : i32
    %dma_wait3A_314 = arith.constant 0 : i32
    %dma_wait3A_315 = tpu.memref_slice %arg7[%dma_wait3A_313, %dma_wait3A_314] : memref<25x80xi32, #tpu.memory_space<vmem>> -> memref<1x80xi32, #tpu.memory_space<vmem>>
    %dma_wait3A_316 = tpu.memref_squeeze %dma_wait3A_315 : memref<1x80xi32, #tpu.memory_space<vmem>> -> memref<80xi32, #tpu.memory_space<vmem>>
    %dma_wait3A_317 = arith.constant 0 : i32
    %dma_wait3A_318 = arith.constant 0 : i32
    %dma_wait3A_319 = tpu.memref_slice %arg12[%dma_wait3A_317, %dma_wait3A_318] : memref<10112x128xf32, #tpu.memory_space<vmem_shared>> -> memref<10112x128xf32, #tpu.memory_space<vmem_shared>>
    tpu.wait_indirect_dma semaphore(%arg17 : memref<!tpu.dma_semaphore, #tpu.memory_space<semaphore_mem>>) src(%arg8 : memref<80x128xf32, #tpu.memory_space<vmem>>) dst(%dma_wait3A_319 : memref<10112x128xf32, #tpu.memory_space<vmem_shared>>)
    %run_scoped3A_320 = arith.constant 2 : i32
    "tpu.region"() ({
      %run_scoped3A_772 = tpu.sem_alloc : memref<!tpu.dma_semaphore, #tpu.memory_space<semaphore_mem>>
      %dma_start3A_773 = arith.constant 0 : i32
      %dma_start3A_774 = arith.constant 0 : i32
      %dma_start3A_775 = tpu.memref_slice %arg3[%add3A, %run_scoped3A_320, %dma_start3A_773, %dma_start3A_774] : memref<32x5x25x80xi32, #tpu.memory_space<hbm>> -> memref<1x1x25x80xi32, #tpu.memory_space<hbm>>
      %dma_start3A_776 = tpu.memref_squeeze %dma_start3A_775 : memref<1x1x25x80xi32, #tpu.memory_space<hbm>> -> memref<25x80xi32, #tpu.memory_space<hbm>>
      %dma_start3A_777 = arith.constant 0 : i32
      %dma_start3A_778 = arith.constant 0 : i32
      %dma_start3A_779 = tpu.memref_slice %arg3[%add3A, %run_scoped3A_320, %dma_start3A_777, %dma_start3A_778] : memref<32x5x25x80xi32, #tpu.memory_space<hbm>> -> memref<1x1x25x80xi32, #tpu.memory_space<hbm>>
      %dma_start3A_780 = tpu.memref_squeeze %dma_start3A_779 : memref<1x1x25x80xi32, #tpu.memory_space<hbm>> -> memref<25x80xi32, #tpu.memory_space<hbm>>
      tpu.enqueue_dma source(%dma_start3A_780 : memref<25x80xi32, #tpu.memory_space<hbm>>) target(%arg6 : memref<25x80xi32, #tpu.memory_space<vmem>>) target_semaphore(%run_scoped3A_772 : memref<!tpu.dma_semaphore, #tpu.memory_space<semaphore_mem>>)
      %dma_wait3A_781 = arith.constant 0 : i32
      %dma_wait3A_782 = arith.constant 0 : i32
      %dma_wait3A_783 = tpu.memref_slice %arg3[%add3A, %run_scoped3A_320, %dma_wait3A_781, %dma_wait3A_782] : memref<32x5x25x80xi32, #tpu.memory_space<hbm>> -> memref<1x1x25x80xi32, #tpu.memory_space<hbm>>
      %dma_wait3A_784 = tpu.memref_squeeze %dma_wait3A_783 : memref<1x1x25x80xi32, #tpu.memory_space<hbm>> -> memref<25x80xi32, #tpu.memory_space<hbm>>
      %dma_wait3A_785 = arith.constant 0 : i32
      %dma_wait3A_786 = arith.constant 0 : i32
      %dma_wait3A_787 = tpu.memref_slice %arg3[%add3A, %run_scoped3A_320, %dma_wait3A_785, %dma_wait3A_786] : memref<32x5x25x80xi32, #tpu.memory_space<hbm>> -> memref<1x1x25x80xi32, #tpu.memory_space<hbm>>
      %dma_wait3A_788 = tpu.memref_squeeze %dma_wait3A_787 : memref<1x1x25x80xi32, #tpu.memory_space<hbm>> -> memref<25x80xi32, #tpu.memory_space<hbm>>
      tpu.wait_dma2 semaphore(%run_scoped3A_772 : memref<!tpu.dma_semaphore, #tpu.memory_space<semaphore_mem>>) src(%dma_wait3A_788 : memref<25x80xi32, #tpu.memory_space<hbm>>) dst(%arg6 : memref<25x80xi32, #tpu.memory_space<vmem>>)
      tpu.yield
    }) : () -> ()
    %run_scoped3A_321 = arith.constant 2 : i32
    "tpu.region"() ({
      %run_scoped3A_772 = tpu.sem_alloc : memref<!tpu.dma_semaphore, #tpu.memory_space<semaphore_mem>>
      %dma_start3A_773 = arith.constant 0 : i32
      %dma_start3A_774 = arith.constant 0 : i32
      %dma_start3A_775 = tpu.memref_slice %arg4[%add3A, %run_scoped3A_321, %dma_start3A_773, %dma_start3A_774] : memref<32x5x25x80xi32, #tpu.memory_space<hbm>> -> memref<1x1x25x80xi32, #tpu.memory_space<hbm>>
      %dma_start3A_776 = tpu.memref_squeeze %dma_start3A_775 : memref<1x1x25x80xi32, #tpu.memory_space<hbm>> -> memref<25x80xi32, #tpu.memory_space<hbm>>
      %dma_start3A_777 = arith.constant 0 : i32
      %dma_start3A_778 = arith.constant 0 : i32
      %dma_start3A_779 = tpu.memref_slice %arg4[%add3A, %run_scoped3A_321, %dma_start3A_777, %dma_start3A_778] : memref<32x5x25x80xi32, #tpu.memory_space<hbm>> -> memref<1x1x25x80xi32, #tpu.memory_space<hbm>>
      %dma_start3A_780 = tpu.memref_squeeze %dma_start3A_779 : memref<1x1x25x80xi32, #tpu.memory_space<hbm>> -> memref<25x80xi32, #tpu.memory_space<hbm>>
      tpu.enqueue_dma source(%dma_start3A_780 : memref<25x80xi32, #tpu.memory_space<hbm>>) target(%arg7 : memref<25x80xi32, #tpu.memory_space<vmem>>) target_semaphore(%run_scoped3A_772 : memref<!tpu.dma_semaphore, #tpu.memory_space<semaphore_mem>>)
      %dma_wait3A_781 = arith.constant 0 : i32
      %dma_wait3A_782 = arith.constant 0 : i32
      %dma_wait3A_783 = tpu.memref_slice %arg4[%add3A, %run_scoped3A_321, %dma_wait3A_781, %dma_wait3A_782] : memref<32x5x25x80xi32, #tpu.memory_space<hbm>> -> memref<1x1x25x80xi32, #tpu.memory_space<hbm>>
      %dma_wait3A_784 = tpu.memref_squeeze %dma_wait3A_783 : memref<1x1x25x80xi32, #tpu.memory_space<hbm>> -> memref<25x80xi32, #tpu.memory_space<hbm>>
      %dma_wait3A_785 = arith.constant 0 : i32
      %dma_wait3A_786 = arith.constant 0 : i32
      %dma_wait3A_787 = tpu.memref_slice %arg4[%add3A, %run_scoped3A_321, %dma_wait3A_785, %dma_wait3A_786] : memref<32x5x25x80xi32, #tpu.memory_space<hbm>> -> memref<1x1x25x80xi32, #tpu.memory_space<hbm>>
      %dma_wait3A_788 = tpu.memref_squeeze %dma_wait3A_787 : memref<1x1x25x80xi32, #tpu.memory_space<hbm>> -> memref<25x80xi32, #tpu.memory_space<hbm>>
      tpu.wait_dma2 semaphore(%run_scoped3A_772 : memref<!tpu.dma_semaphore, #tpu.memory_space<semaphore_mem>>) src(%dma_wait3A_788 : memref<25x80xi32, #tpu.memory_space<hbm>>) dst(%arg7 : memref<25x80xi32, #tpu.memory_space<vmem>>)
      tpu.yield
    }) : () -> ()
    %dma_start3A_322 = arith.constant 0 : i32
    %dma_start3A_323 = arith.constant 0 : i32
    %dma_start3A_324 = tpu.memref_slice %arg6[%dma_start3A_322, %dma_start3A_323] : memref<25x80xi32, #tpu.memory_space<vmem>> -> memref<1x80xi32, #tpu.memory_space<vmem>>
    %dma_start3A_325 = tpu.memref_squeeze %dma_start3A_324 : memref<1x80xi32, #tpu.memory_space<vmem>> -> memref<80xi32, #tpu.memory_space<vmem>>
    %dma_start3A_326 = arith.constant 0 : i32
    %dma_start3A_327 = arith.constant 0 : i32
    %dma_start3A_328 = tpu.memref_slice %arg2[%dma_start3A_326, %dma_start3A_327] : memref<10112x128xf32, #tpu.memory_space<hbm>> -> memref<10112x128xf32, #tpu.memory_space<hbm>>
    tpu.enqueue_indirect_dma source(%dma_start3A_328 : memref<10112x128xf32, #tpu.memory_space<hbm>>) target(%arg8 : memref<80x128xf32, #tpu.memory_space<vmem>>) offsets(%dma_start3A_325 : memref<80xi32, #tpu.memory_space<vmem>>) semaphore(%arg13 : memref<!tpu.dma_semaphore, #tpu.memory_space<semaphore_mem>>)
    %dma_start3A_329 = arith.constant 1 : i32
    %dma_start3A_330 = arith.constant 0 : i32
    %dma_start3A_331 = tpu.memref_slice %arg6[%dma_start3A_329, %dma_start3A_330] : memref<25x80xi32, #tpu.memory_space<vmem>> -> memref<1x80xi32, #tpu.memory_space<vmem>>
    %dma_start3A_332 = tpu.memref_squeeze %dma_start3A_331 : memref<1x80xi32, #tpu.memory_space<vmem>> -> memref<80xi32, #tpu.memory_space<vmem>>
    %dma_start3A_333 = arith.constant 0 : i32
    %dma_start3A_334 = arith.constant 0 : i32
    %dma_start3A_335 = tpu.memref_slice %arg2[%dma_start3A_333, %dma_start3A_334] : memref<10112x128xf32, #tpu.memory_space<hbm>> -> memref<10112x128xf32, #tpu.memory_space<hbm>>
    tpu.enqueue_indirect_dma source(%dma_start3A_335 : memref<10112x128xf32, #tpu.memory_space<hbm>>) target(%arg9 : memref<80x128xf32, #tpu.memory_space<vmem>>) offsets(%dma_start3A_332 : memref<80xi32, #tpu.memory_space<vmem>>) semaphore(%arg14 : memref<!tpu.dma_semaphore, #tpu.memory_space<semaphore_mem>>)
    %dma_wait3A_336 = arith.constant 0 : i32
    %dma_wait3A_337 = arith.constant 0 : i32
    %dma_wait3A_338 = tpu.memref_slice %arg6[%dma_wait3A_336, %dma_wait3A_337] : memref<25x80xi32, #tpu.memory_space<vmem>> -> memref<1x80xi32, #tpu.memory_space<vmem>>
    %dma_wait3A_339 = tpu.memref_squeeze %dma_wait3A_338 : memref<1x80xi32, #tpu.memory_space<vmem>> -> memref<80xi32, #tpu.memory_space<vmem>>
    %dma_wait3A_340 = arith.constant 0 : i32
    %dma_wait3A_341 = arith.constant 0 : i32
    %dma_wait3A_342 = tpu.memref_slice %arg2[%dma_wait3A_340, %dma_wait3A_341] : memref<10112x128xf32, #tpu.memory_space<hbm>> -> memref<10112x128xf32, #tpu.memory_space<hbm>>
    tpu.wait_indirect_dma semaphore(%arg13 : memref<!tpu.dma_semaphore, #tpu.memory_space<semaphore_mem>>) src(%dma_wait3A_342 : memref<10112x128xf32, #tpu.memory_space<hbm>>) dst(%arg8 : memref<80x128xf32, #tpu.memory_space<vmem>>)
    %dma_start3A_343 = arith.constant 0 : i32
    %dma_start3A_344 = arith.constant 0 : i32
    %dma_start3A_345 = tpu.memref_slice %arg7[%dma_start3A_343, %dma_start3A_344] : memref<25x80xi32, #tpu.memory_space<vmem>> -> memref<1x80xi32, #tpu.memory_space<vmem>>
    %dma_start3A_346 = tpu.memref_squeeze %dma_start3A_345 : memref<1x80xi32, #tpu.memory_space<vmem>> -> memref<80xi32, #tpu.memory_space<vmem>>
    %dma_start3A_347 = arith.constant 0 : i32
    %dma_start3A_348 = arith.constant 0 : i32
    %dma_start3A_349 = tpu.memref_slice %arg12[%dma_start3A_347, %dma_start3A_348] : memref<10112x128xf32, #tpu.memory_space<vmem_shared>> -> memref<10112x128xf32, #tpu.memory_space<vmem_shared>>
    tpu.enqueue_indirect_dma source(%arg8 : memref<80x128xf32, #tpu.memory_space<vmem>>) target(%dma_start3A_349 : memref<10112x128xf32, #tpu.memory_space<vmem_shared>>) offsets(%dma_start3A_346 : memref<80xi32, #tpu.memory_space<vmem>>) semaphore(%arg17 : memref<!tpu.dma_semaphore, #tpu.memory_space<semaphore_mem>>) {add = true}
    %dma_start3A_350 = arith.constant 2 : i32
    %dma_start3A_351 = arith.constant 0 : i32
    %dma_start3A_352 = tpu.memref_slice %arg6[%dma_start3A_350, %dma_start3A_351] : memref<25x80xi32, #tpu.memory_space<vmem>> -> memref<1x80xi32, #tpu.memory_space<vmem>>
    %dma_start3A_353 = tpu.memref_squeeze %dma_start3A_352 : memref<1x80xi32, #tpu.memory_space<vmem>> -> memref<80xi32, #tpu.memory_space<vmem>>
    %dma_start3A_354 = arith.constant 0 : i32
    %dma_start3A_355 = arith.constant 0 : i32
    %dma_start3A_356 = tpu.memref_slice %arg2[%dma_start3A_354, %dma_start3A_355] : memref<10112x128xf32, #tpu.memory_space<hbm>> -> memref<10112x128xf32, #tpu.memory_space<hbm>>
    tpu.enqueue_indirect_dma source(%dma_start3A_356 : memref<10112x128xf32, #tpu.memory_space<hbm>>) target(%arg10 : memref<80x128xf32, #tpu.memory_space<vmem>>) offsets(%dma_start3A_353 : memref<80xi32, #tpu.memory_space<vmem>>) semaphore(%arg15 : memref<!tpu.dma_semaphore, #tpu.memory_space<semaphore_mem>>)
    %dma_wait3A_357 = arith.constant 1 : i32
    %dma_wait3A_358 = arith.constant 0 : i32
    %dma_wait3A_359 = tpu.memref_slice %arg6[%dma_wait3A_357, %dma_wait3A_358] : memref<25x80xi32, #tpu.memory_space<vmem>> -> memref<1x80xi32, #tpu.memory_space<vmem>>
    %dma_wait3A_360 = tpu.memref_squeeze %dma_wait3A_359 : memref<1x80xi32, #tpu.memory_space<vmem>> -> memref<80xi32, #tpu.memory_space<vmem>>
    %dma_wait3A_361 = arith.constant 0 : i32
    %dma_wait3A_362 = arith.constant 0 : i32
    %dma_wait3A_363 = tpu.memref_slice %arg2[%dma_wait3A_361, %dma_wait3A_362] : memref<10112x128xf32, #tpu.memory_space<hbm>> -> memref<10112x128xf32, #tpu.memory_space<hbm>>
    tpu.wait_indirect_dma semaphore(%arg14 : memref<!tpu.dma_semaphore, #tpu.memory_space<semaphore_mem>>) src(%dma_wait3A_363 : memref<10112x128xf32, #tpu.memory_space<hbm>>) dst(%arg9 : memref<80x128xf32, #tpu.memory_space<vmem>>)
    %dma_start3A_364 = arith.constant 1 : i32
    %dma_start3A_365 = arith.constant 0 : i32
    %dma_start3A_366 = tpu.memref_slice %arg7[%dma_start3A_364, %dma_start3A_365] : memref<25x80xi32, #tpu.memory_space<vmem>> -> memref<1x80xi32, #tpu.memory_space<vmem>>
    %dma_start3A_367 = tpu.memref_squeeze %dma_start3A_366 : memref<1x80xi32, #tpu.memory_space<vmem>> -> memref<80xi32, #tpu.memory_space<vmem>>
    %dma_start3A_368 = arith.constant 0 : i32
    %dma_start3A_369 = arith.constant 0 : i32
    %dma_start3A_370 = tpu.memref_slice %arg12[%dma_start3A_368, %dma_start3A_369] : memref<10112x128xf32, #tpu.memory_space<vmem_shared>> -> memref<10112x128xf32, #tpu.memory_space<vmem_shared>>
    tpu.enqueue_indirect_dma source(%arg9 : memref<80x128xf32, #tpu.memory_space<vmem>>) target(%dma_start3A_370 : memref<10112x128xf32, #tpu.memory_space<vmem_shared>>) offsets(%dma_start3A_367 : memref<80xi32, #tpu.memory_space<vmem>>) semaphore(%arg18 : memref<!tpu.dma_semaphore, #tpu.memory_space<semaphore_mem>>) {add = true}
    %dma_start3A_371 = arith.constant 3 : i32
    %dma_start3A_372 = arith.constant 0 : i32
    %dma_start3A_373 = tpu.memref_slice %arg6[%dma_start3A_371, %dma_start3A_372] : memref<25x80xi32, #tpu.memory_space<vmem>> -> memref<1x80xi32, #tpu.memory_space<vmem>>
    %dma_start3A_374 = tpu.memref_squeeze %dma_start3A_373 : memref<1x80xi32, #tpu.memory_space<vmem>> -> memref<80xi32, #tpu.memory_space<vmem>>
    %dma_start3A_375 = arith.constant 0 : i32
    %dma_start3A_376 = arith.constant 0 : i32
    %dma_start3A_377 = tpu.memref_slice %arg2[%dma_start3A_375, %dma_start3A_376] : memref<10112x128xf32, #tpu.memory_space<hbm>> -> memref<10112x128xf32, #tpu.memory_space<hbm>>
    tpu.enqueue_indirect_dma source(%dma_start3A_377 : memref<10112x128xf32, #tpu.memory_space<hbm>>) target(%arg11 : memref<80x128xf32, #tpu.memory_space<vmem>>) offsets(%dma_start3A_374 : memref<80xi32, #tpu.memory_space<vmem>>) semaphore(%arg16 : memref<!tpu.dma_semaphore, #tpu.memory_space<semaphore_mem>>)
    %dma_wait3A_378 = arith.constant 2 : i32
    %dma_wait3A_379 = arith.constant 0 : i32
    %dma_wait3A_380 = tpu.memref_slice %arg6[%dma_wait3A_378, %dma_wait3A_379] : memref<25x80xi32, #tpu.memory_space<vmem>> -> memref<1x80xi32, #tpu.memory_space<vmem>>
    %dma_wait3A_381 = tpu.memref_squeeze %dma_wait3A_380 : memref<1x80xi32, #tpu.memory_space<vmem>> -> memref<80xi32, #tpu.memory_space<vmem>>
    %dma_wait3A_382 = arith.constant 0 : i32
    %dma_wait3A_383 = arith.constant 0 : i32
    %dma_wait3A_384 = tpu.memref_slice %arg2[%dma_wait3A_382, %dma_wait3A_383] : memref<10112x128xf32, #tpu.memory_space<hbm>> -> memref<10112x128xf32, #tpu.memory_space<hbm>>
    tpu.wait_indirect_dma semaphore(%arg15 : memref<!tpu.dma_semaphore, #tpu.memory_space<semaphore_mem>>) src(%dma_wait3A_384 : memref<10112x128xf32, #tpu.memory_space<hbm>>) dst(%arg10 : memref<80x128xf32, #tpu.memory_space<vmem>>)
    %dma_start3A_385 = arith.constant 2 : i32
    %dma_start3A_386 = arith.constant 0 : i32
    %dma_start3A_387 = tpu.memref_slice %arg7[%dma_start3A_385, %dma_start3A_386] : memref<25x80xi32, #tpu.memory_space<vmem>> -> memref<1x80xi32, #tpu.memory_space<vmem>>
    %dma_start3A_388 = tpu.memref_squeeze %dma_start3A_387 : memref<1x80xi32, #tpu.memory_space<vmem>> -> memref<80xi32, #tpu.memory_space<vmem>>
    %dma_start3A_389 = arith.constant 0 : i32
    %dma_start3A_390 = arith.constant 0 : i32
    %dma_start3A_391 = tpu.memref_slice %arg12[%dma_start3A_389, %dma_start3A_390] : memref<10112x128xf32, #tpu.memory_space<vmem_shared>> -> memref<10112x128xf32, #tpu.memory_space<vmem_shared>>
    tpu.enqueue_indirect_dma source(%arg10 : memref<80x128xf32, #tpu.memory_space<vmem>>) target(%dma_start3A_391 : memref<10112x128xf32, #tpu.memory_space<vmem_shared>>) offsets(%dma_start3A_388 : memref<80xi32, #tpu.memory_space<vmem>>) semaphore(%arg19 : memref<!tpu.dma_semaphore, #tpu.memory_space<semaphore_mem>>) {add = true}
    %dma_wait3A_392 = arith.constant 0 : i32
    %dma_wait3A_393 = arith.constant 0 : i32
    %dma_wait3A_394 = tpu.memref_slice %arg7[%dma_wait3A_392, %dma_wait3A_393] : memref<25x80xi32, #tpu.memory_space<vmem>> -> memref<1x80xi32, #tpu.memory_space<vmem>>
    %dma_wait3A_395 = tpu.memref_squeeze %dma_wait3A_394 : memref<1x80xi32, #tpu.memory_space<vmem>> -> memref<80xi32, #tpu.memory_space<vmem>>
    %dma_wait3A_396 = arith.constant 0 : i32
    %dma_wait3A_397 = arith.constant 0 : i32
    %dma_wait3A_398 = tpu.memref_slice %arg12[%dma_wait3A_396, %dma_wait3A_397] : memref<10112x128xf32, #tpu.memory_space<vmem_shared>> -> memref<10112x128xf32, #tpu.memory_space<vmem_shared>>
    tpu.wait_indirect_dma semaphore(%arg17 : memref<!tpu.dma_semaphore, #tpu.memory_space<semaphore_mem>>) src(%arg8 : memref<80x128xf32, #tpu.memory_space<vmem>>) dst(%dma_wait3A_398 : memref<10112x128xf32, #tpu.memory_space<vmem_shared>>)
    %dma_start3A_399 = arith.constant 4 : i32
    %dma_start3A_400 = arith.constant 0 : i32
    %dma_start3A_401 = tpu.memref_slice %arg6[%dma_start3A_399, %dma_start3A_400] : memref<25x80xi32, #tpu.memory_space<vmem>> -> memref<1x80xi32, #tpu.memory_space<vmem>>
    %dma_start3A_402 = tpu.memref_squeeze %dma_start3A_401 : memref<1x80xi32, #tpu.memory_space<vmem>> -> memref<80xi32, #tpu.memory_space<vmem>>
    %dma_start3A_403 = arith.constant 0 : i32
    %dma_start3A_404 = arith.constant 0 : i32
    %dma_start3A_405 = tpu.memref_slice %arg2[%dma_start3A_403, %dma_start3A_404] : memref<10112x128xf32, #tpu.memory_space<hbm>> -> memref<10112x128xf32, #tpu.memory_space<hbm>>
    tpu.enqueue_indirect_dma source(%dma_start3A_405 : memref<10112x128xf32, #tpu.memory_space<hbm>>) target(%arg8 : memref<80x128xf32, #tpu.memory_space<vmem>>) offsets(%dma_start3A_402 : memref<80xi32, #tpu.memory_space<vmem>>) semaphore(%arg13 : memref<!tpu.dma_semaphore, #tpu.memory_space<semaphore_mem>>)
    %scan3A_406 = arith.constant 0 : i32
    %scan3A_407 = arith.constant 0 : i32
    %scan3A_408 = arith.constant 5 : i32
    %scan3A_409 = arith.addi %scan3A_407, %scan3A_408 : i32
    %scan3A_410 = arith.constant 1 : i32
    %scan3A_411 = scf.for %scan3A_772 = %scan3A_407 to %scan3A_409 step %scan3A_410 iter_args(%scan3A_773 = %scan3A_406) -> (i32)  : i32 {
      %mul3A_774 = arith.constant 4 : i32
      %mul3A_775 = arith.muli %mul3A_774, %scan3A_772 : i32
      %add3A_776 = arith.constant 3 : i32
      %add3A_777 = arith.addi %mul3A_775, %add3A_776 : i32
      %dma_wait3A_778 = arith.constant 0 : i32
      %dma_wait3A_779 = tpu.memref_slice %arg6[%add3A_777, %dma_wait3A_778] : memref<25x80xi32, #tpu.memory_space<vmem>> -> memref<1x80xi32, #tpu.memory_space<vmem>>
      %dma_wait3A_780 = tpu.memref_squeeze %dma_wait3A_779 : memref<1x80xi32, #tpu.memory_space<vmem>> -> memref<80xi32, #tpu.memory_space<vmem>>
      %dma_wait3A_781 = arith.constant 0 : i32
      %dma_wait3A_782 = arith.constant 0 : i32
      %dma_wait3A_783 = tpu.memref_slice %arg2[%dma_wait3A_781, %dma_wait3A_782] : memref<10112x128xf32, #tpu.memory_space<hbm>> -> memref<10112x128xf32, #tpu.memory_space<hbm>>
      tpu.wait_indirect_dma semaphore(%arg16 : memref<!tpu.dma_semaphore, #tpu.memory_space<semaphore_mem>>) src(%dma_wait3A_783 : memref<10112x128xf32, #tpu.memory_space<hbm>>) dst(%arg11 : memref<80x128xf32, #tpu.memory_space<vmem>>)
      %dma_start3A_784 = arith.constant 0 : i32
      %dma_start3A_785 = tpu.memref_slice %arg7[%add3A_777, %dma_start3A_784] : memref<25x80xi32, #tpu.memory_space<vmem>> -> memref<1x80xi32, #tpu.memory_space<vmem>>
      %dma_start3A_786 = tpu.memref_squeeze %dma_start3A_785 : memref<1x80xi32, #tpu.memory_space<vmem>> -> memref<80xi32, #tpu.memory_space<vmem>>
      %dma_start3A_787 = arith.constant 0 : i32
      %dma_start3A_788 = arith.constant 0 : i32
      %dma_start3A_789 = tpu.memref_slice %arg12[%dma_start3A_787, %dma_start3A_788] : memref<10112x128xf32, #tpu.memory_space<vmem_shared>> -> memref<10112x128xf32, #tpu.memory_space<vmem_shared>>
      tpu.enqueue_indirect_dma source(%arg11 : memref<80x128xf32, #tpu.memory_space<vmem>>) target(%dma_start3A_789 : memref<10112x128xf32, #tpu.memory_space<vmem_shared>>) offsets(%dma_start3A_786 : memref<80xi32, #tpu.memory_space<vmem>>) semaphore(%arg20 : memref<!tpu.dma_semaphore, #tpu.memory_space<semaphore_mem>>) {add = true}
      %sub3A = arith.constant 2 : i32
      %sub3A_790 = arith.subi %add3A_777, %sub3A : i32
      %dma_wait3A_791 = arith.constant 0 : i32
      %dma_wait3A_792 = tpu.memref_slice %arg7[%sub3A_790, %dma_wait3A_791] : memref<25x80xi32, #tpu.memory_space<vmem>> -> memref<1x80xi32, #tpu.memory_space<vmem>>
      %dma_wait3A_793 = tpu.memref_squeeze %dma_wait3A_792 : memref<1x80xi32, #tpu.memory_space<vmem>> -> memref<80xi32, #tpu.memory_space<vmem>>
      %dma_wait3A_794 = arith.constant 0 : i32
      %dma_wait3A_795 = arith.constant 0 : i32
      %dma_wait3A_796 = tpu.memref_slice %arg12[%dma_wait3A_794, %dma_wait3A_795] : memref<10112x128xf32, #tpu.memory_space<vmem_shared>> -> memref<10112x128xf32, #tpu.memory_space<vmem_shared>>
      tpu.wait_indirect_dma semaphore(%arg18 : memref<!tpu.dma_semaphore, #tpu.memory_space<semaphore_mem>>) src(%arg9 : memref<80x128xf32, #tpu.memory_space<vmem>>) dst(%dma_wait3A_796 : memref<10112x128xf32, #tpu.memory_space<vmem_shared>>)
      %add3A_797 = arith.constant 2 : i32
      %add3A_798 = arith.addi %add3A_777, %add3A_797 : i32
      %dma_start3A_799 = arith.constant 0 : i32
      %dma_start3A_800 = tpu.memref_slice %arg6[%add3A_798, %dma_start3A_799] : memref<25x80xi32, #tpu.memory_space<vmem>> -> memref<1x80xi32, #tpu.memory_space<vmem>>
      %dma_start3A_801 = tpu.memref_squeeze %dma_start3A_800 : memref<1x80xi32, #tpu.memory_space<vmem>> -> memref<80xi32, #tpu.memory_space<vmem>>
      %dma_start3A_802 = arith.constant 0 : i32
      %dma_start3A_803 = arith.constant 0 : i32
      %dma_start3A_804 = tpu.memref_slice %arg2[%dma_start3A_802, %dma_start3A_803] : memref<10112x128xf32, #tpu.memory_space<hbm>> -> memref<10112x128xf32, #tpu.memory_space<hbm>>
      tpu.enqueue_indirect_dma source(%dma_start3A_804 : memref<10112x128xf32, #tpu.memory_space<hbm>>) target(%arg9 : memref<80x128xf32, #tpu.memory_space<vmem>>) offsets(%dma_start3A_801 : memref<80xi32, #tpu.memory_space<vmem>>) semaphore(%arg14 : memref<!tpu.dma_semaphore, #tpu.memory_space<semaphore_mem>>)
      %add3A_805 = arith.constant 1 : i32
      %add3A_806 = arith.addi %add3A_777, %add3A_805 : i32
      %dma_wait3A_807 = arith.constant 0 : i32
      %dma_wait3A_808 = tpu.memref_slice %arg6[%add3A_806, %dma_wait3A_807] : memref<25x80xi32, #tpu.memory_space<vmem>> -> memref<1x80xi32, #tpu.memory_space<vmem>>
      %dma_wait3A_809 = tpu.memref_squeeze %dma_wait3A_808 : memref<1x80xi32, #tpu.memory_space<vmem>> -> memref<80xi32, #tpu.memory_space<vmem>>
      %dma_wait3A_810 = arith.constant 0 : i32
      %dma_wait3A_811 = arith.constant 0 : i32
      %dma_wait3A_812 = tpu.memref_slice %arg2[%dma_wait3A_810, %dma_wait3A_811] : memref<10112x128xf32, #tpu.memory_space<hbm>> -> memref<10112x128xf32, #tpu.memory_space<hbm>>
      tpu.wait_indirect_dma semaphore(%arg13 : memref<!tpu.dma_semaphore, #tpu.memory_space<semaphore_mem>>) src(%dma_wait3A_812 : memref<10112x128xf32, #tpu.memory_space<hbm>>) dst(%arg8 : memref<80x128xf32, #tpu.memory_space<vmem>>)
      %add3A_813 = arith.constant 1 : i32
      %add3A_814 = arith.addi %add3A_777, %add3A_813 : i32
      %dma_start3A_815 = arith.constant 0 : i32
      %dma_start3A_816 = tpu.memref_slice %arg7[%add3A_814, %dma_start3A_815] : memref<25x80xi32, #tpu.memory_space<vmem>> -> memref<1x80xi32, #tpu.memory_space<vmem>>
      %dma_start3A_817 = tpu.memref_squeeze %dma_start3A_816 : memref<1x80xi32, #tpu.memory_space<vmem>> -> memref<80xi32, #tpu.memory_space<vmem>>
      %dma_start3A_818 = arith.constant 0 : i32
      %dma_start3A_819 = arith.constant 0 : i32
      %dma_start3A_820 = tpu.memref_slice %arg12[%dma_start3A_818, %dma_start3A_819] : memref<10112x128xf32, #tpu.memory_space<vmem_shared>> -> memref<10112x128xf32, #tpu.memory_space<vmem_shared>>
      tpu.enqueue_indirect_dma source(%arg8 : memref<80x128xf32, #tpu.memory_space<vmem>>) target(%dma_start3A_820 : memref<10112x128xf32, #tpu.memory_space<vmem_shared>>) offsets(%dma_start3A_817 : memref<80xi32, #tpu.memory_space<vmem>>) semaphore(%arg17 : memref<!tpu.dma_semaphore, #tpu.memory_space<semaphore_mem>>) {add = true}
      %sub3A_821 = arith.constant 1 : i32
      %sub3A_822 = arith.subi %add3A_777, %sub3A_821 : i32
      %dma_wait3A_823 = arith.constant 0 : i32
      %dma_wait3A_824 = tpu.memref_slice %arg7[%sub3A_822, %dma_wait3A_823] : memref<25x80xi32, #tpu.memory_space<vmem>> -> memref<1x80xi32, #tpu.memory_space<vmem>>
      %dma_wait3A_825 = tpu.memref_squeeze %dma_wait3A_824 : memref<1x80xi32, #tpu.memory_space<vmem>> -> memref<80xi32, #tpu.memory_space<vmem>>
      %dma_wait3A_826 = arith.constant 0 : i32
      %dma_wait3A_827 = arith.constant 0 : i32
      %dma_wait3A_828 = tpu.memref_slice %arg12[%dma_wait3A_826, %dma_wait3A_827] : memref<10112x128xf32, #tpu.memory_space<vmem_shared>> -> memref<10112x128xf32, #tpu.memory_space<vmem_shared>>
      tpu.wait_indirect_dma semaphore(%arg19 : memref<!tpu.dma_semaphore, #tpu.memory_space<semaphore_mem>>) src(%arg10 : memref<80x128xf32, #tpu.memory_space<vmem>>) dst(%dma_wait3A_828 : memref<10112x128xf32, #tpu.memory_space<vmem_shared>>)
      %add3A_829 = arith.constant 3 : i32
      %add3A_830 = arith.addi %add3A_777, %add3A_829 : i32
      %dma_start3A_831 = arith.constant 0 : i32
      %dma_start3A_832 = tpu.memref_slice %arg6[%add3A_830, %dma_start3A_831] : memref<25x80xi32, #tpu.memory_space<vmem>> -> memref<1x80xi32, #tpu.memory_space<vmem>>
      %dma_start3A_833 = tpu.memref_squeeze %dma_start3A_832 : memref<1x80xi32, #tpu.memory_space<vmem>> -> memref<80xi32, #tpu.memory_space<vmem>>
      %dma_start3A_834 = arith.constant 0 : i32
      %dma_start3A_835 = arith.constant 0 : i32
      %dma_start3A_836 = tpu.memref_slice %arg2[%dma_start3A_834, %dma_start3A_835] : memref<10112x128xf32, #tpu.memory_space<hbm>> -> memref<10112x128xf32, #tpu.memory_space<hbm>>
      tpu.enqueue_indirect_dma source(%dma_start3A_836 : memref<10112x128xf32, #tpu.memory_space<hbm>>) target(%arg10 : memref<80x128xf32, #tpu.memory_space<vmem>>) offsets(%dma_start3A_833 : memref<80xi32, #tpu.memory_space<vmem>>) semaphore(%arg15 : memref<!tpu.dma_semaphore, #tpu.memory_space<semaphore_mem>>)
      %add3A_837 = arith.constant 2 : i32
      %add3A_838 = arith.addi %add3A_777, %add3A_837 : i32
      %dma_wait3A_839 = arith.constant 0 : i32
      %dma_wait3A_840 = tpu.memref_slice %arg6[%add3A_838, %dma_wait3A_839] : memref<25x80xi32, #tpu.memory_space<vmem>> -> memref<1x80xi32, #tpu.memory_space<vmem>>
      %dma_wait3A_841 = tpu.memref_squeeze %dma_wait3A_840 : memref<1x80xi32, #tpu.memory_space<vmem>> -> memref<80xi32, #tpu.memory_space<vmem>>
      %dma_wait3A_842 = arith.constant 0 : i32
      %dma_wait3A_843 = arith.constant 0 : i32
      %dma_wait3A_844 = tpu.memref_slice %arg2[%dma_wait3A_842, %dma_wait3A_843] : memref<10112x128xf32, #tpu.memory_space<hbm>> -> memref<10112x128xf32, #tpu.memory_space<hbm>>
      tpu.wait_indirect_dma semaphore(%arg14 : memref<!tpu.dma_semaphore, #tpu.memory_space<semaphore_mem>>) src(%dma_wait3A_844 : memref<10112x128xf32, #tpu.memory_space<hbm>>) dst(%arg9 : memref<80x128xf32, #tpu.memory_space<vmem>>)
      %add3A_845 = arith.constant 2 : i32
      %add3A_846 = arith.addi %add3A_777, %add3A_845 : i32
      %dma_start3A_847 = arith.constant 0 : i32
      %dma_start3A_848 = tpu.memref_slice %arg7[%add3A_846, %dma_start3A_847] : memref<25x80xi32, #tpu.memory_space<vmem>> -> memref<1x80xi32, #tpu.memory_space<vmem>>
      %dma_start3A_849 = tpu.memref_squeeze %dma_start3A_848 : memref<1x80xi32, #tpu.memory_space<vmem>> -> memref<80xi32, #tpu.memory_space<vmem>>
      %dma_start3A_850 = arith.constant 0 : i32
      %dma_start3A_851 = arith.constant 0 : i32
      %dma_start3A_852 = tpu.memref_slice %arg12[%dma_start3A_850, %dma_start3A_851] : memref<10112x128xf32, #tpu.memory_space<vmem_shared>> -> memref<10112x128xf32, #tpu.memory_space<vmem_shared>>
      tpu.enqueue_indirect_dma source(%arg9 : memref<80x128xf32, #tpu.memory_space<vmem>>) target(%dma_start3A_852 : memref<10112x128xf32, #tpu.memory_space<vmem_shared>>) offsets(%dma_start3A_849 : memref<80xi32, #tpu.memory_space<vmem>>) semaphore(%arg18 : memref<!tpu.dma_semaphore, #tpu.memory_space<semaphore_mem>>) {add = true}
      %dma_wait3A_853 = arith.constant 0 : i32
      %dma_wait3A_854 = tpu.memref_slice %arg7[%add3A_777, %dma_wait3A_853] : memref<25x80xi32, #tpu.memory_space<vmem>> -> memref<1x80xi32, #tpu.memory_space<vmem>>
      %dma_wait3A_855 = tpu.memref_squeeze %dma_wait3A_854 : memref<1x80xi32, #tpu.memory_space<vmem>> -> memref<80xi32, #tpu.memory_space<vmem>>
      %dma_wait3A_856 = arith.constant 0 : i32
      %dma_wait3A_857 = arith.constant 0 : i32
      %dma_wait3A_858 = tpu.memref_slice %arg12[%dma_wait3A_856, %dma_wait3A_857] : memref<10112x128xf32, #tpu.memory_space<vmem_shared>> -> memref<10112x128xf32, #tpu.memory_space<vmem_shared>>
      tpu.wait_indirect_dma semaphore(%arg20 : memref<!tpu.dma_semaphore, #tpu.memory_space<semaphore_mem>>) src(%arg11 : memref<80x128xf32, #tpu.memory_space<vmem>>) dst(%dma_wait3A_858 : memref<10112x128xf32, #tpu.memory_space<vmem_shared>>)
      %add3A_859 = arith.constant 4 : i32
      %add3A_860 = arith.addi %add3A_777, %add3A_859 : i32
      %dma_start3A_861 = arith.constant 0 : i32
      %dma_start3A_862 = tpu.memref_slice %arg6[%add3A_860, %dma_start3A_861] : memref<25x80xi32, #tpu.memory_space<vmem>> -> memref<1x80xi32, #tpu.memory_space<vmem>>
      %dma_start3A_863 = tpu.memref_squeeze %dma_start3A_862 : memref<1x80xi32, #tpu.memory_space<vmem>> -> memref<80xi32, #tpu.memory_space<vmem>>
      %dma_start3A_864 = arith.constant 0 : i32
      %dma_start3A_865 = arith.constant 0 : i32
      %dma_start3A_866 = tpu.memref_slice %arg2[%dma_start3A_864, %dma_start3A_865] : memref<10112x128xf32, #tpu.memory_space<hbm>> -> memref<10112x128xf32, #tpu.memory_space<hbm>>
      tpu.enqueue_indirect_dma source(%dma_start3A_866 : memref<10112x128xf32, #tpu.memory_space<hbm>>) target(%arg11 : memref<80x128xf32, #tpu.memory_space<vmem>>) offsets(%dma_start3A_863 : memref<80xi32, #tpu.memory_space<vmem>>) semaphore(%arg16 : memref<!tpu.dma_semaphore, #tpu.memory_space<semaphore_mem>>)
      %add3A_867 = arith.constant 3 : i32
      %add3A_868 = arith.addi %add3A_777, %add3A_867 : i32
      %dma_wait3A_869 = arith.constant 0 : i32
      %dma_wait3A_870 = tpu.memref_slice %arg6[%add3A_868, %dma_wait3A_869] : memref<25x80xi32, #tpu.memory_space<vmem>> -> memref<1x80xi32, #tpu.memory_space<vmem>>
      %dma_wait3A_871 = tpu.memref_squeeze %dma_wait3A_870 : memref<1x80xi32, #tpu.memory_space<vmem>> -> memref<80xi32, #tpu.memory_space<vmem>>
      %dma_wait3A_872 = arith.constant 0 : i32
      %dma_wait3A_873 = arith.constant 0 : i32
      %dma_wait3A_874 = tpu.memref_slice %arg2[%dma_wait3A_872, %dma_wait3A_873] : memref<10112x128xf32, #tpu.memory_space<hbm>> -> memref<10112x128xf32, #tpu.memory_space<hbm>>
      tpu.wait_indirect_dma semaphore(%arg15 : memref<!tpu.dma_semaphore, #tpu.memory_space<semaphore_mem>>) src(%dma_wait3A_874 : memref<10112x128xf32, #tpu.memory_space<hbm>>) dst(%arg10 : memref<80x128xf32, #tpu.memory_space<vmem>>)
      %add3A_875 = arith.constant 3 : i32
      %add3A_876 = arith.addi %add3A_777, %add3A_875 : i32
      %dma_start3A_877 = arith.constant 0 : i32
      %dma_start3A_878 = tpu.memref_slice %arg7[%add3A_876, %dma_start3A_877] : memref<25x80xi32, #tpu.memory_space<vmem>> -> memref<1x80xi32, #tpu.memory_space<vmem>>
      %dma_start3A_879 = tpu.memref_squeeze %dma_start3A_878 : memref<1x80xi32, #tpu.memory_space<vmem>> -> memref<80xi32, #tpu.memory_space<vmem>>
      %dma_start3A_880 = arith.constant 0 : i32
      %dma_start3A_881 = arith.constant 0 : i32
      %dma_start3A_882 = tpu.memref_slice %arg12[%dma_start3A_880, %dma_start3A_881] : memref<10112x128xf32, #tpu.memory_space<vmem_shared>> -> memref<10112x128xf32, #tpu.memory_space<vmem_shared>>
      tpu.enqueue_indirect_dma source(%arg10 : memref<80x128xf32, #tpu.memory_space<vmem>>) target(%dma_start3A_882 : memref<10112x128xf32, #tpu.memory_space<vmem_shared>>) offsets(%dma_start3A_879 : memref<80xi32, #tpu.memory_space<vmem>>) semaphore(%arg19 : memref<!tpu.dma_semaphore, #tpu.memory_space<semaphore_mem>>) {add = true}
      %add3A_883 = arith.constant 1 : i32
      %add3A_884 = arith.addi %add3A_777, %add3A_883 : i32
      %dma_wait3A_885 = arith.constant 0 : i32
      %dma_wait3A_886 = tpu.memref_slice %arg7[%add3A_884, %dma_wait3A_885] : memref<25x80xi32, #tpu.memory_space<vmem>> -> memref<1x80xi32, #tpu.memory_space<vmem>>
      %dma_wait3A_887 = tpu.memref_squeeze %dma_wait3A_886 : memref<1x80xi32, #tpu.memory_space<vmem>> -> memref<80xi32, #tpu.memory_space<vmem>>
      %dma_wait3A_888 = arith.constant 0 : i32
      %dma_wait3A_889 = arith.constant 0 : i32
      %dma_wait3A_890 = tpu.memref_slice %arg12[%dma_wait3A_888, %dma_wait3A_889] : memref<10112x128xf32, #tpu.memory_space<vmem_shared>> -> memref<10112x128xf32, #tpu.memory_space<vmem_shared>>
      tpu.wait_indirect_dma semaphore(%arg17 : memref<!tpu.dma_semaphore, #tpu.memory_space<semaphore_mem>>) src(%arg8 : memref<80x128xf32, #tpu.memory_space<vmem>>) dst(%dma_wait3A_890 : memref<10112x128xf32, #tpu.memory_space<vmem_shared>>)
      %add3A_891 = arith.constant 5 : i32
      %add3A_892 = arith.addi %add3A_777, %add3A_891 : i32
      %dma_start3A_893 = arith.constant 0 : i32
      %dma_start3A_894 = tpu.memref_slice %arg6[%add3A_892, %dma_start3A_893] : memref<25x80xi32, #tpu.memory_space<vmem>> -> memref<1x80xi32, #tpu.memory_space<vmem>>
      %dma_start3A_895 = tpu.memref_squeeze %dma_start3A_894 : memref<1x80xi32, #tpu.memory_space<vmem>> -> memref<80xi32, #tpu.memory_space<vmem>>
      %dma_start3A_896 = arith.constant 0 : i32
      %dma_start3A_897 = arith.constant 0 : i32
      %dma_start3A_898 = tpu.memref_slice %arg2[%dma_start3A_896, %dma_start3A_897] : memref<10112x128xf32, #tpu.memory_space<hbm>> -> memref<10112x128xf32, #tpu.memory_space<hbm>>
      tpu.enqueue_indirect_dma source(%dma_start3A_898 : memref<10112x128xf32, #tpu.memory_space<hbm>>) target(%arg8 : memref<80x128xf32, #tpu.memory_space<vmem>>) offsets(%dma_start3A_895 : memref<80xi32, #tpu.memory_space<vmem>>) semaphore(%arg13 : memref<!tpu.dma_semaphore, #tpu.memory_space<semaphore_mem>>)
      %scan3A_899 = arith.constant 0 : i32
      scf.yield %scan3A_899 : i32
    }
    %scan3A_412 = arith.constant 5 : i32
    %dma_wait3A_413 = arith.constant 23 : i32
    %dma_wait3A_414 = arith.constant 0 : i32
    %dma_wait3A_415 = tpu.memref_slice %arg6[%dma_wait3A_413, %dma_wait3A_414] : memref<25x80xi32, #tpu.memory_space<vmem>> -> memref<1x80xi32, #tpu.memory_space<vmem>>
    %dma_wait3A_416 = tpu.memref_squeeze %dma_wait3A_415 : memref<1x80xi32, #tpu.memory_space<vmem>> -> memref<80xi32, #tpu.memory_space<vmem>>
    %dma_wait3A_417 = arith.constant 0 : i32
    %dma_wait3A_418 = arith.constant 0 : i32
    %dma_wait3A_419 = tpu.memref_slice %arg2[%dma_wait3A_417, %dma_wait3A_418] : memref<10112x128xf32, #tpu.memory_space<hbm>> -> memref<10112x128xf32, #tpu.memory_space<hbm>>
    tpu.wait_indirect_dma semaphore(%arg16 : memref<!tpu.dma_semaphore, #tpu.memory_space<semaphore_mem>>) src(%dma_wait3A_419 : memref<10112x128xf32, #tpu.memory_space<hbm>>) dst(%arg11 : memref<80x128xf32, #tpu.memory_space<vmem>>)
    %dma_start3A_420 = arith.constant 23 : i32
    %dma_start3A_421 = arith.constant 0 : i32
    %dma_start3A_422 = tpu.memref_slice %arg7[%dma_start3A_420, %dma_start3A_421] : memref<25x80xi32, #tpu.memory_space<vmem>> -> memref<1x80xi32, #tpu.memory_space<vmem>>
    %dma_start3A_423 = tpu.memref_squeeze %dma_start3A_422 : memref<1x80xi32, #tpu.memory_space<vmem>> -> memref<80xi32, #tpu.memory_space<vmem>>
    %dma_start3A_424 = arith.constant 0 : i32
    %dma_start3A_425 = arith.constant 0 : i32
    %dma_start3A_426 = tpu.memref_slice %arg12[%dma_start3A_424, %dma_start3A_425] : memref<10112x128xf32, #tpu.memory_space<vmem_shared>> -> memref<10112x128xf32, #tpu.memory_space<vmem_shared>>
    tpu.enqueue_indirect_dma source(%arg11 : memref<80x128xf32, #tpu.memory_space<vmem>>) target(%dma_start3A_426 : memref<10112x128xf32, #tpu.memory_space<vmem_shared>>) offsets(%dma_start3A_423 : memref<80xi32, #tpu.memory_space<vmem>>) semaphore(%arg20 : memref<!tpu.dma_semaphore, #tpu.memory_space<semaphore_mem>>) {add = true}
    %dma_wait3A_427 = arith.constant 21 : i32
    %dma_wait3A_428 = arith.constant 0 : i32
    %dma_wait3A_429 = tpu.memref_slice %arg7[%dma_wait3A_427, %dma_wait3A_428] : memref<25x80xi32, #tpu.memory_space<vmem>> -> memref<1x80xi32, #tpu.memory_space<vmem>>
    %dma_wait3A_430 = tpu.memref_squeeze %dma_wait3A_429 : memref<1x80xi32, #tpu.memory_space<vmem>> -> memref<80xi32, #tpu.memory_space<vmem>>
    %dma_wait3A_431 = arith.constant 0 : i32
    %dma_wait3A_432 = arith.constant 0 : i32
    %dma_wait3A_433 = tpu.memref_slice %arg12[%dma_wait3A_431, %dma_wait3A_432] : memref<10112x128xf32, #tpu.memory_space<vmem_shared>> -> memref<10112x128xf32, #tpu.memory_space<vmem_shared>>
    tpu.wait_indirect_dma semaphore(%arg18 : memref<!tpu.dma_semaphore, #tpu.memory_space<semaphore_mem>>) src(%arg9 : memref<80x128xf32, #tpu.memory_space<vmem>>) dst(%dma_wait3A_433 : memref<10112x128xf32, #tpu.memory_space<vmem_shared>>)
    %dma_wait3A_434 = arith.constant 24 : i32
    %dma_wait3A_435 = arith.constant 0 : i32
    %dma_wait3A_436 = tpu.memref_slice %arg6[%dma_wait3A_434, %dma_wait3A_435] : memref<25x80xi32, #tpu.memory_space<vmem>> -> memref<1x80xi32, #tpu.memory_space<vmem>>
    %dma_wait3A_437 = tpu.memref_squeeze %dma_wait3A_436 : memref<1x80xi32, #tpu.memory_space<vmem>> -> memref<80xi32, #tpu.memory_space<vmem>>
    %dma_wait3A_438 = arith.constant 0 : i32
    %dma_wait3A_439 = arith.constant 0 : i32
    %dma_wait3A_440 = tpu.memref_slice %arg2[%dma_wait3A_438, %dma_wait3A_439] : memref<10112x128xf32, #tpu.memory_space<hbm>> -> memref<10112x128xf32, #tpu.memory_space<hbm>>
    tpu.wait_indirect_dma semaphore(%arg13 : memref<!tpu.dma_semaphore, #tpu.memory_space<semaphore_mem>>) src(%dma_wait3A_440 : memref<10112x128xf32, #tpu.memory_space<hbm>>) dst(%arg8 : memref<80x128xf32, #tpu.memory_space<vmem>>)
    %dma_start3A_441 = arith.constant 24 : i32
    %dma_start3A_442 = arith.constant 0 : i32
    %dma_start3A_443 = tpu.memref_slice %arg7[%dma_start3A_441, %dma_start3A_442] : memref<25x80xi32, #tpu.memory_space<vmem>> -> memref<1x80xi32, #tpu.memory_space<vmem>>
    %dma_start3A_444 = tpu.memref_squeeze %dma_start3A_443 : memref<1x80xi32, #tpu.memory_space<vmem>> -> memref<80xi32, #tpu.memory_space<vmem>>
    %dma_start3A_445 = arith.constant 0 : i32
    %dma_start3A_446 = arith.constant 0 : i32
    %dma_start3A_447 = tpu.memref_slice %arg12[%dma_start3A_445, %dma_start3A_446] : memref<10112x128xf32, #tpu.memory_space<vmem_shared>> -> memref<10112x128xf32, #tpu.memory_space<vmem_shared>>
    tpu.enqueue_indirect_dma source(%arg8 : memref<80x128xf32, #tpu.memory_space<vmem>>) target(%dma_start3A_447 : memref<10112x128xf32, #tpu.memory_space<vmem_shared>>) offsets(%dma_start3A_444 : memref<80xi32, #tpu.memory_space<vmem>>) semaphore(%arg17 : memref<!tpu.dma_semaphore, #tpu.memory_space<semaphore_mem>>) {add = true}
    %dma_wait3A_448 = arith.constant 22 : i32
    %dma_wait3A_449 = arith.constant 0 : i32
    %dma_wait3A_450 = tpu.memref_slice %arg7[%dma_wait3A_448, %dma_wait3A_449] : memref<25x80xi32, #tpu.memory_space<vmem>> -> memref<1x80xi32, #tpu.memory_space<vmem>>
    %dma_wait3A_451 = tpu.memref_squeeze %dma_wait3A_450 : memref<1x80xi32, #tpu.memory_space<vmem>> -> memref<80xi32, #tpu.memory_space<vmem>>
    %dma_wait3A_452 = arith.constant 0 : i32
    %dma_wait3A_453 = arith.constant 0 : i32
    %dma_wait3A_454 = tpu.memref_slice %arg12[%dma_wait3A_452, %dma_wait3A_453] : memref<10112x128xf32, #tpu.memory_space<vmem_shared>> -> memref<10112x128xf32, #tpu.memory_space<vmem_shared>>
    tpu.wait_indirect_dma semaphore(%arg19 : memref<!tpu.dma_semaphore, #tpu.memory_space<semaphore_mem>>) src(%arg10 : memref<80x128xf32, #tpu.memory_space<vmem>>) dst(%dma_wait3A_454 : memref<10112x128xf32, #tpu.memory_space<vmem_shared>>)
    %dma_wait3A_455 = arith.constant 23 : i32
    %dma_wait3A_456 = arith.constant 0 : i32
    %dma_wait3A_457 = tpu.memref_slice %arg7[%dma_wait3A_455, %dma_wait3A_456] : memref<25x80xi32, #tpu.memory_space<vmem>> -> memref<1x80xi32, #tpu.memory_space<vmem>>
    %dma_wait3A_458 = tpu.memref_squeeze %dma_wait3A_457 : memref<1x80xi32, #tpu.memory_space<vmem>> -> memref<80xi32, #tpu.memory_space<vmem>>
    %dma_wait3A_459 = arith.constant 0 : i32
    %dma_wait3A_460 = arith.constant 0 : i32
    %dma_wait3A_461 = tpu.memref_slice %arg12[%dma_wait3A_459, %dma_wait3A_460] : memref<10112x128xf32, #tpu.memory_space<vmem_shared>> -> memref<10112x128xf32, #tpu.memory_space<vmem_shared>>
    tpu.wait_indirect_dma semaphore(%arg20 : memref<!tpu.dma_semaphore, #tpu.memory_space<semaphore_mem>>) src(%arg11 : memref<80x128xf32, #tpu.memory_space<vmem>>) dst(%dma_wait3A_461 : memref<10112x128xf32, #tpu.memory_space<vmem_shared>>)
    %dma_wait3A_462 = arith.constant 24 : i32
    %dma_wait3A_463 = arith.constant 0 : i32
    %dma_wait3A_464 = tpu.memref_slice %arg7[%dma_wait3A_462, %dma_wait3A_463] : memref<25x80xi32, #tpu.memory_space<vmem>> -> memref<1x80xi32, #tpu.memory_space<vmem>>
    %dma_wait3A_465 = tpu.memref_squeeze %dma_wait3A_464 : memref<1x80xi32, #tpu.memory_space<vmem>> -> memref<80xi32, #tpu.memory_space<vmem>>
    %dma_wait3A_466 = arith.constant 0 : i32
    %dma_wait3A_467 = arith.constant 0 : i32
    %dma_wait3A_468 = tpu.memref_slice %arg12[%dma_wait3A_466, %dma_wait3A_467] : memref<10112x128xf32, #tpu.memory_space<vmem_shared>> -> memref<10112x128xf32, #tpu.memory_space<vmem_shared>>
    tpu.wait_indirect_dma semaphore(%arg17 : memref<!tpu.dma_semaphore, #tpu.memory_space<semaphore_mem>>) src(%arg8 : memref<80x128xf32, #tpu.memory_space<vmem>>) dst(%dma_wait3A_468 : memref<10112x128xf32, #tpu.memory_space<vmem_shared>>)
    %run_scoped3A_469 = arith.constant 3 : i32
    "tpu.region"() ({
      %run_scoped3A_772 = tpu.sem_alloc : memref<!tpu.dma_semaphore, #tpu.memory_space<semaphore_mem>>
      %dma_start3A_773 = arith.constant 0 : i32
      %dma_start3A_774 = arith.constant 0 : i32
      %dma_start3A_775 = tpu.memref_slice %arg3[%add3A, %run_scoped3A_469, %dma_start3A_773, %dma_start3A_774] : memref<32x5x25x80xi32, #tpu.memory_space<hbm>> -> memref<1x1x25x80xi32, #tpu.memory_space<hbm>>
      %dma_start3A_776 = tpu.memref_squeeze %dma_start3A_775 : memref<1x1x25x80xi32, #tpu.memory_space<hbm>> -> memref<25x80xi32, #tpu.memory_space<hbm>>
      %dma_start3A_777 = arith.constant 0 : i32
      %dma_start3A_778 = arith.constant 0 : i32
      %dma_start3A_779 = tpu.memref_slice %arg3[%add3A, %run_scoped3A_469, %dma_start3A_777, %dma_start3A_778] : memref<32x5x25x80xi32, #tpu.memory_space<hbm>> -> memref<1x1x25x80xi32, #tpu.memory_space<hbm>>
      %dma_start3A_780 = tpu.memref_squeeze %dma_start3A_779 : memref<1x1x25x80xi32, #tpu.memory_space<hbm>> -> memref<25x80xi32, #tpu.memory_space<hbm>>
      tpu.enqueue_dma source(%dma_start3A_780 : memref<25x80xi32, #tpu.memory_space<hbm>>) target(%arg6 : memref<25x80xi32, #tpu.memory_space<vmem>>) target_semaphore(%run_scoped3A_772 : memref<!tpu.dma_semaphore, #tpu.memory_space<semaphore_mem>>)
      %dma_wait3A_781 = arith.constant 0 : i32
      %dma_wait3A_782 = arith.constant 0 : i32
      %dma_wait3A_783 = tpu.memref_slice %arg3[%add3A, %run_scoped3A_469, %dma_wait3A_781, %dma_wait3A_782] : memref<32x5x25x80xi32, #tpu.memory_space<hbm>> -> memref<1x1x25x80xi32, #tpu.memory_space<hbm>>
      %dma_wait3A_784 = tpu.memref_squeeze %dma_wait3A_783 : memref<1x1x25x80xi32, #tpu.memory_space<hbm>> -> memref<25x80xi32, #tpu.memory_space<hbm>>
      %dma_wait3A_785 = arith.constant 0 : i32
      %dma_wait3A_786 = arith.constant 0 : i32
      %dma_wait3A_787 = tpu.memref_slice %arg3[%add3A, %run_scoped3A_469, %dma_wait3A_785, %dma_wait3A_786] : memref<32x5x25x80xi32, #tpu.memory_space<hbm>> -> memref<1x1x25x80xi32, #tpu.memory_space<hbm>>
      %dma_wait3A_788 = tpu.memref_squeeze %dma_wait3A_787 : memref<1x1x25x80xi32, #tpu.memory_space<hbm>> -> memref<25x80xi32, #tpu.memory_space<hbm>>
      tpu.wait_dma2 semaphore(%run_scoped3A_772 : memref<!tpu.dma_semaphore, #tpu.memory_space<semaphore_mem>>) src(%dma_wait3A_788 : memref<25x80xi32, #tpu.memory_space<hbm>>) dst(%arg6 : memref<25x80xi32, #tpu.memory_space<vmem>>)
      tpu.yield
    }) : () -> ()
    %run_scoped3A_470 = arith.constant 3 : i32
    "tpu.region"() ({
      %run_scoped3A_772 = tpu.sem_alloc : memref<!tpu.dma_semaphore, #tpu.memory_space<semaphore_mem>>
      %dma_start3A_773 = arith.constant 0 : i32
      %dma_start3A_774 = arith.constant 0 : i32
      %dma_start3A_775 = tpu.memref_slice %arg4[%add3A, %run_scoped3A_470, %dma_start3A_773, %dma_start3A_774] : memref<32x5x25x80xi32, #tpu.memory_space<hbm>> -> memref<1x1x25x80xi32, #tpu.memory_space<hbm>>
      %dma_start3A_776 = tpu.memref_squeeze %dma_start3A_775 : memref<1x1x25x80xi32, #tpu.memory_space<hbm>> -> memref<25x80xi32, #tpu.memory_space<hbm>>
      %dma_start3A_777 = arith.constant 0 : i32
      %dma_start3A_778 = arith.constant 0 : i32
      %dma_start3A_779 = tpu.memref_slice %arg4[%add3A, %run_scoped3A_470, %dma_start3A_777, %dma_start3A_778] : memref<32x5x25x80xi32, #tpu.memory_space<hbm>> -> memref<1x1x25x80xi32, #tpu.memory_space<hbm>>
      %dma_start3A_780 = tpu.memref_squeeze %dma_start3A_779 : memref<1x1x25x80xi32, #tpu.memory_space<hbm>> -> memref<25x80xi32, #tpu.memory_space<hbm>>
      tpu.enqueue_dma source(%dma_start3A_780 : memref<25x80xi32, #tpu.memory_space<hbm>>) target(%arg7 : memref<25x80xi32, #tpu.memory_space<vmem>>) target_semaphore(%run_scoped3A_772 : memref<!tpu.dma_semaphore, #tpu.memory_space<semaphore_mem>>)
      %dma_wait3A_781 = arith.constant 0 : i32
      %dma_wait3A_782 = arith.constant 0 : i32
      %dma_wait3A_783 = tpu.memref_slice %arg4[%add3A, %run_scoped3A_470, %dma_wait3A_781, %dma_wait3A_782] : memref<32x5x25x80xi32, #tpu.memory_space<hbm>> -> memref<1x1x25x80xi32, #tpu.memory_space<hbm>>
      %dma_wait3A_784 = tpu.memref_squeeze %dma_wait3A_783 : memref<1x1x25x80xi32, #tpu.memory_space<hbm>> -> memref<25x80xi32, #tpu.memory_space<hbm>>
      %dma_wait3A_785 = arith.constant 0 : i32
      %dma_wait3A_786 = arith.constant 0 : i32
      %dma_wait3A_787 = tpu.memref_slice %arg4[%add3A, %run_scoped3A_470, %dma_wait3A_785, %dma_wait3A_786] : memref<32x5x25x80xi32, #tpu.memory_space<hbm>> -> memref<1x1x25x80xi32, #tpu.memory_space<hbm>>
      %dma_wait3A_788 = tpu.memref_squeeze %dma_wait3A_787 : memref<1x1x25x80xi32, #tpu.memory_space<hbm>> -> memref<25x80xi32, #tpu.memory_space<hbm>>
      tpu.wait_dma2 semaphore(%run_scoped3A_772 : memref<!tpu.dma_semaphore, #tpu.memory_space<semaphore_mem>>) src(%dma_wait3A_788 : memref<25x80xi32, #tpu.memory_space<hbm>>) dst(%arg7 : memref<25x80xi32, #tpu.memory_space<vmem>>)
      tpu.yield
    }) : () -> ()
    %dma_start3A_471 = arith.constant 0 : i32
    %dma_start3A_472 = arith.constant 0 : i32
    %dma_start3A_473 = tpu.memref_slice %arg6[%dma_start3A_471, %dma_start3A_472] : memref<25x80xi32, #tpu.memory_space<vmem>> -> memref<1x80xi32, #tpu.memory_space<vmem>>
    %dma_start3A_474 = tpu.memref_squeeze %dma_start3A_473 : memref<1x80xi32, #tpu.memory_space<vmem>> -> memref<80xi32, #tpu.memory_space<vmem>>
    %dma_start3A_475 = arith.constant 0 : i32
    %dma_start3A_476 = arith.constant 0 : i32
    %dma_start3A_477 = tpu.memref_slice %arg2[%dma_start3A_475, %dma_start3A_476] : memref<10112x128xf32, #tpu.memory_space<hbm>> -> memref<10112x128xf32, #tpu.memory_space<hbm>>
    tpu.enqueue_indirect_dma source(%dma_start3A_477 : memref<10112x128xf32, #tpu.memory_space<hbm>>) target(%arg8 : memref<80x128xf32, #tpu.memory_space<vmem>>) offsets(%dma_start3A_474 : memref<80xi32, #tpu.memory_space<vmem>>) semaphore(%arg13 : memref<!tpu.dma_semaphore, #tpu.memory_space<semaphore_mem>>)
    %dma_start3A_478 = arith.constant 1 : i32
    %dma_start3A_479 = arith.constant 0 : i32
    %dma_start3A_480 = tpu.memref_slice %arg6[%dma_start3A_478, %dma_start3A_479] : memref<25x80xi32, #tpu.memory_space<vmem>> -> memref<1x80xi32, #tpu.memory_space<vmem>>
    %dma_start3A_481 = tpu.memref_squeeze %dma_start3A_480 : memref<1x80xi32, #tpu.memory_space<vmem>> -> memref<80xi32, #tpu.memory_space<vmem>>
    %dma_start3A_482 = arith.constant 0 : i32
    %dma_start3A_483 = arith.constant 0 : i32
    %dma_start3A_484 = tpu.memref_slice %arg2[%dma_start3A_482, %dma_start3A_483] : memref<10112x128xf32, #tpu.memory_space<hbm>> -> memref<10112x128xf32, #tpu.memory_space<hbm>>
    tpu.enqueue_indirect_dma source(%dma_start3A_484 : memref<10112x128xf32, #tpu.memory_space<hbm>>) target(%arg9 : memref<80x128xf32, #tpu.memory_space<vmem>>) offsets(%dma_start3A_481 : memref<80xi32, #tpu.memory_space<vmem>>) semaphore(%arg14 : memref<!tpu.dma_semaphore, #tpu.memory_space<semaphore_mem>>)
    %dma_wait3A_485 = arith.constant 0 : i32
    %dma_wait3A_486 = arith.constant 0 : i32
    %dma_wait3A_487 = tpu.memref_slice %arg6[%dma_wait3A_485, %dma_wait3A_486] : memref<25x80xi32, #tpu.memory_space<vmem>> -> memref<1x80xi32, #tpu.memory_space<vmem>>
    %dma_wait3A_488 = tpu.memref_squeeze %dma_wait3A_487 : memref<1x80xi32, #tpu.memory_space<vmem>> -> memref<80xi32, #tpu.memory_space<vmem>>
    %dma_wait3A_489 = arith.constant 0 : i32
    %dma_wait3A_490 = arith.constant 0 : i32
    %dma_wait3A_491 = tpu.memref_slice %arg2[%dma_wait3A_489, %dma_wait3A_490] : memref<10112x128xf32, #tpu.memory_space<hbm>> -> memref<10112x128xf32, #tpu.memory_space<hbm>>
    tpu.wait_indirect_dma semaphore(%arg13 : memref<!tpu.dma_semaphore, #tpu.memory_space<semaphore_mem>>) src(%dma_wait3A_491 : memref<10112x128xf32, #tpu.memory_space<hbm>>) dst(%arg8 : memref<80x128xf32, #tpu.memory_space<vmem>>)
    %dma_start3A_492 = arith.constant 0 : i32
    %dma_start3A_493 = arith.constant 0 : i32
    %dma_start3A_494 = tpu.memref_slice %arg7[%dma_start3A_492, %dma_start3A_493] : memref<25x80xi32, #tpu.memory_space<vmem>> -> memref<1x80xi32, #tpu.memory_space<vmem>>
    %dma_start3A_495 = tpu.memref_squeeze %dma_start3A_494 : memref<1x80xi32, #tpu.memory_space<vmem>> -> memref<80xi32, #tpu.memory_space<vmem>>
    %dma_start3A_496 = arith.constant 0 : i32
    %dma_start3A_497 = arith.constant 0 : i32
    %dma_start3A_498 = tpu.memref_slice %arg12[%dma_start3A_496, %dma_start3A_497] : memref<10112x128xf32, #tpu.memory_space<vmem_shared>> -> memref<10112x128xf32, #tpu.memory_space<vmem_shared>>
    tpu.enqueue_indirect_dma source(%arg8 : memref<80x128xf32, #tpu.memory_space<vmem>>) target(%dma_start3A_498 : memref<10112x128xf32, #tpu.memory_space<vmem_shared>>) offsets(%dma_start3A_495 : memref<80xi32, #tpu.memory_space<vmem>>) semaphore(%arg17 : memref<!tpu.dma_semaphore, #tpu.memory_space<semaphore_mem>>) {add = true}
    %dma_start3A_499 = arith.constant 2 : i32
    %dma_start3A_500 = arith.constant 0 : i32
    %dma_start3A_501 = tpu.memref_slice %arg6[%dma_start3A_499, %dma_start3A_500] : memref<25x80xi32, #tpu.memory_space<vmem>> -> memref<1x80xi32, #tpu.memory_space<vmem>>
    %dma_start3A_502 = tpu.memref_squeeze %dma_start3A_501 : memref<1x80xi32, #tpu.memory_space<vmem>> -> memref<80xi32, #tpu.memory_space<vmem>>
    %dma_start3A_503 = arith.constant 0 : i32
    %dma_start3A_504 = arith.constant 0 : i32
    %dma_start3A_505 = tpu.memref_slice %arg2[%dma_start3A_503, %dma_start3A_504] : memref<10112x128xf32, #tpu.memory_space<hbm>> -> memref<10112x128xf32, #tpu.memory_space<hbm>>
    tpu.enqueue_indirect_dma source(%dma_start3A_505 : memref<10112x128xf32, #tpu.memory_space<hbm>>) target(%arg10 : memref<80x128xf32, #tpu.memory_space<vmem>>) offsets(%dma_start3A_502 : memref<80xi32, #tpu.memory_space<vmem>>) semaphore(%arg15 : memref<!tpu.dma_semaphore, #tpu.memory_space<semaphore_mem>>)
    %dma_wait3A_506 = arith.constant 1 : i32
    %dma_wait3A_507 = arith.constant 0 : i32
    %dma_wait3A_508 = tpu.memref_slice %arg6[%dma_wait3A_506, %dma_wait3A_507] : memref<25x80xi32, #tpu.memory_space<vmem>> -> memref<1x80xi32, #tpu.memory_space<vmem>>
    %dma_wait3A_509 = tpu.memref_squeeze %dma_wait3A_508 : memref<1x80xi32, #tpu.memory_space<vmem>> -> memref<80xi32, #tpu.memory_space<vmem>>
    %dma_wait3A_510 = arith.constant 0 : i32
    %dma_wait3A_511 = arith.constant 0 : i32
    %dma_wait3A_512 = tpu.memref_slice %arg2[%dma_wait3A_510, %dma_wait3A_511] : memref<10112x128xf32, #tpu.memory_space<hbm>> -> memref<10112x128xf32, #tpu.memory_space<hbm>>
    tpu.wait_indirect_dma semaphore(%arg14 : memref<!tpu.dma_semaphore, #tpu.memory_space<semaphore_mem>>) src(%dma_wait3A_512 : memref<10112x128xf32, #tpu.memory_space<hbm>>) dst(%arg9 : memref<80x128xf32, #tpu.memory_space<vmem>>)
    %dma_start3A_513 = arith.constant 1 : i32
    %dma_start3A_514 = arith.constant 0 : i32
    %dma_start3A_515 = tpu.memref_slice %arg7[%dma_start3A_513, %dma_start3A_514] : memref<25x80xi32, #tpu.memory_space<vmem>> -> memref<1x80xi32, #tpu.memory_space<vmem>>
    %dma_start3A_516 = tpu.memref_squeeze %dma_start3A_515 : memref<1x80xi32, #tpu.memory_space<vmem>> -> memref<80xi32, #tpu.memory_space<vmem>>
    %dma_start3A_517 = arith.constant 0 : i32
    %dma_start3A_518 = arith.constant 0 : i32
    %dma_start3A_519 = tpu.memref_slice %arg12[%dma_start3A_517, %dma_start3A_518] : memref<10112x128xf32, #tpu.memory_space<vmem_shared>> -> memref<10112x128xf32, #tpu.memory_space<vmem_shared>>
    tpu.enqueue_indirect_dma source(%arg9 : memref<80x128xf32, #tpu.memory_space<vmem>>) target(%dma_start3A_519 : memref<10112x128xf32, #tpu.memory_space<vmem_shared>>) offsets(%dma_start3A_516 : memref<80xi32, #tpu.memory_space<vmem>>) semaphore(%arg18 : memref<!tpu.dma_semaphore, #tpu.memory_space<semaphore_mem>>) {add = true}
    %dma_start3A_520 = arith.constant 3 : i32
    %dma_start3A_521 = arith.constant 0 : i32
    %dma_start3A_522 = tpu.memref_slice %arg6[%dma_start3A_520, %dma_start3A_521] : memref<25x80xi32, #tpu.memory_space<vmem>> -> memref<1x80xi32, #tpu.memory_space<vmem>>
    %dma_start3A_523 = tpu.memref_squeeze %dma_start3A_522 : memref<1x80xi32, #tpu.memory_space<vmem>> -> memref<80xi32, #tpu.memory_space<vmem>>
    %dma_start3A_524 = arith.constant 0 : i32
    %dma_start3A_525 = arith.constant 0 : i32
    %dma_start3A_526 = tpu.memref_slice %arg2[%dma_start3A_524, %dma_start3A_525] : memref<10112x128xf32, #tpu.memory_space<hbm>> -> memref<10112x128xf32, #tpu.memory_space<hbm>>
    tpu.enqueue_indirect_dma source(%dma_start3A_526 : memref<10112x128xf32, #tpu.memory_space<hbm>>) target(%arg11 : memref<80x128xf32, #tpu.memory_space<vmem>>) offsets(%dma_start3A_523 : memref<80xi32, #tpu.memory_space<vmem>>) semaphore(%arg16 : memref<!tpu.dma_semaphore, #tpu.memory_space<semaphore_mem>>)
    %dma_wait3A_527 = arith.constant 2 : i32
    %dma_wait3A_528 = arith.constant 0 : i32
    %dma_wait3A_529 = tpu.memref_slice %arg6[%dma_wait3A_527, %dma_wait3A_528] : memref<25x80xi32, #tpu.memory_space<vmem>> -> memref<1x80xi32, #tpu.memory_space<vmem>>
    %dma_wait3A_530 = tpu.memref_squeeze %dma_wait3A_529 : memref<1x80xi32, #tpu.memory_space<vmem>> -> memref<80xi32, #tpu.memory_space<vmem>>
    %dma_wait3A_531 = arith.constant 0 : i32
    %dma_wait3A_532 = arith.constant 0 : i32
    %dma_wait3A_533 = tpu.memref_slice %arg2[%dma_wait3A_531, %dma_wait3A_532] : memref<10112x128xf32, #tpu.memory_space<hbm>> -> memref<10112x128xf32, #tpu.memory_space<hbm>>
    tpu.wait_indirect_dma semaphore(%arg15 : memref<!tpu.dma_semaphore, #tpu.memory_space<semaphore_mem>>) src(%dma_wait3A_533 : memref<10112x128xf32, #tpu.memory_space<hbm>>) dst(%arg10 : memref<80x128xf32, #tpu.memory_space<vmem>>)
    %dma_start3A_534 = arith.constant 2 : i32
    %dma_start3A_535 = arith.constant 0 : i32
    %dma_start3A_536 = tpu.memref_slice %arg7[%dma_start3A_534, %dma_start3A_535] : memref<25x80xi32, #tpu.memory_space<vmem>> -> memref<1x80xi32, #tpu.memory_space<vmem>>
    %dma_start3A_537 = tpu.memref_squeeze %dma_start3A_536 : memref<1x80xi32, #tpu.memory_space<vmem>> -> memref<80xi32, #tpu.memory_space<vmem>>
    %dma_start3A_538 = arith.constant 0 : i32
    %dma_start3A_539 = arith.constant 0 : i32
    %dma_start3A_540 = tpu.memref_slice %arg12[%dma_start3A_538, %dma_start3A_539] : memref<10112x128xf32, #tpu.memory_space<vmem_shared>> -> memref<10112x128xf32, #tpu.memory_space<vmem_shared>>
    tpu.enqueue_indirect_dma source(%arg10 : memref<80x128xf32, #tpu.memory_space<vmem>>) target(%dma_start3A_540 : memref<10112x128xf32, #tpu.memory_space<vmem_shared>>) offsets(%dma_start3A_537 : memref<80xi32, #tpu.memory_space<vmem>>) semaphore(%arg19 : memref<!tpu.dma_semaphore, #tpu.memory_space<semaphore_mem>>) {add = true}
    %dma_wait3A_541 = arith.constant 0 : i32
    %dma_wait3A_542 = arith.constant 0 : i32
    %dma_wait3A_543 = tpu.memref_slice %arg7[%dma_wait3A_541, %dma_wait3A_542] : memref<25x80xi32, #tpu.memory_space<vmem>> -> memref<1x80xi32, #tpu.memory_space<vmem>>
    %dma_wait3A_544 = tpu.memref_squeeze %dma_wait3A_543 : memref<1x80xi32, #tpu.memory_space<vmem>> -> memref<80xi32, #tpu.memory_space<vmem>>
    %dma_wait3A_545 = arith.constant 0 : i32
    %dma_wait3A_546 = arith.constant 0 : i32
    %dma_wait3A_547 = tpu.memref_slice %arg12[%dma_wait3A_545, %dma_wait3A_546] : memref<10112x128xf32, #tpu.memory_space<vmem_shared>> -> memref<10112x128xf32, #tpu.memory_space<vmem_shared>>
    tpu.wait_indirect_dma semaphore(%arg17 : memref<!tpu.dma_semaphore, #tpu.memory_space<semaphore_mem>>) src(%arg8 : memref<80x128xf32, #tpu.memory_space<vmem>>) dst(%dma_wait3A_547 : memref<10112x128xf32, #tpu.memory_space<vmem_shared>>)
    %dma_start3A_548 = arith.constant 4 : i32
    %dma_start3A_549 = arith.constant 0 : i32
    %dma_start3A_550 = tpu.memref_slice %arg6[%dma_start3A_548, %dma_start3A_549] : memref<25x80xi32, #tpu.memory_space<vmem>> -> memref<1x80xi32, #tpu.memory_space<vmem>>
    %dma_start3A_551 = tpu.memref_squeeze %dma_start3A_550 : memref<1x80xi32, #tpu.memory_space<vmem>> -> memref<80xi32, #tpu.memory_space<vmem>>
    %dma_start3A_552 = arith.constant 0 : i32
    %dma_start3A_553 = arith.constant 0 : i32
    %dma_start3A_554 = tpu.memref_slice %arg2[%dma_start3A_552, %dma_start3A_553] : memref<10112x128xf32, #tpu.memory_space<hbm>> -> memref<10112x128xf32, #tpu.memory_space<hbm>>
    tpu.enqueue_indirect_dma source(%dma_start3A_554 : memref<10112x128xf32, #tpu.memory_space<hbm>>) target(%arg8 : memref<80x128xf32, #tpu.memory_space<vmem>>) offsets(%dma_start3A_551 : memref<80xi32, #tpu.memory_space<vmem>>) semaphore(%arg13 : memref<!tpu.dma_semaphore, #tpu.memory_space<semaphore_mem>>)
    %scan3A_555 = arith.constant 0 : i32
    %scan3A_556 = arith.constant 0 : i32
    %scan3A_557 = arith.constant 5 : i32
    %scan3A_558 = arith.addi %scan3A_556, %scan3A_557 : i32
    %scan3A_559 = arith.constant 1 : i32
    %scan3A_560 = scf.for %scan3A_772 = %scan3A_556 to %scan3A_558 step %scan3A_559 iter_args(%scan3A_773 = %scan3A_555) -> (i32)  : i32 {
      %mul3A_774 = arith.constant 4 : i32
      %mul3A_775 = arith.muli %mul3A_774, %scan3A_772 : i32
      %add3A_776 = arith.constant 3 : i32
      %add3A_777 = arith.addi %mul3A_775, %add3A_776 : i32
      %dma_wait3A_778 = arith.constant 0 : i32
      %dma_wait3A_779 = tpu.memref_slice %arg6[%add3A_777, %dma_wait3A_778] : memref<25x80xi32, #tpu.memory_space<vmem>> -> memref<1x80xi32, #tpu.memory_space<vmem>>
      %dma_wait3A_780 = tpu.memref_squeeze %dma_wait3A_779 : memref<1x80xi32, #tpu.memory_space<vmem>> -> memref<80xi32, #tpu.memory_space<vmem>>
      %dma_wait3A_781 = arith.constant 0 : i32
      %dma_wait3A_782 = arith.constant 0 : i32
      %dma_wait3A_783 = tpu.memref_slice %arg2[%dma_wait3A_781, %dma_wait3A_782] : memref<10112x128xf32, #tpu.memory_space<hbm>> -> memref<10112x128xf32, #tpu.memory_space<hbm>>
      tpu.wait_indirect_dma semaphore(%arg16 : memref<!tpu.dma_semaphore, #tpu.memory_space<semaphore_mem>>) src(%dma_wait3A_783 : memref<10112x128xf32, #tpu.memory_space<hbm>>) dst(%arg11 : memref<80x128xf32, #tpu.memory_space<vmem>>)
      %dma_start3A_784 = arith.constant 0 : i32
      %dma_start3A_785 = tpu.memref_slice %arg7[%add3A_777, %dma_start3A_784] : memref<25x80xi32, #tpu.memory_space<vmem>> -> memref<1x80xi32, #tpu.memory_space<vmem>>
      %dma_start3A_786 = tpu.memref_squeeze %dma_start3A_785 : memref<1x80xi32, #tpu.memory_space<vmem>> -> memref<80xi32, #tpu.memory_space<vmem>>
      %dma_start3A_787 = arith.constant 0 : i32
      %dma_start3A_788 = arith.constant 0 : i32
      %dma_start3A_789 = tpu.memref_slice %arg12[%dma_start3A_787, %dma_start3A_788] : memref<10112x128xf32, #tpu.memory_space<vmem_shared>> -> memref<10112x128xf32, #tpu.memory_space<vmem_shared>>
      tpu.enqueue_indirect_dma source(%arg11 : memref<80x128xf32, #tpu.memory_space<vmem>>) target(%dma_start3A_789 : memref<10112x128xf32, #tpu.memory_space<vmem_shared>>) offsets(%dma_start3A_786 : memref<80xi32, #tpu.memory_space<vmem>>) semaphore(%arg20 : memref<!tpu.dma_semaphore, #tpu.memory_space<semaphore_mem>>) {add = true}
      %sub3A = arith.constant 2 : i32
      %sub3A_790 = arith.subi %add3A_777, %sub3A : i32
      %dma_wait3A_791 = arith.constant 0 : i32
      %dma_wait3A_792 = tpu.memref_slice %arg7[%sub3A_790, %dma_wait3A_791] : memref<25x80xi32, #tpu.memory_space<vmem>> -> memref<1x80xi32, #tpu.memory_space<vmem>>
      %dma_wait3A_793 = tpu.memref_squeeze %dma_wait3A_792 : memref<1x80xi32, #tpu.memory_space<vmem>> -> memref<80xi32, #tpu.memory_space<vmem>>
      %dma_wait3A_794 = arith.constant 0 : i32
      %dma_wait3A_795 = arith.constant 0 : i32
      %dma_wait3A_796 = tpu.memref_slice %arg12[%dma_wait3A_794, %dma_wait3A_795] : memref<10112x128xf32, #tpu.memory_space<vmem_shared>> -> memref<10112x128xf32, #tpu.memory_space<vmem_shared>>
      tpu.wait_indirect_dma semaphore(%arg18 : memref<!tpu.dma_semaphore, #tpu.memory_space<semaphore_mem>>) src(%arg9 : memref<80x128xf32, #tpu.memory_space<vmem>>) dst(%dma_wait3A_796 : memref<10112x128xf32, #tpu.memory_space<vmem_shared>>)
      %add3A_797 = arith.constant 2 : i32
      %add3A_798 = arith.addi %add3A_777, %add3A_797 : i32
      %dma_start3A_799 = arith.constant 0 : i32
      %dma_start3A_800 = tpu.memref_slice %arg6[%add3A_798, %dma_start3A_799] : memref<25x80xi32, #tpu.memory_space<vmem>> -> memref<1x80xi32, #tpu.memory_space<vmem>>
      %dma_start3A_801 = tpu.memref_squeeze %dma_start3A_800 : memref<1x80xi32, #tpu.memory_space<vmem>> -> memref<80xi32, #tpu.memory_space<vmem>>
      %dma_start3A_802 = arith.constant 0 : i32
      %dma_start3A_803 = arith.constant 0 : i32
      %dma_start3A_804 = tpu.memref_slice %arg2[%dma_start3A_802, %dma_start3A_803] : memref<10112x128xf32, #tpu.memory_space<hbm>> -> memref<10112x128xf32, #tpu.memory_space<hbm>>
      tpu.enqueue_indirect_dma source(%dma_start3A_804 : memref<10112x128xf32, #tpu.memory_space<hbm>>) target(%arg9 : memref<80x128xf32, #tpu.memory_space<vmem>>) offsets(%dma_start3A_801 : memref<80xi32, #tpu.memory_space<vmem>>) semaphore(%arg14 : memref<!tpu.dma_semaphore, #tpu.memory_space<semaphore_mem>>)
      %add3A_805 = arith.constant 1 : i32
      %add3A_806 = arith.addi %add3A_777, %add3A_805 : i32
      %dma_wait3A_807 = arith.constant 0 : i32
      %dma_wait3A_808 = tpu.memref_slice %arg6[%add3A_806, %dma_wait3A_807] : memref<25x80xi32, #tpu.memory_space<vmem>> -> memref<1x80xi32, #tpu.memory_space<vmem>>
      %dma_wait3A_809 = tpu.memref_squeeze %dma_wait3A_808 : memref<1x80xi32, #tpu.memory_space<vmem>> -> memref<80xi32, #tpu.memory_space<vmem>>
      %dma_wait3A_810 = arith.constant 0 : i32
      %dma_wait3A_811 = arith.constant 0 : i32
      %dma_wait3A_812 = tpu.memref_slice %arg2[%dma_wait3A_810, %dma_wait3A_811] : memref<10112x128xf32, #tpu.memory_space<hbm>> -> memref<10112x128xf32, #tpu.memory_space<hbm>>
      tpu.wait_indirect_dma semaphore(%arg13 : memref<!tpu.dma_semaphore, #tpu.memory_space<semaphore_mem>>) src(%dma_wait3A_812 : memref<10112x128xf32, #tpu.memory_space<hbm>>) dst(%arg8 : memref<80x128xf32, #tpu.memory_space<vmem>>)
      %add3A_813 = arith.constant 1 : i32
      %add3A_814 = arith.addi %add3A_777, %add3A_813 : i32
      %dma_start3A_815 = arith.constant 0 : i32
      %dma_start3A_816 = tpu.memref_slice %arg7[%add3A_814, %dma_start3A_815] : memref<25x80xi32, #tpu.memory_space<vmem>> -> memref<1x80xi32, #tpu.memory_space<vmem>>
      %dma_start3A_817 = tpu.memref_squeeze %dma_start3A_816 : memref<1x80xi32, #tpu.memory_space<vmem>> -> memref<80xi32, #tpu.memory_space<vmem>>
      %dma_start3A_818 = arith.constant 0 : i32
      %dma_start3A_819 = arith.constant 0 : i32
      %dma_start3A_820 = tpu.memref_slice %arg12[%dma_start3A_818, %dma_start3A_819] : memref<10112x128xf32, #tpu.memory_space<vmem_shared>> -> memref<10112x128xf32, #tpu.memory_space<vmem_shared>>
      tpu.enqueue_indirect_dma source(%arg8 : memref<80x128xf32, #tpu.memory_space<vmem>>) target(%dma_start3A_820 : memref<10112x128xf32, #tpu.memory_space<vmem_shared>>) offsets(%dma_start3A_817 : memref<80xi32, #tpu.memory_space<vmem>>) semaphore(%arg17 : memref<!tpu.dma_semaphore, #tpu.memory_space<semaphore_mem>>) {add = true}
      %sub3A_821 = arith.constant 1 : i32
      %sub3A_822 = arith.subi %add3A_777, %sub3A_821 : i32
      %dma_wait3A_823 = arith.constant 0 : i32
      %dma_wait3A_824 = tpu.memref_slice %arg7[%sub3A_822, %dma_wait3A_823] : memref<25x80xi32, #tpu.memory_space<vmem>> -> memref<1x80xi32, #tpu.memory_space<vmem>>
      %dma_wait3A_825 = tpu.memref_squeeze %dma_wait3A_824 : memref<1x80xi32, #tpu.memory_space<vmem>> -> memref<80xi32, #tpu.memory_space<vmem>>
      %dma_wait3A_826 = arith.constant 0 : i32
      %dma_wait3A_827 = arith.constant 0 : i32
      %dma_wait3A_828 = tpu.memref_slice %arg12[%dma_wait3A_826, %dma_wait3A_827] : memref<10112x128xf32, #tpu.memory_space<vmem_shared>> -> memref<10112x128xf32, #tpu.memory_space<vmem_shared>>
      tpu.wait_indirect_dma semaphore(%arg19 : memref<!tpu.dma_semaphore, #tpu.memory_space<semaphore_mem>>) src(%arg10 : memref<80x128xf32, #tpu.memory_space<vmem>>) dst(%dma_wait3A_828 : memref<10112x128xf32, #tpu.memory_space<vmem_shared>>)
      %add3A_829 = arith.constant 3 : i32
      %add3A_830 = arith.addi %add3A_777, %add3A_829 : i32
      %dma_start3A_831 = arith.constant 0 : i32
      %dma_start3A_832 = tpu.memref_slice %arg6[%add3A_830, %dma_start3A_831] : memref<25x80xi32, #tpu.memory_space<vmem>> -> memref<1x80xi32, #tpu.memory_space<vmem>>
      %dma_start3A_833 = tpu.memref_squeeze %dma_start3A_832 : memref<1x80xi32, #tpu.memory_space<vmem>> -> memref<80xi32, #tpu.memory_space<vmem>>
      %dma_start3A_834 = arith.constant 0 : i32
      %dma_start3A_835 = arith.constant 0 : i32
      %dma_start3A_836 = tpu.memref_slice %arg2[%dma_start3A_834, %dma_start3A_835] : memref<10112x128xf32, #tpu.memory_space<hbm>> -> memref<10112x128xf32, #tpu.memory_space<hbm>>
      tpu.enqueue_indirect_dma source(%dma_start3A_836 : memref<10112x128xf32, #tpu.memory_space<hbm>>) target(%arg10 : memref<80x128xf32, #tpu.memory_space<vmem>>) offsets(%dma_start3A_833 : memref<80xi32, #tpu.memory_space<vmem>>) semaphore(%arg15 : memref<!tpu.dma_semaphore, #tpu.memory_space<semaphore_mem>>)
      %add3A_837 = arith.constant 2 : i32
      %add3A_838 = arith.addi %add3A_777, %add3A_837 : i32
      %dma_wait3A_839 = arith.constant 0 : i32
      %dma_wait3A_840 = tpu.memref_slice %arg6[%add3A_838, %dma_wait3A_839] : memref<25x80xi32, #tpu.memory_space<vmem>> -> memref<1x80xi32, #tpu.memory_space<vmem>>
      %dma_wait3A_841 = tpu.memref_squeeze %dma_wait3A_840 : memref<1x80xi32, #tpu.memory_space<vmem>> -> memref<80xi32, #tpu.memory_space<vmem>>
      %dma_wait3A_842 = arith.constant 0 : i32
      %dma_wait3A_843 = arith.constant 0 : i32
      %dma_wait3A_844 = tpu.memref_slice %arg2[%dma_wait3A_842, %dma_wait3A_843] : memref<10112x128xf32, #tpu.memory_space<hbm>> -> memref<10112x128xf32, #tpu.memory_space<hbm>>
      tpu.wait_indirect_dma semaphore(%arg14 : memref<!tpu.dma_semaphore, #tpu.memory_space<semaphore_mem>>) src(%dma_wait3A_844 : memref<10112x128xf32, #tpu.memory_space<hbm>>) dst(%arg9 : memref<80x128xf32, #tpu.memory_space<vmem>>)
      %add3A_845 = arith.constant 2 : i32
      %add3A_846 = arith.addi %add3A_777, %add3A_845 : i32
      %dma_start3A_847 = arith.constant 0 : i32
      %dma_start3A_848 = tpu.memref_slice %arg7[%add3A_846, %dma_start3A_847] : memref<25x80xi32, #tpu.memory_space<vmem>> -> memref<1x80xi32, #tpu.memory_space<vmem>>
      %dma_start3A_849 = tpu.memref_squeeze %dma_start3A_848 : memref<1x80xi32, #tpu.memory_space<vmem>> -> memref<80xi32, #tpu.memory_space<vmem>>
      %dma_start3A_850 = arith.constant 0 : i32
      %dma_start3A_851 = arith.constant 0 : i32
      %dma_start3A_852 = tpu.memref_slice %arg12[%dma_start3A_850, %dma_start3A_851] : memref<10112x128xf32, #tpu.memory_space<vmem_shared>> -> memref<10112x128xf32, #tpu.memory_space<vmem_shared>>
      tpu.enqueue_indirect_dma source(%arg9 : memref<80x128xf32, #tpu.memory_space<vmem>>) target(%dma_start3A_852 : memref<10112x128xf32, #tpu.memory_space<vmem_shared>>) offsets(%dma_start3A_849 : memref<80xi32, #tpu.memory_space<vmem>>) semaphore(%arg18 : memref<!tpu.dma_semaphore, #tpu.memory_space<semaphore_mem>>) {add = true}
      %dma_wait3A_853 = arith.constant 0 : i32
      %dma_wait3A_854 = tpu.memref_slice %arg7[%add3A_777, %dma_wait3A_853] : memref<25x80xi32, #tpu.memory_space<vmem>> -> memref<1x80xi32, #tpu.memory_space<vmem>>
      %dma_wait3A_855 = tpu.memref_squeeze %dma_wait3A_854 : memref<1x80xi32, #tpu.memory_space<vmem>> -> memref<80xi32, #tpu.memory_space<vmem>>
      %dma_wait3A_856 = arith.constant 0 : i32
      %dma_wait3A_857 = arith.constant 0 : i32
      %dma_wait3A_858 = tpu.memref_slice %arg12[%dma_wait3A_856, %dma_wait3A_857] : memref<10112x128xf32, #tpu.memory_space<vmem_shared>> -> memref<10112x128xf32, #tpu.memory_space<vmem_shared>>
      tpu.wait_indirect_dma semaphore(%arg20 : memref<!tpu.dma_semaphore, #tpu.memory_space<semaphore_mem>>) src(%arg11 : memref<80x128xf32, #tpu.memory_space<vmem>>) dst(%dma_wait3A_858 : memref<10112x128xf32, #tpu.memory_space<vmem_shared>>)
      %add3A_859 = arith.constant 4 : i32
      %add3A_860 = arith.addi %add3A_777, %add3A_859 : i32
      %dma_start3A_861 = arith.constant 0 : i32
      %dma_start3A_862 = tpu.memref_slice %arg6[%add3A_860, %dma_start3A_861] : memref<25x80xi32, #tpu.memory_space<vmem>> -> memref<1x80xi32, #tpu.memory_space<vmem>>
      %dma_start3A_863 = tpu.memref_squeeze %dma_start3A_862 : memref<1x80xi32, #tpu.memory_space<vmem>> -> memref<80xi32, #tpu.memory_space<vmem>>
      %dma_start3A_864 = arith.constant 0 : i32
      %dma_start3A_865 = arith.constant 0 : i32
      %dma_start3A_866 = tpu.memref_slice %arg2[%dma_start3A_864, %dma_start3A_865] : memref<10112x128xf32, #tpu.memory_space<hbm>> -> memref<10112x128xf32, #tpu.memory_space<hbm>>
      tpu.enqueue_indirect_dma source(%dma_start3A_866 : memref<10112x128xf32, #tpu.memory_space<hbm>>) target(%arg11 : memref<80x128xf32, #tpu.memory_space<vmem>>) offsets(%dma_start3A_863 : memref<80xi32, #tpu.memory_space<vmem>>) semaphore(%arg16 : memref<!tpu.dma_semaphore, #tpu.memory_space<semaphore_mem>>)
      %add3A_867 = arith.constant 3 : i32
      %add3A_868 = arith.addi %add3A_777, %add3A_867 : i32
      %dma_wait3A_869 = arith.constant 0 : i32
      %dma_wait3A_870 = tpu.memref_slice %arg6[%add3A_868, %dma_wait3A_869] : memref<25x80xi32, #tpu.memory_space<vmem>> -> memref<1x80xi32, #tpu.memory_space<vmem>>
      %dma_wait3A_871 = tpu.memref_squeeze %dma_wait3A_870 : memref<1x80xi32, #tpu.memory_space<vmem>> -> memref<80xi32, #tpu.memory_space<vmem>>
      %dma_wait3A_872 = arith.constant 0 : i32
      %dma_wait3A_873 = arith.constant 0 : i32
      %dma_wait3A_874 = tpu.memref_slice %arg2[%dma_wait3A_872, %dma_wait3A_873] : memref<10112x128xf32, #tpu.memory_space<hbm>> -> memref<10112x128xf32, #tpu.memory_space<hbm>>
      tpu.wait_indirect_dma semaphore(%arg15 : memref<!tpu.dma_semaphore, #tpu.memory_space<semaphore_mem>>) src(%dma_wait3A_874 : memref<10112x128xf32, #tpu.memory_space<hbm>>) dst(%arg10 : memref<80x128xf32, #tpu.memory_space<vmem>>)
      %add3A_875 = arith.constant 3 : i32
      %add3A_876 = arith.addi %add3A_777, %add3A_875 : i32
      %dma_start3A_877 = arith.constant 0 : i32
      %dma_start3A_878 = tpu.memref_slice %arg7[%add3A_876, %dma_start3A_877] : memref<25x80xi32, #tpu.memory_space<vmem>> -> memref<1x80xi32, #tpu.memory_space<vmem>>
      %dma_start3A_879 = tpu.memref_squeeze %dma_start3A_878 : memref<1x80xi32, #tpu.memory_space<vmem>> -> memref<80xi32, #tpu.memory_space<vmem>>
      %dma_start3A_880 = arith.constant 0 : i32
      %dma_start3A_881 = arith.constant 0 : i32
      %dma_start3A_882 = tpu.memref_slice %arg12[%dma_start3A_880, %dma_start3A_881] : memref<10112x128xf32, #tpu.memory_space<vmem_shared>> -> memref<10112x128xf32, #tpu.memory_space<vmem_shared>>
      tpu.enqueue_indirect_dma source(%arg10 : memref<80x128xf32, #tpu.memory_space<vmem>>) target(%dma_start3A_882 : memref<10112x128xf32, #tpu.memory_space<vmem_shared>>) offsets(%dma_start3A_879 : memref<80xi32, #tpu.memory_space<vmem>>) semaphore(%arg19 : memref<!tpu.dma_semaphore, #tpu.memory_space<semaphore_mem>>) {add = true}
      %add3A_883 = arith.constant 1 : i32
      %add3A_884 = arith.addi %add3A_777, %add3A_883 : i32
      %dma_wait3A_885 = arith.constant 0 : i32
      %dma_wait3A_886 = tpu.memref_slice %arg7[%add3A_884, %dma_wait3A_885] : memref<25x80xi32, #tpu.memory_space<vmem>> -> memref<1x80xi32, #tpu.memory_space<vmem>>
      %dma_wait3A_887 = tpu.memref_squeeze %dma_wait3A_886 : memref<1x80xi32, #tpu.memory_space<vmem>> -> memref<80xi32, #tpu.memory_space<vmem>>
      %dma_wait3A_888 = arith.constant 0 : i32
      %dma_wait3A_889 = arith.constant 0 : i32
      %dma_wait3A_890 = tpu.memref_slice %arg12[%dma_wait3A_888, %dma_wait3A_889] : memref<10112x128xf32, #tpu.memory_space<vmem_shared>> -> memref<10112x128xf32, #tpu.memory_space<vmem_shared>>
      tpu.wait_indirect_dma semaphore(%arg17 : memref<!tpu.dma_semaphore, #tpu.memory_space<semaphore_mem>>) src(%arg8 : memref<80x128xf32, #tpu.memory_space<vmem>>) dst(%dma_wait3A_890 : memref<10112x128xf32, #tpu.memory_space<vmem_shared>>)
      %add3A_891 = arith.constant 5 : i32
      %add3A_892 = arith.addi %add3A_777, %add3A_891 : i32
      %dma_start3A_893 = arith.constant 0 : i32
      %dma_start3A_894 = tpu.memref_slice %arg6[%add3A_892, %dma_start3A_893] : memref<25x80xi32, #tpu.memory_space<vmem>> -> memref<1x80xi32, #tpu.memory_space<vmem>>
      %dma_start3A_895 = tpu.memref_squeeze %dma_start3A_894 : memref<1x80xi32, #tpu.memory_space<vmem>> -> memref<80xi32, #tpu.memory_space<vmem>>
      %dma_start3A_896 = arith.constant 0 : i32
      %dma_start3A_897 = arith.constant 0 : i32
      %dma_start3A_898 = tpu.memref_slice %arg2[%dma_start3A_896, %dma_start3A_897] : memref<10112x128xf32, #tpu.memory_space<hbm>> -> memref<10112x128xf32, #tpu.memory_space<hbm>>
      tpu.enqueue_indirect_dma source(%dma_start3A_898 : memref<10112x128xf32, #tpu.memory_space<hbm>>) target(%arg8 : memref<80x128xf32, #tpu.memory_space<vmem>>) offsets(%dma_start3A_895 : memref<80xi32, #tpu.memory_space<vmem>>) semaphore(%arg13 : memref<!tpu.dma_semaphore, #tpu.memory_space<semaphore_mem>>)
      %scan3A_899 = arith.constant 0 : i32
      scf.yield %scan3A_899 : i32
    }
    %scan3A_561 = arith.constant 5 : i32
    %dma_wait3A_562 = arith.constant 23 : i32
    %dma_wait3A_563 = arith.constant 0 : i32
    %dma_wait3A_564 = tpu.memref_slice %arg6[%dma_wait3A_562, %dma_wait3A_563] : memref<25x80xi32, #tpu.memory_space<vmem>> -> memref<1x80xi32, #tpu.memory_space<vmem>>
    %dma_wait3A_565 = tpu.memref_squeeze %dma_wait3A_564 : memref<1x80xi32, #tpu.memory_space<vmem>> -> memref<80xi32, #tpu.memory_space<vmem>>
    %dma_wait3A_566 = arith.constant 0 : i32
    %dma_wait3A_567 = arith.constant 0 : i32
    %dma_wait3A_568 = tpu.memref_slice %arg2[%dma_wait3A_566, %dma_wait3A_567] : memref<10112x128xf32, #tpu.memory_space<hbm>> -> memref<10112x128xf32, #tpu.memory_space<hbm>>
    tpu.wait_indirect_dma semaphore(%arg16 : memref<!tpu.dma_semaphore, #tpu.memory_space<semaphore_mem>>) src(%dma_wait3A_568 : memref<10112x128xf32, #tpu.memory_space<hbm>>) dst(%arg11 : memref<80x128xf32, #tpu.memory_space<vmem>>)
    %dma_start3A_569 = arith.constant 23 : i32
    %dma_start3A_570 = arith.constant 0 : i32
    %dma_start3A_571 = tpu.memref_slice %arg7[%dma_start3A_569, %dma_start3A_570] : memref<25x80xi32, #tpu.memory_space<vmem>> -> memref<1x80xi32, #tpu.memory_space<vmem>>
    %dma_start3A_572 = tpu.memref_squeeze %dma_start3A_571 : memref<1x80xi32, #tpu.memory_space<vmem>> -> memref<80xi32, #tpu.memory_space<vmem>>
    %dma_start3A_573 = arith.constant 0 : i32
    %dma_start3A_574 = arith.constant 0 : i32
    %dma_start3A_575 = tpu.memref_slice %arg12[%dma_start3A_573, %dma_start3A_574] : memref<10112x128xf32, #tpu.memory_space<vmem_shared>> -> memref<10112x128xf32, #tpu.memory_space<vmem_shared>>
    tpu.enqueue_indirect_dma source(%arg11 : memref<80x128xf32, #tpu.memory_space<vmem>>) target(%dma_start3A_575 : memref<10112x128xf32, #tpu.memory_space<vmem_shared>>) offsets(%dma_start3A_572 : memref<80xi32, #tpu.memory_space<vmem>>) semaphore(%arg20 : memref<!tpu.dma_semaphore, #tpu.memory_space<semaphore_mem>>) {add = true}
    %dma_wait3A_576 = arith.constant 21 : i32
    %dma_wait3A_577 = arith.constant 0 : i32
    %dma_wait3A_578 = tpu.memref_slice %arg7[%dma_wait3A_576, %dma_wait3A_577] : memref<25x80xi32, #tpu.memory_space<vmem>> -> memref<1x80xi32, #tpu.memory_space<vmem>>
    %dma_wait3A_579 = tpu.memref_squeeze %dma_wait3A_578 : memref<1x80xi32, #tpu.memory_space<vmem>> -> memref<80xi32, #tpu.memory_space<vmem>>
    %dma_wait3A_580 = arith.constant 0 : i32
    %dma_wait3A_581 = arith.constant 0 : i32
    %dma_wait3A_582 = tpu.memref_slice %arg12[%dma_wait3A_580, %dma_wait3A_581] : memref<10112x128xf32, #tpu.memory_space<vmem_shared>> -> memref<10112x128xf32, #tpu.memory_space<vmem_shared>>
    tpu.wait_indirect_dma semaphore(%arg18 : memref<!tpu.dma_semaphore, #tpu.memory_space<semaphore_mem>>) src(%arg9 : memref<80x128xf32, #tpu.memory_space<vmem>>) dst(%dma_wait3A_582 : memref<10112x128xf32, #tpu.memory_space<vmem_shared>>)
    %dma_wait3A_583 = arith.constant 24 : i32
    %dma_wait3A_584 = arith.constant 0 : i32
    %dma_wait3A_585 = tpu.memref_slice %arg6[%dma_wait3A_583, %dma_wait3A_584] : memref<25x80xi32, #tpu.memory_space<vmem>> -> memref<1x80xi32, #tpu.memory_space<vmem>>
    %dma_wait3A_586 = tpu.memref_squeeze %dma_wait3A_585 : memref<1x80xi32, #tpu.memory_space<vmem>> -> memref<80xi32, #tpu.memory_space<vmem>>
    %dma_wait3A_587 = arith.constant 0 : i32
    %dma_wait3A_588 = arith.constant 0 : i32
    %dma_wait3A_589 = tpu.memref_slice %arg2[%dma_wait3A_587, %dma_wait3A_588] : memref<10112x128xf32, #tpu.memory_space<hbm>> -> memref<10112x128xf32, #tpu.memory_space<hbm>>
    tpu.wait_indirect_dma semaphore(%arg13 : memref<!tpu.dma_semaphore, #tpu.memory_space<semaphore_mem>>) src(%dma_wait3A_589 : memref<10112x128xf32, #tpu.memory_space<hbm>>) dst(%arg8 : memref<80x128xf32, #tpu.memory_space<vmem>>)
    %dma_start3A_590 = arith.constant 24 : i32
    %dma_start3A_591 = arith.constant 0 : i32
    %dma_start3A_592 = tpu.memref_slice %arg7[%dma_start3A_590, %dma_start3A_591] : memref<25x80xi32, #tpu.memory_space<vmem>> -> memref<1x80xi32, #tpu.memory_space<vmem>>
    %dma_start3A_593 = tpu.memref_squeeze %dma_start3A_592 : memref<1x80xi32, #tpu.memory_space<vmem>> -> memref<80xi32, #tpu.memory_space<vmem>>
    %dma_start3A_594 = arith.constant 0 : i32
    %dma_start3A_595 = arith.constant 0 : i32
    %dma_start3A_596 = tpu.memref_slice %arg12[%dma_start3A_594, %dma_start3A_595] : memref<10112x128xf32, #tpu.memory_space<vmem_shared>> -> memref<10112x128xf32, #tpu.memory_space<vmem_shared>>
    tpu.enqueue_indirect_dma source(%arg8 : memref<80x128xf32, #tpu.memory_space<vmem>>) target(%dma_start3A_596 : memref<10112x128xf32, #tpu.memory_space<vmem_shared>>) offsets(%dma_start3A_593 : memref<80xi32, #tpu.memory_space<vmem>>) semaphore(%arg17 : memref<!tpu.dma_semaphore, #tpu.memory_space<semaphore_mem>>) {add = true}
    %dma_wait3A_597 = arith.constant 22 : i32
    %dma_wait3A_598 = arith.constant 0 : i32
    %dma_wait3A_599 = tpu.memref_slice %arg7[%dma_wait3A_597, %dma_wait3A_598] : memref<25x80xi32, #tpu.memory_space<vmem>> -> memref<1x80xi32, #tpu.memory_space<vmem>>
    %dma_wait3A_600 = tpu.memref_squeeze %dma_wait3A_599 : memref<1x80xi32, #tpu.memory_space<vmem>> -> memref<80xi32, #tpu.memory_space<vmem>>
    %dma_wait3A_601 = arith.constant 0 : i32
    %dma_wait3A_602 = arith.constant 0 : i32
    %dma_wait3A_603 = tpu.memref_slice %arg12[%dma_wait3A_601, %dma_wait3A_602] : memref<10112x128xf32, #tpu.memory_space<vmem_shared>> -> memref<10112x128xf32, #tpu.memory_space<vmem_shared>>
    tpu.wait_indirect_dma semaphore(%arg19 : memref<!tpu.dma_semaphore, #tpu.memory_space<semaphore_mem>>) src(%arg10 : memref<80x128xf32, #tpu.memory_space<vmem>>) dst(%dma_wait3A_603 : memref<10112x128xf32, #tpu.memory_space<vmem_shared>>)
    %dma_wait3A_604 = arith.constant 23 : i32
    %dma_wait3A_605 = arith.constant 0 : i32
    %dma_wait3A_606 = tpu.memref_slice %arg7[%dma_wait3A_604, %dma_wait3A_605] : memref<25x80xi32, #tpu.memory_space<vmem>> -> memref<1x80xi32, #tpu.memory_space<vmem>>
    %dma_wait3A_607 = tpu.memref_squeeze %dma_wait3A_606 : memref<1x80xi32, #tpu.memory_space<vmem>> -> memref<80xi32, #tpu.memory_space<vmem>>
    %dma_wait3A_608 = arith.constant 0 : i32
    %dma_wait3A_609 = arith.constant 0 : i32
    %dma_wait3A_610 = tpu.memref_slice %arg12[%dma_wait3A_608, %dma_wait3A_609] : memref<10112x128xf32, #tpu.memory_space<vmem_shared>> -> memref<10112x128xf32, #tpu.memory_space<vmem_shared>>
    tpu.wait_indirect_dma semaphore(%arg20 : memref<!tpu.dma_semaphore, #tpu.memory_space<semaphore_mem>>) src(%arg11 : memref<80x128xf32, #tpu.memory_space<vmem>>) dst(%dma_wait3A_610 : memref<10112x128xf32, #tpu.memory_space<vmem_shared>>)
    %dma_wait3A_611 = arith.constant 24 : i32
    %dma_wait3A_612 = arith.constant 0 : i32
    %dma_wait3A_613 = tpu.memref_slice %arg7[%dma_wait3A_611, %dma_wait3A_612] : memref<25x80xi32, #tpu.memory_space<vmem>> -> memref<1x80xi32, #tpu.memory_space<vmem>>
    %dma_wait3A_614 = tpu.memref_squeeze %dma_wait3A_613 : memref<1x80xi32, #tpu.memory_space<vmem>> -> memref<80xi32, #tpu.memory_space<vmem>>
    %dma_wait3A_615 = arith.constant 0 : i32
    %dma_wait3A_616 = arith.constant 0 : i32
    %dma_wait3A_617 = tpu.memref_slice %arg12[%dma_wait3A_615, %dma_wait3A_616] : memref<10112x128xf32, #tpu.memory_space<vmem_shared>> -> memref<10112x128xf32, #tpu.memory_space<vmem_shared>>
    tpu.wait_indirect_dma semaphore(%arg17 : memref<!tpu.dma_semaphore, #tpu.memory_space<semaphore_mem>>) src(%arg8 : memref<80x128xf32, #tpu.memory_space<vmem>>) dst(%dma_wait3A_617 : memref<10112x128xf32, #tpu.memory_space<vmem_shared>>)
    %run_scoped3A_618 = arith.constant 4 : i32
    "tpu.region"() ({
      %run_scoped3A_772 = tpu.sem_alloc : memref<!tpu.dma_semaphore, #tpu.memory_space<semaphore_mem>>
      %dma_start3A_773 = arith.constant 0 : i32
      %dma_start3A_774 = arith.constant 0 : i32
      %dma_start3A_775 = tpu.memref_slice %arg3[%add3A, %run_scoped3A_618, %dma_start3A_773, %dma_start3A_774] : memref<32x5x25x80xi32, #tpu.memory_space<hbm>> -> memref<1x1x25x80xi32, #tpu.memory_space<hbm>>
      %dma_start3A_776 = tpu.memref_squeeze %dma_start3A_775 : memref<1x1x25x80xi32, #tpu.memory_space<hbm>> -> memref<25x80xi32, #tpu.memory_space<hbm>>
      %dma_start3A_777 = arith.constant 0 : i32
      %dma_start3A_778 = arith.constant 0 : i32
      %dma_start3A_779 = tpu.memref_slice %arg3[%add3A, %run_scoped3A_618, %dma_start3A_777, %dma_start3A_778] : memref<32x5x25x80xi32, #tpu.memory_space<hbm>> -> memref<1x1x25x80xi32, #tpu.memory_space<hbm>>
      %dma_start3A_780 = tpu.memref_squeeze %dma_start3A_779 : memref<1x1x25x80xi32, #tpu.memory_space<hbm>> -> memref<25x80xi32, #tpu.memory_space<hbm>>
      tpu.enqueue_dma source(%dma_start3A_780 : memref<25x80xi32, #tpu.memory_space<hbm>>) target(%arg6 : memref<25x80xi32, #tpu.memory_space<vmem>>) target_semaphore(%run_scoped3A_772 : memref<!tpu.dma_semaphore, #tpu.memory_space<semaphore_mem>>)
      %dma_wait3A_781 = arith.constant 0 : i32
      %dma_wait3A_782 = arith.constant 0 : i32
      %dma_wait3A_783 = tpu.memref_slice %arg3[%add3A, %run_scoped3A_618, %dma_wait3A_781, %dma_wait3A_782] : memref<32x5x25x80xi32, #tpu.memory_space<hbm>> -> memref<1x1x25x80xi32, #tpu.memory_space<hbm>>
      %dma_wait3A_784 = tpu.memref_squeeze %dma_wait3A_783 : memref<1x1x25x80xi32, #tpu.memory_space<hbm>> -> memref<25x80xi32, #tpu.memory_space<hbm>>
      %dma_wait3A_785 = arith.constant 0 : i32
      %dma_wait3A_786 = arith.constant 0 : i32
      %dma_wait3A_787 = tpu.memref_slice %arg3[%add3A, %run_scoped3A_618, %dma_wait3A_785, %dma_wait3A_786] : memref<32x5x25x80xi32, #tpu.memory_space<hbm>> -> memref<1x1x25x80xi32, #tpu.memory_space<hbm>>
      %dma_wait3A_788 = tpu.memref_squeeze %dma_wait3A_787 : memref<1x1x25x80xi32, #tpu.memory_space<hbm>> -> memref<25x80xi32, #tpu.memory_space<hbm>>
      tpu.wait_dma2 semaphore(%run_scoped3A_772 : memref<!tpu.dma_semaphore, #tpu.memory_space<semaphore_mem>>) src(%dma_wait3A_788 : memref<25x80xi32, #tpu.memory_space<hbm>>) dst(%arg6 : memref<25x80xi32, #tpu.memory_space<vmem>>)
      tpu.yield
    }) : () -> ()
    %run_scoped3A_619 = arith.constant 4 : i32
    "tpu.region"() ({
      %run_scoped3A_772 = tpu.sem_alloc : memref<!tpu.dma_semaphore, #tpu.memory_space<semaphore_mem>>
      %dma_start3A_773 = arith.constant 0 : i32
      %dma_start3A_774 = arith.constant 0 : i32
      %dma_start3A_775 = tpu.memref_slice %arg4[%add3A, %run_scoped3A_619, %dma_start3A_773, %dma_start3A_774] : memref<32x5x25x80xi32, #tpu.memory_space<hbm>> -> memref<1x1x25x80xi32, #tpu.memory_space<hbm>>
      %dma_start3A_776 = tpu.memref_squeeze %dma_start3A_775 : memref<1x1x25x80xi32, #tpu.memory_space<hbm>> -> memref<25x80xi32, #tpu.memory_space<hbm>>
      %dma_start3A_777 = arith.constant 0 : i32
      %dma_start3A_778 = arith.constant 0 : i32
      %dma_start3A_779 = tpu.memref_slice %arg4[%add3A, %run_scoped3A_619, %dma_start3A_777, %dma_start3A_778] : memref<32x5x25x80xi32, #tpu.memory_space<hbm>> -> memref<1x1x25x80xi32, #tpu.memory_space<hbm>>
      %dma_start3A_780 = tpu.memref_squeeze %dma_start3A_779 : memref<1x1x25x80xi32, #tpu.memory_space<hbm>> -> memref<25x80xi32, #tpu.memory_space<hbm>>
      tpu.enqueue_dma source(%dma_start3A_780 : memref<25x80xi32, #tpu.memory_space<hbm>>) target(%arg7 : memref<25x80xi32, #tpu.memory_space<vmem>>) target_semaphore(%run_scoped3A_772 : memref<!tpu.dma_semaphore, #tpu.memory_space<semaphore_mem>>)
      %dma_wait3A_781 = arith.constant 0 : i32
      %dma_wait3A_782 = arith.constant 0 : i32
      %dma_wait3A_783 = tpu.memref_slice %arg4[%add3A, %run_scoped3A_619, %dma_wait3A_781, %dma_wait3A_782] : memref<32x5x25x80xi32, #tpu.memory_space<hbm>> -> memref<1x1x25x80xi32, #tpu.memory_space<hbm>>
      %dma_wait3A_784 = tpu.memref_squeeze %dma_wait3A_783 : memref<1x1x25x80xi32, #tpu.memory_space<hbm>> -> memref<25x80xi32, #tpu.memory_space<hbm>>
      %dma_wait3A_785 = arith.constant 0 : i32
      %dma_wait3A_786 = arith.constant 0 : i32
      %dma_wait3A_787 = tpu.memref_slice %arg4[%add3A, %run_scoped3A_619, %dma_wait3A_785, %dma_wait3A_786] : memref<32x5x25x80xi32, #tpu.memory_space<hbm>> -> memref<1x1x25x80xi32, #tpu.memory_space<hbm>>
      %dma_wait3A_788 = tpu.memref_squeeze %dma_wait3A_787 : memref<1x1x25x80xi32, #tpu.memory_space<hbm>> -> memref<25x80xi32, #tpu.memory_space<hbm>>
      tpu.wait_dma2 semaphore(%run_scoped3A_772 : memref<!tpu.dma_semaphore, #tpu.memory_space<semaphore_mem>>) src(%dma_wait3A_788 : memref<25x80xi32, #tpu.memory_space<hbm>>) dst(%arg7 : memref<25x80xi32, #tpu.memory_space<vmem>>)
      tpu.yield
    }) : () -> ()
    %dma_start3A_620 = arith.constant 0 : i32
    %dma_start3A_621 = arith.constant 0 : i32
    %dma_start3A_622 = tpu.memref_slice %arg6[%dma_start3A_620, %dma_start3A_621] : memref<25x80xi32, #tpu.memory_space<vmem>> -> memref<1x80xi32, #tpu.memory_space<vmem>>
    %dma_start3A_623 = tpu.memref_squeeze %dma_start3A_622 : memref<1x80xi32, #tpu.memory_space<vmem>> -> memref<80xi32, #tpu.memory_space<vmem>>
    %dma_start3A_624 = arith.constant 0 : i32
    %dma_start3A_625 = arith.constant 0 : i32
    %dma_start3A_626 = tpu.memref_slice %arg2[%dma_start3A_624, %dma_start3A_625] : memref<10112x128xf32, #tpu.memory_space<hbm>> -> memref<10112x128xf32, #tpu.memory_space<hbm>>
    tpu.enqueue_indirect_dma source(%dma_start3A_626 : memref<10112x128xf32, #tpu.memory_space<hbm>>) target(%arg8 : memref<80x128xf32, #tpu.memory_space<vmem>>) offsets(%dma_start3A_623 : memref<80xi32, #tpu.memory_space<vmem>>) semaphore(%arg13 : memref<!tpu.dma_semaphore, #tpu.memory_space<semaphore_mem>>)
    %dma_start3A_627 = arith.constant 1 : i32
    %dma_start3A_628 = arith.constant 0 : i32
    %dma_start3A_629 = tpu.memref_slice %arg6[%dma_start3A_627, %dma_start3A_628] : memref<25x80xi32, #tpu.memory_space<vmem>> -> memref<1x80xi32, #tpu.memory_space<vmem>>
    %dma_start3A_630 = tpu.memref_squeeze %dma_start3A_629 : memref<1x80xi32, #tpu.memory_space<vmem>> -> memref<80xi32, #tpu.memory_space<vmem>>
    %dma_start3A_631 = arith.constant 0 : i32
    %dma_start3A_632 = arith.constant 0 : i32
    %dma_start3A_633 = tpu.memref_slice %arg2[%dma_start3A_631, %dma_start3A_632] : memref<10112x128xf32, #tpu.memory_space<hbm>> -> memref<10112x128xf32, #tpu.memory_space<hbm>>
    tpu.enqueue_indirect_dma source(%dma_start3A_633 : memref<10112x128xf32, #tpu.memory_space<hbm>>) target(%arg9 : memref<80x128xf32, #tpu.memory_space<vmem>>) offsets(%dma_start3A_630 : memref<80xi32, #tpu.memory_space<vmem>>) semaphore(%arg14 : memref<!tpu.dma_semaphore, #tpu.memory_space<semaphore_mem>>)
    %dma_wait3A_634 = arith.constant 0 : i32
    %dma_wait3A_635 = arith.constant 0 : i32
    %dma_wait3A_636 = tpu.memref_slice %arg6[%dma_wait3A_634, %dma_wait3A_635] : memref<25x80xi32, #tpu.memory_space<vmem>> -> memref<1x80xi32, #tpu.memory_space<vmem>>
    %dma_wait3A_637 = tpu.memref_squeeze %dma_wait3A_636 : memref<1x80xi32, #tpu.memory_space<vmem>> -> memref<80xi32, #tpu.memory_space<vmem>>
    %dma_wait3A_638 = arith.constant 0 : i32
    %dma_wait3A_639 = arith.constant 0 : i32
    %dma_wait3A_640 = tpu.memref_slice %arg2[%dma_wait3A_638, %dma_wait3A_639] : memref<10112x128xf32, #tpu.memory_space<hbm>> -> memref<10112x128xf32, #tpu.memory_space<hbm>>
    tpu.wait_indirect_dma semaphore(%arg13 : memref<!tpu.dma_semaphore, #tpu.memory_space<semaphore_mem>>) src(%dma_wait3A_640 : memref<10112x128xf32, #tpu.memory_space<hbm>>) dst(%arg8 : memref<80x128xf32, #tpu.memory_space<vmem>>)
    %dma_start3A_641 = arith.constant 0 : i32
    %dma_start3A_642 = arith.constant 0 : i32
    %dma_start3A_643 = tpu.memref_slice %arg7[%dma_start3A_641, %dma_start3A_642] : memref<25x80xi32, #tpu.memory_space<vmem>> -> memref<1x80xi32, #tpu.memory_space<vmem>>
    %dma_start3A_644 = tpu.memref_squeeze %dma_start3A_643 : memref<1x80xi32, #tpu.memory_space<vmem>> -> memref<80xi32, #tpu.memory_space<vmem>>
    %dma_start3A_645 = arith.constant 0 : i32
    %dma_start3A_646 = arith.constant 0 : i32
    %dma_start3A_647 = tpu.memref_slice %arg12[%dma_start3A_645, %dma_start3A_646] : memref<10112x128xf32, #tpu.memory_space<vmem_shared>> -> memref<10112x128xf32, #tpu.memory_space<vmem_shared>>
    tpu.enqueue_indirect_dma source(%arg8 : memref<80x128xf32, #tpu.memory_space<vmem>>) target(%dma_start3A_647 : memref<10112x128xf32, #tpu.memory_space<vmem_shared>>) offsets(%dma_start3A_644 : memref<80xi32, #tpu.memory_space<vmem>>) semaphore(%arg17 : memref<!tpu.dma_semaphore, #tpu.memory_space<semaphore_mem>>) {add = true}
    %dma_start3A_648 = arith.constant 2 : i32
    %dma_start3A_649 = arith.constant 0 : i32
    %dma_start3A_650 = tpu.memref_slice %arg6[%dma_start3A_648, %dma_start3A_649] : memref<25x80xi32, #tpu.memory_space<vmem>> -> memref<1x80xi32, #tpu.memory_space<vmem>>
    %dma_start3A_651 = tpu.memref_squeeze %dma_start3A_650 : memref<1x80xi32, #tpu.memory_space<vmem>> -> memref<80xi32, #tpu.memory_space<vmem>>
    %dma_start3A_652 = arith.constant 0 : i32
    %dma_start3A_653 = arith.constant 0 : i32
    %dma_start3A_654 = tpu.memref_slice %arg2[%dma_start3A_652, %dma_start3A_653] : memref<10112x128xf32, #tpu.memory_space<hbm>> -> memref<10112x128xf32, #tpu.memory_space<hbm>>
    tpu.enqueue_indirect_dma source(%dma_start3A_654 : memref<10112x128xf32, #tpu.memory_space<hbm>>) target(%arg10 : memref<80x128xf32, #tpu.memory_space<vmem>>) offsets(%dma_start3A_651 : memref<80xi32, #tpu.memory_space<vmem>>) semaphore(%arg15 : memref<!tpu.dma_semaphore, #tpu.memory_space<semaphore_mem>>)
    %dma_wait3A_655 = arith.constant 1 : i32
    %dma_wait3A_656 = arith.constant 0 : i32
    %dma_wait3A_657 = tpu.memref_slice %arg6[%dma_wait3A_655, %dma_wait3A_656] : memref<25x80xi32, #tpu.memory_space<vmem>> -> memref<1x80xi32, #tpu.memory_space<vmem>>
    %dma_wait3A_658 = tpu.memref_squeeze %dma_wait3A_657 : memref<1x80xi32, #tpu.memory_space<vmem>> -> memref<80xi32, #tpu.memory_space<vmem>>
    %dma_wait3A_659 = arith.constant 0 : i32
    %dma_wait3A_660 = arith.constant 0 : i32
    %dma_wait3A_661 = tpu.memref_slice %arg2[%dma_wait3A_659, %dma_wait3A_660] : memref<10112x128xf32, #tpu.memory_space<hbm>> -> memref<10112x128xf32, #tpu.memory_space<hbm>>
    tpu.wait_indirect_dma semaphore(%arg14 : memref<!tpu.dma_semaphore, #tpu.memory_space<semaphore_mem>>) src(%dma_wait3A_661 : memref<10112x128xf32, #tpu.memory_space<hbm>>) dst(%arg9 : memref<80x128xf32, #tpu.memory_space<vmem>>)
    %dma_start3A_662 = arith.constant 1 : i32
    %dma_start3A_663 = arith.constant 0 : i32
    %dma_start3A_664 = tpu.memref_slice %arg7[%dma_start3A_662, %dma_start3A_663] : memref<25x80xi32, #tpu.memory_space<vmem>> -> memref<1x80xi32, #tpu.memory_space<vmem>>
    %dma_start3A_665 = tpu.memref_squeeze %dma_start3A_664 : memref<1x80xi32, #tpu.memory_space<vmem>> -> memref<80xi32, #tpu.memory_space<vmem>>
    %dma_start3A_666 = arith.constant 0 : i32
    %dma_start3A_667 = arith.constant 0 : i32
    %dma_start3A_668 = tpu.memref_slice %arg12[%dma_start3A_666, %dma_start3A_667] : memref<10112x128xf32, #tpu.memory_space<vmem_shared>> -> memref<10112x128xf32, #tpu.memory_space<vmem_shared>>
    tpu.enqueue_indirect_dma source(%arg9 : memref<80x128xf32, #tpu.memory_space<vmem>>) target(%dma_start3A_668 : memref<10112x128xf32, #tpu.memory_space<vmem_shared>>) offsets(%dma_start3A_665 : memref<80xi32, #tpu.memory_space<vmem>>) semaphore(%arg18 : memref<!tpu.dma_semaphore, #tpu.memory_space<semaphore_mem>>) {add = true}
    %dma_start3A_669 = arith.constant 3 : i32
    %dma_start3A_670 = arith.constant 0 : i32
    %dma_start3A_671 = tpu.memref_slice %arg6[%dma_start3A_669, %dma_start3A_670] : memref<25x80xi32, #tpu.memory_space<vmem>> -> memref<1x80xi32, #tpu.memory_space<vmem>>
    %dma_start3A_672 = tpu.memref_squeeze %dma_start3A_671 : memref<1x80xi32, #tpu.memory_space<vmem>> -> memref<80xi32, #tpu.memory_space<vmem>>
    %dma_start3A_673 = arith.constant 0 : i32
    %dma_start3A_674 = arith.constant 0 : i32
    %dma_start3A_675 = tpu.memref_slice %arg2[%dma_start3A_673, %dma_start3A_674] : memref<10112x128xf32, #tpu.memory_space<hbm>> -> memref<10112x128xf32, #tpu.memory_space<hbm>>
    tpu.enqueue_indirect_dma source(%dma_start3A_675 : memref<10112x128xf32, #tpu.memory_space<hbm>>) target(%arg11 : memref<80x128xf32, #tpu.memory_space<vmem>>) offsets(%dma_start3A_672 : memref<80xi32, #tpu.memory_space<vmem>>) semaphore(%arg16 : memref<!tpu.dma_semaphore, #tpu.memory_space<semaphore_mem>>)
    %dma_wait3A_676 = arith.constant 2 : i32
    %dma_wait3A_677 = arith.constant 0 : i32
    %dma_wait3A_678 = tpu.memref_slice %arg6[%dma_wait3A_676, %dma_wait3A_677] : memref<25x80xi32, #tpu.memory_space<vmem>> -> memref<1x80xi32, #tpu.memory_space<vmem>>
    %dma_wait3A_679 = tpu.memref_squeeze %dma_wait3A_678 : memref<1x80xi32, #tpu.memory_space<vmem>> -> memref<80xi32, #tpu.memory_space<vmem>>
    %dma_wait3A_680 = arith.constant 0 : i32
    %dma_wait3A_681 = arith.constant 0 : i32
    %dma_wait3A_682 = tpu.memref_slice %arg2[%dma_wait3A_680, %dma_wait3A_681] : memref<10112x128xf32, #tpu.memory_space<hbm>> -> memref<10112x128xf32, #tpu.memory_space<hbm>>
    tpu.wait_indirect_dma semaphore(%arg15 : memref<!tpu.dma_semaphore, #tpu.memory_space<semaphore_mem>>) src(%dma_wait3A_682 : memref<10112x128xf32, #tpu.memory_space<hbm>>) dst(%arg10 : memref<80x128xf32, #tpu.memory_space<vmem>>)
    %dma_start3A_683 = arith.constant 2 : i32
    %dma_start3A_684 = arith.constant 0 : i32
    %dma_start3A_685 = tpu.memref_slice %arg7[%dma_start3A_683, %dma_start3A_684] : memref<25x80xi32, #tpu.memory_space<vmem>> -> memref<1x80xi32, #tpu.memory_space<vmem>>
    %dma_start3A_686 = tpu.memref_squeeze %dma_start3A_685 : memref<1x80xi32, #tpu.memory_space<vmem>> -> memref<80xi32, #tpu.memory_space<vmem>>
    %dma_start3A_687 = arith.constant 0 : i32
    %dma_start3A_688 = arith.constant 0 : i32
    %dma_start3A_689 = tpu.memref_slice %arg12[%dma_start3A_687, %dma_start3A_688] : memref<10112x128xf32, #tpu.memory_space<vmem_shared>> -> memref<10112x128xf32, #tpu.memory_space<vmem_shared>>
    tpu.enqueue_indirect_dma source(%arg10 : memref<80x128xf32, #tpu.memory_space<vmem>>) target(%dma_start3A_689 : memref<10112x128xf32, #tpu.memory_space<vmem_shared>>) offsets(%dma_start3A_686 : memref<80xi32, #tpu.memory_space<vmem>>) semaphore(%arg19 : memref<!tpu.dma_semaphore, #tpu.memory_space<semaphore_mem>>) {add = true}
    %dma_wait3A_690 = arith.constant 0 : i32
    %dma_wait3A_691 = arith.constant 0 : i32
    %dma_wait3A_692 = tpu.memref_slice %arg7[%dma_wait3A_690, %dma_wait3A_691] : memref<25x80xi32, #tpu.memory_space<vmem>> -> memref<1x80xi32, #tpu.memory_space<vmem>>
    %dma_wait3A_693 = tpu.memref_squeeze %dma_wait3A_692 : memref<1x80xi32, #tpu.memory_space<vmem>> -> memref<80xi32, #tpu.memory_space<vmem>>
    %dma_wait3A_694 = arith.constant 0 : i32
    %dma_wait3A_695 = arith.constant 0 : i32
    %dma_wait3A_696 = tpu.memref_slice %arg12[%dma_wait3A_694, %dma_wait3A_695] : memref<10112x128xf32, #tpu.memory_space<vmem_shared>> -> memref<10112x128xf32, #tpu.memory_space<vmem_shared>>
    tpu.wait_indirect_dma semaphore(%arg17 : memref<!tpu.dma_semaphore, #tpu.memory_space<semaphore_mem>>) src(%arg8 : memref<80x128xf32, #tpu.memory_space<vmem>>) dst(%dma_wait3A_696 : memref<10112x128xf32, #tpu.memory_space<vmem_shared>>)
    %dma_start3A_697 = arith.constant 4 : i32
    %dma_start3A_698 = arith.constant 0 : i32
    %dma_start3A_699 = tpu.memref_slice %arg6[%dma_start3A_697, %dma_start3A_698] : memref<25x80xi32, #tpu.memory_space<vmem>> -> memref<1x80xi32, #tpu.memory_space<vmem>>
    %dma_start3A_700 = tpu.memref_squeeze %dma_start3A_699 : memref<1x80xi32, #tpu.memory_space<vmem>> -> memref<80xi32, #tpu.memory_space<vmem>>
    %dma_start3A_701 = arith.constant 0 : i32
    %dma_start3A_702 = arith.constant 0 : i32
    %dma_start3A_703 = tpu.memref_slice %arg2[%dma_start3A_701, %dma_start3A_702] : memref<10112x128xf32, #tpu.memory_space<hbm>> -> memref<10112x128xf32, #tpu.memory_space<hbm>>
    tpu.enqueue_indirect_dma source(%dma_start3A_703 : memref<10112x128xf32, #tpu.memory_space<hbm>>) target(%arg8 : memref<80x128xf32, #tpu.memory_space<vmem>>) offsets(%dma_start3A_700 : memref<80xi32, #tpu.memory_space<vmem>>) semaphore(%arg13 : memref<!tpu.dma_semaphore, #tpu.memory_space<semaphore_mem>>)
    %scan3A_704 = arith.constant 0 : i32
    %scan3A_705 = arith.constant 0 : i32
    %scan3A_706 = arith.constant 5 : i32
    %scan3A_707 = arith.addi %scan3A_705, %scan3A_706 : i32
    %scan3A_708 = arith.constant 1 : i32
    %scan3A_709 = scf.for %scan3A_772 = %scan3A_705 to %scan3A_707 step %scan3A_708 iter_args(%scan3A_773 = %scan3A_704) -> (i32)  : i32 {
      %mul3A_774 = arith.constant 4 : i32
      %mul3A_775 = arith.muli %mul3A_774, %scan3A_772 : i32
      %add3A_776 = arith.constant 3 : i32
      %add3A_777 = arith.addi %mul3A_775, %add3A_776 : i32
      %dma_wait3A_778 = arith.constant 0 : i32
      %dma_wait3A_779 = tpu.memref_slice %arg6[%add3A_777, %dma_wait3A_778] : memref<25x80xi32, #tpu.memory_space<vmem>> -> memref<1x80xi32, #tpu.memory_space<vmem>>
      %dma_wait3A_780 = tpu.memref_squeeze %dma_wait3A_779 : memref<1x80xi32, #tpu.memory_space<vmem>> -> memref<80xi32, #tpu.memory_space<vmem>>
      %dma_wait3A_781 = arith.constant 0 : i32
      %dma_wait3A_782 = arith.constant 0 : i32
      %dma_wait3A_783 = tpu.memref_slice %arg2[%dma_wait3A_781, %dma_wait3A_782] : memref<10112x128xf32, #tpu.memory_space<hbm>> -> memref<10112x128xf32, #tpu.memory_space<hbm>>
      tpu.wait_indirect_dma semaphore(%arg16 : memref<!tpu.dma_semaphore, #tpu.memory_space<semaphore_mem>>) src(%dma_wait3A_783 : memref<10112x128xf32, #tpu.memory_space<hbm>>) dst(%arg11 : memref<80x128xf32, #tpu.memory_space<vmem>>)
      %dma_start3A_784 = arith.constant 0 : i32
      %dma_start3A_785 = tpu.memref_slice %arg7[%add3A_777, %dma_start3A_784] : memref<25x80xi32, #tpu.memory_space<vmem>> -> memref<1x80xi32, #tpu.memory_space<vmem>>
      %dma_start3A_786 = tpu.memref_squeeze %dma_start3A_785 : memref<1x80xi32, #tpu.memory_space<vmem>> -> memref<80xi32, #tpu.memory_space<vmem>>
      %dma_start3A_787 = arith.constant 0 : i32
      %dma_start3A_788 = arith.constant 0 : i32
      %dma_start3A_789 = tpu.memref_slice %arg12[%dma_start3A_787, %dma_start3A_788] : memref<10112x128xf32, #tpu.memory_space<vmem_shared>> -> memref<10112x128xf32, #tpu.memory_space<vmem_shared>>
      tpu.enqueue_indirect_dma source(%arg11 : memref<80x128xf32, #tpu.memory_space<vmem>>) target(%dma_start3A_789 : memref<10112x128xf32, #tpu.memory_space<vmem_shared>>) offsets(%dma_start3A_786 : memref<80xi32, #tpu.memory_space<vmem>>) semaphore(%arg20 : memref<!tpu.dma_semaphore, #tpu.memory_space<semaphore_mem>>) {add = true}
      %sub3A = arith.constant 2 : i32
      %sub3A_790 = arith.subi %add3A_777, %sub3A : i32
      %dma_wait3A_791 = arith.constant 0 : i32
      %dma_wait3A_792 = tpu.memref_slice %arg7[%sub3A_790, %dma_wait3A_791] : memref<25x80xi32, #tpu.memory_space<vmem>> -> memref<1x80xi32, #tpu.memory_space<vmem>>
      %dma_wait3A_793 = tpu.memref_squeeze %dma_wait3A_792 : memref<1x80xi32, #tpu.memory_space<vmem>> -> memref<80xi32, #tpu.memory_space<vmem>>
      %dma_wait3A_794 = arith.constant 0 : i32
      %dma_wait3A_795 = arith.constant 0 : i32
      %dma_wait3A_796 = tpu.memref_slice %arg12[%dma_wait3A_794, %dma_wait3A_795] : memref<10112x128xf32, #tpu.memory_space<vmem_shared>> -> memref<10112x128xf32, #tpu.memory_space<vmem_shared>>
      tpu.wait_indirect_dma semaphore(%arg18 : memref<!tpu.dma_semaphore, #tpu.memory_space<semaphore_mem>>) src(%arg9 : memref<80x128xf32, #tpu.memory_space<vmem>>) dst(%dma_wait3A_796 : memref<10112x128xf32, #tpu.memory_space<vmem_shared>>)
      %add3A_797 = arith.constant 2 : i32
      %add3A_798 = arith.addi %add3A_777, %add3A_797 : i32
      %dma_start3A_799 = arith.constant 0 : i32
      %dma_start3A_800 = tpu.memref_slice %arg6[%add3A_798, %dma_start3A_799] : memref<25x80xi32, #tpu.memory_space<vmem>> -> memref<1x80xi32, #tpu.memory_space<vmem>>
      %dma_start3A_801 = tpu.memref_squeeze %dma_start3A_800 : memref<1x80xi32, #tpu.memory_space<vmem>> -> memref<80xi32, #tpu.memory_space<vmem>>
      %dma_start3A_802 = arith.constant 0 : i32
      %dma_start3A_803 = arith.constant 0 : i32
      %dma_start3A_804 = tpu.memref_slice %arg2[%dma_start3A_802, %dma_start3A_803] : memref<10112x128xf32, #tpu.memory_space<hbm>> -> memref<10112x128xf32, #tpu.memory_space<hbm>>
      tpu.enqueue_indirect_dma source(%dma_start3A_804 : memref<10112x128xf32, #tpu.memory_space<hbm>>) target(%arg9 : memref<80x128xf32, #tpu.memory_space<vmem>>) offsets(%dma_start3A_801 : memref<80xi32, #tpu.memory_space<vmem>>) semaphore(%arg14 : memref<!tpu.dma_semaphore, #tpu.memory_space<semaphore_mem>>)
      %add3A_805 = arith.constant 1 : i32
      %add3A_806 = arith.addi %add3A_777, %add3A_805 : i32
      %dma_wait3A_807 = arith.constant 0 : i32
      %dma_wait3A_808 = tpu.memref_slice %arg6[%add3A_806, %dma_wait3A_807] : memref<25x80xi32, #tpu.memory_space<vmem>> -> memref<1x80xi32, #tpu.memory_space<vmem>>
      %dma_wait3A_809 = tpu.memref_squeeze %dma_wait3A_808 : memref<1x80xi32, #tpu.memory_space<vmem>> -> memref<80xi32, #tpu.memory_space<vmem>>
      %dma_wait3A_810 = arith.constant 0 : i32
      %dma_wait3A_811 = arith.constant 0 : i32
      %dma_wait3A_812 = tpu.memref_slice %arg2[%dma_wait3A_810, %dma_wait3A_811] : memref<10112x128xf32, #tpu.memory_space<hbm>> -> memref<10112x128xf32, #tpu.memory_space<hbm>>
      tpu.wait_indirect_dma semaphore(%arg13 : memref<!tpu.dma_semaphore, #tpu.memory_space<semaphore_mem>>) src(%dma_wait3A_812 : memref<10112x128xf32, #tpu.memory_space<hbm>>) dst(%arg8 : memref<80x128xf32, #tpu.memory_space<vmem>>)
      %add3A_813 = arith.constant 1 : i32
      %add3A_814 = arith.addi %add3A_777, %add3A_813 : i32
      %dma_start3A_815 = arith.constant 0 : i32
      %dma_start3A_816 = tpu.memref_slice %arg7[%add3A_814, %dma_start3A_815] : memref<25x80xi32, #tpu.memory_space<vmem>> -> memref<1x80xi32, #tpu.memory_space<vmem>>
      %dma_start3A_817 = tpu.memref_squeeze %dma_start3A_816 : memref<1x80xi32, #tpu.memory_space<vmem>> -> memref<80xi32, #tpu.memory_space<vmem>>
      %dma_start3A_818 = arith.constant 0 : i32
      %dma_start3A_819 = arith.constant 0 : i32
      %dma_start3A_820 = tpu.memref_slice %arg12[%dma_start3A_818, %dma_start3A_819] : memref<10112x128xf32, #tpu.memory_space<vmem_shared>> -> memref<10112x128xf32, #tpu.memory_space<vmem_shared>>
      tpu.enqueue_indirect_dma source(%arg8 : memref<80x128xf32, #tpu.memory_space<vmem>>) target(%dma_start3A_820 : memref<10112x128xf32, #tpu.memory_space<vmem_shared>>) offsets(%dma_start3A_817 : memref<80xi32, #tpu.memory_space<vmem>>) semaphore(%arg17 : memref<!tpu.dma_semaphore, #tpu.memory_space<semaphore_mem>>) {add = true}
      %sub3A_821 = arith.constant 1 : i32
      %sub3A_822 = arith.subi %add3A_777, %sub3A_821 : i32
      %dma_wait3A_823 = arith.constant 0 : i32
      %dma_wait3A_824 = tpu.memref_slice %arg7[%sub3A_822, %dma_wait3A_823] : memref<25x80xi32, #tpu.memory_space<vmem>> -> memref<1x80xi32, #tpu.memory_space<vmem>>
      %dma_wait3A_825 = tpu.memref_squeeze %dma_wait3A_824 : memref<1x80xi32, #tpu.memory_space<vmem>> -> memref<80xi32, #tpu.memory_space<vmem>>
      %dma_wait3A_826 = arith.constant 0 : i32
      %dma_wait3A_827 = arith.constant 0 : i32
      %dma_wait3A_828 = tpu.memref_slice %arg12[%dma_wait3A_826, %dma_wait3A_827] : memref<10112x128xf32, #tpu.memory_space<vmem_shared>> -> memref<10112x128xf32, #tpu.memory_space<vmem_shared>>
      tpu.wait_indirect_dma semaphore(%arg19 : memref<!tpu.dma_semaphore, #tpu.memory_space<semaphore_mem>>) src(%arg10 : memref<80x128xf32, #tpu.memory_space<vmem>>) dst(%dma_wait3A_828 : memref<10112x128xf32, #tpu.memory_space<vmem_shared>>)
      %add3A_829 = arith.constant 3 : i32
      %add3A_830 = arith.addi %add3A_777, %add3A_829 : i32
      %dma_start3A_831 = arith.constant 0 : i32
      %dma_start3A_832 = tpu.memref_slice %arg6[%add3A_830, %dma_start3A_831] : memref<25x80xi32, #tpu.memory_space<vmem>> -> memref<1x80xi32, #tpu.memory_space<vmem>>
      %dma_start3A_833 = tpu.memref_squeeze %dma_start3A_832 : memref<1x80xi32, #tpu.memory_space<vmem>> -> memref<80xi32, #tpu.memory_space<vmem>>
      %dma_start3A_834 = arith.constant 0 : i32
      %dma_start3A_835 = arith.constant 0 : i32
      %dma_start3A_836 = tpu.memref_slice %arg2[%dma_start3A_834, %dma_start3A_835] : memref<10112x128xf32, #tpu.memory_space<hbm>> -> memref<10112x128xf32, #tpu.memory_space<hbm>>
      tpu.enqueue_indirect_dma source(%dma_start3A_836 : memref<10112x128xf32, #tpu.memory_space<hbm>>) target(%arg10 : memref<80x128xf32, #tpu.memory_space<vmem>>) offsets(%dma_start3A_833 : memref<80xi32, #tpu.memory_space<vmem>>) semaphore(%arg15 : memref<!tpu.dma_semaphore, #tpu.memory_space<semaphore_mem>>)
      %add3A_837 = arith.constant 2 : i32
      %add3A_838 = arith.addi %add3A_777, %add3A_837 : i32
      %dma_wait3A_839 = arith.constant 0 : i32
      %dma_wait3A_840 = tpu.memref_slice %arg6[%add3A_838, %dma_wait3A_839] : memref<25x80xi32, #tpu.memory_space<vmem>> -> memref<1x80xi32, #tpu.memory_space<vmem>>
      %dma_wait3A_841 = tpu.memref_squeeze %dma_wait3A_840 : memref<1x80xi32, #tpu.memory_space<vmem>> -> memref<80xi32, #tpu.memory_space<vmem>>
      %dma_wait3A_842 = arith.constant 0 : i32
      %dma_wait3A_843 = arith.constant 0 : i32
      %dma_wait3A_844 = tpu.memref_slice %arg2[%dma_wait3A_842, %dma_wait3A_843] : memref<10112x128xf32, #tpu.memory_space<hbm>> -> memref<10112x128xf32, #tpu.memory_space<hbm>>
      tpu.wait_indirect_dma semaphore(%arg14 : memref<!tpu.dma_semaphore, #tpu.memory_space<semaphore_mem>>) src(%dma_wait3A_844 : memref<10112x128xf32, #tpu.memory_space<hbm>>) dst(%arg9 : memref<80x128xf32, #tpu.memory_space<vmem>>)
      %add3A_845 = arith.constant 2 : i32
      %add3A_846 = arith.addi %add3A_777, %add3A_845 : i32
      %dma_start3A_847 = arith.constant 0 : i32
      %dma_start3A_848 = tpu.memref_slice %arg7[%add3A_846, %dma_start3A_847] : memref<25x80xi32, #tpu.memory_space<vmem>> -> memref<1x80xi32, #tpu.memory_space<vmem>>
      %dma_start3A_849 = tpu.memref_squeeze %dma_start3A_848 : memref<1x80xi32, #tpu.memory_space<vmem>> -> memref<80xi32, #tpu.memory_space<vmem>>
      %dma_start3A_850 = arith.constant 0 : i32
      %dma_start3A_851 = arith.constant 0 : i32
      %dma_start3A_852 = tpu.memref_slice %arg12[%dma_start3A_850, %dma_start3A_851] : memref<10112x128xf32, #tpu.memory_space<vmem_shared>> -> memref<10112x128xf32, #tpu.memory_space<vmem_shared>>
      tpu.enqueue_indirect_dma source(%arg9 : memref<80x128xf32, #tpu.memory_space<vmem>>) target(%dma_start3A_852 : memref<10112x128xf32, #tpu.memory_space<vmem_shared>>) offsets(%dma_start3A_849 : memref<80xi32, #tpu.memory_space<vmem>>) semaphore(%arg18 : memref<!tpu.dma_semaphore, #tpu.memory_space<semaphore_mem>>) {add = true}
      %dma_wait3A_853 = arith.constant 0 : i32
      %dma_wait3A_854 = tpu.memref_slice %arg7[%add3A_777, %dma_wait3A_853] : memref<25x80xi32, #tpu.memory_space<vmem>> -> memref<1x80xi32, #tpu.memory_space<vmem>>
      %dma_wait3A_855 = tpu.memref_squeeze %dma_wait3A_854 : memref<1x80xi32, #tpu.memory_space<vmem>> -> memref<80xi32, #tpu.memory_space<vmem>>
      %dma_wait3A_856 = arith.constant 0 : i32
      %dma_wait3A_857 = arith.constant 0 : i32
      %dma_wait3A_858 = tpu.memref_slice %arg12[%dma_wait3A_856, %dma_wait3A_857] : memref<10112x128xf32, #tpu.memory_space<vmem_shared>> -> memref<10112x128xf32, #tpu.memory_space<vmem_shared>>
      tpu.wait_indirect_dma semaphore(%arg20 : memref<!tpu.dma_semaphore, #tpu.memory_space<semaphore_mem>>) src(%arg11 : memref<80x128xf32, #tpu.memory_space<vmem>>) dst(%dma_wait3A_858 : memref<10112x128xf32, #tpu.memory_space<vmem_shared>>)
      %add3A_859 = arith.constant 4 : i32
      %add3A_860 = arith.addi %add3A_777, %add3A_859 : i32
      %dma_start3A_861 = arith.constant 0 : i32
      %dma_start3A_862 = tpu.memref_slice %arg6[%add3A_860, %dma_start3A_861] : memref<25x80xi32, #tpu.memory_space<vmem>> -> memref<1x80xi32, #tpu.memory_space<vmem>>
      %dma_start3A_863 = tpu.memref_squeeze %dma_start3A_862 : memref<1x80xi32, #tpu.memory_space<vmem>> -> memref<80xi32, #tpu.memory_space<vmem>>
      %dma_start3A_864 = arith.constant 0 : i32
      %dma_start3A_865 = arith.constant 0 : i32
      %dma_start3A_866 = tpu.memref_slice %arg2[%dma_start3A_864, %dma_start3A_865] : memref<10112x128xf32, #tpu.memory_space<hbm>> -> memref<10112x128xf32, #tpu.memory_space<hbm>>
      tpu.enqueue_indirect_dma source(%dma_start3A_866 : memref<10112x128xf32, #tpu.memory_space<hbm>>) target(%arg11 : memref<80x128xf32, #tpu.memory_space<vmem>>) offsets(%dma_start3A_863 : memref<80xi32, #tpu.memory_space<vmem>>) semaphore(%arg16 : memref<!tpu.dma_semaphore, #tpu.memory_space<semaphore_mem>>)
      %add3A_867 = arith.constant 3 : i32
      %add3A_868 = arith.addi %add3A_777, %add3A_867 : i32
      %dma_wait3A_869 = arith.constant 0 : i32
      %dma_wait3A_870 = tpu.memref_slice %arg6[%add3A_868, %dma_wait3A_869] : memref<25x80xi32, #tpu.memory_space<vmem>> -> memref<1x80xi32, #tpu.memory_space<vmem>>
      %dma_wait3A_871 = tpu.memref_squeeze %dma_wait3A_870 : memref<1x80xi32, #tpu.memory_space<vmem>> -> memref<80xi32, #tpu.memory_space<vmem>>
      %dma_wait3A_872 = arith.constant 0 : i32
      %dma_wait3A_873 = arith.constant 0 : i32
      %dma_wait3A_874 = tpu.memref_slice %arg2[%dma_wait3A_872, %dma_wait3A_873] : memref<10112x128xf32, #tpu.memory_space<hbm>> -> memref<10112x128xf32, #tpu.memory_space<hbm>>
      tpu.wait_indirect_dma semaphore(%arg15 : memref<!tpu.dma_semaphore, #tpu.memory_space<semaphore_mem>>) src(%dma_wait3A_874 : memref<10112x128xf32, #tpu.memory_space<hbm>>) dst(%arg10 : memref<80x128xf32, #tpu.memory_space<vmem>>)
      %add3A_875 = arith.constant 3 : i32
      %add3A_876 = arith.addi %add3A_777, %add3A_875 : i32
      %dma_start3A_877 = arith.constant 0 : i32
      %dma_start3A_878 = tpu.memref_slice %arg7[%add3A_876, %dma_start3A_877] : memref<25x80xi32, #tpu.memory_space<vmem>> -> memref<1x80xi32, #tpu.memory_space<vmem>>
      %dma_start3A_879 = tpu.memref_squeeze %dma_start3A_878 : memref<1x80xi32, #tpu.memory_space<vmem>> -> memref<80xi32, #tpu.memory_space<vmem>>
      %dma_start3A_880 = arith.constant 0 : i32
      %dma_start3A_881 = arith.constant 0 : i32
      %dma_start3A_882 = tpu.memref_slice %arg12[%dma_start3A_880, %dma_start3A_881] : memref<10112x128xf32, #tpu.memory_space<vmem_shared>> -> memref<10112x128xf32, #tpu.memory_space<vmem_shared>>
      tpu.enqueue_indirect_dma source(%arg10 : memref<80x128xf32, #tpu.memory_space<vmem>>) target(%dma_start3A_882 : memref<10112x128xf32, #tpu.memory_space<vmem_shared>>) offsets(%dma_start3A_879 : memref<80xi32, #tpu.memory_space<vmem>>) semaphore(%arg19 : memref<!tpu.dma_semaphore, #tpu.memory_space<semaphore_mem>>) {add = true}
      %add3A_883 = arith.constant 1 : i32
      %add3A_884 = arith.addi %add3A_777, %add3A_883 : i32
      %dma_wait3A_885 = arith.constant 0 : i32
      %dma_wait3A_886 = tpu.memref_slice %arg7[%add3A_884, %dma_wait3A_885] : memref<25x80xi32, #tpu.memory_space<vmem>> -> memref<1x80xi32, #tpu.memory_space<vmem>>
      %dma_wait3A_887 = tpu.memref_squeeze %dma_wait3A_886 : memref<1x80xi32, #tpu.memory_space<vmem>> -> memref<80xi32, #tpu.memory_space<vmem>>
      %dma_wait3A_888 = arith.constant 0 : i32
      %dma_wait3A_889 = arith.constant 0 : i32
      %dma_wait3A_890 = tpu.memref_slice %arg12[%dma_wait3A_888, %dma_wait3A_889] : memref<10112x128xf32, #tpu.memory_space<vmem_shared>> -> memref<10112x128xf32, #tpu.memory_space<vmem_shared>>
      tpu.wait_indirect_dma semaphore(%arg17 : memref<!tpu.dma_semaphore, #tpu.memory_space<semaphore_mem>>) src(%arg8 : memref<80x128xf32, #tpu.memory_space<vmem>>) dst(%dma_wait3A_890 : memref<10112x128xf32, #tpu.memory_space<vmem_shared>>)
      %add3A_891 = arith.constant 5 : i32
      %add3A_892 = arith.addi %add3A_777, %add3A_891 : i32
      %dma_start3A_893 = arith.constant 0 : i32
      %dma_start3A_894 = tpu.memref_slice %arg6[%add3A_892, %dma_start3A_893] : memref<25x80xi32, #tpu.memory_space<vmem>> -> memref<1x80xi32, #tpu.memory_space<vmem>>
      %dma_start3A_895 = tpu.memref_squeeze %dma_start3A_894 : memref<1x80xi32, #tpu.memory_space<vmem>> -> memref<80xi32, #tpu.memory_space<vmem>>
      %dma_start3A_896 = arith.constant 0 : i32
      %dma_start3A_897 = arith.constant 0 : i32
      %dma_start3A_898 = tpu.memref_slice %arg2[%dma_start3A_896, %dma_start3A_897] : memref<10112x128xf32, #tpu.memory_space<hbm>> -> memref<10112x128xf32, #tpu.memory_space<hbm>>
      tpu.enqueue_indirect_dma source(%dma_start3A_898 : memref<10112x128xf32, #tpu.memory_space<hbm>>) target(%arg8 : memref<80x128xf32, #tpu.memory_space<vmem>>) offsets(%dma_start3A_895 : memref<80xi32, #tpu.memory_space<vmem>>) semaphore(%arg13 : memref<!tpu.dma_semaphore, #tpu.memory_space<semaphore_mem>>)
      %scan3A_899 = arith.constant 0 : i32
      scf.yield %scan3A_899 : i32
    }
    %scan3A_710 = arith.constant 5 : i32
    %dma_wait3A_711 = arith.constant 23 : i32
    %dma_wait3A_712 = arith.constant 0 : i32
    %dma_wait3A_713 = tpu.memref_slice %arg6[%dma_wait3A_711, %dma_wait3A_712] : memref<25x80xi32, #tpu.memory_space<vmem>> -> memref<1x80xi32, #tpu.memory_space<vmem>>
    %dma_wait3A_714 = tpu.memref_squeeze %dma_wait3A_713 : memref<1x80xi32, #tpu.memory_space<vmem>> -> memref<80xi32, #tpu.memory_space<vmem>>
    %dma_wait3A_715 = arith.constant 0 : i32
    %dma_wait3A_716 = arith.constant 0 : i32
    %dma_wait3A_717 = tpu.memref_slice %arg2[%dma_wait3A_715, %dma_wait3A_716] : memref<10112x128xf32, #tpu.memory_space<hbm>> -> memref<10112x128xf32, #tpu.memory_space<hbm>>
    tpu.wait_indirect_dma semaphore(%arg16 : memref<!tpu.dma_semaphore, #tpu.memory_space<semaphore_mem>>) src(%dma_wait3A_717 : memref<10112x128xf32, #tpu.memory_space<hbm>>) dst(%arg11 : memref<80x128xf32, #tpu.memory_space<vmem>>)
    %dma_start3A_718 = arith.constant 23 : i32
    %dma_start3A_719 = arith.constant 0 : i32
    %dma_start3A_720 = tpu.memref_slice %arg7[%dma_start3A_718, %dma_start3A_719] : memref<25x80xi32, #tpu.memory_space<vmem>> -> memref<1x80xi32, #tpu.memory_space<vmem>>
    %dma_start3A_721 = tpu.memref_squeeze %dma_start3A_720 : memref<1x80xi32, #tpu.memory_space<vmem>> -> memref<80xi32, #tpu.memory_space<vmem>>
    %dma_start3A_722 = arith.constant 0 : i32
    %dma_start3A_723 = arith.constant 0 : i32
    %dma_start3A_724 = tpu.memref_slice %arg12[%dma_start3A_722, %dma_start3A_723] : memref<10112x128xf32, #tpu.memory_space<vmem_shared>> -> memref<10112x128xf32, #tpu.memory_space<vmem_shared>>
    tpu.enqueue_indirect_dma source(%arg11 : memref<80x128xf32, #tpu.memory_space<vmem>>) target(%dma_start3A_724 : memref<10112x128xf32, #tpu.memory_space<vmem_shared>>) offsets(%dma_start3A_721 : memref<80xi32, #tpu.memory_space<vmem>>) semaphore(%arg20 : memref<!tpu.dma_semaphore, #tpu.memory_space<semaphore_mem>>) {add = true}
    %dma_wait3A_725 = arith.constant 21 : i32
    %dma_wait3A_726 = arith.constant 0 : i32
    %dma_wait3A_727 = tpu.memref_slice %arg7[%dma_wait3A_725, %dma_wait3A_726] : memref<25x80xi32, #tpu.memory_space<vmem>> -> memref<1x80xi32, #tpu.memory_space<vmem>>
    %dma_wait3A_728 = tpu.memref_squeeze %dma_wait3A_727 : memref<1x80xi32, #tpu.memory_space<vmem>> -> memref<80xi32, #tpu.memory_space<vmem>>
    %dma_wait3A_729 = arith.constant 0 : i32
    %dma_wait3A_730 = arith.constant 0 : i32
    %dma_wait3A_731 = tpu.memref_slice %arg12[%dma_wait3A_729, %dma_wait3A_730] : memref<10112x128xf32, #tpu.memory_space<vmem_shared>> -> memref<10112x128xf32, #tpu.memory_space<vmem_shared>>
    tpu.wait_indirect_dma semaphore(%arg18 : memref<!tpu.dma_semaphore, #tpu.memory_space<semaphore_mem>>) src(%arg9 : memref<80x128xf32, #tpu.memory_space<vmem>>) dst(%dma_wait3A_731 : memref<10112x128xf32, #tpu.memory_space<vmem_shared>>)
    %dma_wait3A_732 = arith.constant 24 : i32
    %dma_wait3A_733 = arith.constant 0 : i32
    %dma_wait3A_734 = tpu.memref_slice %arg6[%dma_wait3A_732, %dma_wait3A_733] : memref<25x80xi32, #tpu.memory_space<vmem>> -> memref<1x80xi32, #tpu.memory_space<vmem>>
    %dma_wait3A_735 = tpu.memref_squeeze %dma_wait3A_734 : memref<1x80xi32, #tpu.memory_space<vmem>> -> memref<80xi32, #tpu.memory_space<vmem>>
    %dma_wait3A_736 = arith.constant 0 : i32
    %dma_wait3A_737 = arith.constant 0 : i32
    %dma_wait3A_738 = tpu.memref_slice %arg2[%dma_wait3A_736, %dma_wait3A_737] : memref<10112x128xf32, #tpu.memory_space<hbm>> -> memref<10112x128xf32, #tpu.memory_space<hbm>>
    tpu.wait_indirect_dma semaphore(%arg13 : memref<!tpu.dma_semaphore, #tpu.memory_space<semaphore_mem>>) src(%dma_wait3A_738 : memref<10112x128xf32, #tpu.memory_space<hbm>>) dst(%arg8 : memref<80x128xf32, #tpu.memory_space<vmem>>)
    %dma_start3A_739 = arith.constant 24 : i32
    %dma_start3A_740 = arith.constant 0 : i32
    %dma_start3A_741 = tpu.memref_slice %arg7[%dma_start3A_739, %dma_start3A_740] : memref<25x80xi32, #tpu.memory_space<vmem>> -> memref<1x80xi32, #tpu.memory_space<vmem>>
    %dma_start3A_742 = tpu.memref_squeeze %dma_start3A_741 : memref<1x80xi32, #tpu.memory_space<vmem>> -> memref<80xi32, #tpu.memory_space<vmem>>
    %dma_start3A_743 = arith.constant 0 : i32
    %dma_start3A_744 = arith.constant 0 : i32
    %dma_start3A_745 = tpu.memref_slice %arg12[%dma_start3A_743, %dma_start3A_744] : memref<10112x128xf32, #tpu.memory_space<vmem_shared>> -> memref<10112x128xf32, #tpu.memory_space<vmem_shared>>
    tpu.enqueue_indirect_dma source(%arg8 : memref<80x128xf32, #tpu.memory_space<vmem>>) target(%dma_start3A_745 : memref<10112x128xf32, #tpu.memory_space<vmem_shared>>) offsets(%dma_start3A_742 : memref<80xi32, #tpu.memory_space<vmem>>) semaphore(%arg17 : memref<!tpu.dma_semaphore, #tpu.memory_space<semaphore_mem>>) {add = true}
    %dma_wait3A_746 = arith.constant 22 : i32
    %dma_wait3A_747 = arith.constant 0 : i32
    %dma_wait3A_748 = tpu.memref_slice %arg7[%dma_wait3A_746, %dma_wait3A_747] : memref<25x80xi32, #tpu.memory_space<vmem>> -> memref<1x80xi32, #tpu.memory_space<vmem>>
    %dma_wait3A_749 = tpu.memref_squeeze %dma_wait3A_748 : memref<1x80xi32, #tpu.memory_space<vmem>> -> memref<80xi32, #tpu.memory_space<vmem>>
    %dma_wait3A_750 = arith.constant 0 : i32
    %dma_wait3A_751 = arith.constant 0 : i32
    %dma_wait3A_752 = tpu.memref_slice %arg12[%dma_wait3A_750, %dma_wait3A_751] : memref<10112x128xf32, #tpu.memory_space<vmem_shared>> -> memref<10112x128xf32, #tpu.memory_space<vmem_shared>>
    tpu.wait_indirect_dma semaphore(%arg19 : memref<!tpu.dma_semaphore, #tpu.memory_space<semaphore_mem>>) src(%arg10 : memref<80x128xf32, #tpu.memory_space<vmem>>) dst(%dma_wait3A_752 : memref<10112x128xf32, #tpu.memory_space<vmem_shared>>)
    %dma_wait3A_753 = arith.constant 23 : i32
    %dma_wait3A_754 = arith.constant 0 : i32
    %dma_wait3A_755 = tpu.memref_slice %arg7[%dma_wait3A_753, %dma_wait3A_754] : memref<25x80xi32, #tpu.memory_space<vmem>> -> memref<1x80xi32, #tpu.memory_space<vmem>>
    %dma_wait3A_756 = tpu.memref_squeeze %dma_wait3A_755 : memref<1x80xi32, #tpu.memory_space<vmem>> -> memref<80xi32, #tpu.memory_space<vmem>>
    %dma_wait3A_757 = arith.constant 0 : i32
    %dma_wait3A_758 = arith.constant 0 : i32
    %dma_wait3A_759 = tpu.memref_slice %arg12[%dma_wait3A_757, %dma_wait3A_758] : memref<10112x128xf32, #tpu.memory_space<vmem_shared>> -> memref<10112x128xf32, #tpu.memory_space<vmem_shared>>
    tpu.wait_indirect_dma semaphore(%arg20 : memref<!tpu.dma_semaphore, #tpu.memory_space<semaphore_mem>>) src(%arg11 : memref<80x128xf32, #tpu.memory_space<vmem>>) dst(%dma_wait3A_759 : memref<10112x128xf32, #tpu.memory_space<vmem_shared>>)
    %dma_wait3A_760 = arith.constant 24 : i32
    %dma_wait3A_761 = arith.constant 0 : i32
    %dma_wait3A_762 = tpu.memref_slice %arg7[%dma_wait3A_760, %dma_wait3A_761] : memref<25x80xi32, #tpu.memory_space<vmem>> -> memref<1x80xi32, #tpu.memory_space<vmem>>
    %dma_wait3A_763 = tpu.memref_squeeze %dma_wait3A_762 : memref<1x80xi32, #tpu.memory_space<vmem>> -> memref<80xi32, #tpu.memory_space<vmem>>
    %dma_wait3A_764 = arith.constant 0 : i32
    %dma_wait3A_765 = arith.constant 0 : i32
    %dma_wait3A_766 = tpu.memref_slice %arg12[%dma_wait3A_764, %dma_wait3A_765] : memref<10112x128xf32, #tpu.memory_space<vmem_shared>> -> memref<10112x128xf32, #tpu.memory_space<vmem_shared>>
    tpu.wait_indirect_dma semaphore(%arg17 : memref<!tpu.dma_semaphore, #tpu.memory_space<semaphore_mem>>) src(%arg8 : memref<80x128xf32, #tpu.memory_space<vmem>>) dst(%dma_wait3A_766 : memref<10112x128xf32, #tpu.memory_space<vmem_shared>>)
    %barrier3A_767 = arith.constant 0 : index
    tpu.barrier barrier_id(%barrier3A_767)
    %mul3A_768 = arith.constant 632 : i32
    %mul3A_769 = arith.muli %arg1, %mul3A_768 : i32
    %mul3A_770 = arith.constant 632 : i32
    %mul3A_771 = arith.muli %arg1, %mul3A_770 : i32
    "tpu.region"() ({
      %run_scoped3A_772 = tpu.sem_alloc : memref<!tpu.dma_semaphore, #tpu.memory_space<semaphore_mem>>
      %dma_start3A_773 = arith.constant 0 : i32
      %dma_start3A_774 = tpu.memref_slice %arg5[%arg0, %mul3A_771, %dma_start3A_773] : memref<2x10112x128xf32, #tpu.memory_space<hbm>> -> memref<1x632x128xf32, #tpu.memory_space<hbm>>
      %dma_start3A_775 = tpu.memref_squeeze %dma_start3A_774 : memref<1x632x128xf32, #tpu.memory_space<hbm>> -> memref<632x128xf32, #tpu.memory_space<hbm>>
      %dma_start3A_776 = arith.constant 0 : i32
      %dma_start3A_777 = tpu.memref_slice %arg12[%mul3A_769, %dma_start3A_776] : memref<10112x128xf32, #tpu.memory_space<vmem_shared>> -> memref<632x128xf32, #tpu.memory_space<vmem_shared>>
      tpu.enqueue_dma source(%dma_start3A_777 : memref<632x128xf32, #tpu.memory_space<vmem_shared>>) target(%dma_start3A_775 : memref<632x128xf32, #tpu.memory_space<hbm>>) target_semaphore(%run_scoped3A_772 : memref<!tpu.dma_semaphore, #tpu.memory_space<semaphore_mem>>)
      %dma_wait3A_778 = arith.constant 0 : i32
      %dma_wait3A_779 = tpu.memref_slice %arg5[%arg0, %mul3A_771, %dma_wait3A_778] : memref<2x10112x128xf32, #tpu.memory_space<hbm>> -> memref<1x632x128xf32, #tpu.memory_space<hbm>>
      %dma_wait3A_780 = tpu.memref_squeeze %dma_wait3A_779 : memref<1x632x128xf32, #tpu.memory_space<hbm>> -> memref<632x128xf32, #tpu.memory_space<hbm>>
      %dma_wait3A_781 = arith.constant 0 : i32
      %dma_wait3A_782 = tpu.memref_slice %arg12[%mul3A_769, %dma_wait3A_781] : memref<10112x128xf32, #tpu.memory_space<vmem_shared>> -> memref<632x128xf32, #tpu.memory_space<vmem_shared>>
      tpu.wait_dma2 semaphore(%run_scoped3A_772 : memref<!tpu.dma_semaphore, #tpu.memory_space<semaphore_mem>>) src(%dma_wait3A_782 : memref<632x128xf32, #tpu.memory_space<vmem_shared>>) dst(%dma_wait3A_780 : memref<632x128xf32, #tpu.memory_space<hbm>>)
      tpu.yield
    }) : () -> ()
    return
  }
}

#map = affine_map<(d0, d1) -> (0, 0, 0, 0)>
#map1 = affine_map<(d0, d1) -> (0, 0, 0)>
module attributes {stable_mosaic.version = 14 : i64} {
  func.func @_deg_body(%arg0: i32, %arg1: i32, %arg2: memref<32x5x25x80xi32, #tpu.memory_space<hbm>>, %arg3: memref<32x5x25x80xi32, #tpu.memory_space<hbm>>, %arg4: memref<32x5x25x80xi32, #tpu.memory_space<hbm>>, %arg5: memref<2x10112x128xf32, #tpu.memory_space<hbm>>, %arg6: memref<25x80xi32, #tpu.memory_space<vmem>>, %arg7: memref<25x80xi32, #tpu.memory_space<vmem>>, %arg8: memref<25x80xi32, #tpu.memory_space<vmem>>, %arg9: memref<80x128xf32, #tpu.memory_space<vmem>>, %arg10: memref<10112x128xf32, #tpu.memory_space<vmem_shared>>, %arg11: memref<!tpu.dma_semaphore, #tpu.memory_space<semaphore_mem>>) attributes {dimension_semantics = [#tpu.dimension_semantics<core_parallel>, #tpu.dimension_semantics<subcore_parallel>], iteration_bounds = array<i64: 2, 16>, scalar_prefetch = 0 : i64, scratch_operands = 6 : i64, tpu.core_type = #tpu.core_type<sc_vector_subcore>, window_params = [{transform_indices = #map}, {transform_indices = #map}, {transform_indices = #map}, {transform_indices = #map1}]} {
    %mul3A = arith.constant 16 : i32
    %mul3A_0 = arith.muli %arg0, %mul3A : i32
    %add3A = arith.addi %mul3A_0, %arg1 : i32
    %scan3A = arith.constant 0 : i32
    %scan3A_1 = arith.constant 0 : i32
    %scan3A_2 = arith.constant 80 : i32
    %scan3A_3 = arith.addi %scan3A_1, %scan3A_2 : i32
    %scan3A_4 = arith.constant 1 : i32
    %scan3A_5 = scf.for %scan3A_156 = %scan3A_1 to %scan3A_3 step %scan3A_4 iter_args(%scan3A_157 = %scan3A) -> (i32)  : i32 {
      %scan3A_158 = arith.constant 0 : i32
      %scan3A_159 = arith.constant 0 : i32
      %scan3A_160 = arith.constant 8 : i32
      %scan3A_161 = arith.addi %scan3A_159, %scan3A_160 : i32
      %scan3A_162 = arith.constant 1 : i32
      %scan3A_163 = scf.for %scan3A_165 = %scan3A_159 to %scan3A_161 step %scan3A_162 iter_args(%scan3A_166 = %scan3A_158) -> (i32)  : i32 {
        %broadcast_in_dim3A = arith.constant 0.000000e+00 : f32
        %broadcast_in_dim3A_167 = vector.broadcast %broadcast_in_dim3A : f32 to vector<16xf32>
        %mul3A_168 = arith.constant 16 : i32
        %mul3A_169 = arith.muli %scan3A_165, %mul3A_168 : i32
        %swap3A = arith.index_cast %scan3A_156 : i32 to index
        %swap3A_170 = arith.index_cast %mul3A_169 : i32 to index
        %swap3A_171 = tpu.vector_load %arg9[%swap3A, %swap3A_170] {strides = array<i32>} : memref<80x128xf32, #tpu.memory_space<vmem>>, vector<1x16xf32>,
        %swap3A_172 = vector.shape_cast %swap3A_171 : vector<1x16xf32> to vector<16xf32>
        %swap3A_173 = vector.shape_cast %broadcast_in_dim3A_167 : vector<16xf32> to vector<1x16xf32>
        tpu.vector_store %arg9[%swap3A, %swap3A_170], %swap3A_173 {strides = array<i32>} : memref<80x128xf32, #tpu.memory_space<vmem>>, vector<1x16xf32>,
        %scan3A_174 = arith.constant 0 : i32
        scf.yield %scan3A_174 : i32
      }
      %scan3A_164 = arith.constant 8 : i32
      scf.yield %scan3A_163 : i32
    }
    %scan3A_6 = arith.constant 80 : i32
    %mul3A_7 = arith.constant 632 : i32
    %mul3A_8 = arith.muli %arg1, %mul3A_7 : i32
    %add3A_9 = arith.constant 0 : i32
    %add3A_10 = arith.addi %mul3A_8, %add3A_9 : i32
    "tpu.region"() ({
      %run_scoped3A_156 = tpu.sem_alloc : memref<!tpu.dma_semaphore, #tpu.memory_space<semaphore_mem>>
      %dma_start3A = arith.constant 0 : i32
      %dma_start3A_157 = tpu.memref_slice %arg10[%add3A_10, %dma_start3A] : memref<10112x128xf32, #tpu.memory_space<vmem_shared>> -> memref<80x128xf32, #tpu.memory_space<vmem_shared>>
      %dma_start3A_158 = arith.constant 0 : i32
      %dma_start3A_159 = tpu.memref_slice %arg10[%add3A_10, %dma_start3A_158] : memref<10112x128xf32, #tpu.memory_space<vmem_shared>> -> memref<80x128xf32, #tpu.memory_space<vmem_shared>>
      tpu.enqueue_dma source(%arg9 : memref<80x128xf32, #tpu.memory_space<vmem>>) target(%dma_start3A_159 : memref<80x128xf32, #tpu.memory_space<vmem_shared>>) target_semaphore(%run_scoped3A_156 : memref<!tpu.dma_semaphore, #tpu.memory_space<semaphore_mem>>)
      %dma_wait3A = arith.constant 0 : i32
      %dma_wait3A_160 = tpu.memref_slice %arg10[%add3A_10, %dma_wait3A] : memref<10112x128xf32, #tpu.memory_space<vmem_shared>> -> memref<80x128xf32, #tpu.memory_space<vmem_shared>>
      %dma_wait3A_161 = arith.constant 0 : i32
      %dma_wait3A_162 = tpu.memref_slice %arg10[%add3A_10, %dma_wait3A_161] : memref<10112x128xf32, #tpu.memory_space<vmem_shared>> -> memref<80x128xf32, #tpu.memory_space<vmem_shared>>
      tpu.wait_dma2 semaphore(%run_scoped3A_156 : memref<!tpu.dma_semaphore, #tpu.memory_space<semaphore_mem>>) src(%arg9 : memref<80x128xf32, #tpu.memory_space<vmem>>) dst(%dma_wait3A_162 : memref<80x128xf32, #tpu.memory_space<vmem_shared>>)
      tpu.yield
    }) : () -> ()
    %add3A_11 = arith.constant 80 : i32
    %add3A_12 = arith.addi %mul3A_8, %add3A_11 : i32
    "tpu.region"() ({
      %run_scoped3A_156 = tpu.sem_alloc : memref<!tpu.dma_semaphore, #tpu.memory_space<semaphore_mem>>
      %dma_start3A = arith.constant 0 : i32
      %dma_start3A_157 = tpu.memref_slice %arg10[%add3A_12, %dma_start3A] : memref<10112x128xf32, #tpu.memory_space<vmem_shared>> -> memref<80x128xf32, #tpu.memory_space<vmem_shared>>
      %dma_start3A_158 = arith.constant 0 : i32
      %dma_start3A_159 = tpu.memref_slice %arg10[%add3A_12, %dma_start3A_158] : memref<10112x128xf32, #tpu.memory_space<vmem_shared>> -> memref<80x128xf32, #tpu.memory_space<vmem_shared>>
      tpu.enqueue_dma source(%arg9 : memref<80x128xf32, #tpu.memory_space<vmem>>) target(%dma_start3A_159 : memref<80x128xf32, #tpu.memory_space<vmem_shared>>) target_semaphore(%run_scoped3A_156 : memref<!tpu.dma_semaphore, #tpu.memory_space<semaphore_mem>>)
      %dma_wait3A = arith.constant 0 : i32
      %dma_wait3A_160 = tpu.memref_slice %arg10[%add3A_12, %dma_wait3A] : memref<10112x128xf32, #tpu.memory_space<vmem_shared>> -> memref<80x128xf32, #tpu.memory_space<vmem_shared>>
      %dma_wait3A_161 = arith.constant 0 : i32
      %dma_wait3A_162 = tpu.memref_slice %arg10[%add3A_12, %dma_wait3A_161] : memref<10112x128xf32, #tpu.memory_space<vmem_shared>> -> memref<80x128xf32, #tpu.memory_space<vmem_shared>>
      tpu.wait_dma2 semaphore(%run_scoped3A_156 : memref<!tpu.dma_semaphore, #tpu.memory_space<semaphore_mem>>) src(%arg9 : memref<80x128xf32, #tpu.memory_space<vmem>>) dst(%dma_wait3A_162 : memref<80x128xf32, #tpu.memory_space<vmem_shared>>)
      tpu.yield
    }) : () -> ()
    %add3A_13 = arith.constant 160 : i32
    %add3A_14 = arith.addi %mul3A_8, %add3A_13 : i32
    "tpu.region"() ({
      %run_scoped3A_156 = tpu.sem_alloc : memref<!tpu.dma_semaphore, #tpu.memory_space<semaphore_mem>>
      %dma_start3A = arith.constant 0 : i32
      %dma_start3A_157 = tpu.memref_slice %arg10[%add3A_14, %dma_start3A] : memref<10112x128xf32, #tpu.memory_space<vmem_shared>> -> memref<80x128xf32, #tpu.memory_space<vmem_shared>>
      %dma_start3A_158 = arith.constant 0 : i32
      %dma_start3A_159 = tpu.memref_slice %arg10[%add3A_14, %dma_start3A_158] : memref<10112x128xf32, #tpu.memory_space<vmem_shared>> -> memref<80x128xf32, #tpu.memory_space<vmem_shared>>
      tpu.enqueue_dma source(%arg9 : memref<80x128xf32, #tpu.memory_space<vmem>>) target(%dma_start3A_159 : memref<80x128xf32, #tpu.memory_space<vmem_shared>>) target_semaphore(%run_scoped3A_156 : memref<!tpu.dma_semaphore, #tpu.memory_space<semaphore_mem>>)
      %dma_wait3A = arith.constant 0 : i32
      %dma_wait3A_160 = tpu.memref_slice %arg10[%add3A_14, %dma_wait3A] : memref<10112x128xf32, #tpu.memory_space<vmem_shared>> -> memref<80x128xf32, #tpu.memory_space<vmem_shared>>
      %dma_wait3A_161 = arith.constant 0 : i32
      %dma_wait3A_162 = tpu.memref_slice %arg10[%add3A_14, %dma_wait3A_161] : memref<10112x128xf32, #tpu.memory_space<vmem_shared>> -> memref<80x128xf32, #tpu.memory_space<vmem_shared>>
      tpu.wait_dma2 semaphore(%run_scoped3A_156 : memref<!tpu.dma_semaphore, #tpu.memory_space<semaphore_mem>>) src(%arg9 : memref<80x128xf32, #tpu.memory_space<vmem>>) dst(%dma_wait3A_162 : memref<80x128xf32, #tpu.memory_space<vmem_shared>>)
      tpu.yield
    }) : () -> ()
    %add3A_15 = arith.constant 240 : i32
    %add3A_16 = arith.addi %mul3A_8, %add3A_15 : i32
    "tpu.region"() ({
      %run_scoped3A_156 = tpu.sem_alloc : memref<!tpu.dma_semaphore, #tpu.memory_space<semaphore_mem>>
      %dma_start3A = arith.constant 0 : i32
      %dma_start3A_157 = tpu.memref_slice %arg10[%add3A_16, %dma_start3A] : memref<10112x128xf32, #tpu.memory_space<vmem_shared>> -> memref<80x128xf32, #tpu.memory_space<vmem_shared>>
      %dma_start3A_158 = arith.constant 0 : i32
      %dma_start3A_159 = tpu.memref_slice %arg10[%add3A_16, %dma_start3A_158] : memref<10112x128xf32, #tpu.memory_space<vmem_shared>> -> memref<80x128xf32, #tpu.memory_space<vmem_shared>>
      tpu.enqueue_dma source(%arg9 : memref<80x128xf32, #tpu.memory_space<vmem>>) target(%dma_start3A_159 : memref<80x128xf32, #tpu.memory_space<vmem_shared>>) target_semaphore(%run_scoped3A_156 : memref<!tpu.dma_semaphore, #tpu.memory_space<semaphore_mem>>)
      %dma_wait3A = arith.constant 0 : i32
      %dma_wait3A_160 = tpu.memref_slice %arg10[%add3A_16, %dma_wait3A] : memref<10112x128xf32, #tpu.memory_space<vmem_shared>> -> memref<80x128xf32, #tpu.memory_space<vmem_shared>>
      %dma_wait3A_161 = arith.constant 0 : i32
      %dma_wait3A_162 = tpu.memref_slice %arg10[%add3A_16, %dma_wait3A_161] : memref<10112x128xf32, #tpu.memory_space<vmem_shared>> -> memref<80x128xf32, #tpu.memory_space<vmem_shared>>
      tpu.wait_dma2 semaphore(%run_scoped3A_156 : memref<!tpu.dma_semaphore, #tpu.memory_space<semaphore_mem>>) src(%arg9 : memref<80x128xf32, #tpu.memory_space<vmem>>) dst(%dma_wait3A_162 : memref<80x128xf32, #tpu.memory_space<vmem_shared>>)
      tpu.yield
    }) : () -> ()
    %add3A_17 = arith.constant 320 : i32
    %add3A_18 = arith.addi %mul3A_8, %add3A_17 : i32
    "tpu.region"() ({
      %run_scoped3A_156 = tpu.sem_alloc : memref<!tpu.dma_semaphore, #tpu.memory_space<semaphore_mem>>
      %dma_start3A = arith.constant 0 : i32
      %dma_start3A_157 = tpu.memref_slice %arg10[%add3A_18, %dma_start3A] : memref<10112x128xf32, #tpu.memory_space<vmem_shared>> -> memref<80x128xf32, #tpu.memory_space<vmem_shared>>
      %dma_start3A_158 = arith.constant 0 : i32
      %dma_start3A_159 = tpu.memref_slice %arg10[%add3A_18, %dma_start3A_158] : memref<10112x128xf32, #tpu.memory_space<vmem_shared>> -> memref<80x128xf32, #tpu.memory_space<vmem_shared>>
      tpu.enqueue_dma source(%arg9 : memref<80x128xf32, #tpu.memory_space<vmem>>) target(%dma_start3A_159 : memref<80x128xf32, #tpu.memory_space<vmem_shared>>) target_semaphore(%run_scoped3A_156 : memref<!tpu.dma_semaphore, #tpu.memory_space<semaphore_mem>>)
      %dma_wait3A = arith.constant 0 : i32
      %dma_wait3A_160 = tpu.memref_slice %arg10[%add3A_18, %dma_wait3A] : memref<10112x128xf32, #tpu.memory_space<vmem_shared>> -> memref<80x128xf32, #tpu.memory_space<vmem_shared>>
      %dma_wait3A_161 = arith.constant 0 : i32
      %dma_wait3A_162 = tpu.memref_slice %arg10[%add3A_18, %dma_wait3A_161] : memref<10112x128xf32, #tpu.memory_space<vmem_shared>> -> memref<80x128xf32, #tpu.memory_space<vmem_shared>>
      tpu.wait_dma2 semaphore(%run_scoped3A_156 : memref<!tpu.dma_semaphore, #tpu.memory_space<semaphore_mem>>) src(%arg9 : memref<80x128xf32, #tpu.memory_space<vmem>>) dst(%dma_wait3A_162 : memref<80x128xf32, #tpu.memory_space<vmem_shared>>)
      tpu.yield
    }) : () -> ()
    %add3A_19 = arith.constant 400 : i32
    %add3A_20 = arith.addi %mul3A_8, %add3A_19 : i32
    "tpu.region"() ({
      %run_scoped3A_156 = tpu.sem_alloc : memref<!tpu.dma_semaphore, #tpu.memory_space<semaphore_mem>>
      %dma_start3A = arith.constant 0 : i32
      %dma_start3A_157 = tpu.memref_slice %arg10[%add3A_20, %dma_start3A] : memref<10112x128xf32, #tpu.memory_space<vmem_shared>> -> memref<80x128xf32, #tpu.memory_space<vmem_shared>>
      %dma_start3A_158 = arith.constant 0 : i32
      %dma_start3A_159 = tpu.memref_slice %arg10[%add3A_20, %dma_start3A_158] : memref<10112x128xf32, #tpu.memory_space<vmem_shared>> -> memref<80x128xf32, #tpu.memory_space<vmem_shared>>
      tpu.enqueue_dma source(%arg9 : memref<80x128xf32, #tpu.memory_space<vmem>>) target(%dma_start3A_159 : memref<80x128xf32, #tpu.memory_space<vmem_shared>>) target_semaphore(%run_scoped3A_156 : memref<!tpu.dma_semaphore, #tpu.memory_space<semaphore_mem>>)
      %dma_wait3A = arith.constant 0 : i32
      %dma_wait3A_160 = tpu.memref_slice %arg10[%add3A_20, %dma_wait3A] : memref<10112x128xf32, #tpu.memory_space<vmem_shared>> -> memref<80x128xf32, #tpu.memory_space<vmem_shared>>
      %dma_wait3A_161 = arith.constant 0 : i32
      %dma_wait3A_162 = tpu.memref_slice %arg10[%add3A_20, %dma_wait3A_161] : memref<10112x128xf32, #tpu.memory_space<vmem_shared>> -> memref<80x128xf32, #tpu.memory_space<vmem_shared>>
      tpu.wait_dma2 semaphore(%run_scoped3A_156 : memref<!tpu.dma_semaphore, #tpu.memory_space<semaphore_mem>>) src(%arg9 : memref<80x128xf32, #tpu.memory_space<vmem>>) dst(%dma_wait3A_162 : memref<80x128xf32, #tpu.memory_space<vmem_shared>>)
      tpu.yield
    }) : () -> ()
    %add3A_21 = arith.constant 480 : i32
    %add3A_22 = arith.addi %mul3A_8, %add3A_21 : i32
    "tpu.region"() ({
      %run_scoped3A_156 = tpu.sem_alloc : memref<!tpu.dma_semaphore, #tpu.memory_space<semaphore_mem>>
      %dma_start3A = arith.constant 0 : i32
      %dma_start3A_157 = tpu.memref_slice %arg10[%add3A_22, %dma_start3A] : memref<10112x128xf32, #tpu.memory_space<vmem_shared>> -> memref<80x128xf32, #tpu.memory_space<vmem_shared>>
      %dma_start3A_158 = arith.constant 0 : i32
      %dma_start3A_159 = tpu.memref_slice %arg10[%add3A_22, %dma_start3A_158] : memref<10112x128xf32, #tpu.memory_space<vmem_shared>> -> memref<80x128xf32, #tpu.memory_space<vmem_shared>>
      tpu.enqueue_dma source(%arg9 : memref<80x128xf32, #tpu.memory_space<vmem>>) target(%dma_start3A_159 : memref<80x128xf32, #tpu.memory_space<vmem_shared>>) target_semaphore(%run_scoped3A_156 : memref<!tpu.dma_semaphore, #tpu.memory_space<semaphore_mem>>)
      %dma_wait3A = arith.constant 0 : i32
      %dma_wait3A_160 = tpu.memref_slice %arg10[%add3A_22, %dma_wait3A] : memref<10112x128xf32, #tpu.memory_space<vmem_shared>> -> memref<80x128xf32, #tpu.memory_space<vmem_shared>>
      %dma_wait3A_161 = arith.constant 0 : i32
      %dma_wait3A_162 = tpu.memref_slice %arg10[%add3A_22, %dma_wait3A_161] : memref<10112x128xf32, #tpu.memory_space<vmem_shared>> -> memref<80x128xf32, #tpu.memory_space<vmem_shared>>
      tpu.wait_dma2 semaphore(%run_scoped3A_156 : memref<!tpu.dma_semaphore, #tpu.memory_space<semaphore_mem>>) src(%arg9 : memref<80x128xf32, #tpu.memory_space<vmem>>) dst(%dma_wait3A_162 : memref<80x128xf32, #tpu.memory_space<vmem_shared>>)
      tpu.yield
    }) : () -> ()
    %add3A_23 = arith.constant 560 : i32
    %add3A_24 = arith.addi %mul3A_8, %add3A_23 : i32
    "tpu.region"() ({
      %run_scoped3A_156 = tpu.sem_alloc : memref<!tpu.dma_semaphore, #tpu.memory_space<semaphore_mem>>
      %dma_start3A = arith.constant 0 : i32
      %dma_start3A_157 = arith.constant 0 : i32
      %dma_start3A_158 = tpu.memref_slice %arg9[%dma_start3A, %dma_start3A_157] : memref<80x128xf32, #tpu.memory_space<vmem>> -> memref<72x128xf32, #tpu.memory_space<vmem>>
      %dma_start3A_159 = arith.constant 0 : i32
      %dma_start3A_160 = tpu.memref_slice %arg10[%add3A_24, %dma_start3A_159] : memref<10112x128xf32, #tpu.memory_space<vmem_shared>> -> memref<72x128xf32, #tpu.memory_space<vmem_shared>>
      %dma_start3A_161 = arith.constant 0 : i32
      %dma_start3A_162 = tpu.memref_slice %arg10[%add3A_24, %dma_start3A_161] : memref<10112x128xf32, #tpu.memory_space<vmem_shared>> -> memref<72x128xf32, #tpu.memory_space<vmem_shared>>
      %dma_start3A_163 = arith.constant 0 : i32
      %dma_start3A_164 = arith.constant 0 : i32
      %dma_start3A_165 = tpu.memref_slice %arg9[%dma_start3A_163, %dma_start3A_164] : memref<80x128xf32, #tpu.memory_space<vmem>> -> memref<72x128xf32, #tpu.memory_space<vmem>>
      tpu.enqueue_dma source(%dma_start3A_165 : memref<72x128xf32, #tpu.memory_space<vmem>>) target(%dma_start3A_162 : memref<72x128xf32, #tpu.memory_space<vmem_shared>>) target_semaphore(%run_scoped3A_156 : memref<!tpu.dma_semaphore, #tpu.memory_space<semaphore_mem>>)
      %dma_wait3A = arith.constant 0 : i32
      %dma_wait3A_166 = arith.constant 0 : i32
      %dma_wait3A_167 = tpu.memref_slice %arg9[%dma_wait3A, %dma_wait3A_166] : memref<80x128xf32, #tpu.memory_space<vmem>> -> memref<72x128xf32, #tpu.memory_space<vmem>>
      %dma_wait3A_168 = arith.constant 0 : i32
      %dma_wait3A_169 = tpu.memref_slice %arg10[%add3A_24, %dma_wait3A_168] : memref<10112x128xf32, #tpu.memory_space<vmem_shared>> -> memref<72x128xf32, #tpu.memory_space<vmem_shared>>
      %dma_wait3A_170 = arith.constant 0 : i32
      %dma_wait3A_171 = tpu.memref_slice %arg10[%add3A_24, %dma_wait3A_170] : memref<10112x128xf32, #tpu.memory_space<vmem_shared>> -> memref<72x128xf32, #tpu.memory_space<vmem_shared>>
      %dma_wait3A_172 = arith.constant 0 : i32
      %dma_wait3A_173 = arith.constant 0 : i32
      %dma_wait3A_174 = tpu.memref_slice %arg9[%dma_wait3A_172, %dma_wait3A_173] : memref<80x128xf32, #tpu.memory_space<vmem>> -> memref<72x128xf32, #tpu.memory_space<vmem>>
      tpu.wait_dma2 semaphore(%run_scoped3A_156 : memref<!tpu.dma_semaphore, #tpu.memory_space<semaphore_mem>>) src(%dma_wait3A_174 : memref<72x128xf32, #tpu.memory_space<vmem>>) dst(%dma_wait3A_171 : memref<72x128xf32, #tpu.memory_space<vmem_shared>>)
      tpu.yield
    }) : () -> ()
    %scan3A_25 = arith.constant 0 : i32
    %scan3A_26 = arith.constant 0 : i32
    %scan3A_27 = arith.constant 80 : i32
    %scan3A_28 = arith.addi %scan3A_26, %scan3A_27 : i32
    %scan3A_29 = arith.constant 1 : i32
    %scan3A_30 = scf.for %scan3A_156 = %scan3A_26 to %scan3A_28 step %scan3A_29 iter_args(%scan3A_157 = %scan3A_25) -> (i32)  : i32 {
      %scan3A_158 = arith.constant 0 : i32
      %scan3A_159 = arith.constant 0 : i32
      %scan3A_160 = arith.constant 8 : i32
      %scan3A_161 = arith.addi %scan3A_159, %scan3A_160 : i32
      %scan3A_162 = arith.constant 1 : i32
      %scan3A_163 = scf.for %scan3A_165 = %scan3A_159 to %scan3A_161 step %scan3A_162 iter_args(%scan3A_166 = %scan3A_158) -> (i32)  : i32 {
        %broadcast_in_dim3A = arith.constant 1.000000e+00 : f32
        %broadcast_in_dim3A_167 = vector.broadcast %broadcast_in_dim3A : f32 to vector<16xf32>
        %mul3A_168 = arith.constant 16 : i32
        %mul3A_169 = arith.muli %scan3A_165, %mul3A_168 : i32
        %swap3A = arith.index_cast %scan3A_156 : i32 to index
        %swap3A_170 = arith.index_cast %mul3A_169 : i32 to index
        %swap3A_171 = tpu.vector_load %arg9[%swap3A, %swap3A_170] {strides = array<i32>} : memref<80x128xf32, #tpu.memory_space<vmem>>, vector<1x16xf32>,
        %swap3A_172 = vector.shape_cast %swap3A_171 : vector<1x16xf32> to vector<16xf32>
        %swap3A_173 = vector.shape_cast %broadcast_in_dim3A_167 : vector<16xf32> to vector<1x16xf32>
        tpu.vector_store %arg9[%swap3A, %swap3A_170], %swap3A_173 {strides = array<i32>} : memref<80x128xf32, #tpu.memory_space<vmem>>, vector<1x16xf32>,
        %scan3A_174 = arith.constant 0 : i32
        scf.yield %scan3A_174 : i32
      }
      %scan3A_164 = arith.constant 8 : i32
      scf.yield %scan3A_163 : i32
    }
    %scan3A_31 = arith.constant 80 : i32
    %barrier3A = arith.constant 0 : index
    tpu.barrier barrier_id(%barrier3A)
    %run_scoped3A = arith.constant 0 : i32
    "tpu.region"() ({
      %run_scoped3A_156 = tpu.sem_alloc : memref<!tpu.dma_semaphore, #tpu.memory_space<semaphore_mem>>
      %dma_start3A = arith.constant 0 : i32
      %dma_start3A_157 = arith.constant 0 : i32
      %dma_start3A_158 = tpu.memref_slice %arg2[%add3A, %run_scoped3A, %dma_start3A, %dma_start3A_157] : memref<32x5x25x80xi32, #tpu.memory_space<hbm>> -> memref<1x1x25x80xi32, #tpu.memory_space<hbm>>
      %dma_start3A_159 = tpu.memref_squeeze %dma_start3A_158 : memref<1x1x25x80xi32, #tpu.memory_space<hbm>> -> memref<25x80xi32, #tpu.memory_space<hbm>>
      %dma_start3A_160 = arith.constant 0 : i32
      %dma_start3A_161 = arith.constant 0 : i32
      %dma_start3A_162 = tpu.memref_slice %arg2[%add3A, %run_scoped3A, %dma_start3A_160, %dma_start3A_161] : memref<32x5x25x80xi32, #tpu.memory_space<hbm>> -> memref<1x1x25x80xi32, #tpu.memory_space<hbm>>
      %dma_start3A_163 = tpu.memref_squeeze %dma_start3A_162 : memref<1x1x25x80xi32, #tpu.memory_space<hbm>> -> memref<25x80xi32, #tpu.memory_space<hbm>>
      tpu.enqueue_dma source(%dma_start3A_163 : memref<25x80xi32, #tpu.memory_space<hbm>>) target(%arg6 : memref<25x80xi32, #tpu.memory_space<vmem>>) target_semaphore(%run_scoped3A_156 : memref<!tpu.dma_semaphore, #tpu.memory_space<semaphore_mem>>)
      %dma_wait3A = arith.constant 0 : i32
      %dma_wait3A_164 = arith.constant 0 : i32
      %dma_wait3A_165 = tpu.memref_slice %arg2[%add3A, %run_scoped3A, %dma_wait3A, %dma_wait3A_164] : memref<32x5x25x80xi32, #tpu.memory_space<hbm>> -> memref<1x1x25x80xi32, #tpu.memory_space<hbm>>
      %dma_wait3A_166 = tpu.memref_squeeze %dma_wait3A_165 : memref<1x1x25x80xi32, #tpu.memory_space<hbm>> -> memref<25x80xi32, #tpu.memory_space<hbm>>
      %dma_wait3A_167 = arith.constant 0 : i32
      %dma_wait3A_168 = arith.constant 0 : i32
      %dma_wait3A_169 = tpu.memref_slice %arg2[%add3A, %run_scoped3A, %dma_wait3A_167, %dma_wait3A_168] : memref<32x5x25x80xi32, #tpu.memory_space<hbm>> -> memref<1x1x25x80xi32, #tpu.memory_space<hbm>>
      %dma_wait3A_170 = tpu.memref_squeeze %dma_wait3A_169 : memref<1x1x25x80xi32, #tpu.memory_space<hbm>> -> memref<25x80xi32, #tpu.memory_space<hbm>>
      tpu.wait_dma2 semaphore(%run_scoped3A_156 : memref<!tpu.dma_semaphore, #tpu.memory_space<semaphore_mem>>) src(%dma_wait3A_170 : memref<25x80xi32, #tpu.memory_space<hbm>>) dst(%arg6 : memref<25x80xi32, #tpu.memory_space<vmem>>)
      tpu.yield
    }) : () -> ()
    %run_scoped3A_32 = arith.constant 0 : i32
    "tpu.region"() ({
      %run_scoped3A_156 = tpu.sem_alloc : memref<!tpu.dma_semaphore, #tpu.memory_space<semaphore_mem>>
      %dma_start3A = arith.constant 0 : i32
      %dma_start3A_157 = arith.constant 0 : i32
      %dma_start3A_158 = tpu.memref_slice %arg3[%add3A, %run_scoped3A_32, %dma_start3A, %dma_start3A_157] : memref<32x5x25x80xi32, #tpu.memory_space<hbm>> -> memref<1x1x25x80xi32, #tpu.memory_space<hbm>>
      %dma_start3A_159 = tpu.memref_squeeze %dma_start3A_158 : memref<1x1x25x80xi32, #tpu.memory_space<hbm>> -> memref<25x80xi32, #tpu.memory_space<hbm>>
      %dma_start3A_160 = arith.constant 0 : i32
      %dma_start3A_161 = arith.constant 0 : i32
      %dma_start3A_162 = tpu.memref_slice %arg3[%add3A, %run_scoped3A_32, %dma_start3A_160, %dma_start3A_161] : memref<32x5x25x80xi32, #tpu.memory_space<hbm>> -> memref<1x1x25x80xi32, #tpu.memory_space<hbm>>
      %dma_start3A_163 = tpu.memref_squeeze %dma_start3A_162 : memref<1x1x25x80xi32, #tpu.memory_space<hbm>> -> memref<25x80xi32, #tpu.memory_space<hbm>>
      tpu.enqueue_dma source(%dma_start3A_163 : memref<25x80xi32, #tpu.memory_space<hbm>>) target(%arg8 : memref<25x80xi32, #tpu.memory_space<vmem>>) target_semaphore(%run_scoped3A_156 : memref<!tpu.dma_semaphore, #tpu.memory_space<semaphore_mem>>)
      %dma_wait3A = arith.constant 0 : i32
      %dma_wait3A_164 = arith.constant 0 : i32
      %dma_wait3A_165 = tpu.memref_slice %arg3[%add3A, %run_scoped3A_32, %dma_wait3A, %dma_wait3A_164] : memref<32x5x25x80xi32, #tpu.memory_space<hbm>> -> memref<1x1x25x80xi32, #tpu.memory_space<hbm>>
      %dma_wait3A_166 = tpu.memref_squeeze %dma_wait3A_165 : memref<1x1x25x80xi32, #tpu.memory_space<hbm>> -> memref<25x80xi32, #tpu.memory_space<hbm>>
      %dma_wait3A_167 = arith.constant 0 : i32
      %dma_wait3A_168 = arith.constant 0 : i32
      %dma_wait3A_169 = tpu.memref_slice %arg3[%add3A, %run_scoped3A_32, %dma_wait3A_167, %dma_wait3A_168] : memref<32x5x25x80xi32, #tpu.memory_space<hbm>> -> memref<1x1x25x80xi32, #tpu.memory_space<hbm>>
      %dma_wait3A_170 = tpu.memref_squeeze %dma_wait3A_169 : memref<1x1x25x80xi32, #tpu.memory_space<hbm>> -> memref<25x80xi32, #tpu.memory_space<hbm>>
      tpu.wait_dma2 semaphore(%run_scoped3A_156 : memref<!tpu.dma_semaphore, #tpu.memory_space<semaphore_mem>>) src(%dma_wait3A_170 : memref<25x80xi32, #tpu.memory_space<hbm>>) dst(%arg8 : memref<25x80xi32, #tpu.memory_space<vmem>>)
      tpu.yield
    }) : () -> ()
    %scan3A_33 = arith.constant 0 : i32
    %scan3A_34 = arith.constant 0 : i32
    %scan3A_35 = arith.constant 25 : i32
    %scan3A_36 = arith.addi %scan3A_34, %scan3A_35 : i32
    %scan3A_37 = arith.constant 1 : i32
    %scan3A_38 = scf.for %scan3A_156 = %scan3A_34 to %scan3A_36 step %scan3A_37 iter_args(%scan3A_157 = %scan3A_33) -> (i32)  : i32 {
      %scan3A_158 = arith.constant 0 : i32
      %scan3A_159 = arith.constant 0 : i32
      %scan3A_160 = arith.constant 5 : i32
      %scan3A_161 = arith.addi %scan3A_159, %scan3A_160 : i32
      %scan3A_162 = arith.constant 1 : i32
      %scan3A_163 = scf.for %scan3A_165 = %scan3A_159 to %scan3A_161 step %scan3A_162 iter_args(%scan3A_166 = %scan3A_158) -> (i32)  : i32 {
        %mul3A_167 = arith.constant 16 : i32
        %mul3A_168 = arith.muli %scan3A_165, %mul3A_167 : i32
        %get3A = arith.index_cast %scan3A_156 : i32 to index
        %get3A_169 = arith.index_cast %mul3A_168 : i32 to index
        %get3A_170 = tpu.vector_load %arg6[%get3A, %get3A_169] {strides = array<i32>} : memref<25x80xi32, #tpu.memory_space<vmem>>, vector<1x16xi32>,
        %get3A_171 = vector.shape_cast %get3A_170 : vector<1x16xi32> to vector<16xi32>
        %mul3A_172 = arith.constant 16 : i32
        %mul3A_173 = arith.muli %scan3A_165, %mul3A_172 : i32
        %get3A_174 = arith.index_cast %scan3A_156 : i32 to index
        %get3A_175 = arith.index_cast %mul3A_173 : i32 to index
        %get3A_176 = tpu.vector_load %arg8[%get3A_174, %get3A_175] {strides = array<i32>} : memref<25x80xi32, #tpu.memory_space<vmem>>, vector<1x16xi32>,
        %get3A_177 = vector.shape_cast %get3A_176 : vector<1x16xi32> to vector<16xi32>
        %eq3A = arith.cmpi eq, %get3A_171, %get3A_177 : vector<16xi32>
        %jit3A = arith.constant 10000 : i32
        %broadcast_in_dim3A = vector.broadcast %jit3A : i32 to vector<16xi32>
        %select_n3A = arith.select %eq3A, %broadcast_in_dim3A, %get3A_171 : vector<16xi1>, vector<16xi32>
        %mul3A_178 = arith.constant 16 : i32
        %mul3A_179 = arith.muli %scan3A_165, %mul3A_178 : i32
        %swap3A = arith.index_cast %scan3A_156 : i32 to index
        %swap3A_180 = arith.index_cast %mul3A_179 : i32 to index
        %swap3A_181 = tpu.vector_load %arg6[%swap3A, %swap3A_180] {strides = array<i32>} : memref<25x80xi32, #tpu.memory_space<vmem>>, vector<1x16xi32>,
        %swap3A_182 = vector.shape_cast %swap3A_181 : vector<1x16xi32> to vector<16xi32>
        %swap3A_183 = vector.shape_cast %select_n3A : vector<16xi32> to vector<1x16xi32>
        tpu.vector_store %arg6[%swap3A, %swap3A_180], %swap3A_183 {strides = array<i32>} : memref<25x80xi32, #tpu.memory_space<vmem>>, vector<1x16xi32>,
        %scan3A_184 = arith.constant 0 : i32
        scf.yield %scan3A_184 : i32
      }
      %scan3A_164 = arith.constant 5 : i32
      scf.yield %scan3A_163 : i32
    }
    %scan3A_39 = arith.constant 25 : i32
    %run_scoped3A_40 = arith.constant 0 : i32
    "tpu.region"() ({
      %run_scoped3A_156 = tpu.sem_alloc : memref<!tpu.dma_semaphore, #tpu.memory_space<semaphore_mem>>
      %dma_start3A = arith.constant 0 : i32
      %dma_start3A_157 = arith.constant 0 : i32
      %dma_start3A_158 = tpu.memref_slice %arg4[%add3A, %run_scoped3A_40, %dma_start3A, %dma_start3A_157] : memref<32x5x25x80xi32, #tpu.memory_space<hbm>> -> memref<1x1x25x80xi32, #tpu.memory_space<hbm>>
      %dma_start3A_159 = tpu.memref_squeeze %dma_start3A_158 : memref<1x1x25x80xi32, #tpu.memory_space<hbm>> -> memref<25x80xi32, #tpu.memory_space<hbm>>
      %dma_start3A_160 = arith.constant 0 : i32
      %dma_start3A_161 = arith.constant 0 : i32
      %dma_start3A_162 = tpu.memref_slice %arg4[%add3A, %run_scoped3A_40, %dma_start3A_160, %dma_start3A_161] : memref<32x5x25x80xi32, #tpu.memory_space<hbm>> -> memref<1x1x25x80xi32, #tpu.memory_space<hbm>>
      %dma_start3A_163 = tpu.memref_squeeze %dma_start3A_162 : memref<1x1x25x80xi32, #tpu.memory_space<hbm>> -> memref<25x80xi32, #tpu.memory_space<hbm>>
      tpu.enqueue_dma source(%arg6 : memref<25x80xi32, #tpu.memory_space<vmem>>) target(%dma_start3A_163 : memref<25x80xi32, #tpu.memory_space<hbm>>) target_semaphore(%run_scoped3A_156 : memref<!tpu.dma_semaphore, #tpu.memory_space<semaphore_mem>>)
      %dma_wait3A = arith.constant 0 : i32
      %dma_wait3A_164 = arith.constant 0 : i32
      %dma_wait3A_165 = tpu.memref_slice %arg4[%add3A, %run_scoped3A_40, %dma_wait3A, %dma_wait3A_164] : memref<32x5x25x80xi32, #tpu.memory_space<hbm>> -> memref<1x1x25x80xi32, #tpu.memory_space<hbm>>
      %dma_wait3A_166 = tpu.memref_squeeze %dma_wait3A_165 : memref<1x1x25x80xi32, #tpu.memory_space<hbm>> -> memref<25x80xi32, #tpu.memory_space<hbm>>
      %dma_wait3A_167 = arith.constant 0 : i32
      %dma_wait3A_168 = arith.constant 0 : i32
      %dma_wait3A_169 = tpu.memref_slice %arg4[%add3A, %run_scoped3A_40, %dma_wait3A_167, %dma_wait3A_168] : memref<32x5x25x80xi32, #tpu.memory_space<hbm>> -> memref<1x1x25x80xi32, #tpu.memory_space<hbm>>
      %dma_wait3A_170 = tpu.memref_squeeze %dma_wait3A_169 : memref<1x1x25x80xi32, #tpu.memory_space<hbm>> -> memref<25x80xi32, #tpu.memory_space<hbm>>
      tpu.wait_dma2 semaphore(%run_scoped3A_156 : memref<!tpu.dma_semaphore, #tpu.memory_space<semaphore_mem>>) src(%arg6 : memref<25x80xi32, #tpu.memory_space<vmem>>) dst(%dma_wait3A_170 : memref<25x80xi32, #tpu.memory_space<hbm>>)
      tpu.yield
    }) : () -> ()
    %scan3A_41 = arith.constant 0 : i32
    %scan3A_42 = arith.constant 0 : i32
    %scan3A_43 = arith.constant 25 : i32
    %scan3A_44 = arith.addi %scan3A_42, %scan3A_43 : i32
    %scan3A_45 = arith.constant 1 : i32
    %scan3A_46 = scf.for %scan3A_156 = %scan3A_42 to %scan3A_44 step %scan3A_45 iter_args(%scan3A_157 = %scan3A_41) -> (i32)  : i32 {
      %dma_start3A = arith.constant 0 : i32
      %dma_start3A_158 = tpu.memref_slice %arg6[%scan3A_156, %dma_start3A] : memref<25x80xi32, #tpu.memory_space<vmem>> -> memref<1x80xi32, #tpu.memory_space<vmem>>
      %dma_start3A_159 = tpu.memref_squeeze %dma_start3A_158 : memref<1x80xi32, #tpu.memory_space<vmem>> -> memref<80xi32, #tpu.memory_space<vmem>>
      %dma_start3A_160 = arith.constant 0 : i32
      %dma_start3A_161 = arith.constant 0 : i32
      %dma_start3A_162 = tpu.memref_slice %arg10[%dma_start3A_160, %dma_start3A_161] : memref<10112x128xf32, #tpu.memory_space<vmem_shared>> -> memref<10112x128xf32, #tpu.memory_space<vmem_shared>>
      tpu.enqueue_indirect_dma source(%arg9 : memref<80x128xf32, #tpu.memory_space<vmem>>) target(%dma_start3A_162 : memref<10112x128xf32, #tpu.memory_space<vmem_shared>>) offsets(%dma_start3A_159 : memref<80xi32, #tpu.memory_space<vmem>>) semaphore(%arg11 : memref<!tpu.dma_semaphore, #tpu.memory_space<semaphore_mem>>) {add = true}
      %scan3A_163 = arith.constant 0 : i32
      scf.yield %scan3A_163 : i32
    }
    %scan3A_47 = arith.constant 25 : i32
    %run_scoped3A_48 = arith.constant 1 : i32
    "tpu.region"() ({
      %run_scoped3A_156 = tpu.sem_alloc : memref<!tpu.dma_semaphore, #tpu.memory_space<semaphore_mem>>
      %dma_start3A = arith.constant 0 : i32
      %dma_start3A_157 = arith.constant 0 : i32
      %dma_start3A_158 = tpu.memref_slice %arg2[%add3A, %run_scoped3A_48, %dma_start3A, %dma_start3A_157] : memref<32x5x25x80xi32, #tpu.memory_space<hbm>> -> memref<1x1x25x80xi32, #tpu.memory_space<hbm>>
      %dma_start3A_159 = tpu.memref_squeeze %dma_start3A_158 : memref<1x1x25x80xi32, #tpu.memory_space<hbm>> -> memref<25x80xi32, #tpu.memory_space<hbm>>
      %dma_start3A_160 = arith.constant 0 : i32
      %dma_start3A_161 = arith.constant 0 : i32
      %dma_start3A_162 = tpu.memref_slice %arg2[%add3A, %run_scoped3A_48, %dma_start3A_160, %dma_start3A_161] : memref<32x5x25x80xi32, #tpu.memory_space<hbm>> -> memref<1x1x25x80xi32, #tpu.memory_space<hbm>>
      %dma_start3A_163 = tpu.memref_squeeze %dma_start3A_162 : memref<1x1x25x80xi32, #tpu.memory_space<hbm>> -> memref<25x80xi32, #tpu.memory_space<hbm>>
      tpu.enqueue_dma source(%dma_start3A_163 : memref<25x80xi32, #tpu.memory_space<hbm>>) target(%arg7 : memref<25x80xi32, #tpu.memory_space<vmem>>) target_semaphore(%run_scoped3A_156 : memref<!tpu.dma_semaphore, #tpu.memory_space<semaphore_mem>>)
      %dma_wait3A = arith.constant 0 : i32
      %dma_wait3A_164 = arith.constant 0 : i32
      %dma_wait3A_165 = tpu.memref_slice %arg2[%add3A, %run_scoped3A_48, %dma_wait3A, %dma_wait3A_164] : memref<32x5x25x80xi32, #tpu.memory_space<hbm>> -> memref<1x1x25x80xi32, #tpu.memory_space<hbm>>
      %dma_wait3A_166 = tpu.memref_squeeze %dma_wait3A_165 : memref<1x1x25x80xi32, #tpu.memory_space<hbm>> -> memref<25x80xi32, #tpu.memory_space<hbm>>
      %dma_wait3A_167 = arith.constant 0 : i32
      %dma_wait3A_168 = arith.constant 0 : i32
      %dma_wait3A_169 = tpu.memref_slice %arg2[%add3A, %run_scoped3A_48, %dma_wait3A_167, %dma_wait3A_168] : memref<32x5x25x80xi32, #tpu.memory_space<hbm>> -> memref<1x1x25x80xi32, #tpu.memory_space<hbm>>
      %dma_wait3A_170 = tpu.memref_squeeze %dma_wait3A_169 : memref<1x1x25x80xi32, #tpu.memory_space<hbm>> -> memref<25x80xi32, #tpu.memory_space<hbm>>
      tpu.wait_dma2 semaphore(%run_scoped3A_156 : memref<!tpu.dma_semaphore, #tpu.memory_space<semaphore_mem>>) src(%dma_wait3A_170 : memref<25x80xi32, #tpu.memory_space<hbm>>) dst(%arg7 : memref<25x80xi32, #tpu.memory_space<vmem>>)
      tpu.yield
    }) : () -> ()
    %run_scoped3A_49 = arith.constant 1 : i32
    "tpu.region"() ({
      %run_scoped3A_156 = tpu.sem_alloc : memref<!tpu.dma_semaphore, #tpu.memory_space<semaphore_mem>>
      %dma_start3A = arith.constant 0 : i32
      %dma_start3A_157 = arith.constant 0 : i32
      %dma_start3A_158 = tpu.memref_slice %arg3[%add3A, %run_scoped3A_49, %dma_start3A, %dma_start3A_157] : memref<32x5x25x80xi32, #tpu.memory_space<hbm>> -> memref<1x1x25x80xi32, #tpu.memory_space<hbm>>
      %dma_start3A_159 = tpu.memref_squeeze %dma_start3A_158 : memref<1x1x25x80xi32, #tpu.memory_space<hbm>> -> memref<25x80xi32, #tpu.memory_space<hbm>>
      %dma_start3A_160 = arith.constant 0 : i32
      %dma_start3A_161 = arith.constant 0 : i32
      %dma_start3A_162 = tpu.memref_slice %arg3[%add3A, %run_scoped3A_49, %dma_start3A_160, %dma_start3A_161] : memref<32x5x25x80xi32, #tpu.memory_space<hbm>> -> memref<1x1x25x80xi32, #tpu.memory_space<hbm>>
      %dma_start3A_163 = tpu.memref_squeeze %dma_start3A_162 : memref<1x1x25x80xi32, #tpu.memory_space<hbm>> -> memref<25x80xi32, #tpu.memory_space<hbm>>
      tpu.enqueue_dma source(%dma_start3A_163 : memref<25x80xi32, #tpu.memory_space<hbm>>) target(%arg8 : memref<25x80xi32, #tpu.memory_space<vmem>>) target_semaphore(%run_scoped3A_156 : memref<!tpu.dma_semaphore, #tpu.memory_space<semaphore_mem>>)
      %dma_wait3A = arith.constant 0 : i32
      %dma_wait3A_164 = arith.constant 0 : i32
      %dma_wait3A_165 = tpu.memref_slice %arg3[%add3A, %run_scoped3A_49, %dma_wait3A, %dma_wait3A_164] : memref<32x5x25x80xi32, #tpu.memory_space<hbm>> -> memref<1x1x25x80xi32, #tpu.memory_space<hbm>>
      %dma_wait3A_166 = tpu.memref_squeeze %dma_wait3A_165 : memref<1x1x25x80xi32, #tpu.memory_space<hbm>> -> memref<25x80xi32, #tpu.memory_space<hbm>>
      %dma_wait3A_167 = arith.constant 0 : i32
      %dma_wait3A_168 = arith.constant 0 : i32
      %dma_wait3A_169 = tpu.memref_slice %arg3[%add3A, %run_scoped3A_49, %dma_wait3A_167, %dma_wait3A_168] : memref<32x5x25x80xi32, #tpu.memory_space<hbm>> -> memref<1x1x25x80xi32, #tpu.memory_space<hbm>>
      %dma_wait3A_170 = tpu.memref_squeeze %dma_wait3A_169 : memref<1x1x25x80xi32, #tpu.memory_space<hbm>> -> memref<25x80xi32, #tpu.memory_space<hbm>>
      tpu.wait_dma2 semaphore(%run_scoped3A_156 : memref<!tpu.dma_semaphore, #tpu.memory_space<semaphore_mem>>) src(%dma_wait3A_170 : memref<25x80xi32, #tpu.memory_space<hbm>>) dst(%arg8 : memref<25x80xi32, #tpu.memory_space<vmem>>)
      tpu.yield
    }) : () -> ()
    %scan3A_50 = arith.constant 0 : i32
    %scan3A_51 = arith.constant 0 : i32
    %scan3A_52 = arith.constant 25 : i32
    %scan3A_53 = arith.addi %scan3A_51, %scan3A_52 : i32
    %scan3A_54 = arith.constant 1 : i32
    %scan3A_55 = scf.for %scan3A_156 = %scan3A_51 to %scan3A_53 step %scan3A_54 iter_args(%scan3A_157 = %scan3A_50) -> (i32)  : i32 {
      %scan3A_158 = arith.constant 0 : i32
      %scan3A_159 = arith.constant 0 : i32
      %scan3A_160 = arith.constant 5 : i32
      %scan3A_161 = arith.addi %scan3A_159, %scan3A_160 : i32
      %scan3A_162 = arith.constant 1 : i32
      %scan3A_163 = scf.for %scan3A_165 = %scan3A_159 to %scan3A_161 step %scan3A_162 iter_args(%scan3A_166 = %scan3A_158) -> (i32)  : i32 {
        %mul3A_167 = arith.constant 16 : i32
        %mul3A_168 = arith.muli %scan3A_165, %mul3A_167 : i32
        %get3A = arith.index_cast %scan3A_156 : i32 to index
        %get3A_169 = arith.index_cast %mul3A_168 : i32 to index
        %get3A_170 = tpu.vector_load %arg7[%get3A, %get3A_169] {strides = array<i32>} : memref<25x80xi32, #tpu.memory_space<vmem>>, vector<1x16xi32>,
        %get3A_171 = vector.shape_cast %get3A_170 : vector<1x16xi32> to vector<16xi32>
        %mul3A_172 = arith.constant 16 : i32
        %mul3A_173 = arith.muli %scan3A_165, %mul3A_172 : i32
        %get3A_174 = arith.index_cast %scan3A_156 : i32 to index
        %get3A_175 = arith.index_cast %mul3A_173 : i32 to index
        %get3A_176 = tpu.vector_load %arg8[%get3A_174, %get3A_175] {strides = array<i32>} : memref<25x80xi32, #tpu.memory_space<vmem>>, vector<1x16xi32>,
        %get3A_177 = vector.shape_cast %get3A_176 : vector<1x16xi32> to vector<16xi32>
        %eq3A = arith.cmpi eq, %get3A_171, %get3A_177 : vector<16xi32>
        %jit3A = arith.constant 10000 : i32
        %broadcast_in_dim3A = vector.broadcast %jit3A : i32 to vector<16xi32>
        %select_n3A = arith.select %eq3A, %broadcast_in_dim3A, %get3A_171 : vector<16xi1>, vector<16xi32>
        %mul3A_178 = arith.constant 16 : i32
        %mul3A_179 = arith.muli %scan3A_165, %mul3A_178 : i32
        %swap3A = arith.index_cast %scan3A_156 : i32 to index
        %swap3A_180 = arith.index_cast %mul3A_179 : i32 to index
        %swap3A_181 = tpu.vector_load %arg7[%swap3A, %swap3A_180] {strides = array<i32>} : memref<25x80xi32, #tpu.memory_space<vmem>>, vector<1x16xi32>,
        %swap3A_182 = vector.shape_cast %swap3A_181 : vector<1x16xi32> to vector<16xi32>
        %swap3A_183 = vector.shape_cast %select_n3A : vector<16xi32> to vector<1x16xi32>
        tpu.vector_store %arg7[%swap3A, %swap3A_180], %swap3A_183 {strides = array<i32>} : memref<25x80xi32, #tpu.memory_space<vmem>>, vector<1x16xi32>,
        %scan3A_184 = arith.constant 0 : i32
        scf.yield %scan3A_184 : i32
      }
      %scan3A_164 = arith.constant 5 : i32
      scf.yield %scan3A_163 : i32
    }
    %scan3A_56 = arith.constant 25 : i32
    %run_scoped3A_57 = arith.constant 1 : i32
    "tpu.region"() ({
      %run_scoped3A_156 = tpu.sem_alloc : memref<!tpu.dma_semaphore, #tpu.memory_space<semaphore_mem>>
      %dma_start3A = arith.constant 0 : i32
      %dma_start3A_157 = arith.constant 0 : i32
      %dma_start3A_158 = tpu.memref_slice %arg4[%add3A, %run_scoped3A_57, %dma_start3A, %dma_start3A_157] : memref<32x5x25x80xi32, #tpu.memory_space<hbm>> -> memref<1x1x25x80xi32, #tpu.memory_space<hbm>>
      %dma_start3A_159 = tpu.memref_squeeze %dma_start3A_158 : memref<1x1x25x80xi32, #tpu.memory_space<hbm>> -> memref<25x80xi32, #tpu.memory_space<hbm>>
      %dma_start3A_160 = arith.constant 0 : i32
      %dma_start3A_161 = arith.constant 0 : i32
      %dma_start3A_162 = tpu.memref_slice %arg4[%add3A, %run_scoped3A_57, %dma_start3A_160, %dma_start3A_161] : memref<32x5x25x80xi32, #tpu.memory_space<hbm>> -> memref<1x1x25x80xi32, #tpu.memory_space<hbm>>
      %dma_start3A_163 = tpu.memref_squeeze %dma_start3A_162 : memref<1x1x25x80xi32, #tpu.memory_space<hbm>> -> memref<25x80xi32, #tpu.memory_space<hbm>>
      tpu.enqueue_dma source(%arg7 : memref<25x80xi32, #tpu.memory_space<vmem>>) target(%dma_start3A_163 : memref<25x80xi32, #tpu.memory_space<hbm>>) target_semaphore(%run_scoped3A_156 : memref<!tpu.dma_semaphore, #tpu.memory_space<semaphore_mem>>)
      %dma_wait3A = arith.constant 0 : i32
      %dma_wait3A_164 = arith.constant 0 : i32
      %dma_wait3A_165 = tpu.memref_slice %arg4[%add3A, %run_scoped3A_57, %dma_wait3A, %dma_wait3A_164] : memref<32x5x25x80xi32, #tpu.memory_space<hbm>> -> memref<1x1x25x80xi32, #tpu.memory_space<hbm>>
      %dma_wait3A_166 = tpu.memref_squeeze %dma_wait3A_165 : memref<1x1x25x80xi32, #tpu.memory_space<hbm>> -> memref<25x80xi32, #tpu.memory_space<hbm>>
      %dma_wait3A_167 = arith.constant 0 : i32
      %dma_wait3A_168 = arith.constant 0 : i32
      %dma_wait3A_169 = tpu.memref_slice %arg4[%add3A, %run_scoped3A_57, %dma_wait3A_167, %dma_wait3A_168] : memref<32x5x25x80xi32, #tpu.memory_space<hbm>> -> memref<1x1x25x80xi32, #tpu.memory_space<hbm>>
      %dma_wait3A_170 = tpu.memref_squeeze %dma_wait3A_169 : memref<1x1x25x80xi32, #tpu.memory_space<hbm>> -> memref<25x80xi32, #tpu.memory_space<hbm>>
      tpu.wait_dma2 semaphore(%run_scoped3A_156 : memref<!tpu.dma_semaphore, #tpu.memory_space<semaphore_mem>>) src(%arg7 : memref<25x80xi32, #tpu.memory_space<vmem>>) dst(%dma_wait3A_170 : memref<25x80xi32, #tpu.memory_space<hbm>>)
      tpu.yield
    }) : () -> ()
    %scan3A_58 = arith.constant 0 : i32
    %scan3A_59 = arith.constant 0 : i32
    %scan3A_60 = arith.constant 25 : i32
    %scan3A_61 = arith.addi %scan3A_59, %scan3A_60 : i32
    %scan3A_62 = arith.constant 1 : i32
    %scan3A_63 = scf.for %scan3A_156 = %scan3A_59 to %scan3A_61 step %scan3A_62 iter_args(%scan3A_157 = %scan3A_58) -> (i32)  : i32 {
      %dma_wait3A = arith.constant 0 : i32
      %dma_wait3A_158 = tpu.memref_slice %arg6[%scan3A_156, %dma_wait3A] : memref<25x80xi32, #tpu.memory_space<vmem>> -> memref<1x80xi32, #tpu.memory_space<vmem>>
      %dma_wait3A_159 = tpu.memref_squeeze %dma_wait3A_158 : memref<1x80xi32, #tpu.memory_space<vmem>> -> memref<80xi32, #tpu.memory_space<vmem>>
      %dma_wait3A_160 = arith.constant 0 : i32
      %dma_wait3A_161 = arith.constant 0 : i32
      %dma_wait3A_162 = tpu.memref_slice %arg10[%dma_wait3A_160, %dma_wait3A_161] : memref<10112x128xf32, #tpu.memory_space<vmem_shared>> -> memref<10112x128xf32, #tpu.memory_space<vmem_shared>>
      tpu.wait_indirect_dma semaphore(%arg11 : memref<!tpu.dma_semaphore, #tpu.memory_space<semaphore_mem>>) src(%arg9 : memref<80x128xf32, #tpu.memory_space<vmem>>) dst(%dma_wait3A_162 : memref<10112x128xf32, #tpu.memory_space<vmem_shared>>)
      %scan3A_163 = arith.constant 0 : i32
      scf.yield %scan3A_163 : i32
    }
    %scan3A_64 = arith.constant 25 : i32
    %scan3A_65 = arith.constant 0 : i32
    %scan3A_66 = arith.constant 0 : i32
    %scan3A_67 = arith.constant 25 : i32
    %scan3A_68 = arith.addi %scan3A_66, %scan3A_67 : i32
    %scan3A_69 = arith.constant 1 : i32
    %scan3A_70 = scf.for %scan3A_156 = %scan3A_66 to %scan3A_68 step %scan3A_69 iter_args(%scan3A_157 = %scan3A_65) -> (i32)  : i32 {
      %dma_start3A = arith.constant 0 : i32
      %dma_start3A_158 = tpu.memref_slice %arg7[%scan3A_156, %dma_start3A] : memref<25x80xi32, #tpu.memory_space<vmem>> -> memref<1x80xi32, #tpu.memory_space<vmem>>
      %dma_start3A_159 = tpu.memref_squeeze %dma_start3A_158 : memref<1x80xi32, #tpu.memory_space<vmem>> -> memref<80xi32, #tpu.memory_space<vmem>>
      %dma_start3A_160 = arith.constant 0 : i32
      %dma_start3A_161 = arith.constant 0 : i32
      %dma_start3A_162 = tpu.memref_slice %arg10[%dma_start3A_160, %dma_start3A_161] : memref<10112x128xf32, #tpu.memory_space<vmem_shared>> -> memref<10112x128xf32, #tpu.memory_space<vmem_shared>>
      tpu.enqueue_indirect_dma source(%arg9 : memref<80x128xf32, #tpu.memory_space<vmem>>) target(%dma_start3A_162 : memref<10112x128xf32, #tpu.memory_space<vmem_shared>>) offsets(%dma_start3A_159 : memref<80xi32, #tpu.memory_space<vmem>>) semaphore(%arg11 : memref<!tpu.dma_semaphore, #tpu.memory_space<semaphore_mem>>) {add = true}
      %scan3A_163 = arith.constant 0 : i32
      scf.yield %scan3A_163 : i32
    }
    %scan3A_71 = arith.constant 25 : i32
    %run_scoped3A_72 = arith.constant 2 : i32
    "tpu.region"() ({
      %run_scoped3A_156 = tpu.sem_alloc : memref<!tpu.dma_semaphore, #tpu.memory_space<semaphore_mem>>
      %dma_start3A = arith.constant 0 : i32
      %dma_start3A_157 = arith.constant 0 : i32
      %dma_start3A_158 = tpu.memref_slice %arg2[%add3A, %run_scoped3A_72, %dma_start3A, %dma_start3A_157] : memref<32x5x25x80xi32, #tpu.memory_space<hbm>> -> memref<1x1x25x80xi32, #tpu.memory_space<hbm>>
      %dma_start3A_159 = tpu.memref_squeeze %dma_start3A_158 : memref<1x1x25x80xi32, #tpu.memory_space<hbm>> -> memref<25x80xi32, #tpu.memory_space<hbm>>
      %dma_start3A_160 = arith.constant 0 : i32
      %dma_start3A_161 = arith.constant 0 : i32
      %dma_start3A_162 = tpu.memref_slice %arg2[%add3A, %run_scoped3A_72, %dma_start3A_160, %dma_start3A_161] : memref<32x5x25x80xi32, #tpu.memory_space<hbm>> -> memref<1x1x25x80xi32, #tpu.memory_space<hbm>>
      %dma_start3A_163 = tpu.memref_squeeze %dma_start3A_162 : memref<1x1x25x80xi32, #tpu.memory_space<hbm>> -> memref<25x80xi32, #tpu.memory_space<hbm>>
      tpu.enqueue_dma source(%dma_start3A_163 : memref<25x80xi32, #tpu.memory_space<hbm>>) target(%arg6 : memref<25x80xi32, #tpu.memory_space<vmem>>) target_semaphore(%run_scoped3A_156 : memref<!tpu.dma_semaphore, #tpu.memory_space<semaphore_mem>>)
      %dma_wait3A = arith.constant 0 : i32
      %dma_wait3A_164 = arith.constant 0 : i32
      %dma_wait3A_165 = tpu.memref_slice %arg2[%add3A, %run_scoped3A_72, %dma_wait3A, %dma_wait3A_164] : memref<32x5x25x80xi32, #tpu.memory_space<hbm>> -> memref<1x1x25x80xi32, #tpu.memory_space<hbm>>
      %dma_wait3A_166 = tpu.memref_squeeze %dma_wait3A_165 : memref<1x1x25x80xi32, #tpu.memory_space<hbm>> -> memref<25x80xi32, #tpu.memory_space<hbm>>
      %dma_wait3A_167 = arith.constant 0 : i32
      %dma_wait3A_168 = arith.constant 0 : i32
      %dma_wait3A_169 = tpu.memref_slice %arg2[%add3A, %run_scoped3A_72, %dma_wait3A_167, %dma_wait3A_168] : memref<32x5x25x80xi32, #tpu.memory_space<hbm>> -> memref<1x1x25x80xi32, #tpu.memory_space<hbm>>
      %dma_wait3A_170 = tpu.memref_squeeze %dma_wait3A_169 : memref<1x1x25x80xi32, #tpu.memory_space<hbm>> -> memref<25x80xi32, #tpu.memory_space<hbm>>
      tpu.wait_dma2 semaphore(%run_scoped3A_156 : memref<!tpu.dma_semaphore, #tpu.memory_space<semaphore_mem>>) src(%dma_wait3A_170 : memref<25x80xi32, #tpu.memory_space<hbm>>) dst(%arg6 : memref<25x80xi32, #tpu.memory_space<vmem>>)
      tpu.yield
    }) : () -> ()
    %run_scoped3A_73 = arith.constant 2 : i32
    "tpu.region"() ({
      %run_scoped3A_156 = tpu.sem_alloc : memref<!tpu.dma_semaphore, #tpu.memory_space<semaphore_mem>>
      %dma_start3A = arith.constant 0 : i32
      %dma_start3A_157 = arith.constant 0 : i32
      %dma_start3A_158 = tpu.memref_slice %arg3[%add3A, %run_scoped3A_73, %dma_start3A, %dma_start3A_157] : memref<32x5x25x80xi32, #tpu.memory_space<hbm>> -> memref<1x1x25x80xi32, #tpu.memory_space<hbm>>
      %dma_start3A_159 = tpu.memref_squeeze %dma_start3A_158 : memref<1x1x25x80xi32, #tpu.memory_space<hbm>> -> memref<25x80xi32, #tpu.memory_space<hbm>>
      %dma_start3A_160 = arith.constant 0 : i32
      %dma_start3A_161 = arith.constant 0 : i32
      %dma_start3A_162 = tpu.memref_slice %arg3[%add3A, %run_scoped3A_73, %dma_start3A_160, %dma_start3A_161] : memref<32x5x25x80xi32, #tpu.memory_space<hbm>> -> memref<1x1x25x80xi32, #tpu.memory_space<hbm>>
      %dma_start3A_163 = tpu.memref_squeeze %dma_start3A_162 : memref<1x1x25x80xi32, #tpu.memory_space<hbm>> -> memref<25x80xi32, #tpu.memory_space<hbm>>
      tpu.enqueue_dma source(%dma_start3A_163 : memref<25x80xi32, #tpu.memory_space<hbm>>) target(%arg8 : memref<25x80xi32, #tpu.memory_space<vmem>>) target_semaphore(%run_scoped3A_156 : memref<!tpu.dma_semaphore, #tpu.memory_space<semaphore_mem>>)
      %dma_wait3A = arith.constant 0 : i32
      %dma_wait3A_164 = arith.constant 0 : i32
      %dma_wait3A_165 = tpu.memref_slice %arg3[%add3A, %run_scoped3A_73, %dma_wait3A, %dma_wait3A_164] : memref<32x5x25x80xi32, #tpu.memory_space<hbm>> -> memref<1x1x25x80xi32, #tpu.memory_space<hbm>>
      %dma_wait3A_166 = tpu.memref_squeeze %dma_wait3A_165 : memref<1x1x25x80xi32, #tpu.memory_space<hbm>> -> memref<25x80xi32, #tpu.memory_space<hbm>>
      %dma_wait3A_167 = arith.constant 0 : i32
      %dma_wait3A_168 = arith.constant 0 : i32
      %dma_wait3A_169 = tpu.memref_slice %arg3[%add3A, %run_scoped3A_73, %dma_wait3A_167, %dma_wait3A_168] : memref<32x5x25x80xi32, #tpu.memory_space<hbm>> -> memref<1x1x25x80xi32, #tpu.memory_space<hbm>>
      %dma_wait3A_170 = tpu.memref_squeeze %dma_wait3A_169 : memref<1x1x25x80xi32, #tpu.memory_space<hbm>> -> memref<25x80xi32, #tpu.memory_space<hbm>>
      tpu.wait_dma2 semaphore(%run_scoped3A_156 : memref<!tpu.dma_semaphore, #tpu.memory_space<semaphore_mem>>) src(%dma_wait3A_170 : memref<25x80xi32, #tpu.memory_space<hbm>>) dst(%arg8 : memref<25x80xi32, #tpu.memory_space<vmem>>)
      tpu.yield
    }) : () -> ()
    %scan3A_74 = arith.constant 0 : i32
    %scan3A_75 = arith.constant 0 : i32
    %scan3A_76 = arith.constant 25 : i32
    %scan3A_77 = arith.addi %scan3A_75, %scan3A_76 : i32
    %scan3A_78 = arith.constant 1 : i32
    %scan3A_79 = scf.for %scan3A_156 = %scan3A_75 to %scan3A_77 step %scan3A_78 iter_args(%scan3A_157 = %scan3A_74) -> (i32)  : i32 {
      %scan3A_158 = arith.constant 0 : i32
      %scan3A_159 = arith.constant 0 : i32
      %scan3A_160 = arith.constant 5 : i32
      %scan3A_161 = arith.addi %scan3A_159, %scan3A_160 : i32
      %scan3A_162 = arith.constant 1 : i32
      %scan3A_163 = scf.for %scan3A_165 = %scan3A_159 to %scan3A_161 step %scan3A_162 iter_args(%scan3A_166 = %scan3A_158) -> (i32)  : i32 {
        %mul3A_167 = arith.constant 16 : i32
        %mul3A_168 = arith.muli %scan3A_165, %mul3A_167 : i32
        %get3A = arith.index_cast %scan3A_156 : i32 to index
        %get3A_169 = arith.index_cast %mul3A_168 : i32 to index
        %get3A_170 = tpu.vector_load %arg6[%get3A, %get3A_169] {strides = array<i32>} : memref<25x80xi32, #tpu.memory_space<vmem>>, vector<1x16xi32>,
        %get3A_171 = vector.shape_cast %get3A_170 : vector<1x16xi32> to vector<16xi32>
        %mul3A_172 = arith.constant 16 : i32
        %mul3A_173 = arith.muli %scan3A_165, %mul3A_172 : i32
        %get3A_174 = arith.index_cast %scan3A_156 : i32 to index
        %get3A_175 = arith.index_cast %mul3A_173 : i32 to index
        %get3A_176 = tpu.vector_load %arg8[%get3A_174, %get3A_175] {strides = array<i32>} : memref<25x80xi32, #tpu.memory_space<vmem>>, vector<1x16xi32>,
        %get3A_177 = vector.shape_cast %get3A_176 : vector<1x16xi32> to vector<16xi32>
        %eq3A = arith.cmpi eq, %get3A_171, %get3A_177 : vector<16xi32>
        %jit3A = arith.constant 10000 : i32
        %broadcast_in_dim3A = vector.broadcast %jit3A : i32 to vector<16xi32>
        %select_n3A = arith.select %eq3A, %broadcast_in_dim3A, %get3A_171 : vector<16xi1>, vector<16xi32>
        %mul3A_178 = arith.constant 16 : i32
        %mul3A_179 = arith.muli %scan3A_165, %mul3A_178 : i32
        %swap3A = arith.index_cast %scan3A_156 : i32 to index
        %swap3A_180 = arith.index_cast %mul3A_179 : i32 to index
        %swap3A_181 = tpu.vector_load %arg6[%swap3A, %swap3A_180] {strides = array<i32>} : memref<25x80xi32, #tpu.memory_space<vmem>>, vector<1x16xi32>,
        %swap3A_182 = vector.shape_cast %swap3A_181 : vector<1x16xi32> to vector<16xi32>
        %swap3A_183 = vector.shape_cast %select_n3A : vector<16xi32> to vector<1x16xi32>
        tpu.vector_store %arg6[%swap3A, %swap3A_180], %swap3A_183 {strides = array<i32>} : memref<25x80xi32, #tpu.memory_space<vmem>>, vector<1x16xi32>,
        %scan3A_184 = arith.constant 0 : i32
        scf.yield %scan3A_184 : i32
      }
      %scan3A_164 = arith.constant 5 : i32
      scf.yield %scan3A_163 : i32
    }
    %scan3A_80 = arith.constant 25 : i32
    %run_scoped3A_81 = arith.constant 2 : i32
    "tpu.region"() ({
      %run_scoped3A_156 = tpu.sem_alloc : memref<!tpu.dma_semaphore, #tpu.memory_space<semaphore_mem>>
      %dma_start3A = arith.constant 0 : i32
      %dma_start3A_157 = arith.constant 0 : i32
      %dma_start3A_158 = tpu.memref_slice %arg4[%add3A, %run_scoped3A_81, %dma_start3A, %dma_start3A_157] : memref<32x5x25x80xi32, #tpu.memory_space<hbm>> -> memref<1x1x25x80xi32, #tpu.memory_space<hbm>>
      %dma_start3A_159 = tpu.memref_squeeze %dma_start3A_158 : memref<1x1x25x80xi32, #tpu.memory_space<hbm>> -> memref<25x80xi32, #tpu.memory_space<hbm>>
      %dma_start3A_160 = arith.constant 0 : i32
      %dma_start3A_161 = arith.constant 0 : i32
      %dma_start3A_162 = tpu.memref_slice %arg4[%add3A, %run_scoped3A_81, %dma_start3A_160, %dma_start3A_161] : memref<32x5x25x80xi32, #tpu.memory_space<hbm>> -> memref<1x1x25x80xi32, #tpu.memory_space<hbm>>
      %dma_start3A_163 = tpu.memref_squeeze %dma_start3A_162 : memref<1x1x25x80xi32, #tpu.memory_space<hbm>> -> memref<25x80xi32, #tpu.memory_space<hbm>>
      tpu.enqueue_dma source(%arg6 : memref<25x80xi32, #tpu.memory_space<vmem>>) target(%dma_start3A_163 : memref<25x80xi32, #tpu.memory_space<hbm>>) target_semaphore(%run_scoped3A_156 : memref<!tpu.dma_semaphore, #tpu.memory_space<semaphore_mem>>)
      %dma_wait3A = arith.constant 0 : i32
      %dma_wait3A_164 = arith.constant 0 : i32
      %dma_wait3A_165 = tpu.memref_slice %arg4[%add3A, %run_scoped3A_81, %dma_wait3A, %dma_wait3A_164] : memref<32x5x25x80xi32, #tpu.memory_space<hbm>> -> memref<1x1x25x80xi32, #tpu.memory_space<hbm>>
      %dma_wait3A_166 = tpu.memref_squeeze %dma_wait3A_165 : memref<1x1x25x80xi32, #tpu.memory_space<hbm>> -> memref<25x80xi32, #tpu.memory_space<hbm>>
      %dma_wait3A_167 = arith.constant 0 : i32
      %dma_wait3A_168 = arith.constant 0 : i32
      %dma_wait3A_169 = tpu.memref_slice %arg4[%add3A, %run_scoped3A_81, %dma_wait3A_167, %dma_wait3A_168] : memref<32x5x25x80xi32, #tpu.memory_space<hbm>> -> memref<1x1x25x80xi32, #tpu.memory_space<hbm>>
      %dma_wait3A_170 = tpu.memref_squeeze %dma_wait3A_169 : memref<1x1x25x80xi32, #tpu.memory_space<hbm>> -> memref<25x80xi32, #tpu.memory_space<hbm>>
      tpu.wait_dma2 semaphore(%run_scoped3A_156 : memref<!tpu.dma_semaphore, #tpu.memory_space<semaphore_mem>>) src(%arg6 : memref<25x80xi32, #tpu.memory_space<vmem>>) dst(%dma_wait3A_170 : memref<25x80xi32, #tpu.memory_space<hbm>>)
      tpu.yield
    }) : () -> ()
    %scan3A_82 = arith.constant 0 : i32
    %scan3A_83 = arith.constant 0 : i32
    %scan3A_84 = arith.constant 25 : i32
    %scan3A_85 = arith.addi %scan3A_83, %scan3A_84 : i32
    %scan3A_86 = arith.constant 1 : i32
    %scan3A_87 = scf.for %scan3A_156 = %scan3A_83 to %scan3A_85 step %scan3A_86 iter_args(%scan3A_157 = %scan3A_82) -> (i32)  : i32 {
      %dma_wait3A = arith.constant 0 : i32
      %dma_wait3A_158 = tpu.memref_slice %arg7[%scan3A_156, %dma_wait3A] : memref<25x80xi32, #tpu.memory_space<vmem>> -> memref<1x80xi32, #tpu.memory_space<vmem>>
      %dma_wait3A_159 = tpu.memref_squeeze %dma_wait3A_158 : memref<1x80xi32, #tpu.memory_space<vmem>> -> memref<80xi32, #tpu.memory_space<vmem>>
      %dma_wait3A_160 = arith.constant 0 : i32
      %dma_wait3A_161 = arith.constant 0 : i32
      %dma_wait3A_162 = tpu.memref_slice %arg10[%dma_wait3A_160, %dma_wait3A_161] : memref<10112x128xf32, #tpu.memory_space<vmem_shared>> -> memref<10112x128xf32, #tpu.memory_space<vmem_shared>>
      tpu.wait_indirect_dma semaphore(%arg11 : memref<!tpu.dma_semaphore, #tpu.memory_space<semaphore_mem>>) src(%arg9 : memref<80x128xf32, #tpu.memory_space<vmem>>) dst(%dma_wait3A_162 : memref<10112x128xf32, #tpu.memory_space<vmem_shared>>)
      %scan3A_163 = arith.constant 0 : i32
      scf.yield %scan3A_163 : i32
    }
    %scan3A_88 = arith.constant 25 : i32
    %scan3A_89 = arith.constant 0 : i32
    %scan3A_90 = arith.constant 0 : i32
    %scan3A_91 = arith.constant 25 : i32
    %scan3A_92 = arith.addi %scan3A_90, %scan3A_91 : i32
    %scan3A_93 = arith.constant 1 : i32
    %scan3A_94 = scf.for %scan3A_156 = %scan3A_90 to %scan3A_92 step %scan3A_93 iter_args(%scan3A_157 = %scan3A_89) -> (i32)  : i32 {
      %dma_start3A = arith.constant 0 : i32
      %dma_start3A_158 = tpu.memref_slice %arg6[%scan3A_156, %dma_start3A] : memref<25x80xi32, #tpu.memory_space<vmem>> -> memref<1x80xi32, #tpu.memory_space<vmem>>
      %dma_start3A_159 = tpu.memref_squeeze %dma_start3A_158 : memref<1x80xi32, #tpu.memory_space<vmem>> -> memref<80xi32, #tpu.memory_space<vmem>>
      %dma_start3A_160 = arith.constant 0 : i32
      %dma_start3A_161 = arith.constant 0 : i32
      %dma_start3A_162 = tpu.memref_slice %arg10[%dma_start3A_160, %dma_start3A_161] : memref<10112x128xf32, #tpu.memory_space<vmem_shared>> -> memref<10112x128xf32, #tpu.memory_space<vmem_shared>>
      tpu.enqueue_indirect_dma source(%arg9 : memref<80x128xf32, #tpu.memory_space<vmem>>) target(%dma_start3A_162 : memref<10112x128xf32, #tpu.memory_space<vmem_shared>>) offsets(%dma_start3A_159 : memref<80xi32, #tpu.memory_space<vmem>>) semaphore(%arg11 : memref<!tpu.dma_semaphore, #tpu.memory_space<semaphore_mem>>) {add = true}
      %scan3A_163 = arith.constant 0 : i32
      scf.yield %scan3A_163 : i32
    }
    %scan3A_95 = arith.constant 25 : i32
    %run_scoped3A_96 = arith.constant 3 : i32
    "tpu.region"() ({
      %run_scoped3A_156 = tpu.sem_alloc : memref<!tpu.dma_semaphore, #tpu.memory_space<semaphore_mem>>
      %dma_start3A = arith.constant 0 : i32
      %dma_start3A_157 = arith.constant 0 : i32
      %dma_start3A_158 = tpu.memref_slice %arg2[%add3A, %run_scoped3A_96, %dma_start3A, %dma_start3A_157] : memref<32x5x25x80xi32, #tpu.memory_space<hbm>> -> memref<1x1x25x80xi32, #tpu.memory_space<hbm>>
      %dma_start3A_159 = tpu.memref_squeeze %dma_start3A_158 : memref<1x1x25x80xi32, #tpu.memory_space<hbm>> -> memref<25x80xi32, #tpu.memory_space<hbm>>
      %dma_start3A_160 = arith.constant 0 : i32
      %dma_start3A_161 = arith.constant 0 : i32
      %dma_start3A_162 = tpu.memref_slice %arg2[%add3A, %run_scoped3A_96, %dma_start3A_160, %dma_start3A_161] : memref<32x5x25x80xi32, #tpu.memory_space<hbm>> -> memref<1x1x25x80xi32, #tpu.memory_space<hbm>>
      %dma_start3A_163 = tpu.memref_squeeze %dma_start3A_162 : memref<1x1x25x80xi32, #tpu.memory_space<hbm>> -> memref<25x80xi32, #tpu.memory_space<hbm>>
      tpu.enqueue_dma source(%dma_start3A_163 : memref<25x80xi32, #tpu.memory_space<hbm>>) target(%arg7 : memref<25x80xi32, #tpu.memory_space<vmem>>) target_semaphore(%run_scoped3A_156 : memref<!tpu.dma_semaphore, #tpu.memory_space<semaphore_mem>>)
      %dma_wait3A = arith.constant 0 : i32
      %dma_wait3A_164 = arith.constant 0 : i32
      %dma_wait3A_165 = tpu.memref_slice %arg2[%add3A, %run_scoped3A_96, %dma_wait3A, %dma_wait3A_164] : memref<32x5x25x80xi32, #tpu.memory_space<hbm>> -> memref<1x1x25x80xi32, #tpu.memory_space<hbm>>
      %dma_wait3A_166 = tpu.memref_squeeze %dma_wait3A_165 : memref<1x1x25x80xi32, #tpu.memory_space<hbm>> -> memref<25x80xi32, #tpu.memory_space<hbm>>
      %dma_wait3A_167 = arith.constant 0 : i32
      %dma_wait3A_168 = arith.constant 0 : i32
      %dma_wait3A_169 = tpu.memref_slice %arg2[%add3A, %run_scoped3A_96, %dma_wait3A_167, %dma_wait3A_168] : memref<32x5x25x80xi32, #tpu.memory_space<hbm>> -> memref<1x1x25x80xi32, #tpu.memory_space<hbm>>
      %dma_wait3A_170 = tpu.memref_squeeze %dma_wait3A_169 : memref<1x1x25x80xi32, #tpu.memory_space<hbm>> -> memref<25x80xi32, #tpu.memory_space<hbm>>
      tpu.wait_dma2 semaphore(%run_scoped3A_156 : memref<!tpu.dma_semaphore, #tpu.memory_space<semaphore_mem>>) src(%dma_wait3A_170 : memref<25x80xi32, #tpu.memory_space<hbm>>) dst(%arg7 : memref<25x80xi32, #tpu.memory_space<vmem>>)
      tpu.yield
    }) : () -> ()
    %run_scoped3A_97 = arith.constant 3 : i32
    "tpu.region"() ({
      %run_scoped3A_156 = tpu.sem_alloc : memref<!tpu.dma_semaphore, #tpu.memory_space<semaphore_mem>>
      %dma_start3A = arith.constant 0 : i32
      %dma_start3A_157 = arith.constant 0 : i32
      %dma_start3A_158 = tpu.memref_slice %arg3[%add3A, %run_scoped3A_97, %dma_start3A, %dma_start3A_157] : memref<32x5x25x80xi32, #tpu.memory_space<hbm>> -> memref<1x1x25x80xi32, #tpu.memory_space<hbm>>
      %dma_start3A_159 = tpu.memref_squeeze %dma_start3A_158 : memref<1x1x25x80xi32, #tpu.memory_space<hbm>> -> memref<25x80xi32, #tpu.memory_space<hbm>>
      %dma_start3A_160 = arith.constant 0 : i32
      %dma_start3A_161 = arith.constant 0 : i32
      %dma_start3A_162 = tpu.memref_slice %arg3[%add3A, %run_scoped3A_97, %dma_start3A_160, %dma_start3A_161] : memref<32x5x25x80xi32, #tpu.memory_space<hbm>> -> memref<1x1x25x80xi32, #tpu.memory_space<hbm>>
      %dma_start3A_163 = tpu.memref_squeeze %dma_start3A_162 : memref<1x1x25x80xi32, #tpu.memory_space<hbm>> -> memref<25x80xi32, #tpu.memory_space<hbm>>
      tpu.enqueue_dma source(%dma_start3A_163 : memref<25x80xi32, #tpu.memory_space<hbm>>) target(%arg8 : memref<25x80xi32, #tpu.memory_space<vmem>>) target_semaphore(%run_scoped3A_156 : memref<!tpu.dma_semaphore, #tpu.memory_space<semaphore_mem>>)
      %dma_wait3A = arith.constant 0 : i32
      %dma_wait3A_164 = arith.constant 0 : i32
      %dma_wait3A_165 = tpu.memref_slice %arg3[%add3A, %run_scoped3A_97, %dma_wait3A, %dma_wait3A_164] : memref<32x5x25x80xi32, #tpu.memory_space<hbm>> -> memref<1x1x25x80xi32, #tpu.memory_space<hbm>>
      %dma_wait3A_166 = tpu.memref_squeeze %dma_wait3A_165 : memref<1x1x25x80xi32, #tpu.memory_space<hbm>> -> memref<25x80xi32, #tpu.memory_space<hbm>>
      %dma_wait3A_167 = arith.constant 0 : i32
      %dma_wait3A_168 = arith.constant 0 : i32
      %dma_wait3A_169 = tpu.memref_slice %arg3[%add3A, %run_scoped3A_97, %dma_wait3A_167, %dma_wait3A_168] : memref<32x5x25x80xi32, #tpu.memory_space<hbm>> -> memref<1x1x25x80xi32, #tpu.memory_space<hbm>>
      %dma_wait3A_170 = tpu.memref_squeeze %dma_wait3A_169 : memref<1x1x25x80xi32, #tpu.memory_space<hbm>> -> memref<25x80xi32, #tpu.memory_space<hbm>>
      tpu.wait_dma2 semaphore(%run_scoped3A_156 : memref<!tpu.dma_semaphore, #tpu.memory_space<semaphore_mem>>) src(%dma_wait3A_170 : memref<25x80xi32, #tpu.memory_space<hbm>>) dst(%arg8 : memref<25x80xi32, #tpu.memory_space<vmem>>)
      tpu.yield
    }) : () -> ()
    %scan3A_98 = arith.constant 0 : i32
    %scan3A_99 = arith.constant 0 : i32
    %scan3A_100 = arith.constant 25 : i32
    %scan3A_101 = arith.addi %scan3A_99, %scan3A_100 : i32
    %scan3A_102 = arith.constant 1 : i32
    %scan3A_103 = scf.for %scan3A_156 = %scan3A_99 to %scan3A_101 step %scan3A_102 iter_args(%scan3A_157 = %scan3A_98) -> (i32)  : i32 {
      %scan3A_158 = arith.constant 0 : i32
      %scan3A_159 = arith.constant 0 : i32
      %scan3A_160 = arith.constant 5 : i32
      %scan3A_161 = arith.addi %scan3A_159, %scan3A_160 : i32
      %scan3A_162 = arith.constant 1 : i32
      %scan3A_163 = scf.for %scan3A_165 = %scan3A_159 to %scan3A_161 step %scan3A_162 iter_args(%scan3A_166 = %scan3A_158) -> (i32)  : i32 {
        %mul3A_167 = arith.constant 16 : i32
        %mul3A_168 = arith.muli %scan3A_165, %mul3A_167 : i32
        %get3A = arith.index_cast %scan3A_156 : i32 to index
        %get3A_169 = arith.index_cast %mul3A_168 : i32 to index
        %get3A_170 = tpu.vector_load %arg7[%get3A, %get3A_169] {strides = array<i32>} : memref<25x80xi32, #tpu.memory_space<vmem>>, vector<1x16xi32>,
        %get3A_171 = vector.shape_cast %get3A_170 : vector<1x16xi32> to vector<16xi32>
        %mul3A_172 = arith.constant 16 : i32
        %mul3A_173 = arith.muli %scan3A_165, %mul3A_172 : i32
        %get3A_174 = arith.index_cast %scan3A_156 : i32 to index
        %get3A_175 = arith.index_cast %mul3A_173 : i32 to index
        %get3A_176 = tpu.vector_load %arg8[%get3A_174, %get3A_175] {strides = array<i32>} : memref<25x80xi32, #tpu.memory_space<vmem>>, vector<1x16xi32>,
        %get3A_177 = vector.shape_cast %get3A_176 : vector<1x16xi32> to vector<16xi32>
        %eq3A = arith.cmpi eq, %get3A_171, %get3A_177 : vector<16xi32>
        %jit3A = arith.constant 10000 : i32
        %broadcast_in_dim3A = vector.broadcast %jit3A : i32 to vector<16xi32>
        %select_n3A = arith.select %eq3A, %broadcast_in_dim3A, %get3A_171 : vector<16xi1>, vector<16xi32>
        %mul3A_178 = arith.constant 16 : i32
        %mul3A_179 = arith.muli %scan3A_165, %mul3A_178 : i32
        %swap3A = arith.index_cast %scan3A_156 : i32 to index
        %swap3A_180 = arith.index_cast %mul3A_179 : i32 to index
        %swap3A_181 = tpu.vector_load %arg7[%swap3A, %swap3A_180] {strides = array<i32>} : memref<25x80xi32, #tpu.memory_space<vmem>>, vector<1x16xi32>,
        %swap3A_182 = vector.shape_cast %swap3A_181 : vector<1x16xi32> to vector<16xi32>
        %swap3A_183 = vector.shape_cast %select_n3A : vector<16xi32> to vector<1x16xi32>
        tpu.vector_store %arg7[%swap3A, %swap3A_180], %swap3A_183 {strides = array<i32>} : memref<25x80xi32, #tpu.memory_space<vmem>>, vector<1x16xi32>,
        %scan3A_184 = arith.constant 0 : i32
        scf.yield %scan3A_184 : i32
      }
      %scan3A_164 = arith.constant 5 : i32
      scf.yield %scan3A_163 : i32
    }
    %scan3A_104 = arith.constant 25 : i32
    %run_scoped3A_105 = arith.constant 3 : i32
    "tpu.region"() ({
      %run_scoped3A_156 = tpu.sem_alloc : memref<!tpu.dma_semaphore, #tpu.memory_space<semaphore_mem>>
      %dma_start3A = arith.constant 0 : i32
      %dma_start3A_157 = arith.constant 0 : i32
      %dma_start3A_158 = tpu.memref_slice %arg4[%add3A, %run_scoped3A_105, %dma_start3A, %dma_start3A_157] : memref<32x5x25x80xi32, #tpu.memory_space<hbm>> -> memref<1x1x25x80xi32, #tpu.memory_space<hbm>>
      %dma_start3A_159 = tpu.memref_squeeze %dma_start3A_158 : memref<1x1x25x80xi32, #tpu.memory_space<hbm>> -> memref<25x80xi32, #tpu.memory_space<hbm>>
      %dma_start3A_160 = arith.constant 0 : i32
      %dma_start3A_161 = arith.constant 0 : i32
      %dma_start3A_162 = tpu.memref_slice %arg4[%add3A, %run_scoped3A_105, %dma_start3A_160, %dma_start3A_161] : memref<32x5x25x80xi32, #tpu.memory_space<hbm>> -> memref<1x1x25x80xi32, #tpu.memory_space<hbm>>
      %dma_start3A_163 = tpu.memref_squeeze %dma_start3A_162 : memref<1x1x25x80xi32, #tpu.memory_space<hbm>> -> memref<25x80xi32, #tpu.memory_space<hbm>>
      tpu.enqueue_dma source(%arg7 : memref<25x80xi32, #tpu.memory_space<vmem>>) target(%dma_start3A_163 : memref<25x80xi32, #tpu.memory_space<hbm>>) target_semaphore(%run_scoped3A_156 : memref<!tpu.dma_semaphore, #tpu.memory_space<semaphore_mem>>)
      %dma_wait3A = arith.constant 0 : i32
      %dma_wait3A_164 = arith.constant 0 : i32
      %dma_wait3A_165 = tpu.memref_slice %arg4[%add3A, %run_scoped3A_105, %dma_wait3A, %dma_wait3A_164] : memref<32x5x25x80xi32, #tpu.memory_space<hbm>> -> memref<1x1x25x80xi32, #tpu.memory_space<hbm>>
      %dma_wait3A_166 = tpu.memref_squeeze %dma_wait3A_165 : memref<1x1x25x80xi32, #tpu.memory_space<hbm>> -> memref<25x80xi32, #tpu.memory_space<hbm>>
      %dma_wait3A_167 = arith.constant 0 : i32
      %dma_wait3A_168 = arith.constant 0 : i32
      %dma_wait3A_169 = tpu.memref_slice %arg4[%add3A, %run_scoped3A_105, %dma_wait3A_167, %dma_wait3A_168] : memref<32x5x25x80xi32, #tpu.memory_space<hbm>> -> memref<1x1x25x80xi32, #tpu.memory_space<hbm>>
      %dma_wait3A_170 = tpu.memref_squeeze %dma_wait3A_169 : memref<1x1x25x80xi32, #tpu.memory_space<hbm>> -> memref<25x80xi32, #tpu.memory_space<hbm>>
      tpu.wait_dma2 semaphore(%run_scoped3A_156 : memref<!tpu.dma_semaphore, #tpu.memory_space<semaphore_mem>>) src(%arg7 : memref<25x80xi32, #tpu.memory_space<vmem>>) dst(%dma_wait3A_170 : memref<25x80xi32, #tpu.memory_space<hbm>>)
      tpu.yield
    }) : () -> ()
    %scan3A_106 = arith.constant 0 : i32
    %scan3A_107 = arith.constant 0 : i32
    %scan3A_108 = arith.constant 25 : i32
    %scan3A_109 = arith.addi %scan3A_107, %scan3A_108 : i32
    %scan3A_110 = arith.constant 1 : i32
    %scan3A_111 = scf.for %scan3A_156 = %scan3A_107 to %scan3A_109 step %scan3A_110 iter_args(%scan3A_157 = %scan3A_106) -> (i32)  : i32 {
      %dma_wait3A = arith.constant 0 : i32
      %dma_wait3A_158 = tpu.memref_slice %arg6[%scan3A_156, %dma_wait3A] : memref<25x80xi32, #tpu.memory_space<vmem>> -> memref<1x80xi32, #tpu.memory_space<vmem>>
      %dma_wait3A_159 = tpu.memref_squeeze %dma_wait3A_158 : memref<1x80xi32, #tpu.memory_space<vmem>> -> memref<80xi32, #tpu.memory_space<vmem>>
      %dma_wait3A_160 = arith.constant 0 : i32
      %dma_wait3A_161 = arith.constant 0 : i32
      %dma_wait3A_162 = tpu.memref_slice %arg10[%dma_wait3A_160, %dma_wait3A_161] : memref<10112x128xf32, #tpu.memory_space<vmem_shared>> -> memref<10112x128xf32, #tpu.memory_space<vmem_shared>>
      tpu.wait_indirect_dma semaphore(%arg11 : memref<!tpu.dma_semaphore, #tpu.memory_space<semaphore_mem>>) src(%arg9 : memref<80x128xf32, #tpu.memory_space<vmem>>) dst(%dma_wait3A_162 : memref<10112x128xf32, #tpu.memory_space<vmem_shared>>)
      %scan3A_163 = arith.constant 0 : i32
      scf.yield %scan3A_163 : i32
    }
    %scan3A_112 = arith.constant 25 : i32
    %scan3A_113 = arith.constant 0 : i32
    %scan3A_114 = arith.constant 0 : i32
    %scan3A_115 = arith.constant 25 : i32
    %scan3A_116 = arith.addi %scan3A_114, %scan3A_115 : i32
    %scan3A_117 = arith.constant 1 : i32
    %scan3A_118 = scf.for %scan3A_156 = %scan3A_114 to %scan3A_116 step %scan3A_117 iter_args(%scan3A_157 = %scan3A_113) -> (i32)  : i32 {
      %dma_start3A = arith.constant 0 : i32
      %dma_start3A_158 = tpu.memref_slice %arg7[%scan3A_156, %dma_start3A] : memref<25x80xi32, #tpu.memory_space<vmem>> -> memref<1x80xi32, #tpu.memory_space<vmem>>
      %dma_start3A_159 = tpu.memref_squeeze %dma_start3A_158 : memref<1x80xi32, #tpu.memory_space<vmem>> -> memref<80xi32, #tpu.memory_space<vmem>>
      %dma_start3A_160 = arith.constant 0 : i32
      %dma_start3A_161 = arith.constant 0 : i32
      %dma_start3A_162 = tpu.memref_slice %arg10[%dma_start3A_160, %dma_start3A_161] : memref<10112x128xf32, #tpu.memory_space<vmem_shared>> -> memref<10112x128xf32, #tpu.memory_space<vmem_shared>>
      tpu.enqueue_indirect_dma source(%arg9 : memref<80x128xf32, #tpu.memory_space<vmem>>) target(%dma_start3A_162 : memref<10112x128xf32, #tpu.memory_space<vmem_shared>>) offsets(%dma_start3A_159 : memref<80xi32, #tpu.memory_space<vmem>>) semaphore(%arg11 : memref<!tpu.dma_semaphore, #tpu.memory_space<semaphore_mem>>) {add = true}
      %scan3A_163 = arith.constant 0 : i32
      scf.yield %scan3A_163 : i32
    }
    %scan3A_119 = arith.constant 25 : i32
    %run_scoped3A_120 = arith.constant 4 : i32
    "tpu.region"() ({
      %run_scoped3A_156 = tpu.sem_alloc : memref<!tpu.dma_semaphore, #tpu.memory_space<semaphore_mem>>
      %dma_start3A = arith.constant 0 : i32
      %dma_start3A_157 = arith.constant 0 : i32
      %dma_start3A_158 = tpu.memref_slice %arg2[%add3A, %run_scoped3A_120, %dma_start3A, %dma_start3A_157] : memref<32x5x25x80xi32, #tpu.memory_space<hbm>> -> memref<1x1x25x80xi32, #tpu.memory_space<hbm>>
      %dma_start3A_159 = tpu.memref_squeeze %dma_start3A_158 : memref<1x1x25x80xi32, #tpu.memory_space<hbm>> -> memref<25x80xi32, #tpu.memory_space<hbm>>
      %dma_start3A_160 = arith.constant 0 : i32
      %dma_start3A_161 = arith.constant 0 : i32
      %dma_start3A_162 = tpu.memref_slice %arg2[%add3A, %run_scoped3A_120, %dma_start3A_160, %dma_start3A_161] : memref<32x5x25x80xi32, #tpu.memory_space<hbm>> -> memref<1x1x25x80xi32, #tpu.memory_space<hbm>>
      %dma_start3A_163 = tpu.memref_squeeze %dma_start3A_162 : memref<1x1x25x80xi32, #tpu.memory_space<hbm>> -> memref<25x80xi32, #tpu.memory_space<hbm>>
      tpu.enqueue_dma source(%dma_start3A_163 : memref<25x80xi32, #tpu.memory_space<hbm>>) target(%arg6 : memref<25x80xi32, #tpu.memory_space<vmem>>) target_semaphore(%run_scoped3A_156 : memref<!tpu.dma_semaphore, #tpu.memory_space<semaphore_mem>>)
      %dma_wait3A = arith.constant 0 : i32
      %dma_wait3A_164 = arith.constant 0 : i32
      %dma_wait3A_165 = tpu.memref_slice %arg2[%add3A, %run_scoped3A_120, %dma_wait3A, %dma_wait3A_164] : memref<32x5x25x80xi32, #tpu.memory_space<hbm>> -> memref<1x1x25x80xi32, #tpu.memory_space<hbm>>
      %dma_wait3A_166 = tpu.memref_squeeze %dma_wait3A_165 : memref<1x1x25x80xi32, #tpu.memory_space<hbm>> -> memref<25x80xi32, #tpu.memory_space<hbm>>
      %dma_wait3A_167 = arith.constant 0 : i32
      %dma_wait3A_168 = arith.constant 0 : i32
      %dma_wait3A_169 = tpu.memref_slice %arg2[%add3A, %run_scoped3A_120, %dma_wait3A_167, %dma_wait3A_168] : memref<32x5x25x80xi32, #tpu.memory_space<hbm>> -> memref<1x1x25x80xi32, #tpu.memory_space<hbm>>
      %dma_wait3A_170 = tpu.memref_squeeze %dma_wait3A_169 : memref<1x1x25x80xi32, #tpu.memory_space<hbm>> -> memref<25x80xi32, #tpu.memory_space<hbm>>
      tpu.wait_dma2 semaphore(%run_scoped3A_156 : memref<!tpu.dma_semaphore, #tpu.memory_space<semaphore_mem>>) src(%dma_wait3A_170 : memref<25x80xi32, #tpu.memory_space<hbm>>) dst(%arg6 : memref<25x80xi32, #tpu.memory_space<vmem>>)
      tpu.yield
    }) : () -> ()
    %run_scoped3A_121 = arith.constant 4 : i32
    "tpu.region"() ({
      %run_scoped3A_156 = tpu.sem_alloc : memref<!tpu.dma_semaphore, #tpu.memory_space<semaphore_mem>>
      %dma_start3A = arith.constant 0 : i32
      %dma_start3A_157 = arith.constant 0 : i32
      %dma_start3A_158 = tpu.memref_slice %arg3[%add3A, %run_scoped3A_121, %dma_start3A, %dma_start3A_157] : memref<32x5x25x80xi32, #tpu.memory_space<hbm>> -> memref<1x1x25x80xi32, #tpu.memory_space<hbm>>
      %dma_start3A_159 = tpu.memref_squeeze %dma_start3A_158 : memref<1x1x25x80xi32, #tpu.memory_space<hbm>> -> memref<25x80xi32, #tpu.memory_space<hbm>>
      %dma_start3A_160 = arith.constant 0 : i32
      %dma_start3A_161 = arith.constant 0 : i32
      %dma_start3A_162 = tpu.memref_slice %arg3[%add3A, %run_scoped3A_121, %dma_start3A_160, %dma_start3A_161] : memref<32x5x25x80xi32, #tpu.memory_space<hbm>> -> memref<1x1x25x80xi32, #tpu.memory_space<hbm>>
      %dma_start3A_163 = tpu.memref_squeeze %dma_start3A_162 : memref<1x1x25x80xi32, #tpu.memory_space<hbm>> -> memref<25x80xi32, #tpu.memory_space<hbm>>
      tpu.enqueue_dma source(%dma_start3A_163 : memref<25x80xi32, #tpu.memory_space<hbm>>) target(%arg8 : memref<25x80xi32, #tpu.memory_space<vmem>>) target_semaphore(%run_scoped3A_156 : memref<!tpu.dma_semaphore, #tpu.memory_space<semaphore_mem>>)
      %dma_wait3A = arith.constant 0 : i32
      %dma_wait3A_164 = arith.constant 0 : i32
      %dma_wait3A_165 = tpu.memref_slice %arg3[%add3A, %run_scoped3A_121, %dma_wait3A, %dma_wait3A_164] : memref<32x5x25x80xi32, #tpu.memory_space<hbm>> -> memref<1x1x25x80xi32, #tpu.memory_space<hbm>>
      %dma_wait3A_166 = tpu.memref_squeeze %dma_wait3A_165 : memref<1x1x25x80xi32, #tpu.memory_space<hbm>> -> memref<25x80xi32, #tpu.memory_space<hbm>>
      %dma_wait3A_167 = arith.constant 0 : i32
      %dma_wait3A_168 = arith.constant 0 : i32
      %dma_wait3A_169 = tpu.memref_slice %arg3[%add3A, %run_scoped3A_121, %dma_wait3A_167, %dma_wait3A_168] : memref<32x5x25x80xi32, #tpu.memory_space<hbm>> -> memref<1x1x25x80xi32, #tpu.memory_space<hbm>>
      %dma_wait3A_170 = tpu.memref_squeeze %dma_wait3A_169 : memref<1x1x25x80xi32, #tpu.memory_space<hbm>> -> memref<25x80xi32, #tpu.memory_space<hbm>>
      tpu.wait_dma2 semaphore(%run_scoped3A_156 : memref<!tpu.dma_semaphore, #tpu.memory_space<semaphore_mem>>) src(%dma_wait3A_170 : memref<25x80xi32, #tpu.memory_space<hbm>>) dst(%arg8 : memref<25x80xi32, #tpu.memory_space<vmem>>)
      tpu.yield
    }) : () -> ()
    %scan3A_122 = arith.constant 0 : i32
    %scan3A_123 = arith.constant 0 : i32
    %scan3A_124 = arith.constant 25 : i32
    %scan3A_125 = arith.addi %scan3A_123, %scan3A_124 : i32
    %scan3A_126 = arith.constant 1 : i32
    %scan3A_127 = scf.for %scan3A_156 = %scan3A_123 to %scan3A_125 step %scan3A_126 iter_args(%scan3A_157 = %scan3A_122) -> (i32)  : i32 {
      %scan3A_158 = arith.constant 0 : i32
      %scan3A_159 = arith.constant 0 : i32
      %scan3A_160 = arith.constant 5 : i32
      %scan3A_161 = arith.addi %scan3A_159, %scan3A_160 : i32
      %scan3A_162 = arith.constant 1 : i32
      %scan3A_163 = scf.for %scan3A_165 = %scan3A_159 to %scan3A_161 step %scan3A_162 iter_args(%scan3A_166 = %scan3A_158) -> (i32)  : i32 {
        %mul3A_167 = arith.constant 16 : i32
        %mul3A_168 = arith.muli %scan3A_165, %mul3A_167 : i32
        %get3A = arith.index_cast %scan3A_156 : i32 to index
        %get3A_169 = arith.index_cast %mul3A_168 : i32 to index
        %get3A_170 = tpu.vector_load %arg6[%get3A, %get3A_169] {strides = array<i32>} : memref<25x80xi32, #tpu.memory_space<vmem>>, vector<1x16xi32>,
        %get3A_171 = vector.shape_cast %get3A_170 : vector<1x16xi32> to vector<16xi32>
        %mul3A_172 = arith.constant 16 : i32
        %mul3A_173 = arith.muli %scan3A_165, %mul3A_172 : i32
        %get3A_174 = arith.index_cast %scan3A_156 : i32 to index
        %get3A_175 = arith.index_cast %mul3A_173 : i32 to index
        %get3A_176 = tpu.vector_load %arg8[%get3A_174, %get3A_175] {strides = array<i32>} : memref<25x80xi32, #tpu.memory_space<vmem>>, vector<1x16xi32>,
        %get3A_177 = vector.shape_cast %get3A_176 : vector<1x16xi32> to vector<16xi32>
        %eq3A = arith.cmpi eq, %get3A_171, %get3A_177 : vector<16xi32>
        %jit3A = arith.constant 10000 : i32
        %broadcast_in_dim3A = vector.broadcast %jit3A : i32 to vector<16xi32>
        %select_n3A = arith.select %eq3A, %broadcast_in_dim3A, %get3A_171 : vector<16xi1>, vector<16xi32>
        %mul3A_178 = arith.constant 16 : i32
        %mul3A_179 = arith.muli %scan3A_165, %mul3A_178 : i32
        %swap3A = arith.index_cast %scan3A_156 : i32 to index
        %swap3A_180 = arith.index_cast %mul3A_179 : i32 to index
        %swap3A_181 = tpu.vector_load %arg6[%swap3A, %swap3A_180] {strides = array<i32>} : memref<25x80xi32, #tpu.memory_space<vmem>>, vector<1x16xi32>,
        %swap3A_182 = vector.shape_cast %swap3A_181 : vector<1x16xi32> to vector<16xi32>
        %swap3A_183 = vector.shape_cast %select_n3A : vector<16xi32> to vector<1x16xi32>
        tpu.vector_store %arg6[%swap3A, %swap3A_180], %swap3A_183 {strides = array<i32>} : memref<25x80xi32, #tpu.memory_space<vmem>>, vector<1x16xi32>,
        %scan3A_184 = arith.constant 0 : i32
        scf.yield %scan3A_184 : i32
      }
      %scan3A_164 = arith.constant 5 : i32
      scf.yield %scan3A_163 : i32
    }
    %scan3A_128 = arith.constant 25 : i32
    %run_scoped3A_129 = arith.constant 4 : i32
    "tpu.region"() ({
      %run_scoped3A_156 = tpu.sem_alloc : memref<!tpu.dma_semaphore, #tpu.memory_space<semaphore_mem>>
      %dma_start3A = arith.constant 0 : i32
      %dma_start3A_157 = arith.constant 0 : i32
      %dma_start3A_158 = tpu.memref_slice %arg4[%add3A, %run_scoped3A_129, %dma_start3A, %dma_start3A_157] : memref<32x5x25x80xi32, #tpu.memory_space<hbm>> -> memref<1x1x25x80xi32, #tpu.memory_space<hbm>>
      %dma_start3A_159 = tpu.memref_squeeze %dma_start3A_158 : memref<1x1x25x80xi32, #tpu.memory_space<hbm>> -> memref<25x80xi32, #tpu.memory_space<hbm>>
      %dma_start3A_160 = arith.constant 0 : i32
      %dma_start3A_161 = arith.constant 0 : i32
      %dma_start3A_162 = tpu.memref_slice %arg4[%add3A, %run_scoped3A_129, %dma_start3A_160, %dma_start3A_161] : memref<32x5x25x80xi32, #tpu.memory_space<hbm>> -> memref<1x1x25x80xi32, #tpu.memory_space<hbm>>
      %dma_start3A_163 = tpu.memref_squeeze %dma_start3A_162 : memref<1x1x25x80xi32, #tpu.memory_space<hbm>> -> memref<25x80xi32, #tpu.memory_space<hbm>>
      tpu.enqueue_dma source(%arg6 : memref<25x80xi32, #tpu.memory_space<vmem>>) target(%dma_start3A_163 : memref<25x80xi32, #tpu.memory_space<hbm>>) target_semaphore(%run_scoped3A_156 : memref<!tpu.dma_semaphore, #tpu.memory_space<semaphore_mem>>)
      %dma_wait3A = arith.constant 0 : i32
      %dma_wait3A_164 = arith.constant 0 : i32
      %dma_wait3A_165 = tpu.memref_slice %arg4[%add3A, %run_scoped3A_129, %dma_wait3A, %dma_wait3A_164] : memref<32x5x25x80xi32, #tpu.memory_space<hbm>> -> memref<1x1x25x80xi32, #tpu.memory_space<hbm>>
      %dma_wait3A_166 = tpu.memref_squeeze %dma_wait3A_165 : memref<1x1x25x80xi32, #tpu.memory_space<hbm>> -> memref<25x80xi32, #tpu.memory_space<hbm>>
      %dma_wait3A_167 = arith.constant 0 : i32
      %dma_wait3A_168 = arith.constant 0 : i32
      %dma_wait3A_169 = tpu.memref_slice %arg4[%add3A, %run_scoped3A_129, %dma_wait3A_167, %dma_wait3A_168] : memref<32x5x25x80xi32, #tpu.memory_space<hbm>> -> memref<1x1x25x80xi32, #tpu.memory_space<hbm>>
      %dma_wait3A_170 = tpu.memref_squeeze %dma_wait3A_169 : memref<1x1x25x80xi32, #tpu.memory_space<hbm>> -> memref<25x80xi32, #tpu.memory_space<hbm>>
      tpu.wait_dma2 semaphore(%run_scoped3A_156 : memref<!tpu.dma_semaphore, #tpu.memory_space<semaphore_mem>>) src(%arg6 : memref<25x80xi32, #tpu.memory_space<vmem>>) dst(%dma_wait3A_170 : memref<25x80xi32, #tpu.memory_space<hbm>>)
      tpu.yield
    }) : () -> ()
    %scan3A_130 = arith.constant 0 : i32
    %scan3A_131 = arith.constant 0 : i32
    %scan3A_132 = arith.constant 25 : i32
    %scan3A_133 = arith.addi %scan3A_131, %scan3A_132 : i32
    %scan3A_134 = arith.constant 1 : i32
    %scan3A_135 = scf.for %scan3A_156 = %scan3A_131 to %scan3A_133 step %scan3A_134 iter_args(%scan3A_157 = %scan3A_130) -> (i32)  : i32 {
      %dma_wait3A = arith.constant 0 : i32
      %dma_wait3A_158 = tpu.memref_slice %arg7[%scan3A_156, %dma_wait3A] : memref<25x80xi32, #tpu.memory_space<vmem>> -> memref<1x80xi32, #tpu.memory_space<vmem>>
      %dma_wait3A_159 = tpu.memref_squeeze %dma_wait3A_158 : memref<1x80xi32, #tpu.memory_space<vmem>> -> memref<80xi32, #tpu.memory_space<vmem>>
      %dma_wait3A_160 = arith.constant 0 : i32
      %dma_wait3A_161 = arith.constant 0 : i32
      %dma_wait3A_162 = tpu.memref_slice %arg10[%dma_wait3A_160, %dma_wait3A_161] : memref<10112x128xf32, #tpu.memory_space<vmem_shared>> -> memref<10112x128xf32, #tpu.memory_space<vmem_shared>>
      tpu.wait_indirect_dma semaphore(%arg11 : memref<!tpu.dma_semaphore, #tpu.memory_space<semaphore_mem>>) src(%arg9 : memref<80x128xf32, #tpu.memory_space<vmem>>) dst(%dma_wait3A_162 : memref<10112x128xf32, #tpu.memory_space<vmem_shared>>)
      %scan3A_163 = arith.constant 0 : i32
      scf.yield %scan3A_163 : i32
    }
    %scan3A_136 = arith.constant 25 : i32
    %scan3A_137 = arith.constant 0 : i32
    %scan3A_138 = arith.constant 0 : i32
    %scan3A_139 = arith.constant 25 : i32
    %scan3A_140 = arith.addi %scan3A_138, %scan3A_139 : i32
    %scan3A_141 = arith.constant 1 : i32
    %scan3A_142 = scf.for %scan3A_156 = %scan3A_138 to %scan3A_140 step %scan3A_141 iter_args(%scan3A_157 = %scan3A_137) -> (i32)  : i32 {
      %dma_start3A = arith.constant 0 : i32
      %dma_start3A_158 = tpu.memref_slice %arg6[%scan3A_156, %dma_start3A] : memref<25x80xi32, #tpu.memory_space<vmem>> -> memref<1x80xi32, #tpu.memory_space<vmem>>
      %dma_start3A_159 = tpu.memref_squeeze %dma_start3A_158 : memref<1x80xi32, #tpu.memory_space<vmem>> -> memref<80xi32, #tpu.memory_space<vmem>>
      %dma_start3A_160 = arith.constant 0 : i32
      %dma_start3A_161 = arith.constant 0 : i32
      %dma_start3A_162 = tpu.memref_slice %arg10[%dma_start3A_160, %dma_start3A_161] : memref<10112x128xf32, #tpu.memory_space<vmem_shared>> -> memref<10112x128xf32, #tpu.memory_space<vmem_shared>>
      tpu.enqueue_indirect_dma source(%arg9 : memref<80x128xf32, #tpu.memory_space<vmem>>) target(%dma_start3A_162 : memref<10112x128xf32, #tpu.memory_space<vmem_shared>>) offsets(%dma_start3A_159 : memref<80xi32, #tpu.memory_space<vmem>>) semaphore(%arg11 : memref<!tpu.dma_semaphore, #tpu.memory_space<semaphore_mem>>) {add = true}
      %scan3A_163 = arith.constant 0 : i32
      scf.yield %scan3A_163 : i32
    }
    %scan3A_143 = arith.constant 25 : i32
    %scan3A_144 = arith.constant 0 : i32
    %scan3A_145 = arith.constant 0 : i32
    %scan3A_146 = arith.constant 25 : i32
    %scan3A_147 = arith.addi %scan3A_145, %scan3A_146 : i32
    %scan3A_148 = arith.constant 1 : i32
    %scan3A_149 = scf.for %scan3A_156 = %scan3A_145 to %scan3A_147 step %scan3A_148 iter_args(%scan3A_157 = %scan3A_144) -> (i32)  : i32 {
      %dma_wait3A = arith.constant 0 : i32
      %dma_wait3A_158 = tpu.memref_slice %arg6[%scan3A_156, %dma_wait3A] : memref<25x80xi32, #tpu.memory_space<vmem>> -> memref<1x80xi32, #tpu.memory_space<vmem>>
      %dma_wait3A_159 = tpu.memref_squeeze %dma_wait3A_158 : memref<1x80xi32, #tpu.memory_space<vmem>> -> memref<80xi32, #tpu.memory_space<vmem>>
      %dma_wait3A_160 = arith.constant 0 : i32
      %dma_wait3A_161 = arith.constant 0 : i32
      %dma_wait3A_162 = tpu.memref_slice %arg10[%dma_wait3A_160, %dma_wait3A_161] : memref<10112x128xf32, #tpu.memory_space<vmem_shared>> -> memref<10112x128xf32, #tpu.memory_space<vmem_shared>>
      tpu.wait_indirect_dma semaphore(%arg11 : memref<!tpu.dma_semaphore, #tpu.memory_space<semaphore_mem>>) src(%arg9 : memref<80x128xf32, #tpu.memory_space<vmem>>) dst(%dma_wait3A_162 : memref<10112x128xf32, #tpu.memory_space<vmem_shared>>)
      %scan3A_163 = arith.constant 0 : i32
      scf.yield %scan3A_163 : i32
    }
    %scan3A_150 = arith.constant 25 : i32
    %barrier3A_151 = arith.constant 0 : index
    tpu.barrier barrier_id(%barrier3A_151)
    %mul3A_152 = arith.constant 632 : i32
    %mul3A_153 = arith.muli %arg1, %mul3A_152 : i32
    %mul3A_154 = arith.constant 632 : i32
    %mul3A_155 = arith.muli %arg1, %mul3A_154 : i32
    "tpu.region"() ({
      %run_scoped3A_156 = tpu.sem_alloc : memref<!tpu.dma_semaphore, #tpu.memory_space<semaphore_mem>>
      %dma_start3A = arith.constant 0 : i32
      %dma_start3A_157 = tpu.memref_slice %arg5[%arg0, %mul3A_155, %dma_start3A] : memref<2x10112x128xf32, #tpu.memory_space<hbm>> -> memref<1x632x128xf32, #tpu.memory_space<hbm>>
      %dma_start3A_158 = tpu.memref_squeeze %dma_start3A_157 : memref<1x632x128xf32, #tpu.memory_space<hbm>> -> memref<632x128xf32, #tpu.memory_space<hbm>>
      %dma_start3A_159 = arith.constant 0 : i32
      %dma_start3A_160 = tpu.memref_slice %arg10[%mul3A_153, %dma_start3A_159] : memref<10112x128xf32, #tpu.memory_space<vmem_shared>> -> memref<632x128xf32, #tpu.memory_space<vmem_shared>>
      tpu.enqueue_dma source(%dma_start3A_160 : memref<632x128xf32, #tpu.memory_space<vmem_shared>>) target(%dma_start3A_158 : memref<632x128xf32, #tpu.memory_space<hbm>>) target_semaphore(%run_scoped3A_156 : memref<!tpu.dma_semaphore, #tpu.memory_space<semaphore_mem>>)
      %dma_wait3A = arith.constant 0 : i32
      %dma_wait3A_161 = tpu.memref_slice %arg5[%arg0, %mul3A_155, %dma_wait3A] : memref<2x10112x128xf32, #tpu.memory_space<hbm>> -> memref<1x632x128xf32, #tpu.memory_space<hbm>>
      %dma_wait3A_162 = tpu.memref_squeeze %dma_wait3A_161 : memref<1x632x128xf32, #tpu.memory_space<hbm>> -> memref<632x128xf32, #tpu.memory_space<hbm>>
      %dma_wait3A_163 = arith.constant 0 : i32
      %dma_wait3A_164 = tpu.memref_slice %arg10[%mul3A_153, %dma_wait3A_163] : memref<10112x128xf32, #tpu.memory_space<vmem_shared>> -> memref<632x128xf32, #tpu.memory_space<vmem_shared>>
      tpu.wait_dma2 semaphore(%run_scoped3A_156 : memref<!tpu.dma_semaphore, #tpu.memory_space<semaphore_mem>>) src(%dma_wait3A_164 : memref<632x128xf32, #tpu.memory_space<vmem_shared>>) dst(%dma_wait3A_162 : memref<632x128xf32, #tpu.memory_space<hbm>>)
      tpu.yield
    }) : () -> ()
    return
  }
}

module attributes {stable_mosaic.version = 14 : i64} {
  func.func @_scale_body(%arg0: memref<2x10112x128xf32, #tpu.memory_space<vmem>>, %arg1: memref<10000x128xf32, #tpu.memory_space<vmem>>, %arg2: memref<10112x128xf32, #tpu.memory_space<vmem>>, %arg3: memref<10112x1xf32, #tpu.memory_space<vmem>>) attributes {dimension_semantics = [], scalar_prefetch = 0 : i64, scratch_operands = 0 : i64, tpu.core_type = #tpu.core_type<tc>} {
    %get3A = arith.constant 0 : index
    %get3A_0 = arith.constant 0 : index
    %get3A_1 = arith.constant 0 : index
    %get3A_2 = vector.load %arg0[%get3A, %get3A_0, %get3A_1] : memref<2x10112x128xf32, #tpu.memory_space<vmem>>, vector<1x10112x1xf32>
    %get3A_3 = vector.shape_cast %get3A_2 : vector<1x10112x1xf32> to vector<10112x1xf32>
    %get3A_4 = arith.constant 1 : index
    %get3A_5 = arith.constant 0 : index
    %get3A_6 = arith.constant 0 : index
    %get3A_7 = vector.load %arg0[%get3A_4, %get3A_5, %get3A_6] : memref<2x10112x128xf32, #tpu.memory_space<vmem>>, vector<1x10112x1xf32>
    %get3A_8 = vector.shape_cast %get3A_7 : vector<1x10112x1xf32> to vector<10112x1xf32>
    %add3A = arith.addf %get3A_3, %get3A_8 : vector<10112x1xf32>
    %gt3A = arith.constant 0.000000e+00 : f32
    %gt3A_9 = vector.broadcast %gt3A : f32 to vector<10112x1xf32>
    %gt3A_10 = arith.cmpf ogt, %add3A, %gt3A_9 : vector<10112x1xf32>
    %rsqrt3A = math.rsqrt %add3A : vector<10112x1xf32>
    %jit3A = arith.constant 0.000000e+00 : f32
    %broadcast_in_dim3A = vector.broadcast %jit3A : f32 to vector<10112x1xf32>
    %select_n3A = arith.select %gt3A_10, %rsqrt3A, %broadcast_in_dim3A : vector<10112x1xi1>, vector<10112x1xf32>
    %swap3A = arith.constant 0 : index
    %swap3A_11 = arith.constant 0 : index
    %swap3A_12 = vector.load %arg3[%swap3A, %swap3A_11] : memref<10112x1xf32, #tpu.memory_space<vmem>>, vector<10112x1xf32>
    tpu.vector_store %arg3[%swap3A, %swap3A_11], %select_n3A {strides = array<i32>} : memref<10112x1xf32, #tpu.memory_space<vmem>>, vector<10112x1xf32>,
    %get3A_13 = arith.constant 0 : index
    %get3A_14 = arith.constant 0 : index
    %get3A_15 = vector.load %arg1[%get3A_13, %get3A_14] : memref<10000x128xf32, #tpu.memory_space<vmem>>, vector<10000x128xf32>
    %slice3A = vector.extract_strided_slice %select_n3A {offsets = [0, 0], sizes = [10000, 1], strides = [1, 1]} : vector<10112x1xf32> to vector<10000x1xf32>
    %mul3A = vector.broadcast %slice3A : vector<10000x1xf32> to vector<10000x128xf32>
    %mul3A_16 = arith.mulf %get3A_15, %mul3A : vector<10000x128xf32>
    %swap3A_17 = arith.constant 0 : index
    %swap3A_18 = arith.constant 0 : index
    %swap3A_19 = vector.load %arg2[%swap3A_17, %swap3A_18] : memref<10112x128xf32, #tpu.memory_space<vmem>>, vector<10000x128xf32>
    tpu.vector_store %arg2[%swap3A_17, %swap3A_18], %mul3A_16 {strides = array<i32>} : memref<10112x128xf32, #tpu.memory_space<vmem>>, vector<10000x128xf32>,
    %broadcast_in_dim3A_20 = arith.constant 0.000000e+00 : f32
    %broadcast_in_dim3A_21 = vector.broadcast %broadcast_in_dim3A_20 : f32 to vector<112x128xf32>
    %swap3A_22 = arith.constant 10000 : index
    %swap3A_23 = arith.constant 0 : index
    %swap3A_24 = vector.load %arg2[%swap3A_22, %swap3A_23] : memref<10112x128xf32, #tpu.memory_space<vmem>>, vector<112x128xf32>
    tpu.vector_store %arg2[%swap3A_22, %swap3A_23], %broadcast_in_dim3A_21 {strides = array<i32>} : memref<10112x128xf32, #tpu.memory_space<vmem>>, vector<112x128xf32>,
    return
  }
}

module attributes {stable_mosaic.version = 14 : i64} {
  func.func @_mm0_body(%arg0: memref<10000x128xf32, #tpu.memory_space<vmem>>, %arg1: memref<2x128x128xf32, #tpu.memory_space<vmem>>, %arg2: memref<1x128xf32, #tpu.memory_space<vmem>>, %arg3: memref<10000x128xf32, #tpu.memory_space<vmem>>) attributes {dimension_semantics = [], scalar_prefetch = 0 : i64, scratch_operands = 0 : i64, tpu.core_type = #tpu.core_type<tc>} {
    %get3A = arith.constant 0 : index
    %get3A_0 = arith.constant 0 : index
    %get3A_1 = vector.load %arg0[%get3A, %get3A_0] : memref<10000x128xf32, #tpu.memory_space<vmem>>, vector<10000x128xf32>
    %get3A_2 = arith.constant 0 : index
    %get3A_3 = arith.constant 0 : index
    %get3A_4 = arith.constant 0 : index
    %get3A_5 = vector.load %arg1[%get3A_2, %get3A_3, %get3A_4] : memref<2x128x128xf32, #tpu.memory_space<vmem>>, vector<1x128x128xf32>
    %get3A_6 = vector.shape_cast %get3A_5 : vector<1x128x128xf32> to vector<128x128xf32>
    %dot_general3A = arith.constant dense<0.000000e+00> : vector<10000x128xf32>
    %dot_general3A_7 = tpu.matmul %get3A_1, %get3A_6, %dot_general3A {dimension_numbers = #tpu.dot_dimension_numbers<[1], [0], [0], [1], [0, 0, 1, 1], [], []>, transpose_lhs_hint = false} : vector<10000x128xf32>, vector<128x128xf32>, vector<10000x128xf32> -> vector<10000x128xf32>
    %get3A_8 = arith.constant 0 : index
    %get3A_9 = arith.constant 0 : index
    %get3A_10 = vector.load %arg2[%get3A_8, %get3A_9] : memref<1x128xf32, #tpu.memory_space<vmem>>, vector<1x128xf32>
    %get3A_11 = vector.shape_cast %get3A_10 : vector<1x128xf32> to vector<128xf32>
    %broadcast_in_dim3A = vector.shape_cast %get3A_11 : vector<128xf32> to vector<1x128xf32>
    %add3A = vector.broadcast %broadcast_in_dim3A : vector<1x128xf32> to vector<10000x128xf32>
    %add3A_12 = arith.addf %dot_general3A_7, %add3A : vector<10000x128xf32>
    %swap3A = arith.constant 0 : index
    %swap3A_13 = arith.constant 0 : index
    %swap3A_14 = vector.load %arg3[%swap3A, %swap3A_13] : memref<10000x128xf32, #tpu.memory_space<vmem>>, vector<10000x128xf32>
    tpu.vector_store %arg3[%swap3A, %swap3A_13], %add3A_12 {strides = array<i32>} : memref<10000x128xf32, #tpu.memory_space<vmem>>, vector<10000x128xf32>,
    return
  }
}

module attributes {stable_mosaic.version = 14 : i64} {
  func.func @_out_body(%arg0: memref<10000x128xf32, #tpu.memory_space<vmem>>, %arg1: memref<10112x1xf32, #tpu.memory_space<vmem>>, %arg2: memref<2x10112x128xf32, #tpu.memory_space<vmem>>, %arg3: memref<2x128x128xf32, #tpu.memory_space<vmem>>, %arg4: memref<10000x128xf32, #tpu.memory_space<vmem>>) attributes {dimension_semantics = [], scalar_prefetch = 0 : i64, scratch_operands = 0 : i64, tpu.core_type = #tpu.core_type<tc>} {
    %get3A = arith.constant 0 : index
    %get3A_0 = arith.constant 0 : index
    %get3A_1 = vector.load %arg1[%get3A, %get3A_0] : memref<10112x1xf32, #tpu.memory_space<vmem>>, vector<10000x1xf32>
    %get3A_2 = arith.constant 0 : index
    %get3A_3 = arith.constant 0 : index
    %get3A_4 = arith.constant 0 : index
    %get3A_5 = vector.load %arg2[%get3A_2, %get3A_3, %get3A_4] : memref<2x10112x128xf32, #tpu.memory_space<vmem>>, vector<1x10000x128xf32>
    %get3A_6 = vector.shape_cast %get3A_5 : vector<1x10000x128xf32> to vector<10000x128xf32>
    %get3A_7 = arith.constant 1 : index
    %get3A_8 = arith.constant 0 : index
    %get3A_9 = arith.constant 0 : index
    %get3A_10 = vector.load %arg2[%get3A_7, %get3A_8, %get3A_9] : memref<2x10112x128xf32, #tpu.memory_space<vmem>>, vector<1x10000x128xf32>
    %get3A_11 = vector.shape_cast %get3A_10 : vector<1x10000x128xf32> to vector<10000x128xf32>
    %add3A = arith.addf %get3A_6, %get3A_11 : vector<10000x128xf32>
    %mul3A = vector.broadcast %get3A_1 : vector<10000x1xf32> to vector<10000x128xf32>
    %mul3A_12 = arith.mulf %mul3A, %add3A : vector<10000x128xf32>
    %get3A_13 = arith.constant 0 : index
    %get3A_14 = arith.constant 0 : index
    %get3A_15 = vector.load %arg0[%get3A_13, %get3A_14] : memref<10000x128xf32, #tpu.memory_space<vmem>>, vector<10000x128xf32>
    %get3A_16 = arith.constant 1 : index
    %get3A_17 = arith.constant 0 : index
    %get3A_18 = arith.constant 0 : index
    %get3A_19 = vector.load %arg3[%get3A_16, %get3A_17, %get3A_18] : memref<2x128x128xf32, #tpu.memory_space<vmem>>, vector<1x128x128xf32>
    %get3A_20 = vector.shape_cast %get3A_19 : vector<1x128x128xf32> to vector<128x128xf32>
    %dot_general3A = arith.constant dense<0.000000e+00> : vector<10000x128xf32>
    %dot_general3A_21 = tpu.matmul %mul3A_12, %get3A_20, %dot_general3A {dimension_numbers = #tpu.dot_dimension_numbers<[1], [0], [0], [1], [0, 0, 1, 1], [], []>, transpose_lhs_hint = false} : vector<10000x128xf32>, vector<128x128xf32>, vector<10000x128xf32> -> vector<10000x128xf32>
    %sub3A = arith.subf %get3A_15, %dot_general3A_21 : vector<10000x128xf32>
    %swap3A = arith.constant 0 : index
    %swap3A_22 = arith.constant 0 : index
    %swap3A_23 = vector.load %arg4[%swap3A, %swap3A_22] : memref<10000x128xf32, #tpu.memory_space<vmem>>, vector<10000x128xf32>
    tpu.vector_store %arg4[%swap3A, %swap3A_22], %sub3A {strides = array<i32>} : memref<10000x128xf32, #tpu.memory_space<vmem>>, vector<10000x128xf32>,
    return
  }
}

</mosaic_0001>

<sc_bundles>
// kernel: kernel.10.cloned.1.call-start
scs
__scs_entry_jumppad:
0x0: {  	(pc) =	sbr.rel $0x88, $3  }
0x1: {  	(tag) =	ssettag $0x0;
	lr =	simm.s32 $0x1  }
0x2: {  	[smem:$0x3F9D] =	sst lr;
	_ =	strace $0xD0000000  }
0x3: {  	_ = 	snop  }
0x4: {  	_ = 	snop  }
0x5: {  	_ = 	snop  }
0x6: {  	_ = 	snop  }
0x7: {  	_ = 	snop  }
__scs_overlays_trampoline_lowered:
0x8: {  	[smem:$0x3FAC] =	sst s0  }
0x9: {  	[smem:$0x3FAD] =	sst s1  }
0xa: {  	[smem:$0x3FAE] =	sst s2  }
0xb: {  	[smem:$0x3FAF] =	sst s3  }
0xc: {  	[smem:$0x3FB0] =	sst s4  }
0xd: {  	[smem:$0x3FB1] =	sst s5  }
0xe: {  	[smem:$0x3FB2] =	sst s6  }
0xf: {  	[smem:$0x3FB3] =	sst s7  }
0x10: {  	[smem:$0x3FB4] =	sst s8  }
0x11: {  	[smem:$0x3FB5] =	sst s9;
	s0 =	simm.s32 @!p0 $0x0  }
0x12: {  	s1 =	sld [smem:$0x3F9B];
	s0 =	simm.s32 @p0 $0x1  }
0x13: {  	[smem:$0x3FB6] =	sst s0;
	s0 =	simm.s32 @!p1 $0x0  }
0x14: {  	s2 =	sld [smem:$0x3F9A];
	s0 =	simm.s32 @p1 $0x1  }
0x15: {  	[smem:$0x3FB7] =	sst s0;
	s0 =	simm.s32 @!p2 $0x0  }
0x16: {  	s3 =	sld [smem:$0x3FDB];
	s0 =	simm.s32 @p2 $0x1  }
0x17: {  	s4 =	simm.s32 $0x1BF5;
	[smem:$0x3FB9] =	sst s0  }
0x18: {  	s0 =	sld [smem:$0x3F9C];
	_ =	swait.ge [sflag:s4], $0x0  }
0x19: {  	s7 =	sld [smem:$0x3F9D]  }
0x1a: {  	s8 =	sadd.s32 $0xFFFFE003, lr  }
0x1b: {  	s9 =	sadd.s32 $0xFFFFFEF7, lr;
	s5 =	simm.s32 $0xFFFFFFFF;
	p2 =	slt.u32 s8, $0xFFFFF086  }
0x1c: {  	p1 =	slt.u32 s9, $0xF7A;
	s5 =	simm.s32 @!p2 $0x0  }
0x1d: {  	s5 =	simm.s32 @p1 $0x1;
	p0 =	seq.s32 s7, s2  }
0x1e: {  	s7 =	smul.u32 @!p0 $0xF7A, s2;
	p2 =	seq.s32 @!p0 s5, $0x0  }
0x1f: {  	s9 =	smul.u32 $0xF7A, s1;
	s8 =	simm.s32 @!p0 $0x1BF5;
	p2 =	por !p2, p0  }
0x20: {  	[sflag:s8] =	ssyncset.s32 @!p0 $0xFFFFF086;
	s6 =	sadd.s32 @!p0 s3, s7;
	s7 =	simm.s32 @!p0 $0x108  }
0x21: {  	s3 =	sadd.s32 s3, s9;
	s6 =	sadd.s32 @!p0 $0x88, s6;
	s7 =	simm.s32 @p2 $0x1082  }
0x22: {  	[simem:s7], [sflag:s8] =	dma.local @!p0 [hbm:s6], $0xF7A  }
0x23: {  	s9 =	sor.u32 $0xD0000000, s2;
	s6 =	simm.s32 $0x108;
	_ =	swait.ge @!p0 [sflag:s8], $0x0  }
0x24: {  	s3 =	sadd.s32 $0x88, s3;
	s6 =	simm.s32 @!p1 $0x1082;
	[sflag:s4] =	ssyncset.s32 $0xFFFFF086  }
0x25: {  	[simem:s6], [sflag:s4] =	dma.local [hbm:s3], $0xF7A  }
0x26: {  	[smem:$0x3F9D] =	sst s1;
	(tag) =	ssettag s2;
	_ =	strace s9  }
0x27: {  	s1 =	sld [smem:$0x3FAD]  }
0x28: {  	s2 =	sld [smem:$0x3FAE]  }
0x29: {  	s4 =	sld [smem:$0x3FB0]  }
0x2a: {  	p0 =	seq.s32 s5, $0x0;
	s5 =	sld [smem:$0x3FB1]  }
0x2b: {  	s6 =	sld [smem:$0x3FB2]  }
0x2c: {  	s7 =	sld [smem:$0x3FB3]  }
0x2d: {  	s3 =	simm.s32 $0x108;
	s8 =	sld [smem:$0x3FB4]  }
0x2e: {  	s3 =	simm.s32 @!p0 $0x1082;
	s9 =	sld [smem:$0x3FB5]  }
0x2f: {  	lr =	sadd.s32 s0, s3;
	s0 =	sld [smem:$0x3FAC]  }
0x30: {  	s3 =	sld [smem:$0x3FAF]  }
0x31: {  	[smem:$0x3FB8] =	sst s10  }
0x32: {  	s10 =	sld [smem:$0x3FB6];
	_ =	sdelay $0x3  }
0x33: {  	p0 =	seq.s32 s10, $0x1;
	s10 =	sld [smem:$0x3FB8];
	_ =	sdelay $0x3  }
0x34: {  	[smem:$0x3FB8] =	sst s10  }
0x35: {  	s10 =	sld [smem:$0x3FB7];
	_ =	sdelay $0x3  }
0x36: {  	p1 =	seq.s32 s10, $0x1;
	s10 =	sld [smem:$0x3FB8];
	_ =	sdelay $0x3  }
0x37: {  	[smem:$0x3FB8] =	sst s10  }
0x38: {  	s10 =	sld [smem:$0x3FB9]  }
0x39: {  	_ = 	snop;
	(pc) =	sbr.ind lr, $3  }
0x3a: {  	_ = 	snop  }
0x3b: {  	_ = 	snop  }
0x3c: {  	p2 =	seq.s32 s10, $0x1;
	s10 =	sld [smem:$0x3FB8]  }
0x3d: {  	_ =	shalt  }
0x3e: {  	_ =	shalt  }
0x3f: {  	_ =	shalt  }
0x40: {  	_ =	shalt  }
0x41: {  	_ =	shalt  }
0x42: {  	_ =	shalt  }
0x43: {  	_ =	shalt  }
0x44: {  	_ =	shalt  }
0x45: {  	_ =	shalt  }
0x46: {  	_ =	shalt  }
0x47: {  	_ =	shalt  }
0x48: {  	_ =	shalt  }
0x49: {  	_ =	shalt  }
0x4a: {  	_ =	shalt  }
0x4b: {  	_ =	shalt  }
0x4c: {  	_ =	shalt  }
0x4d: {  	_ =	shalt  }
0x4e: {  	_ =	shalt  }
0x4f: {  	_ =	shalt  }
0x50: {  	_ =	shalt  }
0x51: {  	_ =	shalt  }
0x52: {  	_ =	shalt  }
0x53: {  	_ =	shalt  }
0x54: {  	_ =	shalt  }
0x55: {  	_ =	shalt  }
0x56: {  	_ =	shalt  }
0x57: {  	_ =	shalt  }
0x58: {  	_ =	shalt  }
0x59: {  	_ =	shalt  }
0x5a: {  	_ =	shalt  }
0x5b: {  	_ =	shalt  }
0x5c: {  	_ =	shalt  }
0x5d: {  	_ =	shalt  }
0x5e: {  	_ =	shalt  }
0x5f: {  	_ =	shalt  }
0x60: {  	_ =	shalt  }
0x61: {  	_ =	shalt  }
0x62: {  	_ =	shalt  }
0x63: {  	_ =	shalt  }
0x64: {  	_ =	shalt  }
0x65: {  	_ =	shalt  }
0x66: {  	_ =	shalt  }
0x67: {  	_ =	shalt  }
0x68: {  	_ =	shalt  }
0x69: {  	_ =	shalt  }
0x6a: {  	_ =	shalt  }
0x6b: {  	_ =	shalt  }
0x6c: {  	_ =	shalt  }
0x6d: {  	_ =	shalt  }
0x6e: {  	_ =	shalt  }
0x6f: {  	_ =	shalt  }
0x70: {  	_ =	shalt  }
0x71: {  	_ =	shalt  }
0x72: {  	_ =	shalt  }
0x73: {  	_ =	shalt  }
0x74: {  	_ =	shalt  }
0x75: {  	_ =	shalt  }
0x76: {  	_ =	shalt  }
0x77: {  	_ =	shalt  }
0x78: {  	_ =	shalt  }
0x79: {  	_ =	shalt  }
0x7a: {  	_ =	shalt  }
0x7b: {  	_ =	shalt  }
0x7c: {  	_ =	shalt  }
0x7d: {  	_ =	shalt  }
0x7e: {  	_ =	shalt  }
0x7f: {  	_ =	shalt  }
0x80: {  	_ =	shalt  }
0x81: {  	_ =	shalt  }
0x82: {  	_ =	shalt  }
0x83: {  	_ =	shalt  }
0x84: {  	_ =	shalt  }
0x85: {  	_ =	shalt  }
0x86: {  	_ =	shalt  }
0x87: {  	_ =	shalt  }
.Lfunc_end0:
.L_simem_size_0:
called_computation.1_lowered:
.L_overlay_start_0:
0x88: {  	s2 =	sld [smem:$0x3FD9]  }
0x89: {  	s3 =	sld [smem:$0x3FFE];
	_ =	sdelay $0x1  }
0x8a: {  	s1 =	srdreg.scid  }
0x8b: {  	s0 =	sand.u32 $0x1, s1  }
0x8c: {  	s16 =	sshll.u32 s0, $0xA;
	s2 =	sadd.s32 s3, s2  }
0x8d: {  	s2 =	sadd.s32 s2, s16  }
0x8e: {  	[smem:$0x3FC4] =	sst s2  }
0x8f: {  	_ = 	snop  }
0x90: {  	(tm) =	ssettm $0x1  }
0x91: {  	s17 =	sld [smem:$0x3FFB];
	_ =	sdelay $0x3  }
0x92: {  	_ =	strace s17  }
0x93: {  	s2 =	sld [smem:$0x3FFC];
	_ =	sdelay $0x3  }
0x94: {  	_ =	strace s2  }
0x95: {  	s2 =	sld [smem:$0x3FFD];
	_ =	sdelay $0x3  }
0x96: {  	_ =	strace s2  }
0x97: {  	_ =	strace $0x8FFFFFFF  }
0x98: {  	s18 =	sld [smem:$0x3FDB];
	_ =	sdelay $0x1  }
0x99: {  	s19 =	simm.s32 $_scs_section_size  }
0x9a: {  	s4 =	simm.s32 $_size__tile_overlayer_lowered;
	s5 =	simm.s32 $_tile_overlayer_lowered  }
0x9b: {  	s22 =	simm.s32 $0x1BFF;
	s21 =	sshll.u32 s5, $0x1;
	s2 =	sadd.s32 s19, s18  }
0x9c: {  	s6 =	simm.s32 $0x0;
	s20 =	sshll.u32 s4, $0x1;
	s4 =	sadd.s32 s21, s2  }
0x9d: {  	[timem:s6], [sflag:s22] =	dma.local [hbm:s4], s20  }
0x9e: {  	_ =	swait.ge [sflag:s22], s20  }
0x9f: {  	s3 =	ssub.s32 $0x0, s20;
	[sflag:s22] =	ssyncset.done $0x0  }
0xa0: {  	[sflag:s22] =	ssyncadd.s32 s3;
	_ =	sdelay $0x1  }
0xa1: {  	s23 =	simm.s32 $0x1B8B  }
0xa2: {  	_ =	swait.ge [sflag:s23], $0x1  }
0xa3: {  	[sflag:s23] =	ssyncset.done $0x0  }
0xa4: {  	s25 =	simm.s32 $0x1B8E;
	s24 =	sld [smem:$0x3FFE];
	[sflag:s23] =	ssyncadd.s32 $0xFFFFFFFF  }
0xa5: {  	s26 =	simm.s32 $execute0_lowered;
	[smem:$0x3FD2] =	sst s25  }
0xa6: {  	s4 =	sshll.u32 s26, $0x1;
	_ =	strace $0x80000049;
	[dreg:$0x1] =	wrdreg $0xFFFFFFFF  }
0xa7: {  	s28 =	simm.s32 $_size_execute0_lowered;
	s2 =	sadd.s32 s2, s4;
	[dreg:$0x0] =	wrdreg $0x0  }
0xa8: {  	s4 =	sshll.u32 s28, $0x1;
	[dreg:$0x2] =	wrdreg s2  }
0xa9: {  	[dreg:$0x3] =	wrdreg s4  }
0xaa: {  	[dreg:$0x4] =	wrdreg $0xC0  }
0xab: {  	_ =	task [dreg:s6], $0x5FFFF  }
0xac: {  	[dreg:$0x1] =	wrdreg $0xFFFFFFFF  }
0xad: {  	[dreg:$0x0] =	wrdreg $0x60  }
0xae: {  	[dreg:$0x2] =	wrdreg s24  }
0xaf: {  	[dreg:$0x3] =	wrdreg $0xC0000  }
0xb0: {  	[dreg:$0x4] =	wrdreg $0x9  }
0xb1: {  	_ =	task.clear_ibuf [dreg:s6], $0x5FFFF;
	_ =	strace $0x90000049  }
0xb2: {  	s29 =	simm.s32 $0x9;
	_ =	strace $0x8000004B  }
0xb3: {  	_ =	swait.ge [sflag:s29], $0x1  }
0xb4: {  	[sflag:s29] =	ssyncadd.s32 $0xFFFFFFFF  }
0xb5: {  	_ =	strace $0x9000004B  }
0xb6: {  	_ =	sfence  }
0xb7: {  	s30 =	sld [smem:$0x0];
	_ =	sdelay $0x2  }
0xb8: {  	s31 =	sshll.u32 s1, $0xD;
	s1 =	sshrl.u32 s1, $0x2  }
0xb9: {  	s3 =	sand.u32 $0x4000, s31;
	s1 =	sadd.s32 s1, s30  }
0xba: {  	s0 =	sor.u32 s3, s0;
	s1 =	sshll.u32 s1, $0x11  }
0xbb: {  	s0 =	sor.u32 s1, s0  }
0xbc: {  	s0 =	sadd.s32 $0x8F2B, s0  }
0xbd: {  	[sflag:s0] =	ssyncadd.remote.s32 $0x1  }
0xbe: {  	_ =	sfence.sel $0xFFFF  }
0xbf: {  	[dreg:$0x0] =	wrdreg $0xFFFFFFFF;
	(pc) =	sbr.abs _section_cstart, $3  }
0xc0: {  	[dreg:$0x1] =	wrdreg $0xFFFFFFFF  }
0xc1: {  	_ =	task.clear_ibuf [dreg:s6], $0x2FFFF;
	_ =	strace $0x9FFFFFFF  }
0xc2: {  	(tm) =	ssettm $0x7FFFFFFF  }
0xc3: {  	_ =	shalt  }
tec
execute0_lowered:
.L_overlay_start_1:
0x0: {  	(tag) =	ssettag $0x1  }
0x1: {  	s0 =	rddreg [dreg:$0x0]  }
0x2: {  	s1 =	srdreg.scid;
	s2 =	rddreg [dreg:$0x1]  }
0x3: {  	s10 =	stileid.u32;
	s30 =	simm.s32 $0x0;
	s29 =	simm.s32 $0x50  }
0x4: {  	s31 =	simm.s32 $0x4800;
	s1 =	sand.u32 $0x1, s1;
	s5 =	smul.u32 $0x13C00, s10  }
0x5: {  	[smem:$0x7FF] =	sst s30;
	s6 =	smul.u32 $0x4F000, s10;
	s7 =	sadd.s32 $0x64600, s0  }
0x6: {  	s3 =	sadd.s32 $0x1600, s0;
	s4 =	smul.u32 $0x13C000, s1;
	_ =	strace $0x8000004A  }
0x7: {  	s11 =	ssub.s32 $0x2, s1;
	s1 =	sshll.u32 s1, $0x4;
	s6 =	sshrl.u32 s6, $0x2  }
0x8: {  	s9 =	sshrl.u32 s11, $0x1;
	s1 =	sor.u32 s10, s1;
	s6 =	sadd.s32 s6, s2  }
0x9: {  	s10 =	simm.s32 $0x9800;
	s12 =	sadd.s32 $0x2800, s6;
	[dreg:$0x3] =	wrdreg s6  }
0xa: {  	s5 =	sadd.s32 s5, s4;
	s13 =	sadd.s32 $0x5000, s6;
	[dreg:$0x4] =	wrdreg s12  }
0xb: {  	s4 =	sadd.s32 $0x15600, s0;
	s14 =	sadd.s32 $0x7800, s6;
	[dreg:$0x5] =	wrdreg s13  }
0xc: {  	s1 =	smul.u32 $0x5000, s1;
	s15 =	sadd.s32 $0xA000, s6;
	[dreg:$0x6] =	wrdreg s14  }
0xd: {  	s5 =	sshrl.u32 s5, $0x3;
	s16 =	sadd.s32 $0xC800, s6;
	[dreg:$0x7] =	wrdreg s15  }
0xe: {  	s17 =	sadd.s32 $0xF000, s6;
	s6 =	sadd.s32 $0x11800, s6;
	[dreg:$0x8] =	wrdreg s16  }
0xf: {  	s0 =	sadd.s32 s5, s0;
	[dreg:$0x9] =	wrdreg s17;
	s1 =	sshrl.u32 s1, $0x3  }
0x10: {  	s5 =	ssub.s32 s11, s9;
	[dreg:$0xa] =	wrdreg s6;
	s18 =	sadd.s32 s7, s1  }
0x11: {  	s11 =	simm.s32 $0x3;
	s20 =	sadd.s32 s3, s1;
	[dreg:$0xb] =	wrdreg s18  }
0x12: {  	s13 =	simm.s32 $0x5;
	s0 =	sadd.s32 $0x78600, s0;
	[dreg:$0xc] =	wrdreg s20  }
0x13: {  	s19 =	sadd.s32 $0x200, s1;
	s28 =	smax.u32 s5, $0x1;
	[dreg:$0x15] =	wrdreg s0  }
0x14: {  	s15 =	simm.s32 $0x4;
	s21 =	sadd.s32 s7, s19;
	[dreg:$0x16] =	wrdreg s28  }
0x15: {  	s22 =	sadd.s32 $0x400, s1;
	s6 =	sadd.s32 s3, s19;
	[dreg:$0xd] =	wrdreg s21  }
0x16: {  	s17 =	simm.s32 $0x6;
	s23 =	sadd.s32 s7, s22;
	[dreg:$0xe] =	wrdreg s6  }
0x17: {  	s24 =	sadd.s32 $0x600, s1;
	s9 =	sadd.s32 s3, s22;
	[dreg:$0xf] =	wrdreg s23  }
0x18: {  	s1 =	sadd.s32 $0x800, s1;
	s25 =	sadd.s32 s7, s24;
	[dreg:$0x10] =	wrdreg s9  }
0x19: {  	s26 =	sadd.s32 s7, s1;
	s1 =	sadd.s32 s3, s1;
	[dreg:$0x11] =	wrdreg s25  }
0x1a: {  	s0 =	simm.s32 $0x1;
	s7 =	simm.s32 $0x2;
	[dreg:$0x13] =	wrdreg s26  }
0x1b: {  	s20 =	simm.s32 $0x7;
	s6 =	sadd.s32 s3, s24;
	[dreg:$0x14] =	wrdreg s1  }
0x1c: {  	s25 =	simm.s32 $0x2000;
	s26 =	simm.s32 $0x9;
	s23 =	simm.s32 $0x8  }
0x1d: {  	v0 =	vimm.f32 $0.0e+00;
	s21 =	simm.s32 $0x0;
	[dreg:$0x12] =	wrdreg s6;
	s6 =	simm.s32 $0x7000  }
.LBB2_1:
0x1e: {  	s22 =	simm.s32 $0x70;
	s24 =	simm.s32 $0x3C0  }
.LBB2_2:
0x1f: {  	p0 =	sne.s32 s24, $0x9FC0;
	[tilespmem:s22+$0x2000] =	vst v0  }
0x20: {  	[tilespmem:s22+$0x1F90] =	vst v0  }
0x21: {  	[tilespmem:s22+$0x1FA0] =	vst v0  }
.Ltmp0:
0x22: {  	[tilespmem:s22+$0x1FB0] =	vst v0;
	(pc) =	sbr.rel @p0 .LBB2_2-.Ltmp0, $4  }
0x23: {  	[tilespmem:s22+$0x1FC0] =	vst v0  }
0x24: {  	[tilespmem:s22+$0x1FD0] =	vst v0  }
0x25: {  	[tilespmem:s22+$0x1FE0] =	vst v0  }
0x26: {  	[tilespmem:s22+$0x1FF0] =	vst v0;
	s22 =	sshra.s32 s24, $0x2;
	s24 =	sadd.s32 $0x200, s24  }
0x27: {  	[tilespmem:s22+$0x2000] =	vst v0  }
0x28: {  	[tilespmem:s22+$0x1F90] =	vst v0  }
0x29: {  	[tilespmem:s22+$0x1FA0] =	vst v0  }
0x2a: {  	[tilespmem:s22+$0x1FB0] =	vst v0  }
0x2b: {  	[tilespmem:s22+$0x1FC0] =	vst v0  }
0x2c: {  	[tilespmem:s22+$0x1FD0] =	vst v0  }
0x2d: {  	[tilespmem:s22+$0x1FE0] =	vst v0  }
0x2e: {  	[tilespmem:s22+$0x1FF0] =	vst v0;
	s1 =	rddreg [dreg:$0x3]  }
0x2f: {  	[spmem:s1] =	stream.linear.scatter [tilespmem:s25], [sflag:$0x9], $0x2800, $0x38;
	[tilespmem:$0x1FC00] =	vst v63  }
0x30: {  	_ =	swait.ge [sflag:s26], $0x2800  }
0x31: {  	[sflag:s26] =	ssyncset.done $0x0  }
0x32: {  	s3 =	rddreg [dreg:$0x4];
	[sflag:s26] =	ssyncadd.s32 $0xFFFFD800  }
0x33: {  	[spmem:s3] =	stream.linear.scatter [tilespmem:s25], [sflag:$0x9], $0x2800, $0x38;
	[tilespmem:$0x1FC00] =	vst v63  }
0x34: {  	_ =	swait.ge [sflag:s26], $0x2800  }
0x35: {  	[sflag:s26] =	ssyncset.done $0x0  }
0x36: {  	s5 =	rddreg [dreg:$0x5];
	[sflag:s26] =	ssyncadd.s32 $0xFFFFD800  }
0x37: {  	[spmem:s5] =	stream.linear.scatter [tilespmem:s25], [sflag:$0x9], $0x2800, $0x38;
	[tilespmem:$0x1FC00] =	vst v63  }
0x38: {  	_ =	swait.ge [sflag:s26], $0x2800  }
0x39: {  	[sflag:s26] =	ssyncset.done $0x0  }
0x3a: {  	s8 =	rddreg [dreg:$0x6];
	[sflag:s26] =	ssyncadd.s32 $0xFFFFD800  }
0x3b: {  	[spmem:s8] =	stream.linear.scatter [tilespmem:s25], [sflag:$0x9], $0x2800, $0x38;
	[tilespmem:$0x1FC00] =	vst v63  }
0x3c: {  	_ =	swait.ge [sflag:s26], $0x2800  }
0x3d: {  	[sflag:s26] =	ssyncset.done $0x0  }
0x3e: {  	s9 =	rddreg [dreg:$0x7];
	[sflag:s26] =	ssyncadd.s32 $0xFFFFD800  }
0x3f: {  	[spmem:s9] =	stream.linear.scatter [tilespmem:s25], [sflag:$0x9], $0x2800, $0x38;
	[tilespmem:$0x1FC00] =	vst v63  }
0x40: {  	_ =	swait.ge [sflag:s26], $0x2800  }
0x41: {  	[sflag:s26] =	ssyncset.done $0x0  }
0x42: {  	s12 =	rddreg [dreg:$0x8];
	[sflag:s26] =	ssyncadd.s32 $0xFFFFD800  }
0x43: {  	[spmem:s12] =	stream.linear.scatter [tilespmem:s25], [sflag:$0x9], $0x2800, $0x38;
	[tilespmem:$0x1FC00] =	vst v63  }
0x44: {  	_ =	swait.ge [sflag:s26], $0x2800  }
0x45: {  	[sflag:s26] =	ssyncset.done $0x0  }
0x46: {  	s14 =	rddreg [dreg:$0x9];
	[sflag:s26] =	ssyncadd.s32 $0xFFFFD800  }
0x47: {  	[spmem:s14] =	stream.linear.scatter [tilespmem:s25], [sflag:$0x9], $0x2800, $0x38;
	[tilespmem:$0x1FC00] =	vst v63  }
0x48: {  	_ =	swait.ge [sflag:s26], $0x2800  }
0x49: {  	[sflag:s26] =	ssyncset.done $0x0  }
0x4a: {  	s16 =	rddreg [dreg:$0xa];
	[sflag:s26] =	ssyncadd.s32 $0xFFFFD800  }
0x4b: {  	[spmem:s16] =	stream.linear.scatter [tilespmem:s25], [sflag:$0x9], $0x2400, $0x38;
	[tilespmem:$0x1FC00] =	vst v63  }
0x4c: {  	_ =	swait.ge [sflag:s26], $0x2400  }
0x4d: {  	[sflag:s26] =	ssyncset.done $0x0  }
0x4e: {  	[sflag:s26] =	ssyncadd.s32 $0xFFFFDC00  }
0x4f: {  	[bflag:$0x0] =	sbarrier.arrive $0xFFFF  }
0x50: {  	s18 =	rddreg [dreg:$0xb]  }
0x51: {  	[tilespmem:s30], [sflag:$0x9] =	stream.linear.gather [hbm4b:s18+s30], $0xC80, $0x38;
	[tilespmem:$0x1FC00] =	vst v63  }
0x52: {  	_ =	swait.ge [sflag:s26], $0xC80  }
0x53: {  	[sflag:s26] =	ssyncset.done $0x0  }
0x54: {  	s3 =	simm.s32 $0x1000;
	s19 =	rddreg [dreg:$0xc];
	[sflag:s26] =	ssyncadd.s32 $0xFFFFF380  }
0x55: {  	[tilespmem:s3], [sflag:$0x9] =	stream.linear.gather [hbm4b:s19+s30], $0xC80, $0x38;
	[tilespmem:$0x1FC00] =	vst v63  }
0x56: {  	_ =	swait.ge [sflag:s26], $0xC80  }
0x57: {  	[sflag:s26] =	ssyncset.done $0x0  }
0x58: {  	[sflag:s26] =	ssyncadd.s32 $0xFFFFF380  }
0x59: {  	[tilespmem:s25], [sflag:$0x1] =	stream.indirect.gather [hbm4b:s4+s29], $0x80, s30, s29, $0xb8;
	[tilespmem:$0x1FC00] =	vst v63  }
0x5a: {  	s22 =	simm.s32 $0x80  }
0x5b: {  	[tilespmem:s31], [sflag:$0x2] =	stream.indirect.gather [hbm4b:s4+s29], $0x80, s22, s29, $0xb8;
	[tilespmem:$0x1FC00] =	vst v63  }
0x5c: {  	_ =	swait.ge [sflag:s0], $0x2800  }
0x5d: {  	[sflag:s0] =	ssyncset.done $0x0  }
0x5e: {  	[sflag:s0] =	ssyncadd.s32 $0xFFFFD800  }
0x5f: {  	[spmem:s2] =	stream.indirect.scatter.add.f32 [tilespmem:s25], [sflag:$0x5], $0x80, s3, s29, $0xb8;
	[tilespmem:$0x1FC00] =	vst v63  }
0x60: {  	s24 =	simm.s32 $0x100  }
0x61: {  	[tilespmem:s6], [sflag:$0x3] =	stream.indirect.gather [hbm4b:s4+s29], $0x80, s24, s29, $0xb8;
	[tilespmem:$0x1FC00] =	vst v63  }
0x62: {  	_ =	swait.ge [sflag:s7], $0x2800  }
0x63: {  	[sflag:s7] =	ssyncset.done $0x0  }
0x64: {  	s28 =	simm.s32 $0x1080;
	[sflag:s7] =	ssyncadd.s32 $0xFFFFD800  }
0x65: {  	[spmem:s2] =	stream.indirect.scatter.add.f32 [tilespmem:s31], [sflag:$0x6], $0x80, s28, s29, $0xb8;
	[tilespmem:$0x1FC00] =	vst v63  }
0x66: {  	s5 =	simm.s32 $0x180  }
0x67: {  	[tilespmem:s10], [sflag:$0x4] =	stream.indirect.gather [hbm4b:s4+s29], $0x80, s5, s29, $0xb8;
	[tilespmem:$0x1FC00] =	vst v63  }
0x68: {  	_ =	swait.ge [sflag:s11], $0x2800  }
0x69: {  	[sflag:s11] =	ssyncset.done $0x0  }
0x6a: {  	s9 =	simm.s32 $0x1100;
	[sflag:s11] =	ssyncadd.s32 $0xFFFFD800  }
0x6b: {  	[spmem:s2] =	stream.indirect.scatter.add.f32 [tilespmem:s6], [sflag:$0x7], $0x80, s9, s29, $0xb8;
	[tilespmem:$0x1FC00] =	vst v63  }
0x6c: {  	_ =	swait.ge [sflag:s13], $0x2800  }
0x6d: {  	[sflag:s13] =	ssyncset.done $0x0  }
0x6e: {  	s14 =	simm.s32 $0x200;
	[sflag:s13] =	ssyncadd.s32 $0xFFFFD800  }
0x6f: {  	[tilespmem:s25], [sflag:$0x1] =	stream.indirect.gather [hbm4b:s4+s29], $0x80, s14, s29, $0xb8;
	[tilespmem:$0x1FC00] =	vst v63  }
0x70: {  	_ =	swait.ge [sflag:s15], $0x2800  }
0x71: {  	[sflag:s15] =	ssyncset.done $0x0  }
0x72: {  	s16 =	simm.s32 $0x1180;
	[sflag:s15] =	ssyncadd.s32 $0xFFFFD800  }
0x73: {  	[spmem:s2] =	stream.indirect.scatter.add.f32 [tilespmem:s10], [sflag:$0x8], $0x80, s16, s29, $0xb8;
	[tilespmem:$0x1FC00] =	vst v63  }
0x74: {  	_ =	swait.ge [sflag:s17], $0x2800  }
0x75: {  	[sflag:s17] =	ssyncset.done $0x0  }
0x76: {  	s18 =	simm.s32 $0x280;
	[sflag:s17] =	ssyncadd.s32 $0xFFFFD800  }
0x77: {  	[tilespmem:s31], [sflag:$0x2] =	stream.indirect.gather [hbm4b:s4+s29], $0x80, s18, s29, $0xb8;
	[tilespmem:$0x1FC00] =	vst v63  }
0x78: {  	_ =	swait.ge [sflag:s0], $0x2800  }
0x79: {  	[sflag:s0] =	ssyncset.done $0x0  }
0x7a: {  	s19 =	simm.s32 $0x1200;
	[sflag:s0] =	ssyncadd.s32 $0xFFFFD800  }
0x7b: {  	[spmem:s2] =	stream.indirect.scatter.add.f32 [tilespmem:s25], [sflag:$0x5], $0x80, s19, s29, $0xb8;
	[tilespmem:$0x1FC00] =	vst v63  }
0x7c: {  	_ =	swait.ge [sflag:s20], $0x2800  }
0x7d: {  	[sflag:s20] =	ssyncset.done $0x0  }
0x7e: {  	s22 =	simm.s32 $0x300;
	[sflag:s20] =	ssyncadd.s32 $0xFFFFD800  }
0x7f: {  	[tilespmem:s6], [sflag:$0x3] =	stream.indirect.gather [hbm4b:s4+s29], $0x80, s22, s29, $0xb8;
	[tilespmem:$0x1FC00] =	vst v63  }
0x80: {  	_ =	swait.ge [sflag:s7], $0x2800  }
0x81: {  	[sflag:s7] =	ssyncset.done $0x0  }
0x82: {  	s24 =	simm.s32 $0x1280;
	[sflag:s7] =	ssyncadd.s32 $0xFFFFD800  }
0x83: {  	[spmem:s2] =	stream.indirect.scatter.add.f32 [tilespmem:s31], [sflag:$0x6], $0x80, s24, s29, $0xb8;
	[tilespmem:$0x1FC00] =	vst v63  }
0x84: {  	_ =	swait.ge [sflag:s23], $0x2800  }
0x85: {  	[sflag:s23] =	ssyncset.done $0x0  }
0x86: {  	s28 =	simm.s32 $0x380;
	[sflag:s23] =	ssyncadd.s32 $0xFFFFD800  }
0x87: {  	[tilespmem:s10], [sflag:$0x4] =	stream.indirect.gather [hbm4b:s4+s29], $0x80, s28, s29, $0xb8;
	[tilespmem:$0x1FC00] =	vst v63  }
0x88: {  	_ =	swait.ge [sflag:s11], $0x2800  }
0x89: {  	[sflag:s11] =	ssyncset.done $0x0  }
0x8a: {  	s1 =	simm.s32 $0x1300;
	[sflag:s11] =	ssyncadd.s32 $0xFFFFD800  }
0x8b: {  	[spmem:s2] =	stream.indirect.scatter.add.f32 [tilespmem:s6], [sflag:$0x7], $0x80, s1, s29, $0xb8;
	[tilespmem:$0x1FC00] =	vst v63  }
0x8c: {  	_ =	swait.ge [sflag:s13], $0x2800  }
0x8d: {  	[sflag:s13] =	ssyncset.done $0x0  }
0x8e: {  	s5 =	simm.s32 $0x400;
	[sflag:s13] =	ssyncadd.s32 $0xFFFFD800  }
0x8f: {  	[tilespmem:s25], [sflag:$0x1] =	stream.indirect.gather [hbm4b:s4+s29], $0x80, s5, s29, $0xb8;
	[tilespmem:$0x1FC00] =	vst v63  }
0x90: {  	_ =	swait.ge [sflag:s15], $0x2800  }
0x91: {  	[sflag:s15] =	ssyncset.done $0x0  }
0x92: {  	s9 =	simm.s32 $0x1380;
	[sflag:s15] =	ssyncadd.s32 $0xFFFFD800  }
0x93: {  	[spmem:s2] =	stream.indirect.scatter.add.f32 [tilespmem:s10], [sflag:$0x8], $0x80, s9, s29, $0xb8;
	[tilespmem:$0x1FC00] =	vst v63  }
0x94: {  	_ =	swait.ge [sflag:s17], $0x2800  }
0x95: {  	[sflag:s17] =	ssyncset.done $0x0  }
0x96: {  	s14 =	simm.s32 $0x480;
	[sflag:s17] =	ssyncadd.s32 $0xFFFFD800  }
0x97: {  	[tilespmem:s31], [sflag:$0x2] =	stream.indirect.gather [hbm4b:s4+s29], $0x80, s14, s29, $0xb8;
	[tilespmem:$0x1FC00] =	vst v63  }
0x98: {  	_ =	swait.ge [sflag:s0], $0x2800  }
0x99: {  	[sflag:s0] =	ssyncset.done $0x0  }
0x9a: {  	s16 =	simm.s32 $0x1400;
	[sflag:s0] =	ssyncadd.s32 $0xFFFFD800  }
0x9b: {  	[spmem:s2] =	stream.indirect.scatter.add.f32 [tilespmem:s25], [sflag:$0x5], $0x80, s16, s29, $0xb8;
	[tilespmem:$0x1FC00] =	vst v63  }
0x9c: {  	_ =	swait.ge [sflag:s20], $0x2800  }
0x9d: {  	[sflag:s20] =	ssyncset.done $0x0  }
0x9e: {  	s18 =	simm.s32 $0x500;
	[sflag:s20] =	ssyncadd.s32 $0xFFFFD800  }
0x9f: {  	[tilespmem:s6], [sflag:$0x3] =	stream.indirect.gather [hbm4b:s4+s29], $0x80, s18, s29, $0xb8;
	[tilespmem:$0x1FC00] =	vst v63  }
0xa0: {  	_ =	swait.ge [sflag:s7], $0x2800  }
0xa1: {  	[sflag:s7] =	ssyncset.done $0x0  }
0xa2: {  	s19 =	simm.s32 $0x1480;
	[sflag:s7] =	ssyncadd.s32 $0xFFFFD800  }
0xa3: {  	[spmem:s2] =	stream.indirect.scatter.add.f32 [tilespmem:s31], [sflag:$0x6], $0x80, s19, s29, $0xb8;
	[tilespmem:$0x1FC00] =	vst v63  }
0xa4: {  	_ =	swait.ge [sflag:s23], $0x2800  }
0xa5: {  	[sflag:s23] =	ssyncset.done $0x0  }
0xa6: {  	s24 =	simm.s32 $0x580;
	[sflag:s23] =	ssyncadd.s32 $0xFFFFD800  }
0xa7: {  	[tilespmem:s10], [sflag:$0x4] =	stream.indirect.gather [hbm4b:s4+s29], $0x80, s24, s29, $0xb8;
	[tilespmem:$0x1FC00] =	vst v63  }
0xa8: {  	_ =	swait.ge [sflag:s11], $0x2800  }
0xa9: {  	[sflag:s11] =	ssyncset.done $0x0  }
0xaa: {  	s28 =	simm.s32 $0x1500;
	[sflag:s11] =	ssyncadd.s32 $0xFFFFD800  }
0xab: {  	[spmem:s2] =	stream.indirect.scatter.add.f32 [tilespmem:s6], [sflag:$0x7], $0x80, s28, s29, $0xb8;
	[tilespmem:$0x1FC00] =	vst v63  }
0xac: {  	_ =	swait.ge [sflag:s13], $0x2800  }
0xad: {  	[sflag:s13] =	ssyncset.done $0x0  }
0xae: {  	s1 =	simm.s32 $0x600;
	[sflag:s13] =	ssyncadd.s32 $0xFFFFD800  }
0xaf: {  	[tilespmem:s25], [sflag:$0x1] =	stream.indirect.gather [hbm4b:s4+s29], $0x80, s1, s29, $0xb8;
	[tilespmem:$0x1FC00] =	vst v63  }
0xb0: {  	_ =	swait.ge [sflag:s15], $0x2800  }
0xb1: {  	[sflag:s15] =	ssyncset.done $0x0  }
0xb2: {  	s14 =	simm.s32 $0x1580;
	[sflag:s15] =	ssyncadd.s32 $0xFFFFD800  }
0xb3: {  	[spmem:s2] =	stream.indirect.scatter.add.f32 [tilespmem:s10], [sflag:$0x8], $0x80, s14, s29, $0xb8;
	[tilespmem:$0x1FC00] =	vst v63  }
0xb4: {  	_ =	swait.ge [sflag:s17], $0x2800  }
0xb5: {  	[sflag:s17] =	ssyncset.done $0x0  }
0xb6: {  	s16 =	simm.s32 $0x680;
	[sflag:s17] =	ssyncadd.s32 $0xFFFFD800  }
0xb7: {  	[tilespmem:s31], [sflag:$0x2] =	stream.indirect.gather [hbm4b:s4+s29], $0x80, s16, s29, $0xb8;
	[tilespmem:$0x1FC00] =	vst v63  }
0xb8: {  	_ =	swait.ge [sflag:s0], $0x2800  }
0xb9: {  	[sflag:s0] =	ssyncset.done $0x0  }
0xba: {  	s18 =	simm.s32 $0x1600;
	[sflag:s0] =	ssyncadd.s32 $0xFFFFD800  }
0xbb: {  	[spmem:s2] =	stream.indirect.scatter.add.f32 [tilespmem:s25], [sflag:$0x5], $0x80, s18, s29, $0xb8;
	[tilespmem:$0x1FC00] =	vst v63  }
0xbc: {  	_ =	swait.ge [sflag:s20], $0x2800  }
0xbd: {  	[sflag:s20] =	ssyncset.done $0x0  }
0xbe: {  	s19 =	simm.s32 $0x700;
	[sflag:s20] =	ssyncadd.s32 $0xFFFFD800  }
0xbf: {  	[tilespmem:s6], [sflag:$0x3] =	stream.indirect.gather [hbm4b:s4+s29], $0x80, s19, s29, $0xb8;
	[tilespmem:$0x1FC00] =	vst v63  }
0xc0: {  	_ =	swait.ge [sflag:s7], $0x2800  }
0xc1: {  	[sflag:s7] =	ssyncset.done $0x0  }
0xc2: {  	s28 =	simm.s32 $0x1680;
	[sflag:s7] =	ssyncadd.s32 $0xFFFFD800  }
0xc3: {  	[spmem:s2] =	stream.indirect.scatter.add.f32 [tilespmem:s31], [sflag:$0x6], $0x80, s28, s29, $0xb8;
	[tilespmem:$0x1FC00] =	vst v63  }
0xc4: {  	_ =	swait.ge [sflag:s23], $0x2800  }
0xc5: {  	[sflag:s23] =	ssyncset.done $0x0  }
0xc6: {  	s1 =	simm.s32 $0x780;
	[sflag:s23] =	ssyncadd.s32 $0xFFFFD800  }
0xc7: {  	[tilespmem:s10], [sflag:$0x4] =	stream.indirect.gather [hbm4b:s4+s29], $0x80, s1, s29, $0xb8;
	[tilespmem:$0x1FC00] =	vst v63  }
0xc8: {  	_ =	swait.ge [sflag:s11], $0x2800  }
0xc9: {  	[sflag:s11] =	ssyncset.done $0x0  }
0xca: {  	s14 =	simm.s32 $0x1700;
	[sflag:s11] =	ssyncadd.s32 $0xFFFFD800  }
0xcb: {  	[spmem:s2] =	stream.indirect.scatter.add.f32 [tilespmem:s6], [sflag:$0x7], $0x80, s14, s29, $0xb8;
	[tilespmem:$0x1FC00] =	vst v63  }
0xcc: {  	_ =	swait.ge [sflag:s13], $0x2800  }
0xcd: {  	[sflag:s13] =	ssyncset.done $0x0  }
0xce: {  	s16 =	simm.s32 $0x800;
	[sflag:s13] =	ssyncadd.s32 $0xFFFFD800  }
0xcf: {  	[tilespmem:s25], [sflag:$0x1] =	stream.indirect.gather [hbm4b:s4+s29], $0x80, s16, s29, $0xb8;
	[tilespmem:$0x1FC00] =	vst v63  }
0xd0: {  	_ =	swait.ge [sflag:s15], $0x2800  }
0xd1: {  	[sflag:s15] =	ssyncset.done $0x0  }
0xd2: {  	s18 =	simm.s32 $0x1780;
	[sflag:s15] =	ssyncadd.s32 $0xFFFFD800  }
0xd3: {  	[spmem:s2] =	stream.indirect.scatter.add.f32 [tilespmem:s10], [sflag:$0x8], $0x80, s18, s29, $0xb8;
	[tilespmem:$0x1FC00] =	vst v63  }
0xd4: {  	_ =	swait.ge [sflag:s17], $0x2800  }
0xd5: {  	[sflag:s17] =	ssyncset.done $0x0  }
0xd6: {  	s19 =	simm.s32 $0x880;
	[sflag:s17] =	ssyncadd.s32 $0xFFFFD800  }
0xd7: {  	[tilespmem:s31], [sflag:$0x2] =	stream.indirect.gather [hbm4b:s4+s29], $0x80, s19, s29, $0xb8;
	[tilespmem:$0x1FC00] =	vst v63  }
0xd8: {  	_ =	swait.ge [sflag:s0], $0x2800  }
0xd9: {  	[sflag:s0] =	ssyncset.done $0x0  }
0xda: {  	s28 =	simm.s32 $0x1800;
	[sflag:s0] =	ssyncadd.s32 $0xFFFFD800  }
0xdb: {  	[spmem:s2] =	stream.indirect.scatter.add.f32 [tilespmem:s25], [sflag:$0x5], $0x80, s28, s29, $0xb8;
	[tilespmem:$0x1FC00] =	vst v63  }
0xdc: {  	_ =	swait.ge [sflag:s20], $0x2800  }
0xdd: {  	[sflag:s20] =	ssyncset.done $0x0  }
0xde: {  	s1 =	simm.s32 $0x900;
	[sflag:s20] =	ssyncadd.s32 $0xFFFFD800  }
0xdf: {  	[tilespmem:s6], [sflag:$0x3] =	stream.indirect.gather [hbm4b:s4+s29], $0x80, s1, s29, $0xb8;
	[tilespmem:$0x1FC00] =	vst v63  }
0xe0: {  	_ =	swait.ge [sflag:s7], $0x2800  }
0xe1: {  	[sflag:s7] =	ssyncset.done $0x0  }
0xe2: {  	s14 =	simm.s32 $0x1880;
	[sflag:s7] =	ssyncadd.s32 $0xFFFFD800  }
0xe3: {  	[spmem:s2] =	stream.indirect.scatter.add.f32 [tilespmem:s31], [sflag:$0x6], $0x80, s14, s29, $0xb8;
	[tilespmem:$0x1FC00] =	vst v63  }
0xe4: {  	_ =	swait.ge [sflag:s23], $0x2800  }
0xe5: {  	[sflag:s23] =	ssyncset.done $0x0  }
0xe6: {  	s16 =	simm.s32 $0x980;
	[sflag:s23] =	ssyncadd.s32 $0xFFFFD800  }
0xe7: {  	[tilespmem:s10], [sflag:$0x4] =	stream.indirect.gather [hbm4b:s4+s29], $0x80, s16, s29, $0xb8;
	[tilespmem:$0x1FC00] =	vst v63  }
0xe8: {  	_ =	swait.ge [sflag:s11], $0x2800  }
0xe9: {  	[sflag:s11] =	ssyncset.done $0x0  }
0xea: {  	s18 =	simm.s32 $0x1900;
	[sflag:s11] =	ssyncadd.s32 $0xFFFFD800  }
0xeb: {  	[spmem:s2] =	stream.indirect.scatter.add.f32 [tilespmem:s6], [sflag:$0x7], $0x80, s18, s29, $0xb8;
	[tilespmem:$0x1FC00] =	vst v63  }
0xec: {  	_ =	swait.ge [sflag:s13], $0x2800  }
0xed: {  	[sflag:s13] =	ssyncset.done $0x0  }
0xee: {  	s19 =	simm.s32 $0xA00;
	[sflag:s13] =	ssyncadd.s32 $0xFFFFD800  }
0xef: {  	[tilespmem:s25], [sflag:$0x1] =	stream.indirect.gather [hbm4b:s4+s29], $0x80, s19, s29, $0xb8;
	[tilespmem:$0x1FC00] =	vst v63  }
0xf0: {  	_ =	swait.ge [sflag:s15], $0x2800  }
0xf1: {  	[sflag:s15] =	ssyncset.done $0x0  }
0xf2: {  	s28 =	simm.s32 $0x1980;
	[sflag:s15] =	ssyncadd.s32 $0xFFFFD800  }
0xf3: {  	[spmem:s2] =	stream.indirect.scatter.add.f32 [tilespmem:s10], [sflag:$0x8], $0x80, s28, s29, $0xb8;
	[tilespmem:$0x1FC00] =	vst v63  }
0xf4: {  	_ =	swait.ge [sflag:s17], $0x2800  }
0xf5: {  	[sflag:s17] =	ssyncset.done $0x0  }
0xf6: {  	s1 =	simm.s32 $0xA80;
	[sflag:s17] =	ssyncadd.s32 $0xFFFFD800  }
0xf7: {  	[tilespmem:s31], [sflag:$0x2] =	stream.indirect.gather [hbm4b:s4+s29], $0x80, s1, s29, $0xb8;
	[tilespmem:$0x1FC00] =	vst v63  }
0xf8: {  	_ =	swait.ge [sflag:s0], $0x2800  }
0xf9: {  	[sflag:s0] =	ssyncset.done $0x0  }
0xfa: {  	s14 =	simm.s32 $0x1A00;
	[sflag:s0] =	ssyncadd.s32 $0xFFFFD800  }
0xfb: {  	[spmem:s2] =	stream.indirect.scatter.add.f32 [tilespmem:s25], [sflag:$0x5], $0x80, s14, s29, $0xb8;
	[tilespmem:$0x1FC00] =	vst v63  }
0xfc: {  	_ =	swait.ge [sflag:s20], $0x2800  }
0xfd: {  	[sflag:s20] =	ssyncset.done $0x0  }
0xfe: {  	s16 =	simm.s32 $0xB00;
	[sflag:s20] =	ssyncadd.s32 $0xFFFFD800  }
0xff: {  	[tilespmem:s6], [sflag:$0x3] =	stream.indirect.gather [hbm4b:s4+s29], $0x80, s16, s29, $0xb8;
	[tilespmem:$0x1FC00] =	vst v63  }
0x100: {  	_ =	swait.ge [sflag:s7], $0x2800  }
0x101: {  	[sflag:s7] =	ssyncset.done $0x0  }
0x102: {  	s18 =	simm.s32 $0x1A80;
	[sflag:s7] =	ssyncadd.s32 $0xFFFFD800  }
0x103: {  	[spmem:s2] =	stream.indirect.scatter.add.f32 [tilespmem:s31], [sflag:$0x6], $0x80, s18, s29, $0xb8;
	[tilespmem:$0x1FC00] =	vst v63  }
0x104: {  	_ =	swait.ge [sflag:s23], $0x2800  }
0x105: {  	[sflag:s23] =	ssyncset.done $0x0  }
0x106: {  	s19 =	simm.s32 $0xB80;
	[sflag:s23] =	ssyncadd.s32 $0xFFFFD800  }
0x107: {  	[tilespmem:s10], [sflag:$0x4] =	stream.indirect.gather [hbm4b:s4+s29], $0x80, s19, s29, $0xb8;
	[tilespmem:$0x1FC00] =	vst v63  }
0x108: {  	_ =	swait.ge [sflag:s11], $0x2800  }
0x109: {  	[sflag:s11] =	ssyncset.done $0x0  }
0x10a: {  	s28 =	simm.s32 $0x1B00;
	[sflag:s11] =	ssyncadd.s32 $0xFFFFD800  }
0x10b: {  	[spmem:s2] =	stream.indirect.scatter.add.f32 [tilespmem:s6], [sflag:$0x7], $0x80, s28, s29, $0xb8;
	[tilespmem:$0x1FC00] =	vst v63  }
0x10c: {  	_ =	swait.ge [sflag:s13], $0x2800  }
0x10d: {  	[sflag:s13] =	ssyncset.done $0x0  }
0x10e: {  	s1 =	simm.s32 $0xC00;
	[sflag:s13] =	ssyncadd.s32 $0xFFFFD800  }
0x10f: {  	[tilespmem:s25], [sflag:$0x1] =	stream.indirect.gather [hbm4b:s4+s29], $0x80, s1, s29, $0xb8;
	[tilespmem:$0x1FC00] =	vst v63  }
0x110: {  	_ =	swait.ge [sflag:s15], $0x2800  }
0x111: {  	[sflag:s15] =	ssyncset.done $0x0  }
0x112: {  	s14 =	simm.s32 $0x1B80;
	[sflag:s15] =	ssyncadd.s32 $0xFFFFD800  }
0x113: {  	[spmem:s2] =	stream.indirect.scatter.add.f32 [tilespmem:s10], [sflag:$0x8], $0x80, s14, s29, $0xb8;
	[tilespmem:$0x1FC00] =	vst v63  }
0x114: {  	_ =	swait.ge [sflag:s17], $0x2800  }
0x115: {  	[sflag:s17] =	ssyncset.done $0x0  }
0x116: {  	[sflag:s17] =	ssyncadd.s32 $0xFFFFD800  }
0x117: {  	_ =	swait.ge [sflag:s0], $0x2800  }
0x118: {  	[sflag:s0] =	ssyncset.done $0x0  }
0x119: {  	s16 =	simm.s32 $0x1C00;
	[sflag:s0] =	ssyncadd.s32 $0xFFFFD800  }
0x11a: {  	[spmem:s2] =	stream.indirect.scatter.add.f32 [tilespmem:s25], [sflag:$0x5], $0x80, s16, s29, $0xb8;
	[tilespmem:$0x1FC00] =	vst v63  }
0x11b: {  	_ =	swait.ge [sflag:s20], $0x2800  }
0x11c: {  	[sflag:s20] =	ssyncset.done $0x0  }
0x11d: {  	[sflag:s20] =	ssyncadd.s32 $0xFFFFD800  }
0x11e: {  	_ =	swait.ge [sflag:s23], $0x2800  }
0x11f: {  	[sflag:s23] =	ssyncset.done $0x0  }
0x120: {  	[sflag:s23] =	ssyncadd.s32 $0xFFFFD800  }
0x121: {  	_ =	swait.ge [sflag:s13], $0x2800  }
0x122: {  	[sflag:s13] =	ssyncset.done $0x0  }
0x123: {  	s18 =	rddreg [dreg:$0xd];
	[sflag:s13] =	ssyncadd.s32 $0xFFFFD800  }
0x124: {  	[tilespmem:s30], [sflag:$0x9] =	stream.linear.gather [hbm4b:s18+s30], $0xC80, $0x38;
	[tilespmem:$0x1FC00] =	vst v63  }
0x125: {  	_ =	swait.ge [sflag:s26], $0xC80  }
0x126: {  	[sflag:s26] =	ssyncset.done $0x0  }
0x127: {  	s19 =	rddreg [dreg:$0xe];
	[sflag:s26] =	ssyncadd.s32 $0xFFFFF380  }
0x128: {  	[tilespmem:s3], [sflag:$0x9] =	stream.linear.gather [hbm4b:s19+s30], $0xC80, $0x38;
	[tilespmem:$0x1FC00] =	vst v63  }
0x129: {  	_ =	swait.ge [sflag:s26], $0xC80  }
0x12a: {  	[sflag:s26] =	ssyncset.done $0x0  }
0x12b: {  	[sflag:s26] =	ssyncadd.s32 $0xFFFFF380  }
0x12c: {  	[tilespmem:s25], [sflag:$0x1] =	stream.indirect.gather [hbm4b:s4+s29], $0x80, s30, s29, $0xb8;
	[tilespmem:$0x1FC00] =	vst v63  }
0x12d: {  	s1 =	simm.s32 $0x80  }
0x12e: {  	[tilespmem:s31], [sflag:$0x2] =	stream.indirect.gather [hbm4b:s4+s29], $0x80, s1, s29, $0xb8;
	[tilespmem:$0x1FC00] =	vst v63  }
0x12f: {  	_ =	swait.ge [sflag:s0], $0x2800  }
0x130: {  	[sflag:s0] =	ssyncset.done $0x0  }
0x131: {  	[sflag:s0] =	ssyncadd.s32 $0xFFFFD800  }
0x132: {  	[spmem:s2] =	stream.indirect.scatter.add.f32 [tilespmem:s25], [sflag:$0x5], $0x80, s3, s29, $0xb8;
	[tilespmem:$0x1FC00] =	vst v63  }
0x133: {  	s8 =	simm.s32 $0x100  }
0x134: {  	[tilespmem:s6], [sflag:$0x3] =	stream.indirect.gather [hbm4b:s4+s29], $0x80, s8, s29, $0xb8;
	[tilespmem:$0x1FC00] =	vst v63  }
0x135: {  	_ =	swait.ge [sflag:s7], $0x2800  }
0x136: {  	[sflag:s7] =	ssyncset.done $0x0  }
0x137: {  	s12 =	simm.s32 $0x1080;
	[sflag:s7] =	ssyncadd.s32 $0xFFFFD800  }
0x138: {  	[spmem:s2] =	stream.indirect.scatter.add.f32 [tilespmem:s31], [sflag:$0x6], $0x80, s12, s29, $0xb8;
	[tilespmem:$0x1FC00] =	vst v63  }
0x139: {  	s8 =	simm.s32 $0x180  }
0x13a: {  	[tilespmem:s10], [sflag:$0x4] =	stream.indirect.gather [hbm4b:s4+s29], $0x80, s8, s29, $0xb8;
	[tilespmem:$0x1FC00] =	vst v63  }
0x13b: {  	_ =	swait.ge [sflag:s11], $0x2800  }
0x13c: {  	[sflag:s11] =	ssyncset.done $0x0  }
0x13d: {  	s12 =	simm.s32 $0x1100;
	[sflag:s11] =	ssyncadd.s32 $0xFFFFD800  }
0x13e: {  	[spmem:s2] =	stream.indirect.scatter.add.f32 [tilespmem:s6], [sflag:$0x7], $0x80, s12, s29, $0xb8;
	[tilespmem:$0x1FC00] =	vst v63  }
0x13f: {  	_ =	swait.ge [sflag:s13], $0x2800  }
0x140: {  	[sflag:s13] =	ssyncset.done $0x0  }
0x141: {  	s14 =	simm.s32 $0x200;
	[sflag:s13] =	ssyncadd.s32 $0xFFFFD800  }
0x142: {  	[tilespmem:s25], [sflag:$0x1] =	stream.indirect.gather [hbm4b:s4+s29], $0x80, s14, s29, $0xb8;
	[tilespmem:$0x1FC00] =	vst v63  }
0x143: {  	_ =	swait.ge [sflag:s15], $0x2800  }
0x144: {  	[sflag:s15] =	ssyncset.done $0x0  }
0x145: {  	s16 =	simm.s32 $0x1180;
	[sflag:s15] =	ssyncadd.s32 $0xFFFFD800  }
0x146: {  	[spmem:s2] =	stream.indirect.scatter.add.f32 [tilespmem:s10], [sflag:$0x8], $0x80, s16, s29, $0xb8;
	[tilespmem:$0x1FC00] =	vst v63  }
0x147: {  	_ =	swait.ge [sflag:s17], $0x2800  }
0x148: {  	[sflag:s17] =	ssyncset.done $0x0  }
0x149: {  	s18 =	simm.s32 $0x280;
	[sflag:s17] =	ssyncadd.s32 $0xFFFFD800  }
0x14a: {  	[tilespmem:s31], [sflag:$0x2] =	stream.indirect.gather [hbm4b:s4+s29], $0x80, s18, s29, $0xb8;
	[tilespmem:$0x1FC00] =	vst v63  }
0x14b: {  	_ =	swait.ge [sflag:s0], $0x2800  }
0x14c: {  	[sflag:s0] =	ssyncset.done $0x0  }
0x14d: {  	s19 =	simm.s32 $0x1200;
	[sflag:s0] =	ssyncadd.s32 $0xFFFFD800  }
0x14e: {  	[spmem:s2] =	stream.indirect.scatter.add.f32 [tilespmem:s25], [sflag:$0x5], $0x80, s19, s29, $0xb8;
	[tilespmem:$0x1FC00] =	vst v63  }
0x14f: {  	_ =	swait.ge [sflag:s20], $0x2800  }
0x150: {  	[sflag:s20] =	ssyncset.done $0x0  }
0x151: {  	s28 =	simm.s32 $0x300;
	[sflag:s20] =	ssyncadd.s32 $0xFFFFD800  }
0x152: {  	[tilespmem:s6], [sflag:$0x3] =	stream.indirect.gather [hbm4b:s4+s29], $0x80, s28, s29, $0xb8;
	[tilespmem:$0x1FC00] =	vst v63  }
0x153: {  	_ =	swait.ge [sflag:s7], $0x2800  }
0x154: {  	[sflag:s7] =	ssyncset.done $0x0  }
0x155: {  	s22 =	simm.s32 $0x1280;
	[sflag:s7] =	ssyncadd.s32 $0xFFFFD800  }
0x156: {  	[spmem:s2] =	stream.indirect.scatter.add.f32 [tilespmem:s31], [sflag:$0x6], $0x80, s22, s29, $0xb8;
	[tilespmem:$0x1FC00] =	vst v63  }
0x157: {  	_ =	swait.ge [sflag:s23], $0x2800  }
0x158: {  	[sflag:s23] =	ssyncset.done $0x0  }
0x159: {  	s22 =	simm.s32 $0x380;
	[sflag:s23] =	ssyncadd.s32 $0xFFFFD800  }
0x15a: {  	[tilespmem:s10], [sflag:$0x4] =	stream.indirect.gather [hbm4b:s4+s29], $0x80, s22, s29, $0xb8;
	[tilespmem:$0x1FC00] =	vst v63  }
0x15b: {  	_ =	swait.ge [sflag:s11], $0x2800  }
0x15c: {  	[sflag:s11] =	ssyncset.done $0x0  }
0x15d: {  	s22 =	simm.s32 $0x1300;
	[sflag:s11] =	ssyncadd.s32 $0xFFFFD800  }
0x15e: {  	[spmem:s2] =	stream.indirect.scatter.add.f32 [tilespmem:s6], [sflag:$0x7], $0x80, s22, s29, $0xb8;
	[tilespmem:$0x1FC00] =	vst v63  }
0x15f: {  	_ =	swait.ge [sflag:s13], $0x2800  }
0x160: {  	[sflag:s13] =	ssyncset.done $0x0  }
0x161: {  	s5 =	simm.s32 $0x400;
	[sflag:s13] =	ssyncadd.s32 $0xFFFFD800  }
0x162: {  	[tilespmem:s25], [sflag:$0x1] =	stream.indirect.gather [hbm4b:s4+s29], $0x80, s5, s29, $0xb8;
	[tilespmem:$0x1FC00] =	vst v63  }
0x163: {  	_ =	swait.ge [sflag:s15], $0x2800  }
0x164: {  	[sflag:s15] =	ssyncset.done $0x0  }
0x165: {  	s9 =	simm.s32 $0x1380;
	[sflag:s15] =	ssyncadd.s32 $0xFFFFD800  }
0x166: {  	[spmem:s2] =	stream.indirect.scatter.add.f32 [tilespmem:s10], [sflag:$0x8], $0x80, s9, s29, $0xb8;
	[tilespmem:$0x1FC00] =	vst v63  }
0x167: {  	_ =	swait.ge [sflag:s17], $0x2800  }
0x168: {  	[sflag:s17] =	ssyncset.done $0x0  }
0x169: {  	s22 =	simm.s32 $0x480;
	[sflag:s17] =	ssyncadd.s32 $0xFFFFD800  }
0x16a: {  	[tilespmem:s31], [sflag:$0x2] =	stream.indirect.gather [hbm4b:s4+s29], $0x80, s22, s29, $0xb8;
	[tilespmem:$0x1FC00] =	vst v63  }
0x16b: {  	_ =	swait.ge [sflag:s0], $0x2800  }
0x16c: {  	[sflag:s0] =	ssyncset.done $0x0  }
0x16d: {  	s22 =	simm.s32 $0x1400;
	[sflag:s0] =	ssyncadd.s32 $0xFFFFD800  }
0x16e: {  	[spmem:s2] =	stream.indirect.scatter.add.f32 [tilespmem:s25], [sflag:$0x5], $0x80, s22, s29, $0xb8;
	[tilespmem:$0x1FC00] =	vst v63  }
0x16f: {  	_ =	swait.ge [sflag:s20], $0x2800  }
0x170: {  	[sflag:s20] =	ssyncset.done $0x0  }
0x171: {  	s22 =	simm.s32 $0x500;
	[sflag:s20] =	ssyncadd.s32 $0xFFFFD800  }
0x172: {  	[tilespmem:s6], [sflag:$0x3] =	stream.indirect.gather [hbm4b:s4+s29], $0x80, s22, s29, $0xb8;
	[tilespmem:$0x1FC00] =	vst v63  }
0x173: {  	_ =	swait.ge [sflag:s7], $0x2800  }
0x174: {  	[sflag:s7] =	ssyncset.done $0x0  }
0x175: {  	s22 =	simm.s32 $0x1480;
	[sflag:s7] =	ssyncadd.s32 $0xFFFFD800  }
0x176: {  	[spmem:s2] =	stream.indirect.scatter.add.f32 [tilespmem:s31], [sflag:$0x6], $0x80, s22, s29, $0xb8;
	[tilespmem:$0x1FC00] =	vst v63  }
0x177: {  	_ =	swait.ge [sflag:s23], $0x2800  }
0x178: {  	[sflag:s23] =	ssyncset.done $0x0  }
0x179: {  	s22 =	simm.s32 $0x580;
	[sflag:s23] =	ssyncadd.s32 $0xFFFFD800  }
0x17a: {  	[tilespmem:s10], [sflag:$0x4] =	stream.indirect.gather [hbm4b:s4+s29], $0x80, s22, s29, $0xb8;
	[tilespmem:$0x1FC00] =	vst v63  }
0x17b: {  	_ =	swait.ge [sflag:s11], $0x2800  }
0x17c: {  	[sflag:s11] =	ssyncset.done $0x0  }
0x17d: {  	s22 =	simm.s32 $0x1500;
	[sflag:s11] =	ssyncadd.s32 $0xFFFFD800  }
0x17e: {  	[spmem:s2] =	stream.indirect.scatter.add.f32 [tilespmem:s6], [sflag:$0x7], $0x80, s22, s29, $0xb8;
	[tilespmem:$0x1FC00] =	vst v63  }
0x17f: {  	_ =	swait.ge [sflag:s13], $0x2800  }
0x180: {  	[sflag:s13] =	ssyncset.done $0x0  }
0x181: {  	s24 =	simm.s32 $0x600;
	[sflag:s13] =	ssyncadd.s32 $0xFFFFD800  }
0x182: {  	[tilespmem:s25], [sflag:$0x1] =	stream.indirect.gather [hbm4b:s4+s29], $0x80, s24, s29, $0xb8;
	[tilespmem:$0x1FC00] =	vst v63  }
0x183: {  	_ =	swait.ge [sflag:s15], $0x2800  }
0x184: {  	[sflag:s15] =	ssyncset.done $0x0  }
0x185: {  	s22 =	simm.s32 $0x1580;
	[sflag:s15] =	ssyncadd.s32 $0xFFFFD800  }
0x186: {  	[spmem:s2] =	stream.indirect.scatter.add.f32 [tilespmem:s10], [sflag:$0x8], $0x80, s22, s29, $0xb8;
	[tilespmem:$0x1FC00] =	vst v63  }
0x187: {  	_ =	swait.ge [sflag:s17], $0x2800  }
0x188: {  	[sflag:s17] =	ssyncset.done $0x0  }
0x189: {  	s22 =	simm.s32 $0x680;
	[sflag:s17] =	ssyncadd.s32 $0xFFFFD800  }
0x18a: {  	[tilespmem:s31], [sflag:$0x2] =	stream.indirect.gather [hbm4b:s4+s29], $0x80, s22, s29, $0xb8;
	[tilespmem:$0x1FC00] =	vst v63  }
0x18b: {  	_ =	swait.ge [sflag:s0], $0x2800  }
0x18c: {  	[sflag:s0] =	ssyncset.done $0x0  }
0x18d: {  	s22 =	simm.s32 $0x1600;
	[sflag:s0] =	ssyncadd.s32 $0xFFFFD800  }
0x18e: {  	[spmem:s2] =	stream.indirect.scatter.add.f32 [tilespmem:s25], [sflag:$0x5], $0x80, s22, s29, $0xb8;
	[tilespmem:$0x1FC00] =	vst v63  }
0x18f: {  	_ =	swait.ge [sflag:s20], $0x2800  }
0x190: {  	[sflag:s20] =	ssyncset.done $0x0  }
0x191: {  	s22 =	simm.s32 $0x700;
	[sflag:s20] =	ssyncadd.s32 $0xFFFFD800  }
0x192: {  	[tilespmem:s6], [sflag:$0x3] =	stream.indirect.gather [hbm4b:s4+s29], $0x80, s22, s29, $0xb8;
	[tilespmem:$0x1FC00] =	vst v63  }
0x193: {  	_ =	swait.ge [sflag:s7], $0x2800  }
0x194: {  	[sflag:s7] =	ssyncset.done $0x0  }
0x195: {  	s22 =	simm.s32 $0x1680;
	[sflag:s7] =	ssyncadd.s32 $0xFFFFD800  }
0x196: {  	[spmem:s2] =	stream.indirect.scatter.add.f32 [tilespmem:s31], [sflag:$0x6], $0x80, s22, s29, $0xb8;
	[tilespmem:$0x1FC00] =	vst v63  }
0x197: {  	_ =	swait.ge [sflag:s23], $0x2800  }
0x198: {  	[sflag:s23] =	ssyncset.done $0x0  }
0x199: {  	s22 =	simm.s32 $0x780;
	[sflag:s23] =	ssyncadd.s32 $0xFFFFD800  }
0x19a: {  	[tilespmem:s10], [sflag:$0x4] =	stream.indirect.gather [hbm4b:s4+s29], $0x80, s22, s29, $0xb8;
	[tilespmem:$0x1FC00] =	vst v63  }
0x19b: {  	_ =	swait.ge [sflag:s11], $0x2800  }
0x19c: {  	[sflag:s11] =	ssyncset.done $0x0  }
0x19d: {  	s22 =	simm.s32 $0x1700;
	[sflag:s11] =	ssyncadd.s32 $0xFFFFD800  }
0x19e: {  	[spmem:s2] =	stream.indirect.scatter.add.f32 [tilespmem:s6], [sflag:$0x7], $0x80, s22, s29, $0xb8;
	[tilespmem:$0x1FC00] =	vst v63  }
0x19f: {  	_ =	swait.ge [sflag:s13], $0x2800  }
0x1a0: {  	[sflag:s13] =	ssyncset.done $0x0  }
0x1a1: {  	s22 =	simm.s32 $0x800;
	[sflag:s13] =	ssyncadd.s32 $0xFFFFD800  }
0x1a2: {  	[tilespmem:s25], [sflag:$0x1] =	stream.indirect.gather [hbm4b:s4+s29], $0x80, s22, s29, $0xb8;
	[tilespmem:$0x1FC00] =	vst v63  }
0x1a3: {  	_ =	swait.ge [sflag:s15], $0x2800  }
0x1a4: {  	[sflag:s15] =	ssyncset.done $0x0  }
0x1a5: {  	s22 =	simm.s32 $0x1780;
	[sflag:s15] =	ssyncadd.s32 $0xFFFFD800  }
0x1a6: {  	[spmem:s2] =	stream.indirect.scatter.add.f32 [tilespmem:s10], [sflag:$0x8], $0x80, s22, s29, $0xb8;
	[tilespmem:$0x1FC00] =	vst v63  }
0x1a7: {  	_ =	swait.ge [sflag:s17], $0x2800  }
0x1a8: {  	[sflag:s17] =	ssyncset.done $0x0  }
0x1a9: {  	s22 =	simm.s32 $0x880;
	[sflag:s17] =	ssyncadd.s32 $0xFFFFD800  }
0x1aa: {  	[tilespmem:s31], [sflag:$0x2] =	stream.indirect.gather [hbm4b:s4+s29], $0x80, s22, s29, $0xb8;
	[tilespmem:$0x1FC00] =	vst v63  }
0x1ab: {  	_ =	swait.ge [sflag:s0], $0x2800  }
0x1ac: {  	[sflag:s0] =	ssyncset.done $0x0  }
0x1ad: {  	s22 =	simm.s32 $0x1800;
	[sflag:s0] =	ssyncadd.s32 $0xFFFFD800  }
0x1ae: {  	[spmem:s2] =	stream.indirect.scatter.add.f32 [tilespmem:s25], [sflag:$0x5], $0x80, s22, s29, $0xb8;
	[tilespmem:$0x1FC00] =	vst v63  }
0x1af: {  	_ =	swait.ge [sflag:s20], $0x2800  }
0x1b0: {  	[sflag:s20] =	ssyncset.done $0x0  }
0x1b1: {  	s22 =	simm.s32 $0x900;
	[sflag:s20] =	ssyncadd.s32 $0xFFFFD800  }
0x1b2: {  	[tilespmem:s6], [sflag:$0x3] =	stream.indirect.gather [hbm4b:s4+s29], $0x80, s22, s29, $0xb8;
	[tilespmem:$0x1FC00] =	vst v63  }
0x1b3: {  	_ =	swait.ge [sflag:s7], $0x2800  }
0x1b4: {  	[sflag:s7] =	ssyncset.done $0x0  }
0x1b5: {  	s22 =	simm.s32 $0x1880;
	[sflag:s7] =	ssyncadd.s32 $0xFFFFD800  }
0x1b6: {  	[spmem:s2] =	stream.indirect.scatter.add.f32 [tilespmem:s31], [sflag:$0x6], $0x80, s22, s29, $0xb8;
	[tilespmem:$0x1FC00] =	vst v63  }
0x1b7: {  	_ =	swait.ge [sflag:s23], $0x2800  }
0x1b8: {  	[sflag:s23] =	ssyncset.done $0x0  }
0x1b9: {  	s22 =	simm.s32 $0x980;
	[sflag:s23] =	ssyncadd.s32 $0xFFFFD800  }
0x1ba: {  	[tilespmem:s10], [sflag:$0x4] =	stream.indirect.gather [hbm4b:s4+s29], $0x80, s22, s29, $0xb8;
	[tilespmem:$0x1FC00] =	vst v63  }
0x1bb: {  	_ =	swait.ge [sflag:s11], $0x2800  }
0x1bc: {  	[sflag:s11] =	ssyncset.done $0x0  }
0x1bd: {  	s22 =	simm.s32 $0x1900;
	[sflag:s11] =	ssyncadd.s32 $0xFFFFD800  }
0x1be: {  	[spmem:s2] =	stream.indirect.scatter.add.f32 [tilespmem:s6], [sflag:$0x7], $0x80, s22, s29, $0xb8;
	[tilespmem:$0x1FC00] =	vst v63  }
0x1bf: {  	_ =	swait.ge [sflag:s13], $0x2800  }
0x1c0: {  	[sflag:s13] =	ssyncset.done $0x0  }
0x1c1: {  	s22 =	simm.s32 $0xA00;
	[sflag:s13] =	ssyncadd.s32 $0xFFFFD800  }
0x1c2: {  	[tilespmem:s25], [sflag:$0x1] =	stream.indirect.gather [hbm4b:s4+s29], $0x80, s22, s29, $0xb8;
	[tilespmem:$0x1FC00] =	vst v63  }
0x1c3: {  	_ =	swait.ge [sflag:s15], $0x2800  }
0x1c4: {  	[sflag:s15] =	ssyncset.done $0x0  }
0x1c5: {  	s22 =	simm.s32 $0x1980;
	[sflag:s15] =	ssyncadd.s32 $0xFFFFD800  }
0x1c6: {  	[spmem:s2] =	stream.indirect.scatter.add.f32 [tilespmem:s10], [sflag:$0x8], $0x80, s22, s29, $0xb8;
	[tilespmem:$0x1FC00] =	vst v63  }
0x1c7: {  	_ =	swait.ge [sflag:s17], $0x2800  }
0x1c8: {  	[sflag:s17] =	ssyncset.done $0x0  }
0x1c9: {  	s22 =	simm.s32 $0xA80;
	[sflag:s17] =	ssyncadd.s32 $0xFFFFD800  }
0x1ca: {  	[tilespmem:s31], [sflag:$0x2] =	stream.indirect.gather [hbm4b:s4+s29], $0x80, s22, s29, $0xb8;
	[tilespmem:$0x1FC00] =	vst v63  }
0x1cb: {  	_ =	swait.ge [sflag:s0], $0x2800  }
0x1cc: {  	[sflag:s0] =	ssyncset.done $0x0  }
0x1cd: {  	s22 =	simm.s32 $0x1A00;
	[sflag:s0] =	ssyncadd.s32 $0xFFFFD800  }
0x1ce: {  	[spmem:s2] =	stream.indirect.scatter.add.f32 [tilespmem:s25], [sflag:$0x5], $0x80, s22, s29, $0xb8;
	[tilespmem:$0x1FC00] =	vst v63  }
0x1cf: {  	_ =	swait.ge [sflag:s20], $0x2800  }
0x1d0: {  	[sflag:s20] =	ssyncset.done $0x0  }
0x1d1: {  	s22 =	simm.s32 $0xB00;
	[sflag:s20] =	ssyncadd.s32 $0xFFFFD800  }
0x1d2: {  	[tilespmem:s6], [sflag:$0x3] =	stream.indirect.gather [hbm4b:s4+s29], $0x80, s22, s29, $0xb8;
	[tilespmem:$0x1FC00] =	vst v63  }
0x1d3: {  	_ =	swait.ge [sflag:s7], $0x2800  }
0x1d4: {  	[sflag:s7] =	ssyncset.done $0x0  }
0x1d5: {  	s22 =	simm.s32 $0x1A80;
	[sflag:s7] =	ssyncadd.s32 $0xFFFFD800  }
0x1d6: {  	[spmem:s2] =	stream.indirect.scatter.add.f32 [tilespmem:s31], [sflag:$0x6], $0x80, s22, s29, $0xb8;
	[tilespmem:$0x1FC00] =	vst v63  }
0x1d7: {  	_ =	swait.ge [sflag:s23], $0x2800  }
0x1d8: {  	[sflag:s23] =	ssyncset.done $0x0  }
0x1d9: {  	s22 =	simm.s32 $0xB80;
	[sflag:s23] =	ssyncadd.s32 $0xFFFFD800  }
0x1da: {  	[tilespmem:s10], [sflag:$0x4] =	stream.indirect.gather [hbm4b:s4+s29], $0x80, s22, s29, $0xb8;
	[tilespmem:$0x1FC00] =	vst v63  }
0x1db: {  	_ =	swait.ge [sflag:s11], $0x2800  }
0x1dc: {  	[sflag:s11] =	ssyncset.done $0x0  }
0x1dd: {  	s22 =	simm.s32 $0x1B00;
	[sflag:s11] =	ssyncadd.s32 $0xFFFFD800  }
0x1de: {  	[spmem:s2] =	stream.indirect.scatter.add.f32 [tilespmem:s6], [sflag:$0x7], $0x80, s22, s29, $0xb8;
	[tilespmem:$0x1FC00] =	vst v63  }
0x1df: {  	_ =	swait.ge [sflag:s13], $0x2800  }
0x1e0: {  	[sflag:s13] =	ssyncset.done $0x0  }
0x1e1: {  	s22 =	simm.s32 $0xC00;
	[sflag:s13] =	ssyncadd.s32 $0xFFFFD800  }
0x1e2: {  	[tilespmem:s25], [sflag:$0x1] =	stream.indirect.gather [hbm4b:s4+s29], $0x80, s22, s29, $0xb8;
	[tilespmem:$0x1FC00] =	vst v63  }
0x1e3: {  	_ =	swait.ge [sflag:s15], $0x2800  }
0x1e4: {  	[sflag:s15] =	ssyncset.done $0x0  }
0x1e5: {  	s22 =	simm.s32 $0x1B80;
	[sflag:s15] =	ssyncadd.s32 $0xFFFFD800  }
0x1e6: {  	[spmem:s2] =	stream.indirect.scatter.add.f32 [tilespmem:s10], [sflag:$0x8], $0x80, s22, s29, $0xb8;
	[tilespmem:$0x1FC00] =	vst v63  }
0x1e7: {  	_ =	swait.ge [sflag:s17], $0x2800  }
0x1e8: {  	[sflag:s17] =	ssyncset.done $0x0  }
0x1e9: {  	[sflag:s17] =	ssyncadd.s32 $0xFFFFD800  }
0x1ea: {  	_ =	swait.ge [sflag:s0], $0x2800  }
0x1eb: {  	[sflag:s0] =	ssyncset.done $0x0  }
0x1ec: {  	s22 =	simm.s32 $0x1C00;
	[sflag:s0] =	ssyncadd.s32 $0xFFFFD800  }
0x1ed: {  	[spmem:s2] =	stream.indirect.scatter.add.f32 [tilespmem:s25], [sflag:$0x5], $0x80, s22, s29, $0xb8;
	[tilespmem:$0x1FC00] =	vst v63  }
0x1ee: {  	_ =	swait.ge [sflag:s20], $0x2800  }
0x1ef: {  	[sflag:s20] =	ssyncset.done $0x0  }
0x1f0: {  	[sflag:s20] =	ssyncadd.s32 $0xFFFFD800  }
0x1f1: {  	_ =	swait.ge [sflag:s23], $0x2800  }
0x1f2: {  	[sflag:s23] =	ssyncset.done $0x0  }
0x1f3: {  	[sflag:s23] =	ssyncadd.s32 $0xFFFFD800  }
0x1f4: {  	_ =	swait.ge [sflag:s13], $0x2800  }
0x1f5: {  	[sflag:s13] =	ssyncset.done $0x0  }
0x1f6: {  	s22 =	rddreg [dreg:$0xf];
	[sflag:s13] =	ssyncadd.s32 $0xFFFFD800  }
0x1f7: {  	[tilespmem:s30], [sflag:$0x9] =	stream.linear.gather [hbm4b:s22+s30], $0xC80, $0x38;
	[tilespmem:$0x1FC00] =	vst v63  }
0x1f8: {  	_ =	swait.ge [sflag:s26], $0xC80  }
0x1f9: {  	[sflag:s26] =	ssyncset.done $0x0  }
0x1fa: {  	s22 =	rddreg [dreg:$0x10];
	[sflag:s26] =	ssyncadd.s32 $0xFFFFF380  }
0x1fb: {  	[tilespmem:s3], [sflag:$0x9] =	stream.linear.gather [hbm4b:s22+s30], $0xC80, $0x38;
	[tilespmem:$0x1FC00] =	vst v63  }
0x1fc: {  	_ =	swait.ge [sflag:s26], $0xC80  }
0x1fd: {  	[sflag:s26] =	ssyncset.done $0x0  }
0x1fe: {  	[sflag:s26] =	ssyncadd.s32 $0xFFFFF380  }
0x1ff: {  	[tilespmem:s25], [sflag:$0x1] =	stream.indirect.gather [hbm4b:s4+s29], $0x80, s30, s29, $0xb8;
	[tilespmem:$0x1FC00] =	vst v63  }
0x200: {  	_ = 	snop  }
0x201: {  	[tilespmem:s31], [sflag:$0x2] =	stream.indirect.gather [hbm4b:s4+s29], $0x80, s1, s29, $0xb8;
	[tilespmem:$0x1FC00] =	vst v63  }
0x202: {  	_ =	swait.ge [sflag:s0], $0x2800  }
0x203: {  	[sflag:s0] =	ssyncset.done $0x0  }
0x204: {  	[sflag:s0] =	ssyncadd.s32 $0xFFFFD800  }
0x205: {  	[spmem:s2] =	stream.indirect.scatter.add.f32 [tilespmem:s25], [sflag:$0x5], $0x80, s3, s29, $0xb8;
	[tilespmem:$0x1FC00] =	vst v63  }
0x206: {  	s22 =	simm.s32 $0x100  }
0x207: {  	[tilespmem:s6], [sflag:$0x3] =	stream.indirect.gather [hbm4b:s4+s29], $0x80, s22, s29, $0xb8;
	[tilespmem:$0x1FC00] =	vst v63  }
0x208: {  	_ =	swait.ge [sflag:s7], $0x2800  }
0x209: {  	[sflag:s7] =	ssyncset.done $0x0  }
0x20a: {  	s22 =	simm.s32 $0x1080;
	[sflag:s7] =	ssyncadd.s32 $0xFFFFD800  }
0x20b: {  	[spmem:s2] =	stream.indirect.scatter.add.f32 [tilespmem:s31], [sflag:$0x6], $0x80, s22, s29, $0xb8;
	[tilespmem:$0x1FC00] =	vst v63  }
0x20c: {  	_ = 	snop  }
0x20d: {  	[tilespmem:s10], [sflag:$0x4] =	stream.indirect.gather [hbm4b:s4+s29], $0x80, s8, s29, $0xb8;
	[tilespmem:$0x1FC00] =	vst v63  }
0x20e: {  	_ =	swait.ge [sflag:s11], $0x2800  }
0x20f: {  	[sflag:s11] =	ssyncset.done $0x0  }
0x210: {  	[sflag:s11] =	ssyncadd.s32 $0xFFFFD800  }
0x211: {  	[spmem:s2] =	stream.indirect.scatter.add.f32 [tilespmem:s6], [sflag:$0x7], $0x80, s12, s29, $0xb8;
	[tilespmem:$0x1FC00] =	vst v63  }
0x212: {  	_ =	swait.ge [sflag:s13], $0x2800  }
0x213: {  	[sflag:s13] =	ssyncset.done $0x0  }
0x214: {  	[sflag:s13] =	ssyncadd.s32 $0xFFFFD800  }
0x215: {  	[tilespmem:s25], [sflag:$0x1] =	stream.indirect.gather [hbm4b:s4+s29], $0x80, s14, s29, $0xb8;
	[tilespmem:$0x1FC00] =	vst v63  }
0x216: {  	_ =	swait.ge [sflag:s15], $0x2800  }
0x217: {  	[sflag:s15] =	ssyncset.done $0x0  }
0x218: {  	[sflag:s15] =	ssyncadd.s32 $0xFFFFD800  }
0x219: {  	[spmem:s2] =	stream.indirect.scatter.add.f32 [tilespmem:s10], [sflag:$0x8], $0x80, s16, s29, $0xb8;
	[tilespmem:$0x1FC00] =	vst v63  }
0x21a: {  	_ =	swait.ge [sflag:s17], $0x2800  }
0x21b: {  	[sflag:s17] =	ssyncset.done $0x0  }
0x21c: {  	[sflag:s17] =	ssyncadd.s32 $0xFFFFD800  }
0x21d: {  	[tilespmem:s31], [sflag:$0x2] =	stream.indirect.gather [hbm4b:s4+s29], $0x80, s18, s29, $0xb8;
	[tilespmem:$0x1FC00] =	vst v63  }
0x21e: {  	_ =	swait.ge [sflag:s0], $0x2800  }
0x21f: {  	[sflag:s0] =	ssyncset.done $0x0  }
0x220: {  	[sflag:s0] =	ssyncadd.s32 $0xFFFFD800  }
0x221: {  	[spmem:s2] =	stream.indirect.scatter.add.f32 [tilespmem:s25], [sflag:$0x5], $0x80, s19, s29, $0xb8;
	[tilespmem:$0x1FC00] =	vst v63  }
0x222: {  	_ =	swait.ge [sflag:s20], $0x2800  }
0x223: {  	[sflag:s20] =	ssyncset.done $0x0  }
0x224: {  	[sflag:s20] =	ssyncadd.s32 $0xFFFFD800  }
0x225: {  	[tilespmem:s6], [sflag:$0x3] =	stream.indirect.gather [hbm4b:s4+s29], $0x80, s28, s29, $0xb8;
	[tilespmem:$0x1FC00] =	vst v63  }
0x226: {  	_ =	swait.ge [sflag:s7], $0x2800  }
0x227: {  	[sflag:s7] =	ssyncset.done $0x0  }
0x228: {  	s22 =	simm.s32 $0x1280;
	[sflag:s7] =	ssyncadd.s32 $0xFFFFD800  }
0x229: {  	[spmem:s2] =	stream.indirect.scatter.add.f32 [tilespmem:s31], [sflag:$0x6], $0x80, s22, s29, $0xb8;
	[tilespmem:$0x1FC00] =	vst v63  }
0x22a: {  	_ =	swait.ge [sflag:s23], $0x2800  }
0x22b: {  	[sflag:s23] =	ssyncset.done $0x0  }
0x22c: {  	s22 =	simm.s32 $0x380;
	[sflag:s23] =	ssyncadd.s32 $0xFFFFD800  }
0x22d: {  	[tilespmem:s10], [sflag:$0x4] =	stream.indirect.gather [hbm4b:s4+s29], $0x80, s22, s29, $0xb8;
	[tilespmem:$0x1FC00] =	vst v63  }
0x22e: {  	_ =	swait.ge [sflag:s11], $0x2800  }
0x22f: {  	[sflag:s11] =	ssyncset.done $0x0  }
0x230: {  	s22 =	simm.s32 $0x1300;
	[sflag:s11] =	ssyncadd.s32 $0xFFFFD800  }
0x231: {  	[spmem:s2] =	stream.indirect.scatter.add.f32 [tilespmem:s6], [sflag:$0x7], $0x80, s22, s29, $0xb8;
	[tilespmem:$0x1FC00] =	vst v63  }
0x232: {  	_ =	swait.ge [sflag:s13], $0x2800  }
0x233: {  	[sflag:s13] =	ssyncset.done $0x0  }
0x234: {  	s5 =	simm.s32 $0x400;
	[sflag:s13] =	ssyncadd.s32 $0xFFFFD800  }
0x235: {  	[tilespmem:s25], [sflag:$0x1] =	stream.indirect.gather [hbm4b:s4+s29], $0x80, s5, s29, $0xb8;
	[tilespmem:$0x1FC00] =	vst v63  }
0x236: {  	_ =	swait.ge [sflag:s15], $0x2800  }
0x237: {  	[sflag:s15] =	ssyncset.done $0x0  }
0x238: {  	s9 =	simm.s32 $0x1380;
	[sflag:s15] =	ssyncadd.s32 $0xFFFFD800  }
0x239: {  	[spmem:s2] =	stream.indirect.scatter.add.f32 [tilespmem:s10], [sflag:$0x8], $0x80, s9, s29, $0xb8;
	[tilespmem:$0x1FC00] =	vst v63  }
0x23a: {  	_ =	swait.ge [sflag:s17], $0x2800  }
0x23b: {  	[sflag:s17] =	ssyncset.done $0x0  }
0x23c: {  	s9 =	simm.s32 $0x480;
	[sflag:s17] =	ssyncadd.s32 $0xFFFFD800  }
0x23d: {  	[tilespmem:s31], [sflag:$0x2] =	stream.indirect.gather [hbm4b:s4+s29], $0x80, s9, s29, $0xb8;
	[tilespmem:$0x1FC00] =	vst v63  }
0x23e: {  	_ =	swait.ge [sflag:s0], $0x2800  }
0x23f: {  	[sflag:s0] =	ssyncset.done $0x0  }
0x240: {  	s22 =	simm.s32 $0x1400;
	[sflag:s0] =	ssyncadd.s32 $0xFFFFD800  }
0x241: {  	[spmem:s2] =	stream.indirect.scatter.add.f32 [tilespmem:s25], [sflag:$0x5], $0x80, s22, s29, $0xb8;
	[tilespmem:$0x1FC00] =	vst v63  }
0x242: {  	_ =	swait.ge [sflag:s20], $0x2800  }
0x243: {  	[sflag:s20] =	ssyncset.done $0x0  }
0x244: {  	s8 =	simm.s32 $0x500;
	[sflag:s20] =	ssyncadd.s32 $0xFFFFD800  }
0x245: {  	[tilespmem:s6], [sflag:$0x3] =	stream.indirect.gather [hbm4b:s4+s29], $0x80, s8, s29, $0xb8;
	[tilespmem:$0x1FC00] =	vst v63  }
0x246: {  	_ =	swait.ge [sflag:s7], $0x2800  }
0x247: {  	[sflag:s7] =	ssyncset.done $0x0  }
0x248: {  	s9 =	simm.s32 $0x1480;
	[sflag:s7] =	ssyncadd.s32 $0xFFFFD800  }
0x249: {  	[spmem:s2] =	stream.indirect.scatter.add.f32 [tilespmem:s31], [sflag:$0x6], $0x80, s9, s29, $0xb8;
	[tilespmem:$0x1FC00] =	vst v63  }
0x24a: {  	_ =	swait.ge [sflag:s23], $0x2800  }
0x24b: {  	[sflag:s23] =	ssyncset.done $0x0  }
0x24c: {  	s22 =	simm.s32 $0x580;
	[sflag:s23] =	ssyncadd.s32 $0xFFFFD800  }
0x24d: {  	[tilespmem:s10], [sflag:$0x4] =	stream.indirect.gather [hbm4b:s4+s29], $0x80, s22, s29, $0xb8;
	[tilespmem:$0x1FC00] =	vst v63  }
0x24e: {  	_ =	swait.ge [sflag:s11], $0x2800  }
0x24f: {  	[sflag:s11] =	ssyncset.done $0x0  }
0x250: {  	s8 =	simm.s32 $0x1500;
	[sflag:s11] =	ssyncadd.s32 $0xFFFFD800  }
0x251: {  	[spmem:s2] =	stream.indirect.scatter.add.f32 [tilespmem:s6], [sflag:$0x7], $0x80, s8, s29, $0xb8;
	[tilespmem:$0x1FC00] =	vst v63  }
0x252: {  	_ =	swait.ge [sflag:s13], $0x2800  }
0x253: {  	[sflag:s13] =	ssyncset.done $0x0  }
0x254: {  	s24 =	simm.s32 $0x600;
	[sflag:s13] =	ssyncadd.s32 $0xFFFFD800  }
0x255: {  	[tilespmem:s25], [sflag:$0x1] =	stream.indirect.gather [hbm4b:s4+s29], $0x80, s24, s29, $0xb8;
	[tilespmem:$0x1FC00] =	vst v63  }
0x256: {  	_ =	swait.ge [sflag:s15], $0x2800  }
0x257: {  	[sflag:s15] =	ssyncset.done $0x0  }
0x258: {  	s9 =	simm.s32 $0x1580;
	[sflag:s15] =	ssyncadd.s32 $0xFFFFD800  }
0x259: {  	[spmem:s2] =	stream.indirect.scatter.add.f32 [tilespmem:s10], [sflag:$0x8], $0x80, s9, s29, $0xb8;
	[tilespmem:$0x1FC00] =	vst v63  }
0x25a: {  	_ =	swait.ge [sflag:s17], $0x2800  }
0x25b: {  	[sflag:s17] =	ssyncset.done $0x0  }
0x25c: {  	s22 =	simm.s32 $0x680;
	[sflag:s17] =	ssyncadd.s32 $0xFFFFD800  }
0x25d: {  	[tilespmem:s31], [sflag:$0x2] =	stream.indirect.gather [hbm4b:s4+s29], $0x80, s22, s29, $0xb8;
	[tilespmem:$0x1FC00] =	vst v63  }
0x25e: {  	_ =	swait.ge [sflag:s0], $0x2800  }
0x25f: {  	[sflag:s0] =	ssyncset.done $0x0  }
0x260: {  	s24 =	simm.s32 $0x1600;
	[sflag:s0] =	ssyncadd.s32 $0xFFFFD800  }
0x261: {  	[spmem:s2] =	stream.indirect.scatter.add.f32 [tilespmem:s25], [sflag:$0x5], $0x80, s24, s29, $0xb8;
	[tilespmem:$0x1FC00] =	vst v63  }
0x262: {  	_ =	swait.ge [sflag:s20], $0x2800  }
0x263: {  	[sflag:s20] =	ssyncset.done $0x0  }
0x264: {  	s8 =	simm.s32 $0x700;
	[sflag:s20] =	ssyncadd.s32 $0xFFFFD800  }
0x265: {  	[tilespmem:s6], [sflag:$0x3] =	stream.indirect.gather [hbm4b:s4+s29], $0x80, s8, s29, $0xb8;
	[tilespmem:$0x1FC00] =	vst v63  }
0x266: {  	_ =	swait.ge [sflag:s7], $0x2800  }
0x267: {  	[sflag:s7] =	ssyncset.done $0x0  }
0x268: {  	s9 =	simm.s32 $0x1680;
	[sflag:s7] =	ssyncadd.s32 $0xFFFFD800  }
0x269: {  	[spmem:s2] =	stream.indirect.scatter.add.f32 [tilespmem:s31], [sflag:$0x6], $0x80, s9, s29, $0xb8;
	[tilespmem:$0x1FC00] =	vst v63  }
0x26a: {  	_ =	swait.ge [sflag:s23], $0x2800  }
0x26b: {  	[sflag:s23] =	ssyncset.done $0x0  }
0x26c: {  	s22 =	simm.s32 $0x780;
	[sflag:s23] =	ssyncadd.s32 $0xFFFFD800  }
0x26d: {  	[tilespmem:s10], [sflag:$0x4] =	stream.indirect.gather [hbm4b:s4+s29], $0x80, s22, s29, $0xb8;
	[tilespmem:$0x1FC00] =	vst v63  }
0x26e: {  	_ =	swait.ge [sflag:s11], $0x2800  }
0x26f: {  	[sflag:s11] =	ssyncset.done $0x0  }
0x270: {  	s24 =	simm.s32 $0x1700;
	[sflag:s11] =	ssyncadd.s32 $0xFFFFD800  }
0x271: {  	[spmem:s2] =	stream.indirect.scatter.add.f32 [tilespmem:s6], [sflag:$0x7], $0x80, s24, s29, $0xb8;
	[tilespmem:$0x1FC00] =	vst v63  }
0x272: {  	_ =	swait.ge [sflag:s13], $0x2800  }
0x273: {  	[sflag:s13] =	ssyncset.done $0x0  }
0x274: {  	s8 =	simm.s32 $0x800;
	[sflag:s13] =	ssyncadd.s32 $0xFFFFD800  }
0x275: {  	[tilespmem:s25], [sflag:$0x1] =	stream.indirect.gather [hbm4b:s4+s29], $0x80, s8, s29, $0xb8;
	[tilespmem:$0x1FC00] =	vst v63  }
0x276: {  	_ =	swait.ge [sflag:s15], $0x2800  }
0x277: {  	[sflag:s15] =	ssyncset.done $0x0  }
0x278: {  	s9 =	simm.s32 $0x1780;
	[sflag:s15] =	ssyncadd.s32 $0xFFFFD800  }
0x279: {  	[spmem:s2] =	stream.indirect.scatter.add.f32 [tilespmem:s10], [sflag:$0x8], $0x80, s9, s29, $0xb8;
	[tilespmem:$0x1FC00] =	vst v63  }
0x27a: {  	_ =	swait.ge [sflag:s17], $0x2800  }
0x27b: {  	[sflag:s17] =	ssyncset.done $0x0  }
0x27c: {  	s22 =	simm.s32 $0x880;
	[sflag:s17] =	ssyncadd.s32 $0xFFFFD800  }
0x27d: {  	[tilespmem:s31], [sflag:$0x2] =	stream.indirect.gather [hbm4b:s4+s29], $0x80, s22, s29, $0xb8;
	[tilespmem:$0x1FC00] =	vst v63  }
0x27e: {  	_ =	swait.ge [sflag:s0], $0x2800  }
0x27f: {  	[sflag:s0] =	ssyncset.done $0x0  }
0x280: {  	s24 =	simm.s32 $0x1800;
	[sflag:s0] =	ssyncadd.s32 $0xFFFFD800  }
0x281: {  	[spmem:s2] =	stream.indirect.scatter.add.f32 [tilespmem:s25], [sflag:$0x5], $0x80, s24, s29, $0xb8;
	[tilespmem:$0x1FC00] =	vst v63  }
0x282: {  	_ =	swait.ge [sflag:s20], $0x2800  }
0x283: {  	[sflag:s20] =	ssyncset.done $0x0  }
0x284: {  	s8 =	simm.s32 $0x900;
	[sflag:s20] =	ssyncadd.s32 $0xFFFFD800  }
0x285: {  	[tilespmem:s6], [sflag:$0x3] =	stream.indirect.gather [hbm4b:s4+s29], $0x80, s8, s29, $0xb8;
	[tilespmem:$0x1FC00] =	vst v63  }
0x286: {  	_ =	swait.ge [sflag:s7], $0x2800  }
0x287: {  	[sflag:s7] =	ssyncset.done $0x0  }
0x288: {  	s9 =	simm.s32 $0x1880;
	[sflag:s7] =	ssyncadd.s32 $0xFFFFD800  }
0x289: {  	[spmem:s2] =	stream.indirect.scatter.add.f32 [tilespmem:s31], [sflag:$0x6], $0x80, s9, s29, $0xb8;
	[tilespmem:$0x1FC00] =	vst v63  }
0x28a: {  	_ =	swait.ge [sflag:s23], $0x2800  }
0x28b: {  	[sflag:s23] =	ssyncset.done $0x0  }
0x28c: {  	s22 =	simm.s32 $0x980;
	[sflag:s23] =	ssyncadd.s32 $0xFFFFD800  }
0x28d: {  	[tilespmem:s10], [sflag:$0x4] =	stream.indirect.gather [hbm4b:s4+s29], $0x80, s22, s29, $0xb8;
	[tilespmem:$0x1FC00] =	vst v63  }
0x28e: {  	_ =	swait.ge [sflag:s11], $0x2800  }
0x28f: {  	[sflag:s11] =	ssyncset.done $0x0  }
0x290: {  	s24 =	simm.s32 $0x1900;
	[sflag:s11] =	ssyncadd.s32 $0xFFFFD800  }
0x291: {  	[spmem:s2] =	stream.indirect.scatter.add.f32 [tilespmem:s6], [sflag:$0x7], $0x80, s24, s29, $0xb8;
	[tilespmem:$0x1FC00] =	vst v63  }
0x292: {  	_ =	swait.ge [sflag:s13], $0x2800  }
0x293: {  	[sflag:s13] =	ssyncset.done $0x0  }
0x294: {  	s8 =	simm.s32 $0xA00;
	[sflag:s13] =	ssyncadd.s32 $0xFFFFD800  }
0x295: {  	[tilespmem:s25], [sflag:$0x1] =	stream.indirect.gather [hbm4b:s4+s29], $0x80, s8, s29, $0xb8;
	[tilespmem:$0x1FC00] =	vst v63  }
0x296: {  	_ =	swait.ge [sflag:s15], $0x2800  }
0x297: {  	[sflag:s15] =	ssyncset.done $0x0  }
0x298: {  	s9 =	simm.s32 $0x1980;
	[sflag:s15] =	ssyncadd.s32 $0xFFFFD800  }
0x299: {  	[spmem:s2] =	stream.indirect.scatter.add.f32 [tilespmem:s10], [sflag:$0x8], $0x80, s9, s29, $0xb8;
	[tilespmem:$0x1FC00] =	vst v63  }
0x29a: {  	_ =	swait.ge [sflag:s17], $0x2800  }
0x29b: {  	[sflag:s17] =	ssyncset.done $0x0  }
0x29c: {  	s22 =	simm.s32 $0xA80;
	[sflag:s17] =	ssyncadd.s32 $0xFFFFD800  }
0x29d: {  	[tilespmem:s31], [sflag:$0x2] =	stream.indirect.gather [hbm4b:s4+s29], $0x80, s22, s29, $0xb8;
	[tilespmem:$0x1FC00] =	vst v63  }
0x29e: {  	_ =	swait.ge [sflag:s0], $0x2800  }
0x29f: {  	[sflag:s0] =	ssyncset.done $0x0  }
0x2a0: {  	s24 =	simm.s32 $0x1A00;
	[sflag:s0] =	ssyncadd.s32 $0xFFFFD800  }
0x2a1: {  	[spmem:s2] =	stream.indirect.scatter.add.f32 [tilespmem:s25], [sflag:$0x5], $0x80, s24, s29, $0xb8;
	[tilespmem:$0x1FC00] =	vst v63  }
0x2a2: {  	_ =	swait.ge [sflag:s20], $0x2800  }
0x2a3: {  	[sflag:s20] =	ssyncset.done $0x0  }
0x2a4: {  	s8 =	simm.s32 $0xB00;
	[sflag:s20] =	ssyncadd.s32 $0xFFFFD800  }
0x2a5: {  	[tilespmem:s6], [sflag:$0x3] =	stream.indirect.gather [hbm4b:s4+s29], $0x80, s8, s29, $0xb8;
	[tilespmem:$0x1FC00] =	vst v63  }
0x2a6: {  	_ =	swait.ge [sflag:s7], $0x2800  }
0x2a7: {  	[sflag:s7] =	ssyncset.done $0x0  }
0x2a8: {  	s9 =	simm.s32 $0x1A80;
	[sflag:s7] =	ssyncadd.s32 $0xFFFFD800  }
0x2a9: {  	[spmem:s2] =	stream.indirect.scatter.add.f32 [tilespmem:s31], [sflag:$0x6], $0x80, s9, s29, $0xb8;
	[tilespmem:$0x1FC00] =	vst v63  }
0x2aa: {  	_ =	swait.ge [sflag:s23], $0x2800  }
0x2ab: {  	[sflag:s23] =	ssyncset.done $0x0  }
0x2ac: {  	s22 =	simm.s32 $0xB80;
	[sflag:s23] =	ssyncadd.s32 $0xFFFFD800  }
0x2ad: {  	[tilespmem:s10], [sflag:$0x4] =	stream.indirect.gather [hbm4b:s4+s29], $0x80, s22, s29, $0xb8;
	[tilespmem:$0x1FC00] =	vst v63  }
0x2ae: {  	_ =	swait.ge [sflag:s11], $0x2800  }
0x2af: {  	[sflag:s11] =	ssyncset.done $0x0  }
0x2b0: {  	s24 =	simm.s32 $0x1B00;
	[sflag:s11] =	ssyncadd.s32 $0xFFFFD800  }
0x2b1: {  	[spmem:s2] =	stream.indirect.scatter.add.f32 [tilespmem:s6], [sflag:$0x7], $0x80, s24, s29, $0xb8;
	[tilespmem:$0x1FC00] =	vst v63  }
0x2b2: {  	_ =	swait.ge [sflag:s13], $0x2800  }
0x2b3: {  	[sflag:s13] =	ssyncset.done $0x0  }
0x2b4: {  	s8 =	simm.s32 $0xC00;
	[sflag:s13] =	ssyncadd.s32 $0xFFFFD800  }
0x2b5: {  	[tilespmem:s25], [sflag:$0x1] =	stream.indirect.gather [hbm4b:s4+s29], $0x80, s8, s29, $0xb8;
	[tilespmem:$0x1FC00] =	vst v63  }
0x2b6: {  	_ =	swait.ge [sflag:s15], $0x2800  }
0x2b7: {  	[sflag:s15] =	ssyncset.done $0x0  }
0x2b8: {  	s9 =	simm.s32 $0x1B80;
	[sflag:s15] =	ssyncadd.s32 $0xFFFFD800  }
0x2b9: {  	[spmem:s2] =	stream.indirect.scatter.add.f32 [tilespmem:s10], [sflag:$0x8], $0x80, s9, s29, $0xb8;
	[tilespmem:$0x1FC00] =	vst v63  }
0x2ba: {  	_ =	swait.ge [sflag:s17], $0x2800  }
0x2bb: {  	[sflag:s17] =	ssyncset.done $0x0  }
0x2bc: {  	[sflag:s17] =	ssyncadd.s32 $0xFFFFD800  }
0x2bd: {  	_ =	swait.ge [sflag:s0], $0x2800  }
0x2be: {  	[sflag:s0] =	ssyncset.done $0x0  }
0x2bf: {  	s22 =	simm.s32 $0x1C00;
	[sflag:s0] =	ssyncadd.s32 $0xFFFFD800  }
0x2c0: {  	[spmem:s2] =	stream.indirect.scatter.add.f32 [tilespmem:s25], [sflag:$0x5], $0x80, s22, s29, $0xb8;
	[tilespmem:$0x1FC00] =	vst v63  }
0x2c1: {  	_ =	swait.ge [sflag:s20], $0x2800  }
0x2c2: {  	[sflag:s20] =	ssyncset.done $0x0  }
0x2c3: {  	[sflag:s20] =	ssyncadd.s32 $0xFFFFD800  }
0x2c4: {  	_ =	swait.ge [sflag:s23], $0x2800  }
0x2c5: {  	[sflag:s23] =	ssyncset.done $0x0  }
0x2c6: {  	[sflag:s23] =	ssyncadd.s32 $0xFFFFD800  }
0x2c7: {  	_ =	swait.ge [sflag:s13], $0x2800  }
0x2c8: {  	[sflag:s13] =	ssyncset.done $0x0  }
0x2c9: {  	s24 =	rddreg [dreg:$0x11];
	[sflag:s13] =	ssyncadd.s32 $0xFFFFD800  }
0x2ca: {  	[tilespmem:s30], [sflag:$0x9] =	stream.linear.gather [hbm4b:s24+s30], $0xC80, $0x38;
	[tilespmem:$0x1FC00] =	vst v63  }
0x2cb: {  	_ =	swait.ge [sflag:s26], $0xC80  }
0x2cc: {  	[sflag:s26] =	ssyncset.done $0x0  }
0x2cd: {  	s5 =	rddreg [dreg:$0x12];
	[sflag:s26] =	ssyncadd.s32 $0xFFFFF380  }
0x2ce: {  	[tilespmem:s3], [sflag:$0x9] =	stream.linear.gather [hbm4b:s5+s30], $0xC80, $0x38;
	[tilespmem:$0x1FC00] =	vst v63  }
0x2cf: {  	_ =	swait.ge [sflag:s26], $0xC80  }
0x2d0: {  	[sflag:s26] =	ssyncset.done $0x0  }
0x2d1: {  	[sflag:s26] =	ssyncadd.s32 $0xFFFFF380  }
0x2d2: {  	[tilespmem:s25], [sflag:$0x1] =	stream.indirect.gather [hbm4b:s4+s29], $0x80, s30, s29, $0xb8;
	[tilespmem:$0x1FC00] =	vst v63  }
0x2d3: {  	s8 =	simm.s32 $0x80  }
0x2d4: {  	[tilespmem:s31], [sflag:$0x2] =	stream.indirect.gather [hbm4b:s4+s29], $0x80, s8, s29, $0xb8;
	[tilespmem:$0x1FC00] =	vst v63  }
0x2d5: {  	_ =	swait.ge [sflag:s0], $0x2800  }
0x2d6: {  	[sflag:s0] =	ssyncset.done $0x0  }
0x2d7: {  	[sflag:s0] =	ssyncadd.s32 $0xFFFFD800  }
0x2d8: {  	[spmem:s2] =	stream.indirect.scatter.add.f32 [tilespmem:s25], [sflag:$0x5], $0x80, s3, s29, $0xb8;
	[tilespmem:$0x1FC00] =	vst v63  }
0x2d9: {  	s9 =	simm.s32 $0x100  }
0x2da: {  	[tilespmem:s6], [sflag:$0x3] =	stream.indirect.gather [hbm4b:s4+s29], $0x80, s9, s29, $0xb8;
	[tilespmem:$0x1FC00] =	vst v63  }
0x2db: {  	_ =	swait.ge [sflag:s7], $0x2800  }
0x2dc: {  	[sflag:s7] =	ssyncset.done $0x0  }
0x2dd: {  	s22 =	simm.s32 $0x1080;
	[sflag:s7] =	ssyncadd.s32 $0xFFFFD800  }
0x2de: {  	[spmem:s2] =	stream.indirect.scatter.add.f32 [tilespmem:s31], [sflag:$0x6], $0x80, s22, s29, $0xb8;
	[tilespmem:$0x1FC00] =	vst v63  }
0x2df: {  	s1 =	simm.s32 $0x180  }
0x2e0: {  	[tilespmem:s10], [sflag:$0x4] =	stream.indirect.gather [hbm4b:s4+s29], $0x80, s1, s29, $0xb8;
	[tilespmem:$0x1FC00] =	vst v63  }
0x2e1: {  	_ =	swait.ge [sflag:s11], $0x2800  }
0x2e2: {  	[sflag:s11] =	ssyncset.done $0x0  }
0x2e3: {  	s12 =	simm.s32 $0x1100;
	[sflag:s11] =	ssyncadd.s32 $0xFFFFD800  }
0x2e4: {  	[spmem:s2] =	stream.indirect.scatter.add.f32 [tilespmem:s6], [sflag:$0x7], $0x80, s12, s29, $0xb8;
	[tilespmem:$0x1FC00] =	vst v63  }
0x2e5: {  	_ =	swait.ge [sflag:s13], $0x2800  }
0x2e6: {  	[sflag:s13] =	ssyncset.done $0x0  }
0x2e7: {  	s14 =	simm.s32 $0x200;
	[sflag:s13] =	ssyncadd.s32 $0xFFFFD800  }
0x2e8: {  	[tilespmem:s25], [sflag:$0x1] =	stream.indirect.gather [hbm4b:s4+s29], $0x80, s14, s29, $0xb8;
	[tilespmem:$0x1FC00] =	vst v63  }
0x2e9: {  	_ =	swait.ge [sflag:s15], $0x2800  }
0x2ea: {  	[sflag:s15] =	ssyncset.done $0x0  }
0x2eb: {  	s16 =	simm.s32 $0x1180;
	[sflag:s15] =	ssyncadd.s32 $0xFFFFD800  }
0x2ec: {  	[spmem:s2] =	stream.indirect.scatter.add.f32 [tilespmem:s10], [sflag:$0x8], $0x80, s16, s29, $0xb8;
	[tilespmem:$0x1FC00] =	vst v63  }
0x2ed: {  	_ =	swait.ge [sflag:s17], $0x2800  }
0x2ee: {  	[sflag:s17] =	ssyncset.done $0x0  }
0x2ef: {  	s18 =	simm.s32 $0x280;
	[sflag:s17] =	ssyncadd.s32 $0xFFFFD800  }
0x2f0: {  	[tilespmem:s31], [sflag:$0x2] =	stream.indirect.gather [hbm4b:s4+s29], $0x80, s18, s29, $0xb8;
	[tilespmem:$0x1FC00] =	vst v63  }
0x2f1: {  	_ =	swait.ge [sflag:s0], $0x2800  }
0x2f2: {  	[sflag:s0] =	ssyncset.done $0x0  }
0x2f3: {  	s19 =	simm.s32 $0x1200;
	[sflag:s0] =	ssyncadd.s32 $0xFFFFD800  }
0x2f4: {  	[spmem:s2] =	stream.indirect.scatter.add.f32 [tilespmem:s25], [sflag:$0x5], $0x80, s19, s29, $0xb8;
	[tilespmem:$0x1FC00] =	vst v63  }
0x2f5: {  	_ =	swait.ge [sflag:s20], $0x2800  }
0x2f6: {  	[sflag:s20] =	ssyncset.done $0x0  }
0x2f7: {  	s28 =	simm.s32 $0x300;
	[sflag:s20] =	ssyncadd.s32 $0xFFFFD800  }
0x2f8: {  	[tilespmem:s6], [sflag:$0x3] =	stream.indirect.gather [hbm4b:s4+s29], $0x80, s28, s29, $0xb8;
	[tilespmem:$0x1FC00] =	vst v63  }
0x2f9: {  	_ =	swait.ge [sflag:s7], $0x2800  }
0x2fa: {  	[sflag:s7] =	ssyncset.done $0x0  }
0x2fb: {  	s24 =	simm.s32 $0x1280;
	[sflag:s7] =	ssyncadd.s32 $0xFFFFD800  }
0x2fc: {  	[spmem:s2] =	stream.indirect.scatter.add.f32 [tilespmem:s31], [sflag:$0x6], $0x80, s24, s29, $0xb8;
	[tilespmem:$0x1FC00] =	vst v63  }
0x2fd: {  	_ =	swait.ge [sflag:s23], $0x2800  }
0x2fe: {  	[sflag:s23] =	ssyncset.done $0x0  }
0x2ff: {  	s28 =	simm.s32 $0x380;
	[sflag:s23] =	ssyncadd.s32 $0xFFFFD800  }
0x300: {  	[tilespmem:s10], [sflag:$0x4] =	stream.indirect.gather [hbm4b:s4+s29], $0x80, s28, s29, $0xb8;
	[tilespmem:$0x1FC00] =	vst v63  }
0x301: {  	_ =	swait.ge [sflag:s11], $0x2800  }
0x302: {  	[sflag:s11] =	ssyncset.done $0x0  }
0x303: {  	s24 =	simm.s32 $0x1300;
	[sflag:s11] =	ssyncadd.s32 $0xFFFFD800  }
0x304: {  	[spmem:s2] =	stream.indirect.scatter.add.f32 [tilespmem:s6], [sflag:$0x7], $0x80, s24, s29, $0xb8;
	[tilespmem:$0x1FC00] =	vst v63  }
0x305: {  	_ =	swait.ge [sflag:s13], $0x2800  }
0x306: {  	[sflag:s13] =	ssyncset.done $0x0  }
0x307: {  	s22 =	simm.s32 $0x400;
	[sflag:s13] =	ssyncadd.s32 $0xFFFFD800  }
0x308: {  	[tilespmem:s25], [sflag:$0x1] =	stream.indirect.gather [hbm4b:s4+s29], $0x80, s22, s29, $0xb8;
	[tilespmem:$0x1FC00] =	vst v63  }
0x309: {  	_ =	swait.ge [sflag:s15], $0x2800  }
0x30a: {  	[sflag:s15] =	ssyncset.done $0x0  }
0x30b: {  	s22 =	simm.s32 $0x1380;
	[sflag:s15] =	ssyncadd.s32 $0xFFFFD800  }
0x30c: {  	[spmem:s2] =	stream.indirect.scatter.add.f32 [tilespmem:s10], [sflag:$0x8], $0x80, s22, s29, $0xb8;
	[tilespmem:$0x1FC00] =	vst v63  }
0x30d: {  	_ =	swait.ge [sflag:s17], $0x2800  }
0x30e: {  	[sflag:s17] =	ssyncset.done $0x0  }
0x30f: {  	s22 =	simm.s32 $0x480;
	[sflag:s17] =	ssyncadd.s32 $0xFFFFD800  }
0x310: {  	[tilespmem:s31], [sflag:$0x2] =	stream.indirect.gather [hbm4b:s4+s29], $0x80, s22, s29, $0xb8;
	[tilespmem:$0x1FC00] =	vst v63  }
0x311: {  	_ =	swait.ge [sflag:s0], $0x2800  }
0x312: {  	[sflag:s0] =	ssyncset.done $0x0  }
0x313: {  	s22 =	simm.s32 $0x1400;
	[sflag:s0] =	ssyncadd.s32 $0xFFFFD800  }
0x314: {  	[spmem:s2] =	stream.indirect.scatter.add.f32 [tilespmem:s25], [sflag:$0x5], $0x80, s22, s29, $0xb8;
	[tilespmem:$0x1FC00] =	vst v63  }
0x315: {  	_ =	swait.ge [sflag:s20], $0x2800  }
0x316: {  	[sflag:s20] =	ssyncset.done $0x0  }
0x317: {  	s22 =	simm.s32 $0x500;
	[sflag:s20] =	ssyncadd.s32 $0xFFFFD800  }
0x318: {  	[tilespmem:s6], [sflag:$0x3] =	stream.indirect.gather [hbm4b:s4+s29], $0x80, s22, s29, $0xb8;
	[tilespmem:$0x1FC00] =	vst v63  }
0x319: {  	_ =	swait.ge [sflag:s7], $0x2800  }
0x31a: {  	[sflag:s7] =	ssyncset.done $0x0  }
0x31b: {  	s22 =	simm.s32 $0x1480;
	[sflag:s7] =	ssyncadd.s32 $0xFFFFD800  }
0x31c: {  	[spmem:s2] =	stream.indirect.scatter.add.f32 [tilespmem:s31], [sflag:$0x6], $0x80, s22, s29, $0xb8;
	[tilespmem:$0x1FC00] =	vst v63  }
0x31d: {  	_ =	swait.ge [sflag:s23], $0x2800  }
0x31e: {  	[sflag:s23] =	ssyncset.done $0x0  }
0x31f: {  	s22 =	simm.s32 $0x580;
	[sflag:s23] =	ssyncadd.s32 $0xFFFFD800  }
0x320: {  	[tilespmem:s10], [sflag:$0x4] =	stream.indirect.gather [hbm4b:s4+s29], $0x80, s22, s29, $0xb8;
	[tilespmem:$0x1FC00] =	vst v63  }
0x321: {  	_ =	swait.ge [sflag:s11], $0x2800  }
0x322: {  	[sflag:s11] =	ssyncset.done $0x0  }
0x323: {  	s22 =	simm.s32 $0x1500;
	[sflag:s11] =	ssyncadd.s32 $0xFFFFD800  }
0x324: {  	[spmem:s2] =	stream.indirect.scatter.add.f32 [tilespmem:s6], [sflag:$0x7], $0x80, s22, s29, $0xb8;
	[tilespmem:$0x1FC00] =	vst v63  }
0x325: {  	_ =	swait.ge [sflag:s13], $0x2800  }
0x326: {  	[sflag:s13] =	ssyncset.done $0x0  }
0x327: {  	s22 =	simm.s32 $0x600;
	[sflag:s13] =	ssyncadd.s32 $0xFFFFD800  }
0x328: {  	[tilespmem:s25], [sflag:$0x1] =	stream.indirect.gather [hbm4b:s4+s29], $0x80, s22, s29, $0xb8;
	[tilespmem:$0x1FC00] =	vst v63  }
0x329: {  	_ =	swait.ge [sflag:s15], $0x2800  }
0x32a: {  	[sflag:s15] =	ssyncset.done $0x0  }
0x32b: {  	s22 =	simm.s32 $0x1580;
	[sflag:s15] =	ssyncadd.s32 $0xFFFFD800  }
0x32c: {  	[spmem:s2] =	stream.indirect.scatter.add.f32 [tilespmem:s10], [sflag:$0x8], $0x80, s22, s29, $0xb8;
	[tilespmem:$0x1FC00] =	vst v63  }
0x32d: {  	_ =	swait.ge [sflag:s17], $0x2800  }
0x32e: {  	[sflag:s17] =	ssyncset.done $0x0  }
0x32f: {  	s22 =	simm.s32 $0x680;
	[sflag:s17] =	ssyncadd.s32 $0xFFFFD800  }
0x330: {  	[tilespmem:s31], [sflag:$0x2] =	stream.indirect.gather [hbm4b:s4+s29], $0x80, s22, s29, $0xb8;
	[tilespmem:$0x1FC00] =	vst v63  }
0x331: {  	_ =	swait.ge [sflag:s0], $0x2800  }
0x332: {  	[sflag:s0] =	ssyncset.done $0x0  }
0x333: {  	s22 =	simm.s32 $0x1600;
	[sflag:s0] =	ssyncadd.s32 $0xFFFFD800  }
0x334: {  	[spmem:s2] =	stream.indirect.scatter.add.f32 [tilespmem:s25], [sflag:$0x5], $0x80, s22, s29, $0xb8;
	[tilespmem:$0x1FC00] =	vst v63  }
0x335: {  	_ =	swait.ge [sflag:s20], $0x2800  }
0x336: {  	[sflag:s20] =	ssyncset.done $0x0  }
0x337: {  	s22 =	simm.s32 $0x700;
	[sflag:s20] =	ssyncadd.s32 $0xFFFFD800  }
0x338: {  	[tilespmem:s6], [sflag:$0x3] =	stream.indirect.gather [hbm4b:s4+s29], $0x80, s22, s29, $0xb8;
	[tilespmem:$0x1FC00] =	vst v63  }
0x339: {  	_ =	swait.ge [sflag:s7], $0x2800  }
0x33a: {  	[sflag:s7] =	ssyncset.done $0x0  }
0x33b: {  	s22 =	simm.s32 $0x1680;
	[sflag:s7] =	ssyncadd.s32 $0xFFFFD800  }
0x33c: {  	[spmem:s2] =	stream.indirect.scatter.add.f32 [tilespmem:s31], [sflag:$0x6], $0x80, s22, s29, $0xb8;
	[tilespmem:$0x1FC00] =	vst v63  }
0x33d: {  	_ =	swait.ge [sflag:s23], $0x2800  }
0x33e: {  	[sflag:s23] =	ssyncset.done $0x0  }
0x33f: {  	s22 =	simm.s32 $0x780;
	[sflag:s23] =	ssyncadd.s32 $0xFFFFD800  }
0x340: {  	[tilespmem:s10], [sflag:$0x4] =	stream.indirect.gather [hbm4b:s4+s29], $0x80, s22, s29, $0xb8;
	[tilespmem:$0x1FC00] =	vst v63  }
0x341: {  	_ =	swait.ge [sflag:s11], $0x2800  }
0x342: {  	[sflag:s11] =	ssyncset.done $0x0  }
0x343: {  	s22 =	simm.s32 $0x1700;
	[sflag:s11] =	ssyncadd.s32 $0xFFFFD800  }
0x344: {  	[spmem:s2] =	stream.indirect.scatter.add.f32 [tilespmem:s6], [sflag:$0x7], $0x80, s22, s29, $0xb8;
	[tilespmem:$0x1FC00] =	vst v63  }
0x345: {  	_ =	swait.ge [sflag:s13], $0x2800  }
0x346: {  	[sflag:s13] =	ssyncset.done $0x0  }
0x347: {  	s22 =	simm.s32 $0x800;
	[sflag:s13] =	ssyncadd.s32 $0xFFFFD800  }
0x348: {  	[tilespmem:s25], [sflag:$0x1] =	stream.indirect.gather [hbm4b:s4+s29], $0x80, s22, s29, $0xb8;
	[tilespmem:$0x1FC00] =	vst v63  }
0x349: {  	_ =	swait.ge [sflag:s15], $0x2800  }
0x34a: {  	[sflag:s15] =	ssyncset.done $0x0  }
0x34b: {  	s22 =	simm.s32 $0x1780;
	[sflag:s15] =	ssyncadd.s32 $0xFFFFD800  }
0x34c: {  	[spmem:s2] =	stream.indirect.scatter.add.f32 [tilespmem:s10], [sflag:$0x8], $0x80, s22, s29, $0xb8;
	[tilespmem:$0x1FC00] =	vst v63  }
0x34d: {  	_ =	swait.ge [sflag:s17], $0x2800  }
0x34e: {  	[sflag:s17] =	ssyncset.done $0x0  }
0x34f: {  	s22 =	simm.s32 $0x880;
	[sflag:s17] =	ssyncadd.s32 $0xFFFFD800  }
0x350: {  	[tilespmem:s31], [sflag:$0x2] =	stream.indirect.gather [hbm4b:s4+s29], $0x80, s22, s29, $0xb8;
	[tilespmem:$0x1FC00] =	vst v63  }
0x351: {  	_ =	swait.ge [sflag:s0], $0x2800  }
0x352: {  	[sflag:s0] =	ssyncset.done $0x0  }
0x353: {  	s22 =	simm.s32 $0x1800;
	[sflag:s0] =	ssyncadd.s32 $0xFFFFD800  }
0x354: {  	[spmem:s2] =	stream.indirect.scatter.add.f32 [tilespmem:s25], [sflag:$0x5], $0x80, s22, s29, $0xb8;
	[tilespmem:$0x1FC00] =	vst v63  }
0x355: {  	_ =	swait.ge [sflag:s20], $0x2800  }
0x356: {  	[sflag:s20] =	ssyncset.done $0x0  }
0x357: {  	s22 =	simm.s32 $0x900;
	[sflag:s20] =	ssyncadd.s32 $0xFFFFD800  }
0x358: {  	[tilespmem:s6], [sflag:$0x3] =	stream.indirect.gather [hbm4b:s4+s29], $0x80, s22, s29, $0xb8;
	[tilespmem:$0x1FC00] =	vst v63  }
0x359: {  	_ =	swait.ge [sflag:s7], $0x2800  }
0x35a: {  	[sflag:s7] =	ssyncset.done $0x0  }
0x35b: {  	s22 =	simm.s32 $0x1880;
	[sflag:s7] =	ssyncadd.s32 $0xFFFFD800  }
0x35c: {  	[spmem:s2] =	stream.indirect.scatter.add.f32 [tilespmem:s31], [sflag:$0x6], $0x80, s22, s29, $0xb8;
	[tilespmem:$0x1FC00] =	vst v63  }
0x35d: {  	_ =	swait.ge [sflag:s23], $0x2800  }
0x35e: {  	[sflag:s23] =	ssyncset.done $0x0  }
0x35f: {  	s22 =	simm.s32 $0x980;
	[sflag:s23] =	ssyncadd.s32 $0xFFFFD800  }
0x360: {  	[tilespmem:s10], [sflag:$0x4] =	stream.indirect.gather [hbm4b:s4+s29], $0x80, s22, s29, $0xb8;
	[tilespmem:$0x1FC00] =	vst v63  }
0x361: {  	_ =	swait.ge [sflag:s11], $0x2800  }
0x362: {  	[sflag:s11] =	ssyncset.done $0x0  }
0x363: {  	s22 =	simm.s32 $0x1900;
	[sflag:s11] =	ssyncadd.s32 $0xFFFFD800  }
0x364: {  	[spmem:s2] =	stream.indirect.scatter.add.f32 [tilespmem:s6], [sflag:$0x7], $0x80, s22, s29, $0xb8;
	[tilespmem:$0x1FC00] =	vst v63  }
0x365: {  	_ =	swait.ge [sflag:s13], $0x2800  }
0x366: {  	[sflag:s13] =	ssyncset.done $0x0  }
0x367: {  	s22 =	simm.s32 $0xA00;
	[sflag:s13] =	ssyncadd.s32 $0xFFFFD800  }
0x368: {  	[tilespmem:s25], [sflag:$0x1] =	stream.indirect.gather [hbm4b:s4+s29], $0x80, s22, s29, $0xb8;
	[tilespmem:$0x1FC00] =	vst v63  }
0x369: {  	_ =	swait.ge [sflag:s15], $0x2800  }
0x36a: {  	[sflag:s15] =	ssyncset.done $0x0  }
0x36b: {  	s22 =	simm.s32 $0x1980;
	[sflag:s15] =	ssyncadd.s32 $0xFFFFD800  }
0x36c: {  	[spmem:s2] =	stream.indirect.scatter.add.f32 [tilespmem:s10], [sflag:$0x8], $0x80, s22, s29, $0xb8;
	[tilespmem:$0x1FC00] =	vst v63  }
0x36d: {  	_ =	swait.ge [sflag:s17], $0x2800  }
0x36e: {  	[sflag:s17] =	ssyncset.done $0x0  }
0x36f: {  	s22 =	simm.s32 $0xA80;
	[sflag:s17] =	ssyncadd.s32 $0xFFFFD800  }
0x370: {  	[tilespmem:s31], [sflag:$0x2] =	stream.indirect.gather [hbm4b:s4+s29], $0x80, s22, s29, $0xb8;
	[tilespmem:$0x1FC00] =	vst v63  }
0x371: {  	_ =	swait.ge [sflag:s0], $0x2800  }
0x372: {  	[sflag:s0] =	ssyncset.done $0x0  }
0x373: {  	s22 =	simm.s32 $0x1A00;
	[sflag:s0] =	ssyncadd.s32 $0xFFFFD800  }
0x374: {  	[spmem:s2] =	stream.indirect.scatter.add.f32 [tilespmem:s25], [sflag:$0x5], $0x80, s22, s29, $0xb8;
	[tilespmem:$0x1FC00] =	vst v63  }
0x375: {  	_ =	swait.ge [sflag:s20], $0x2800  }
0x376: {  	[sflag:s20] =	ssyncset.done $0x0  }
0x377: {  	s22 =	simm.s32 $0xB00;
	[sflag:s20] =	ssyncadd.s32 $0xFFFFD800  }
0x378: {  	[tilespmem:s6], [sflag:$0x3] =	stream.indirect.gather [hbm4b:s4+s29], $0x80, s22, s29, $0xb8;
	[tilespmem:$0x1FC00] =	vst v63  }
0x379: {  	_ =	swait.ge [sflag:s7], $0x2800  }
0x37a: {  	[sflag:s7] =	ssyncset.done $0x0  }
0x37b: {  	s22 =	simm.s32 $0x1A80;
	[sflag:s7] =	ssyncadd.s32 $0xFFFFD800  }
0x37c: {  	[spmem:s2] =	stream.indirect.scatter.add.f32 [tilespmem:s31], [sflag:$0x6], $0x80, s22, s29, $0xb8;
	[tilespmem:$0x1FC00] =	vst v63  }
0x37d: {  	_ =	swait.ge [sflag:s23], $0x2800  }
0x37e: {  	[sflag:s23] =	ssyncset.done $0x0  }
0x37f: {  	s22 =	simm.s32 $0xB80;
	[sflag:s23] =	ssyncadd.s32 $0xFFFFD800  }
0x380: {  	[tilespmem:s10], [sflag:$0x4] =	stream.indirect.gather [hbm4b:s4+s29], $0x80, s22, s29, $0xb8;
	[tilespmem:$0x1FC00] =	vst v63  }
0x381: {  	_ =	swait.ge [sflag:s11], $0x2800  }
0x382: {  	[sflag:s11] =	ssyncset.done $0x0  }
0x383: {  	s22 =	simm.s32 $0x1B00;
	[sflag:s11] =	ssyncadd.s32 $0xFFFFD800  }
0x384: {  	[spmem:s2] =	stream.indirect.scatter.add.f32 [tilespmem:s6], [sflag:$0x7], $0x80, s22, s29, $0xb8;
	[tilespmem:$0x1FC00] =	vst v63  }
0x385: {  	_ =	swait.ge [sflag:s13], $0x2800  }
0x386: {  	[sflag:s13] =	ssyncset.done $0x0  }
0x387: {  	s22 =	simm.s32 $0xC00;
	[sflag:s13] =	ssyncadd.s32 $0xFFFFD800  }
0x388: {  	[tilespmem:s25], [sflag:$0x1] =	stream.indirect.gather [hbm4b:s4+s29], $0x80, s22, s29, $0xb8;
	[tilespmem:$0x1FC00] =	vst v63  }
0x389: {  	_ =	swait.ge [sflag:s15], $0x2800  }
0x38a: {  	[sflag:s15] =	ssyncset.done $0x0  }
0x38b: {  	s22 =	simm.s32 $0x1B80;
	[sflag:s15] =	ssyncadd.s32 $0xFFFFD800  }
0x38c: {  	[spmem:s2] =	stream.indirect.scatter.add.f32 [tilespmem:s10], [sflag:$0x8], $0x80, s22, s29, $0xb8;
	[tilespmem:$0x1FC00] =	vst v63  }
0x38d: {  	_ =	swait.ge [sflag:s17], $0x2800  }
0x38e: {  	[sflag:s17] =	ssyncset.done $0x0  }
0x38f: {  	[sflag:s17] =	ssyncadd.s32 $0xFFFFD800  }
0x390: {  	_ =	swait.ge [sflag:s0], $0x2800  }
0x391: {  	[sflag:s0] =	ssyncset.done $0x0  }
0x392: {  	s22 =	simm.s32 $0x1C00;
	[sflag:s0] =	ssyncadd.s32 $0xFFFFD800  }
0x393: {  	[spmem:s2] =	stream.indirect.scatter.add.f32 [tilespmem:s25], [sflag:$0x5], $0x80, s22, s29, $0xb8;
	[tilespmem:$0x1FC00] =	vst v63  }
0x394: {  	_ =	swait.ge [sflag:s20], $0x2800  }
0x395: {  	[sflag:s20] =	ssyncset.done $0x0  }
0x396: {  	[sflag:s20] =	ssyncadd.s32 $0xFFFFD800  }
0x397: {  	_ =	swait.ge [sflag:s23], $0x2800  }
0x398: {  	[sflag:s23] =	ssyncset.done $0x0  }
0x399: {  	[sflag:s23] =	ssyncadd.s32 $0xFFFFD800  }
0x39a: {  	_ =	swait.ge [sflag:s13], $0x2800  }
0x39b: {  	[sflag:s13] =	ssyncset.done $0x0  }
0x39c: {  	s22 =	rddreg [dreg:$0x13];
	[sflag:s13] =	ssyncadd.s32 $0xFFFFD800  }
0x39d: {  	[tilespmem:s30], [sflag:$0x9] =	stream.linear.gather [hbm4b:s22+s30], $0xC80, $0x38;
	[tilespmem:$0x1FC00] =	vst v63  }
0x39e: {  	_ =	swait.ge [sflag:s26], $0xC80  }
0x39f: {  	[sflag:s26] =	ssyncset.done $0x0  }
0x3a0: {  	s22 =	rddreg [dreg:$0x14];
	[sflag:s26] =	ssyncadd.s32 $0xFFFFF380  }
0x3a1: {  	[tilespmem:s3], [sflag:$0x9] =	stream.linear.gather [hbm4b:s22+s30], $0xC80, $0x38;
	[tilespmem:$0x1FC00] =	vst v63  }
0x3a2: {  	_ =	swait.ge [sflag:s26], $0xC80  }
0x3a3: {  	[sflag:s26] =	ssyncset.done $0x0  }
0x3a4: {  	[sflag:s26] =	ssyncadd.s32 $0xFFFFF380  }
0x3a5: {  	[tilespmem:s25], [sflag:$0x1] =	stream.indirect.gather [hbm4b:s4+s29], $0x80, s30, s29, $0xb8;
	[tilespmem:$0x1FC00] =	vst v63  }
0x3a6: {  	s5 =	simm.s32 $0x80  }
0x3a7: {  	[tilespmem:s31], [sflag:$0x2] =	stream.indirect.gather [hbm4b:s4+s29], $0x80, s5, s29, $0xb8;
	[tilespmem:$0x1FC00] =	vst v63  }
0x3a8: {  	_ =	swait.ge [sflag:s0], $0x2800  }
0x3a9: {  	[sflag:s0] =	ssyncset.done $0x0  }
0x3aa: {  	[sflag:s0] =	ssyncadd.s32 $0xFFFFD800  }
0x3ab: {  	[spmem:s2] =	stream.indirect.scatter.add.f32 [tilespmem:s25], [sflag:$0x5], $0x80, s3, s29, $0xb8;
	[tilespmem:$0x1FC00] =	vst v63  }
0x3ac: {  	s5 =	simm.s32 $0x100  }
0x3ad: {  	[tilespmem:s6], [sflag:$0x3] =	stream.indirect.gather [hbm4b:s4+s29], $0x80, s5, s29, $0xb8;
	[tilespmem:$0x1FC00] =	vst v63  }
0x3ae: {  	_ =	swait.ge [sflag:s7], $0x2800  }
0x3af: {  	[sflag:s7] =	ssyncset.done $0x0  }
0x3b0: {  	s8 =	simm.s32 $0x1080;
	[sflag:s7] =	ssyncadd.s32 $0xFFFFD800  }
0x3b1: {  	[spmem:s2] =	stream.indirect.scatter.add.f32 [tilespmem:s31], [sflag:$0x6], $0x80, s8, s29, $0xb8;
	[tilespmem:$0x1FC00] =	vst v63  }
0x3b2: {  	s1 =	simm.s32 $0x180  }
0x3b3: {  	[tilespmem:s10], [sflag:$0x4] =	stream.indirect.gather [hbm4b:s4+s29], $0x80, s1, s29, $0xb8;
	[tilespmem:$0x1FC00] =	vst v63  }
0x3b4: {  	_ =	swait.ge [sflag:s11], $0x2800  }
0x3b5: {  	[sflag:s11] =	ssyncset.done $0x0  }
0x3b6: {  	s9 =	simm.s32 $0x1100;
	[sflag:s11] =	ssyncadd.s32 $0xFFFFD800  }
0x3b7: {  	[spmem:s2] =	stream.indirect.scatter.add.f32 [tilespmem:s6], [sflag:$0x7], $0x80, s9, s29, $0xb8;
	[tilespmem:$0x1FC00] =	vst v63  }
0x3b8: {  	_ =	swait.ge [sflag:s13], $0x2800  }
0x3b9: {  	[sflag:s13] =	ssyncset.done $0x0  }
0x3ba: {  	s12 =	simm.s32 $0x200;
	[sflag:s13] =	ssyncadd.s32 $0xFFFFD800  }
0x3bb: {  	[tilespmem:s25], [sflag:$0x1] =	stream.indirect.gather [hbm4b:s4+s29], $0x80, s12, s29, $0xb8;
	[tilespmem:$0x1FC00] =	vst v63  }
0x3bc: {  	_ =	swait.ge [sflag:s15], $0x2800  }
0x3bd: {  	[sflag:s15] =	ssyncset.done $0x0  }
0x3be: {  	s14 =	simm.s32 $0x1180;
	[sflag:s15] =	ssyncadd.s32 $0xFFFFD800  }
0x3bf: {  	[spmem:s2] =	stream.indirect.scatter.add.f32 [tilespmem:s10], [sflag:$0x8], $0x80, s14, s29, $0xb8;
	[tilespmem:$0x1FC00] =	vst v63  }
0x3c0: {  	_ =	swait.ge [sflag:s17], $0x2800  }
0x3c1: {  	[sflag:s17] =	ssyncset.done $0x0  }
0x3c2: {  	s16 =	simm.s32 $0x280;
	[sflag:s17] =	ssyncadd.s32 $0xFFFFD800  }
0x3c3: {  	[tilespmem:s31], [sflag:$0x2] =	stream.indirect.gather [hbm4b:s4+s29], $0x80, s16, s29, $0xb8;
	[tilespmem:$0x1FC00] =	vst v63  }
0x3c4: {  	_ =	swait.ge [sflag:s0], $0x2800  }
0x3c5: {  	[sflag:s0] =	ssyncset.done $0x0  }
0x3c6: {  	s18 =	simm.s32 $0x1200;
	[sflag:s0] =	ssyncadd.s32 $0xFFFFD800  }
0x3c7: {  	[spmem:s2] =	stream.indirect.scatter.add.f32 [tilespmem:s25], [sflag:$0x5], $0x80, s18, s29, $0xb8;
	[tilespmem:$0x1FC00] =	vst v63  }
0x3c8: {  	_ =	swait.ge [sflag:s20], $0x2800  }
0x3c9: {  	[sflag:s20] =	ssyncset.done $0x0  }
0x3ca: {  	s19 =	simm.s32 $0x300;
	[sflag:s20] =	ssyncadd.s32 $0xFFFFD800  }
0x3cb: {  	[tilespmem:s6], [sflag:$0x3] =	stream.indirect.gather [hbm4b:s4+s29], $0x80, s19, s29, $0xb8;
	[tilespmem:$0x1FC00] =	vst v63  }
0x3cc: {  	_ =	swait.ge [sflag:s7], $0x2800  }
0x3cd: {  	[sflag:s7] =	ssyncset.done $0x0  }
0x3ce: {  	s14 =	simm.s32 $0x1280;
	[sflag:s7] =	ssyncadd.s32 $0xFFFFD800  }
0x3cf: {  	[spmem:s2] =	stream.indirect.scatter.add.f32 [tilespmem:s31], [sflag:$0x6], $0x80, s14, s29, $0xb8;
	[tilespmem:$0x1FC00] =	vst v63  }
0x3d0: {  	_ =	swait.ge [sflag:s23], $0x2800  }
0x3d1: {  	[sflag:s23] =	ssyncset.done $0x0  }
0x3d2: {  	s28 =	simm.s32 $0x380;
	[sflag:s23] =	ssyncadd.s32 $0xFFFFD800  }
0x3d3: {  	[tilespmem:s10], [sflag:$0x4] =	stream.indirect.gather [hbm4b:s4+s29], $0x80, s28, s29, $0xb8;
	[tilespmem:$0x1FC00] =	vst v63  }
0x3d4: {  	_ =	swait.ge [sflag:s11], $0x2800  }
0x3d5: {  	[sflag:s11] =	ssyncset.done $0x0  }
0x3d6: {  	s24 =	simm.s32 $0x1300;
	[sflag:s11] =	ssyncadd.s32 $0xFFFFD800  }
0x3d7: {  	[spmem:s2] =	stream.indirect.scatter.add.f32 [tilespmem:s6], [sflag:$0x7], $0x80, s24, s29, $0xb8;
	[tilespmem:$0x1FC00] =	vst v63  }
0x3d8: {  	_ =	swait.ge [sflag:s13], $0x2800  }
0x3d9: {  	[sflag:s13] =	ssyncset.done $0x0  }
0x3da: {  	s16 =	simm.s32 $0x400;
	[sflag:s13] =	ssyncadd.s32 $0xFFFFD800  }
0x3db: {  	[tilespmem:s25], [sflag:$0x1] =	stream.indirect.gather [hbm4b:s4+s29], $0x80, s16, s29, $0xb8;
	[tilespmem:$0x1FC00] =	vst v63  }
0x3dc: {  	_ =	swait.ge [sflag:s15], $0x2800  }
0x3dd: {  	[sflag:s15] =	ssyncset.done $0x0  }
0x3de: {  	s18 =	simm.s32 $0x1380;
	[sflag:s15] =	ssyncadd.s32 $0xFFFFD800  }
0x3df: {  	[spmem:s2] =	stream.indirect.scatter.add.f32 [tilespmem:s10], [sflag:$0x8], $0x80, s18, s29, $0xb8;
	[tilespmem:$0x1FC00] =	vst v63  }
0x3e0: {  	_ =	swait.ge [sflag:s17], $0x2800  }
0x3e1: {  	[sflag:s17] =	ssyncset.done $0x0  }
0x3e2: {  	s19 =	simm.s32 $0x480;
	[sflag:s17] =	ssyncadd.s32 $0xFFFFD800  }
0x3e3: {  	[tilespmem:s31], [sflag:$0x2] =	stream.indirect.gather [hbm4b:s4+s29], $0x80, s19, s29, $0xb8;
	[tilespmem:$0x1FC00] =	vst v63  }
0x3e4: {  	_ =	swait.ge [sflag:s0], $0x2800  }
0x3e5: {  	[sflag:s0] =	ssyncset.done $0x0  }
0x3e6: {  	s22 =	simm.s32 $0x1400;
	[sflag:s0] =	ssyncadd.s32 $0xFFFFD800  }
0x3e7: {  	[spmem:s2] =	stream.indirect.scatter.add.f32 [tilespmem:s25], [sflag:$0x5], $0x80, s22, s29, $0xb8;
	[tilespmem:$0x1FC00] =	vst v63  }
0x3e8: {  	_ =	swait.ge [sflag:s20], $0x2800  }
0x3e9: {  	[sflag:s20] =	ssyncset.done $0x0  }
0x3ea: {  	s24 =	simm.s32 $0x500;
	[sflag:s20] =	ssyncadd.s32 $0xFFFFD800  }
0x3eb: {  	[tilespmem:s6], [sflag:$0x3] =	stream.indirect.gather [hbm4b:s4+s29], $0x80, s24, s29, $0xb8;
	[tilespmem:$0x1FC00] =	vst v63  }
0x3ec: {  	_ =	swait.ge [sflag:s7], $0x2800  }
0x3ed: {  	[sflag:s7] =	ssyncset.done $0x0  }
0x3ee: {  	s28 =	simm.s32 $0x1480;
	[sflag:s7] =	ssyncadd.s32 $0xFFFFD800  }
0x3ef: {  	[spmem:s2] =	stream.indirect.scatter.add.f32 [tilespmem:s31], [sflag:$0x6], $0x80, s28, s29, $0xb8;
	[tilespmem:$0x1FC00] =	vst v63  }
0x3f0: {  	_ =	swait.ge [sflag:s23], $0x2800  }
0x3f1: {  	[sflag:s23] =	ssyncset.done $0x0  }
0x3f2: {  	s3 =	simm.s32 $0x580;
	[sflag:s23] =	ssyncadd.s32 $0xFFFFD800  }
0x3f3: {  	[tilespmem:s10], [sflag:$0x4] =	stream.indirect.gather [hbm4b:s4+s29], $0x80, s3, s29, $0xb8;
	[tilespmem:$0x1FC00] =	vst v63  }
0x3f4: {  	_ =	swait.ge [sflag:s11], $0x2800  }
0x3f5: {  	[sflag:s11] =	ssyncset.done $0x0  }
0x3f6: {  	s5 =	simm.s32 $0x1500;
	[sflag:s11] =	ssyncadd.s32 $0xFFFFD800  }
0x3f7: {  	[spmem:s2] =	stream.indirect.scatter.add.f32 [tilespmem:s6], [sflag:$0x7], $0x80, s5, s29, $0xb8;
	[tilespmem:$0x1FC00] =	vst v63  }
0x3f8: {  	_ =	swait.ge [sflag:s13], $0x2800  }
0x3f9: {  	[sflag:s13] =	ssyncset.done $0x0  }
0x3fa: {  	s8 =	simm.s32 $0x600;
	[sflag:s13] =	ssyncadd.s32 $0xFFFFD800  }
0x3fb: {  	[tilespmem:s25], [sflag:$0x1] =	stream.indirect.gather [hbm4b:s4+s29], $0x80, s8, s29, $0xb8;
	[tilespmem:$0x1FC00] =	vst v63  }
0x3fc: {  	_ =	swait.ge [sflag:s15], $0x2800  }
0x3fd: {  	[sflag:s15] =	ssyncset.done $0x0  }
0x3fe: {  	s9 =	simm.s32 $0x1580;
	[sflag:s15] =	ssyncadd.s32 $0xFFFFD800  }
0x3ff: {  	[spmem:s2] =	stream.indirect.scatter.add.f32 [tilespmem:s10], [sflag:$0x8], $0x80, s9, s29, $0xb8;
	[tilespmem:$0x1FC00] =	vst v63  }
0x400: {  	_ =	swait.ge [sflag:s17], $0x2800  }
0x401: {  	[sflag:s17] =	ssyncset.done $0x0  }
0x402: {  	s12 =	simm.s32 $0x680;
	[sflag:s17] =	ssyncadd.s32 $0xFFFFD800  }
0x403: {  	[tilespmem:s31], [sflag:$0x2] =	stream.indirect.gather [hbm4b:s4+s29], $0x80, s12, s29, $0xb8;
	[tilespmem:$0x1FC00] =	vst v63  }
0x404: {  	_ =	swait.ge [sflag:s0], $0x2800  }
0x405: {  	[sflag:s0] =	ssyncset.done $0x0  }
0x406: {  	s14 =	simm.s32 $0x1600;
	[sflag:s0] =	ssyncadd.s32 $0xFFFFD800  }
0x407: {  	[spmem:s2] =	stream.indirect.scatter.add.f32 [tilespmem:s25], [sflag:$0x5], $0x80, s14, s29, $0xb8;
	[tilespmem:$0x1FC00] =	vst v63  }
0x408: {  	_ =	swait.ge [sflag:s20], $0x2800  }
0x409: {  	[sflag:s20] =	ssyncset.done $0x0  }
0x40a: {  	s16 =	simm.s32 $0x700;
	[sflag:s20] =	ssyncadd.s32 $0xFFFFD800  }
0x40b: {  	[tilespmem:s6], [sflag:$0x3] =	stream.indirect.gather [hbm4b:s4+s29], $0x80, s16, s29, $0xb8;
	[tilespmem:$0x1FC00] =	vst v63  }
0x40c: {  	_ =	swait.ge [sflag:s7], $0x2800  }
0x40d: {  	[sflag:s7] =	ssyncset.done $0x0  }
0x40e: {  	s18 =	simm.s32 $0x1680;
	[sflag:s7] =	ssyncadd.s32 $0xFFFFD800  }
0x40f: {  	[spmem:s2] =	stream.indirect.scatter.add.f32 [tilespmem:s31], [sflag:$0x6], $0x80, s18, s29, $0xb8;
	[tilespmem:$0x1FC00] =	vst v63  }
0x410: {  	_ =	swait.ge [sflag:s23], $0x2800  }
0x411: {  	[sflag:s23] =	ssyncset.done $0x0  }
0x412: {  	s19 =	simm.s32 $0x780;
	[sflag:s23] =	ssyncadd.s32 $0xFFFFD800  }
0x413: {  	[tilespmem:s10], [sflag:$0x4] =	stream.indirect.gather [hbm4b:s4+s29], $0x80, s19, s29, $0xb8;
	[tilespmem:$0x1FC00] =	vst v63  }
0x414: {  	_ =	swait.ge [sflag:s11], $0x2800  }
0x415: {  	[sflag:s11] =	ssyncset.done $0x0  }
0x416: {  	s22 =	simm.s32 $0x1700;
	[sflag:s11] =	ssyncadd.s32 $0xFFFFD800  }
0x417: {  	[spmem:s2] =	stream.indirect.scatter.add.f32 [tilespmem:s6], [sflag:$0x7], $0x80, s22, s29, $0xb8;
	[tilespmem:$0x1FC00] =	vst v63  }
0x418: {  	_ =	swait.ge [sflag:s13], $0x2800  }
0x419: {  	[sflag:s13] =	ssyncset.done $0x0  }
0x41a: {  	s24 =	simm.s32 $0x800;
	[sflag:s13] =	ssyncadd.s32 $0xFFFFD800  }
0x41b: {  	[tilespmem:s25], [sflag:$0x1] =	stream.indirect.gather [hbm4b:s4+s29], $0x80, s24, s29, $0xb8;
	[tilespmem:$0x1FC00] =	vst v63  }
0x41c: {  	_ =	swait.ge [sflag:s15], $0x2800  }
0x41d: {  	[sflag:s15] =	ssyncset.done $0x0  }
0x41e: {  	s28 =	simm.s32 $0x1780;
	[sflag:s15] =	ssyncadd.s32 $0xFFFFD800  }
0x41f: {  	[spmem:s2] =	stream.indirect.scatter.add.f32 [tilespmem:s10], [sflag:$0x8], $0x80, s28, s29, $0xb8;
	[tilespmem:$0x1FC00] =	vst v63  }
0x420: {  	_ =	swait.ge [sflag:s17], $0x2800  }
0x421: {  	[sflag:s17] =	ssyncset.done $0x0  }
0x422: {  	s3 =	simm.s32 $0x880;
	[sflag:s17] =	ssyncadd.s32 $0xFFFFD800  }
0x423: {  	[tilespmem:s31], [sflag:$0x2] =	stream.indirect.gather [hbm4b:s4+s29], $0x80, s3, s29, $0xb8;
	[tilespmem:$0x1FC00] =	vst v63  }
0x424: {  	_ =	swait.ge [sflag:s0], $0x2800  }
0x425: {  	[sflag:s0] =	ssyncset.done $0x0  }
0x426: {  	s5 =	simm.s32 $0x1800;
	[sflag:s0] =	ssyncadd.s32 $0xFFFFD800  }
0x427: {  	[spmem:s2] =	stream.indirect.scatter.add.f32 [tilespmem:s25], [sflag:$0x5], $0x80, s5, s29, $0xb8;
	[tilespmem:$0x1FC00] =	vst v63  }
0x428: {  	_ =	swait.ge [sflag:s20], $0x2800  }
0x429: {  	[sflag:s20] =	ssyncset.done $0x0  }
0x42a: {  	s8 =	simm.s32 $0x900;
	[sflag:s20] =	ssyncadd.s32 $0xFFFFD800  }
0x42b: {  	[tilespmem:s6], [sflag:$0x3] =	stream.indirect.gather [hbm4b:s4+s29], $0x80, s8, s29, $0xb8;
	[tilespmem:$0x1FC00] =	vst v63  }
0x42c: {  	_ =	swait.ge [sflag:s7], $0x2800  }
0x42d: {  	[sflag:s7] =	ssyncset.done $0x0  }
0x42e: {  	s9 =	simm.s32 $0x1880;
	[sflag:s7] =	ssyncadd.s32 $0xFFFFD800  }
0x42f: {  	[spmem:s2] =	stream.indirect.scatter.add.f32 [tilespmem:s31], [sflag:$0x6], $0x80, s9, s29, $0xb8;
	[tilespmem:$0x1FC00] =	vst v63  }
0x430: {  	_ =	swait.ge [sflag:s23], $0x2800  }
0x431: {  	[sflag:s23] =	ssyncset.done $0x0  }
0x432: {  	s12 =	simm.s32 $0x980;
	[sflag:s23] =	ssyncadd.s32 $0xFFFFD800  }
0x433: {  	[tilespmem:s10], [sflag:$0x4] =	stream.indirect.gather [hbm4b:s4+s29], $0x80, s12, s29, $0xb8;
	[tilespmem:$0x1FC00] =	vst v63  }
0x434: {  	_ =	swait.ge [sflag:s11], $0x2800  }
0x435: {  	[sflag:s11] =	ssyncset.done $0x0  }
0x436: {  	s14 =	simm.s32 $0x1900;
	[sflag:s11] =	ssyncadd.s32 $0xFFFFD800  }
0x437: {  	[spmem:s2] =	stream.indirect.scatter.add.f32 [tilespmem:s6], [sflag:$0x7], $0x80, s14, s29, $0xb8;
	[tilespmem:$0x1FC00] =	vst v63  }
0x438: {  	_ =	swait.ge [sflag:s13], $0x2800  }
0x439: {  	[sflag:s13] =	ssyncset.done $0x0  }
0x43a: {  	s16 =	simm.s32 $0xA00;
	[sflag:s13] =	ssyncadd.s32 $0xFFFFD800  }
0x43b: {  	[tilespmem:s25], [sflag:$0x1] =	stream.indirect.gather [hbm4b:s4+s29], $0x80, s16, s29, $0xb8;
	[tilespmem:$0x1FC00] =	vst v63  }
0x43c: {  	_ =	swait.ge [sflag:s15], $0x2800  }
0x43d: {  	[sflag:s15] =	ssyncset.done $0x0  }
0x43e: {  	s18 =	simm.s32 $0x1980;
	[sflag:s15] =	ssyncadd.s32 $0xFFFFD800  }
0x43f: {  	[spmem:s2] =	stream.indirect.scatter.add.f32 [tilespmem:s10], [sflag:$0x8], $0x80, s18, s29, $0xb8;
	[tilespmem:$0x1FC00] =	vst v63  }
0x440: {  	_ =	swait.ge [sflag:s17], $0x2800  }
0x441: {  	[sflag:s17] =	ssyncset.done $0x0  }
0x442: {  	s19 =	simm.s32 $0xA80;
	[sflag:s17] =	ssyncadd.s32 $0xFFFFD800  }
0x443: {  	[tilespmem:s31], [sflag:$0x2] =	stream.indirect.gather [hbm4b:s4+s29], $0x80, s19, s29, $0xb8;
	[tilespmem:$0x1FC00] =	vst v63  }
0x444: {  	_ =	swait.ge [sflag:s0], $0x2800  }
0x445: {  	[sflag:s0] =	ssyncset.done $0x0  }
0x446: {  	s22 =	simm.s32 $0x1A00;
	[sflag:s0] =	ssyncadd.s32 $0xFFFFD800  }
0x447: {  	[spmem:s2] =	stream.indirect.scatter.add.f32 [tilespmem:s25], [sflag:$0x5], $0x80, s22, s29, $0xb8;
	[tilespmem:$0x1FC00] =	vst v63  }
0x448: {  	_ =	swait.ge [sflag:s20], $0x2800  }
0x449: {  	[sflag:s20] =	ssyncset.done $0x0  }
0x44a: {  	s24 =	simm.s32 $0xB00;
	[sflag:s20] =	ssyncadd.s32 $0xFFFFD800  }
0x44b: {  	[tilespmem:s6], [sflag:$0x3] =	stream.indirect.gather [hbm4b:s4+s29], $0x80, s24, s29, $0xb8;
	[tilespmem:$0x1FC00] =	vst v63  }
0x44c: {  	_ =	swait.ge [sflag:s7], $0x2800  }
0x44d: {  	[sflag:s7] =	ssyncset.done $0x0  }
0x44e: {  	s28 =	simm.s32 $0x1A80;
	[sflag:s7] =	ssyncadd.s32 $0xFFFFD800  }
0x44f: {  	[spmem:s2] =	stream.indirect.scatter.add.f32 [tilespmem:s31], [sflag:$0x6], $0x80, s28, s29, $0xb8;
	[tilespmem:$0x1FC00] =	vst v63  }
0x450: {  	_ =	swait.ge [sflag:s23], $0x2800  }
0x451: {  	[sflag:s23] =	ssyncset.done $0x0  }
0x452: {  	s3 =	simm.s32 $0xB80;
	[sflag:s23] =	ssyncadd.s32 $0xFFFFD800  }
0x453: {  	[tilespmem:s10], [sflag:$0x4] =	stream.indirect.gather [hbm4b:s4+s29], $0x80, s3, s29, $0xb8;
	[tilespmem:$0x1FC00] =	vst v63  }
0x454: {  	_ =	swait.ge [sflag:s11], $0x2800  }
0x455: {  	[sflag:s11] =	ssyncset.done $0x0  }
0x456: {  	s5 =	simm.s32 $0x1B00;
	[sflag:s11] =	ssyncadd.s32 $0xFFFFD800  }
0x457: {  	[spmem:s2] =	stream.indirect.scatter.add.f32 [tilespmem:s6], [sflag:$0x7], $0x80, s5, s29, $0xb8;
	[tilespmem:$0x1FC00] =	vst v63  }
0x458: {  	_ =	swait.ge [sflag:s13], $0x2800  }
0x459: {  	[sflag:s13] =	ssyncset.done $0x0  }
0x45a: {  	s8 =	simm.s32 $0xC00;
	[sflag:s13] =	ssyncadd.s32 $0xFFFFD800  }
0x45b: {  	[tilespmem:s25], [sflag:$0x1] =	stream.indirect.gather [hbm4b:s4+s29], $0x80, s8, s29, $0xb8;
	[tilespmem:$0x1FC00] =	vst v63  }
0x45c: {  	_ =	swait.ge [sflag:s15], $0x2800  }
0x45d: {  	[sflag:s15] =	ssyncset.done $0x0  }
0x45e: {  	s9 =	simm.s32 $0x1B80;
	[sflag:s15] =	ssyncadd.s32 $0xFFFFD800  }
0x45f: {  	[spmem:s2] =	stream.indirect.scatter.add.f32 [tilespmem:s10], [sflag:$0x8], $0x80, s9, s29, $0xb8;
	[tilespmem:$0x1FC00] =	vst v63  }
0x460: {  	_ =	swait.ge [sflag:s17], $0x2800  }
0x461: {  	[sflag:s17] =	ssyncset.done $0x0  }
0x462: {  	[sflag:s17] =	ssyncadd.s32 $0xFFFFD800  }
0x463: {  	_ =	swait.ge [sflag:s0], $0x2800  }
0x464: {  	[sflag:s0] =	ssyncset.done $0x0  }
0x465: {  	s12 =	simm.s32 $0x1C00;
	[sflag:s0] =	ssyncadd.s32 $0xFFFFD800  }
0x466: {  	[spmem:s2] =	stream.indirect.scatter.add.f32 [tilespmem:s25], [sflag:$0x5], $0x80, s12, s29, $0xb8;
	[tilespmem:$0x1FC00] =	vst v63  }
0x467: {  	_ =	swait.ge [sflag:s20], $0x2800  }
0x468: {  	[sflag:s20] =	ssyncset.done $0x0  }
0x469: {  	[sflag:s20] =	ssyncadd.s32 $0xFFFFD800  }
0x46a: {  	_ =	swait.ge [sflag:s23], $0x2800  }
0x46b: {  	[sflag:s23] =	ssyncset.done $0x0  }
0x46c: {  	[sflag:s23] =	ssyncadd.s32 $0xFFFFD800  }
0x46d: {  	_ =	swait.ge [sflag:s13], $0x2800  }
0x46e: {  	[sflag:s13] =	ssyncset.done $0x0  }
0x46f: {  	[sflag:s13] =	ssyncadd.s32 $0xFFFFD800  }
0x470: {  	s14 =	stileid.u32;
	[bflag:$0x0] =	sbarrier.arrive $0xFFFF  }
0x471: {  	s22 =	sshll.u32 s14, $0x6;
	s16 =	rddreg [dreg:$0x3]  }
0x472: {  	s22 =	sor.u32 $0x1C09, s22;
	s19 =	rddreg [dreg:$0x15];
	s18 =	sshrl.u32 s16, $0x3  }
0x473: {  	[hbm:s19], [sflag:s22] =	dma.local [spmem:s18], $0x2780  }
0x474: {  	_ =	swait.ge [sflag:s26], $0x2780  }
0x475: {  	s21 =	sadd.s32 $0x1, s21;
	s28 =	rddreg [dreg:$0x16]  }
0x476: {  	p0 =	sne.s32 s21, s28  }
.Ltmp1:
0x477: {  	_ = 	snop;
	(pc) =	sbr.rel @p0 .LBB2_1-.Ltmp1, $3  }
0x478: {  	_ =	sdelay $0x1  }
0x479: {  	[sflag:s26] =	ssyncset.done $0x0  }
0x47a: {  	[sflag:s26] =	ssyncadd.s32 $0xFFFFD880  }
0x47b: {  	_ =	sfence.sel $0x180000  }
0x47c: {  	[bflag:$0x0] =	sbarrier.arrive $0xFFFF  }
0x47d: {  	_ =	strace $0x9000004A  }
0x47e: {  	s0 =	stileid.u32;
	[bflag:$0x2] =	sbarrier.arrive $0xFFFF  }
0x47f: {  	p0 =	sne.s32 s0, $0x0;
	s0 =	rddreg [dreg:$0x2]  }
0x480: {  	s0 =	sadd.s32 @!p0 $0x100000, s0  }
0x481: {  	[sflag:s0] =	ssyncadd.tile.s32 @!p0 $0x1;
	_ =	shalt  }
.Lfunc_end2:
_tile_overlayer_lowered:
.L_overlay_start_2:
0x482: {  	(tag) =	ssettag $0x2  }
0x483: {  	s0 =	rddreg [dreg:$0x0];
	s2 =	stileid.u32  }
0x484: {  	s1 =	rddreg [dreg:$0x1];
	p0 =	sne.s32 s2, $0x0  }
0x485: {  	s3 =	rddreg [dreg:$0x2];
	[bflag:$0x3] =	sbarrier.arrive $0xFFFF;
	s2 =	simm.s32 @!p0 $0x1C09  }
0x486: {  	[timem:s3], [sflag:s2] =	dma.local @!p0 [hbm:s0], s1  }
0x487: {  	s0 =	simm.s32 @!p0 $0x9  }
0x488: {  	_ =	swait.ge @!p0 [sflag:s0], s1  }
0x489: {  	s1 =	ssub.s32 @!p0 $0x0, s1;
	[sflag:s0] =	ssyncset.done @!p0 $0x0  }
0x48a: {  	[sflag:s0] =	ssyncadd.s32 @!p0 s1  }
0x48b: {  	[bflag:$0x3] =	sbarrier.arrive $0xFFFF  }
0x48c: {  	_ =	shalt  }

// kernel: kernel.7.cloned.1.call-start
scs
__scs_entry_jumppad:
0x0: {  	(pc) =	sbr.rel $0x88, $3  }
0x1: {  	(tag) =	ssettag $0x0;
	lr =	simm.s32 $0x1  }
0x2: {  	[smem:$0x3F9D] =	sst lr;
	_ =	strace $0xD0000000  }
0x3: {  	_ = 	snop  }
0x4: {  	_ = 	snop  }
0x5: {  	_ = 	snop  }
0x6: {  	_ = 	snop  }
0x7: {  	_ = 	snop  }
__scs_overlays_trampoline_lowered:
0x8: {  	[smem:$0x3FAC] =	sst s0  }
0x9: {  	[smem:$0x3FAD] =	sst s1  }
0xa: {  	[smem:$0x3FAE] =	sst s2  }
0xb: {  	[smem:$0x3FAF] =	sst s3  }
0xc: {  	[smem:$0x3FB0] =	sst s4  }
0xd: {  	[smem:$0x3FB1] =	sst s5  }
0xe: {  	[smem:$0x3FB2] =	sst s6  }
0xf: {  	[smem:$0x3FB3] =	sst s7  }
0x10: {  	[smem:$0x3FB4] =	sst s8  }
0x11: {  	[smem:$0x3FB5] =	sst s9;
	s0 =	simm.s32 @!p0 $0x0  }
0x12: {  	s1 =	sld [smem:$0x3F9B];
	s0 =	simm.s32 @p0 $0x1  }
0x13: {  	[smem:$0x3FB6] =	sst s0;
	s0 =	simm.s32 @!p1 $0x0  }
0x14: {  	s2 =	sld [smem:$0x3F9A];
	s0 =	simm.s32 @p1 $0x1  }
0x15: {  	[smem:$0x3FB7] =	sst s0;
	s0 =	simm.s32 @!p2 $0x0  }
0x16: {  	s3 =	sld [smem:$0x3FDB];
	s0 =	simm.s32 @p2 $0x1  }
0x17: {  	s4 =	simm.s32 $0x1BF5;
	[smem:$0x3FB9] =	sst s0  }
0x18: {  	s0 =	sld [smem:$0x3F9C];
	_ =	swait.ge [sflag:s4], $0x0  }
0x19: {  	s7 =	sld [smem:$0x3F9D]  }
0x1a: {  	s8 =	sadd.s32 $0xFFFFE003, lr  }
0x1b: {  	s9 =	sadd.s32 $0xFFFFFEF7, lr;
	s5 =	simm.s32 $0xFFFFFFFF;
	p2 =	slt.u32 s8, $0xFFFFF086  }
0x1c: {  	p1 =	slt.u32 s9, $0xF7A;
	s5 =	simm.s32 @!p2 $0x0  }
0x1d: {  	s5 =	simm.s32 @p1 $0x1;
	p0 =	seq.s32 s7, s2  }
0x1e: {  	s7 =	smul.u32 @!p0 $0xF7A, s2;
	p2 =	seq.s32 @!p0 s5, $0x0  }
0x1f: {  	s9 =	smul.u32 $0xF7A, s1;
	s8 =	simm.s32 @!p0 $0x1BF5;
	p2 =	por !p2, p0  }
0x20: {  	[sflag:s8] =	ssyncset.s32 @!p0 $0xFFFFF086;
	s6 =	sadd.s32 @!p0 s3, s7;
	s7 =	simm.s32 @!p0 $0x108  }
0x21: {  	s3 =	sadd.s32 s3, s9;
	s6 =	sadd.s32 @!p0 $0x88, s6;
	s7 =	simm.s32 @p2 $0x1082  }
0x22: {  	[simem:s7], [sflag:s8] =	dma.local @!p0 [hbm:s6], $0xF7A  }
0x23: {  	s9 =	sor.u32 $0xD0000000, s2;
	s6 =	simm.s32 $0x108;
	_ =	swait.ge @!p0 [sflag:s8], $0x0  }
0x24: {  	s3 =	sadd.s32 $0x88, s3;
	s6 =	simm.s32 @!p1 $0x1082;
	[sflag:s4] =	ssyncset.s32 $0xFFFFF086  }
0x25: {  	[simem:s6], [sflag:s4] =	dma.local [hbm:s3], $0xF7A  }
0x26: {  	[smem:$0x3F9D] =	sst s1;
	(tag) =	ssettag s2;
	_ =	strace s9  }
0x27: {  	s1 =	sld [smem:$0x3FAD]  }
0x28: {  	s2 =	sld [smem:$0x3FAE]  }
0x29: {  	s4 =	sld [smem:$0x3FB0]  }
0x2a: {  	p0 =	seq.s32 s5, $0x0;
	s5 =	sld [smem:$0x3FB1]  }
0x2b: {  	s6 =	sld [smem:$0x3FB2]  }
0x2c: {  	s7 =	sld [smem:$0x3FB3]  }
0x2d: {  	s3 =	simm.s32 $0x108;
	s8 =	sld [smem:$0x3FB4]  }
0x2e: {  	s3 =	simm.s32 @!p0 $0x1082;
	s9 =	sld [smem:$0x3FB5]  }
0x2f: {  	lr =	sadd.s32 s0, s3;
	s0 =	sld [smem:$0x3FAC]  }
0x30: {  	s3 =	sld [smem:$0x3FAF]  }
0x31: {  	[smem:$0x3FB8] =	sst s10  }
0x32: {  	s10 =	sld [smem:$0x3FB6];
	_ =	sdelay $0x3  }
0x33: {  	p0 =	seq.s32 s10, $0x1;
	s10 =	sld [smem:$0x3FB8];
	_ =	sdelay $0x3  }
0x34: {  	[smem:$0x3FB8] =	sst s10  }
0x35: {  	s10 =	sld [smem:$0x3FB7];
	_ =	sdelay $0x3  }
0x36: {  	p1 =	seq.s32 s10, $0x1;
	s10 =	sld [smem:$0x3FB8];
	_ =	sdelay $0x3  }
0x37: {  	[smem:$0x3FB8] =	sst s10  }
0x38: {  	s10 =	sld [smem:$0x3FB9]  }
0x39: {  	_ = 	snop;
	(pc) =	sbr.ind lr, $3  }
0x3a: {  	_ = 	snop  }
0x3b: {  	_ = 	snop  }
0x3c: {  	p2 =	seq.s32 s10, $0x1;
	s10 =	sld [smem:$0x3FB8]  }
0x3d: {  	_ =	shalt  }
0x3e: {  	_ =	shalt  }
0x3f: {  	_ =	shalt  }
0x40: {  	_ =	shalt  }
0x41: {  	_ =	shalt  }
0x42: {  	_ =	shalt  }
0x43: {  	_ =	shalt  }
0x44: {  	_ =	shalt  }
0x45: {  	_ =	shalt  }
0x46: {  	_ =	shalt  }
0x47: {  	_ =	shalt  }
0x48: {  	_ =	shalt  }
0x49: {  	_ =	shalt  }
0x4a: {  	_ =	shalt  }
0x4b: {  	_ =	shalt  }
0x4c: {  	_ =	shalt  }
0x4d: {  	_ =	shalt  }
0x4e: {  	_ =	shalt  }
0x4f: {  	_ =	shalt  }
0x50: {  	_ =	shalt  }
0x51: {  	_ =	shalt  }
0x52: {  	_ =	shalt  }
0x53: {  	_ =	shalt  }
0x54: {  	_ =	shalt  }
0x55: {  	_ =	shalt  }
0x56: {  	_ =	shalt  }
0x57: {  	_ =	shalt  }
0x58: {  	_ =	shalt  }
0x59: {  	_ =	shalt  }
0x5a: {  	_ =	shalt  }
0x5b: {  	_ =	shalt  }
0x5c: {  	_ =	shalt  }
0x5d: {  	_ =	shalt  }
0x5e: {  	_ =	shalt  }
0x5f: {  	_ =	shalt  }
0x60: {  	_ =	shalt  }
0x61: {  	_ =	shalt  }
0x62: {  	_ =	shalt  }
0x63: {  	_ =	shalt  }
0x64: {  	_ =	shalt  }
0x65: {  	_ =	shalt  }
0x66: {  	_ =	shalt  }
0x67: {  	_ =	shalt  }
0x68: {  	_ =	shalt  }
0x69: {  	_ =	shalt  }
0x6a: {  	_ =	shalt  }
0x6b: {  	_ =	shalt  }
0x6c: {  	_ =	shalt  }
0x6d: {  	_ =	shalt  }
0x6e: {  	_ =	shalt  }
0x6f: {  	_ =	shalt  }
0x70: {  	_ =	shalt  }
0x71: {  	_ =	shalt  }
0x72: {  	_ =	shalt  }
0x73: {  	_ =	shalt  }
0x74: {  	_ =	shalt  }
0x75: {  	_ =	shalt  }
0x76: {  	_ =	shalt  }
0x77: {  	_ =	shalt  }
0x78: {  	_ =	shalt  }
0x79: {  	_ =	shalt  }
0x7a: {  	_ =	shalt  }
0x7b: {  	_ =	shalt  }
0x7c: {  	_ =	shalt  }
0x7d: {  	_ =	shalt  }
0x7e: {  	_ =	shalt  }
0x7f: {  	_ =	shalt  }
0x80: {  	_ =	shalt  }
0x81: {  	_ =	shalt  }
0x82: {  	_ =	shalt  }
0x83: {  	_ =	shalt  }
0x84: {  	_ =	shalt  }
0x85: {  	_ =	shalt  }
0x86: {  	_ =	shalt  }
0x87: {  	_ =	shalt  }
.Lfunc_end0:
.L_simem_size_0:
called_computation_lowered:
.L_overlay_start_0:
0x88: {  	s2 =	sld [smem:$0x3FD9]  }
0x89: {  	s3 =	sld [smem:$0x3FFE];
	_ =	sdelay $0x1  }
0x8a: {  	s1 =	srdreg.scid  }
0x8b: {  	s0 =	sand.u32 $0x1, s1  }
0x8c: {  	s17 =	sshll.u32 s0, $0xA;
	s2 =	sadd.s32 s3, s2  }
0x8d: {  	s2 =	sadd.s32 s2, s17  }
0x8e: {  	[smem:$0x3FC4] =	sst s2  }
0x8f: {  	_ = 	snop  }
0x90: {  	s2 =	sld [smem:$0x3FD0];
	(tm) =	ssettm $0x1  }
0x91: {  	s18 =	sld [smem:$0x3FFB];
	_ =	sdelay $0x3  }
0x92: {  	_ =	strace s18  }
0x93: {  	s3 =	sld [smem:$0x3FFC];
	_ =	sdelay $0x3  }
0x94: {  	_ =	strace s3  }
0x95: {  	s3 =	sld [smem:$0x3FFD];
	_ =	sdelay $0x3  }
0x96: {  	_ =	strace s3  }
0x97: {  	_ =	strace $0x8FFFFFFF  }
0x98: {  	s19 =	sld [smem:$0x3FDB];
	_ =	sdelay $0x1  }
0x99: {  	s4 =	simm.s32 $_scs_section_size  }
0x9a: {  	s5 =	simm.s32 $_size__tile_overlayer_lowered;
	s6 =	simm.s32 $_tile_overlayer_lowered  }
0x9b: {  	s22 =	simm.s32 $0x1BFF;
	s21 =	sshll.u32 s6, $0x1;
	s3 =	sadd.s32 s4, s19  }
0x9c: {  	s7 =	simm.s32 $0x0;
	s20 =	sshll.u32 s5, $0x1;
	s5 =	sadd.s32 s21, s3  }
0x9d: {  	[timem:s7], [sflag:s22] =	dma.local [hbm:s5], s20  }
0x9e: {  	_ =	swait.ge [sflag:s22], s20  }
0x9f: {  	s4 =	ssub.s32 $0x0, s20;
	[sflag:s22] =	ssyncset.done $0x0  }
0xa0: {  	[sflag:s22] =	ssyncadd.s32 s4;
	_ =	sdelay $0x1  }
0xa1: {  	s23 =	simm.s32 $0x1B8B  }
0xa2: {  	_ =	swait.ge [sflag:s23], $0x1  }
0xa3: {  	[sflag:s23] =	ssyncset.done $0x0  }
0xa4: {  	s25 =	simm.s32 $0x1B8E;
	s24 =	sld [smem:$0x3FFE];
	[sflag:s23] =	ssyncadd.s32 $0xFFFFFFFF  }
0xa5: {  	s26 =	simm.s32 $execute0_lowered;
	[smem:$0x3FD2] =	sst s25  }
0xa6: {  	s5 =	sshll.u32 s26, $0x1;
	_ =	strace $0x80000046;
	[dreg:$0x1] =	wrdreg $0xFFFFFFFF  }
0xa7: {  	s28 =	simm.s32 $_size_execute0_lowered;
	s3 =	sadd.s32 s3, s5;
	[dreg:$0x0] =	wrdreg $0x0  }
0xa8: {  	s5 =	sshll.u32 s28, $0x1;
	[dreg:$0x2] =	wrdreg s3  }
0xa9: {  	[dreg:$0x3] =	wrdreg s5  }
0xaa: {  	[dreg:$0x4] =	wrdreg $0xC0  }
0xab: {  	_ =	task [dreg:s7], $0x5FFFF  }
0xac: {  	[dreg:$0x1] =	wrdreg $0xFFFFFFFF  }
0xad: {  	[dreg:$0x0] =	wrdreg $0x60  }
0xae: {  	[dreg:$0x2] =	wrdreg s2  }
0xaf: {  	[dreg:$0x3] =	wrdreg s24  }
0xb0: {  	[dreg:$0x4] =	wrdreg $0x58000  }
0xb1: {  	[dreg:$0x5] =	wrdreg $0x9  }
0xb2: {  	_ =	task.clear_ibuf [dreg:s7], $0x6FFFF;
	_ =	strace $0x90000046  }
0xb3: {  	s29 =	simm.s32 $0x9;
	_ =	strace $0x80000048  }
0xb4: {  	_ =	swait.ge [sflag:s29], $0x1  }
0xb5: {  	[sflag:s29] =	ssyncadd.s32 $0xFFFFFFFF  }
0xb6: {  	_ =	strace $0x90000048  }
0xb7: {  	_ =	sfence  }
0xb8: {  	s30 =	sld [smem:$0x0];
	_ =	sdelay $0x2  }
0xb9: {  	s31 =	sshll.u32 s1, $0xD;
	s1 =	sshrl.u32 s1, $0x2  }
0xba: {  	s3 =	sand.u32 $0x4000, s31;
	s1 =	sadd.s32 s1, s30  }
0xbb: {  	s0 =	sor.u32 s3, s0;
	s1 =	sshll.u32 s1, $0x11  }
0xbc: {  	s0 =	sor.u32 s1, s0  }
0xbd: {  	s0 =	sadd.s32 $0x8F2B, s0  }
0xbe: {  	[sflag:s0] =	ssyncadd.remote.s32 $0x1  }
0xbf: {  	_ =	sfence.sel $0xFFFF  }
0xc0: {  	[dreg:$0x0] =	wrdreg $0xFFFFFFFF;
	(pc) =	sbr.abs _section_cstart, $3  }
0xc1: {  	[dreg:$0x1] =	wrdreg $0xFFFFFFFF  }
0xc2: {  	_ =	task.clear_ibuf [dreg:s7], $0x2FFFF;
	_ =	strace $0x9FFFFFFF  }
0xc3: {  	(tm) =	ssettm $0x7FFFFFFF  }
tec
execute0_lowered:
.L_overlay_start_1:
0x0: {  	(tag) =	ssettag $0x1  }
0x1: {  	s3 =	srdreg.scid;
	s9 =	stileid.u32  }
0x2: {  	s2 =	rddreg [dreg:$0x1];
	s3 =	sand.u32 $0x1, s3;
	s18 =	smul.u32 $0x13C00, s9  }
0x3: {  	s1 =	rddreg [dreg:$0x2];
	s5 =	simm.s32 $0x0;
	s4 =	smul.u32 $0x13C000, s3  }
0x4: {  	[smem:$0x7FF] =	sst s5;
	s8 =	smul.u32 $0x4F000, s9  }
0x5: {  	s6 =	sadd.s32 $0x1600, s2;
	s7 =	sadd.s32 $0x64600, s2;
	s4 =	sadd.s32 s18, s4  }
0x6: {  	s19 =	sshll.u32 s3, $0x4;
	s8 =	sshrl.u32 s8, $0x2;
	s4 =	sshrl.u32 s4, $0x3  }
0x7: {  	s5 =	sor.u32 s9, s19;
	s2 =	sadd.s32 s4, s2;
	s4 =	sadd.s32 s8, s1  }
0x8: {  	s0 =	rddreg [dreg:$0x0];
	s5 =	smul.u32 $0x5000, s5;
	s8 =	sadd.s32 $0x2800, s4  }
0x9: {  	_ =	strace $0x80000047;
	s21 =	sadd.s32 $0x5000, s4;
	[dreg:$0x4] =	wrdreg s8  }
0xa: {  	s5 =	sshrl.u32 s5, $0x3;
	s22 =	sadd.s32 $0x7800, s4;
	[dreg:$0x5] =	wrdreg s21  }
0xb: {  	s23 =	sadd.s32 s0, s5;
	[dreg:$0x6] =	wrdreg s22  }
0xc: {  	s25 =	sadd.s32 s6, s5;
	[dreg:$0x7] =	wrdreg s23  }
0xd: {  	s24 =	sadd.s32 $0x200, s5;
	s26 =	sadd.s32 s7, s5;
	[dreg:$0x8] =	wrdreg s25  }
0xe: {  	[dreg:$0x9] =	wrdreg s26;
	s10 =	sadd.s32 s0, s24  }
0xf: {  	s11 =	sadd.s32 s6, s24;
	[dreg:$0xa] =	wrdreg s10  }
0x10: {  	s12 =	sadd.s32 $0x400, s5;
	s8 =	sadd.s32 s7, s24;
	[dreg:$0xb] =	wrdreg s11  }
0x11: {  	s13 =	sadd.s32 s0, s12;
	[dreg:$0xc] =	wrdreg s8  }
0x12: {  	s15 =	sadd.s32 $0x600, s5;
	s14 =	sadd.s32 s6, s12;
	[dreg:$0xd] =	wrdreg s13  }
0x13: {  	s30 =	simm.s32 $0x3000;
	s16 =	sadd.s32 s0, s15;
	[dreg:$0xe] =	wrdreg s14  }
0x14: {  	s31 =	simm.s32 $0x2;
	s17 =	sadd.s32 s6, s15;
	[dreg:$0x10] =	wrdreg s16  }
0x15: {  	s5 =	sadd.s32 $0x800, s5;
	s18 =	sadd.s32 s7, s15;
	[dreg:$0x11] =	wrdreg s17  }
0x16: {  	s3 =	ssub.s32 $0x2, s3;
	s0 =	sadd.s32 s0, s5;
	[dreg:$0x12] =	wrdreg s18  }
0x17: {  	s20 =	sshrl.u32 s3, $0x1;
	s19 =	sadd.s32 s6, s5;
	[dreg:$0x13] =	wrdreg s0  }
0x18: {  	s3 =	ssub.s32 s3, s20;
	s20 =	sadd.s32 s7, s5;
	[dreg:$0x14] =	wrdreg s19  }
0x19: {  	s28 =	simm.s32 $0xC00;
	s21 =	sadd.s32 $0xA000, s4;
	[dreg:$0x15] =	wrdreg s20  }
0x1a: {  	s29 =	simm.s32 $0x1000;
	s22 =	sadd.s32 $0x15600, s2;
	[dreg:$0x16] =	wrdreg s21  }
0x1b: {  	s9 =	simm.s32 $0x300;
	s23 =	smax.u32 s3, $0x1;
	[dreg:$0x17] =	wrdreg s22  }
0x1c: {  	s24 =	sadd.s32 $0xC800, s4;
	s25 =	sadd.s32 $0xF000, s4;
	[dreg:$0x18] =	wrdreg s23  }
0x1d: {  	s26 =	sadd.s32 $0x11800, s4;
	s2 =	simm.s32 $0x50;
	[dreg:$0x19] =	wrdreg s24  }
0x1e: {  	s15 =	simm.s32 $0x600;
	s3 =	simm.s32 $0x1;
	[dreg:$0x1a] =	wrdreg s25  }
0x1f: {  	s5 =	simm.s32 $0x0;
	s8 =	sadd.s32 s7, s12;
	[dreg:$0x1b] =	wrdreg s26  }
0x20: {  	s0 =	simm.s32 $0x2000;
	s10 =	simm.s32 $0x380;
	s11 =	simm.s32 $0x400  }
0x21: {  	s12 =	simm.s32 $0x480;
	s13 =	simm.s32 $0x500;
	s14 =	simm.s32 $0x580  }
0x22: {  	s16 =	simm.s32 $0x680;
	s17 =	simm.s32 $0x700;
	s18 =	simm.s32 $0x780  }
0x23: {  	s19 =	simm.s32 $0x800;
	s20 =	simm.s32 $0x880;
	s21 =	simm.s32 $0x900  }
0x24: {  	s22 =	simm.s32 $0x980;
	s23 =	simm.s32 $0xA00;
	s24 =	simm.s32 $0xA80  }
0x25: {  	v0 =	vimm.f32 $0.0e+00;
	v1 =	vimm.f32 $1.000000000e+00;
	s25 =	simm.s32 $0xB00;
	s26 =	simm.s32 $0xB80;
	[dreg:$0xf] =	wrdreg s8  }
.LBB2_1:
0x26: {  	s6 =	simm.s32 $0x70;
	s7 =	simm.s32 $0x3C0  }
.LBB2_2:
0x27: {  	p0 =	sne.s32 s7, $0x9FC0;
	[tilespmem:s6+$0x3000] =	vst v0  }
0x28: {  	[tilespmem:s6+$0x2F90] =	vst v0  }
0x29: {  	[tilespmem:s6+$0x2FA0] =	vst v0  }
.Ltmp0:
0x2a: {  	[tilespmem:s6+$0x2FB0] =	vst v0;
	(pc) =	sbr.rel @p0 .LBB2_2-.Ltmp0, $4  }
0x2b: {  	[tilespmem:s6+$0x2FC0] =	vst v0  }
0x2c: {  	[tilespmem:s6+$0x2FD0] =	vst v0  }
0x2d: {  	[tilespmem:s6+$0x2FE0] =	vst v0  }
0x2e: {  	[tilespmem:s6+$0x2FF0] =	vst v0;
	s6 =	sshra.s32 s7, $0x2;
	s7 =	sadd.s32 $0x200, s7  }
0x2f: {  	[tilespmem:s6+$0x3000] =	vst v0  }
0x30: {  	[tilespmem:s6+$0x2F90] =	vst v0  }
0x31: {  	[tilespmem:s6+$0x2FA0] =	vst v0  }
0x32: {  	[tilespmem:s6+$0x2FB0] =	vst v0  }
0x33: {  	[tilespmem:s6+$0x2FC0] =	vst v0  }
0x34: {  	[tilespmem:s6+$0x2FD0] =	vst v0  }
0x35: {  	[tilespmem:s6+$0x2FE0] =	vst v0  }
0x36: {  	[tilespmem:s6+$0x2FF0] =	vst v0  }
0x37: {  	[spmem:s4] =	stream.linear.scatter [tilespmem:s30], [sflag:$0x2], $0x2800, $0x38;
	[tilespmem:$0x19400] =	vst v63  }
0x38: {  	_ =	swait.ge [sflag:s31], $0x2800  }
0x39: {  	[sflag:s31] =	ssyncset.done $0x0  }
0x3a: {  	s8 =	rddreg [dreg:$0x4];
	[sflag:s31] =	ssyncadd.s32 $0xFFFFD800  }
0x3b: {  	[spmem:s8] =	stream.linear.scatter [tilespmem:s30], [sflag:$0x2], $0x2800, $0x38;
	[tilespmem:$0x19400] =	vst v63  }
0x3c: {  	_ =	swait.ge [sflag:s31], $0x2800  }
0x3d: {  	[sflag:s31] =	ssyncset.done $0x0  }
0x3e: {  	s7 =	rddreg [dreg:$0x5];
	[sflag:s31] =	ssyncadd.s32 $0xFFFFD800  }
0x3f: {  	[spmem:s7] =	stream.linear.scatter [tilespmem:s30], [sflag:$0x2], $0x2800, $0x38;
	[tilespmem:$0x19400] =	vst v63  }
0x40: {  	_ =	swait.ge [sflag:s31], $0x2800  }
0x41: {  	[sflag:s31] =	ssyncset.done $0x0  }
0x42: {  	s8 =	rddreg [dreg:$0x6];
	[sflag:s31] =	ssyncadd.s32 $0xFFFFD800  }
0x43: {  	[spmem:s8] =	stream.linear.scatter [tilespmem:s30], [sflag:$0x2], $0x2800, $0x38;
	[tilespmem:$0x19400] =	vst v63  }
0x44: {  	_ =	swait.ge [sflag:s31], $0x2800  }
0x45: {  	[sflag:s31] =	ssyncset.done $0x0  }
0x46: {  	s7 =	rddreg [dreg:$0x16];
	[sflag:s31] =	ssyncadd.s32 $0xFFFFD800  }
0x47: {  	[spmem:s7] =	stream.linear.scatter [tilespmem:s30], [sflag:$0x2], $0x2800, $0x38;
	[tilespmem:$0x19400] =	vst v63  }
0x48: {  	_ =	swait.ge [sflag:s31], $0x2800  }
0x49: {  	[sflag:s31] =	ssyncset.done $0x0  }
0x4a: {  	s8 =	rddreg [dreg:$0x19];
	[sflag:s31] =	ssyncadd.s32 $0xFFFFD800  }
0x4b: {  	[spmem:s8] =	stream.linear.scatter [tilespmem:s30], [sflag:$0x2], $0x2800, $0x38;
	[tilespmem:$0x19400] =	vst v63  }
0x4c: {  	_ =	swait.ge [sflag:s31], $0x2800  }
0x4d: {  	[sflag:s31] =	ssyncset.done $0x0  }
0x4e: {  	s7 =	rddreg [dreg:$0x1a];
	[sflag:s31] =	ssyncadd.s32 $0xFFFFD800  }
0x4f: {  	[spmem:s7] =	stream.linear.scatter [tilespmem:s30], [sflag:$0x2], $0x2800, $0x38;
	[tilespmem:$0x19400] =	vst v63  }
0x50: {  	_ =	swait.ge [sflag:s31], $0x2800  }
0x51: {  	[sflag:s31] =	ssyncset.done $0x0  }
0x52: {  	s8 =	rddreg [dreg:$0x1b];
	[sflag:s31] =	ssyncadd.s32 $0xFFFFD800  }
0x53: {  	[spmem:s8] =	stream.linear.scatter [tilespmem:s30], [sflag:$0x2], $0x2400, $0x38;
	[tilespmem:$0x19400] =	vst v63  }
0x54: {  	_ =	swait.ge [sflag:s31], $0x2400  }
0x55: {  	[sflag:s31] =	ssyncset.done $0x0  }
0x56: {  	s6 =	simm.s32 $0x70;
	s7 =	simm.s32 $0x3C0;
	[sflag:s31] =	ssyncadd.s32 $0xFFFFDC00  }
.LBB2_4:
0x57: {  	p0 =	sne.s32 s7, $0x9FC0;
	[tilespmem:s6+$0x3000] =	vst v1  }
0x58: {  	[tilespmem:s6+$0x2F90] =	vst v1  }
0x59: {  	[tilespmem:s6+$0x2FA0] =	vst v1  }
.Ltmp1:
0x5a: {  	[tilespmem:s6+$0x2FB0] =	vst v1;
	(pc) =	sbr.rel @p0 .LBB2_4-.Ltmp1, $4  }
0x5b: {  	[tilespmem:s6+$0x2FC0] =	vst v1  }
0x5c: {  	[tilespmem:s6+$0x2FD0] =	vst v1  }
0x5d: {  	[tilespmem:s6+$0x2FE0] =	vst v1  }
0x5e: {  	[tilespmem:s6+$0x2FF0] =	vst v1;
	s6 =	sshra.s32 s7, $0x2;
	s7 =	sadd.s32 $0x200, s7  }
0x5f: {  	[tilespmem:s6+$0x3000] =	vst v1  }
0x60: {  	[tilespmem:s6+$0x2F90] =	vst v1  }
0x61: {  	[tilespmem:s6+$0x2FA0] =	vst v1  }
0x62: {  	[tilespmem:s6+$0x2FB0] =	vst v1  }
0x63: {  	[tilespmem:s6+$0x2FC0] =	vst v1  }
0x64: {  	[tilespmem:s6+$0x2FD0] =	vst v1  }
0x65: {  	[tilespmem:s6+$0x2FE0] =	vst v1  }
0x66: {  	[tilespmem:s6+$0x2FF0] =	vst v1  }
0x67: {  	[bflag:$0x0] =	sbarrier.arrive $0xFFFF  }
0x68: {  	s6 =	simm.s32 $0x0;
	s7 =	rddreg [dreg:$0x7]  }
0x69: {  	[tilespmem:s6], [sflag:$0x2] =	stream.linear.gather [hbm4b:s7+s6], $0xC80, $0x38;
	[tilespmem:$0x19400] =	vst v63  }
0x6a: {  	_ =	swait.ge [sflag:s31], $0xC80  }
0x6b: {  	[sflag:s31] =	ssyncset.done $0x0  }
0x6c: {  	s8 =	rddreg [dreg:$0x8];
	[sflag:s31] =	ssyncadd.s32 $0xFFFFF380  }
0x6d: {  	[tilespmem:s0], [sflag:$0x2] =	stream.linear.gather [hbm4b:s8+s6], $0xC80, $0x38;
	[tilespmem:$0x19400] =	vst v63  }
0x6e: {  	_ =	swait.ge [sflag:s31], $0xC80  }
0x6f: {  	[sflag:s31] =	ssyncset.done $0x0  }
0x70: {  	s6 =	simm.s32 $0x0;
	[sflag:s31] =	ssyncadd.s32 $0xFFFFF380  }
0x71: {  	v6 =	vld [tilespmem:s6+$0x2000]  }
0x72: {  	v5 =	vld [tilespmem:s6+$0x2010]  }
0x73: {  	v4 =	vld [tilespmem:s6+$0x2020]  }
0x74: {  	v3 =	vld [tilespmem:s6+$0x2030]  }
0x75: {  	v2 =	vld [tilespmem:s6+$0x2040]  }
0x76: {  	v10 =	vld [tilespmem:s6+$0x0]  }
0x77: {  	v9 =	vld [tilespmem:s6+$0x10]  }
0x78: {  	v8 =	vld [tilespmem:s6+$0x20]  }
0x79: {  	s7 =	simm.s32 $0x200;
	v7 =	vld [tilespmem:s6+$0x30]  }
.LBB2_6:
0x7a: {  	s8 =	sshra.s32 s7, $0x2;
	p0 =	sne.s32 s7, $0x3000;
	v11 =	vld [tilespmem:s6+$0x40]  }
0x7b: {  	vm0 =	veq.s32 v10, v6;
	v6 =	vld [tilespmem:s8+$0x2000]  }
0x7c: {  	v10 =	vsel vm0, $0x2710, v10;
	vm0 =	veq.s32 v9, v5;
	v5 =	vld [tilespmem:s8+$0x2010]  }
0x7d: {  	[tilespmem:s6+$0x0] =	vst v10;
	v9 =	vsel vm0, $0x2710, v9;
	vm0 =	veq.s32 v8, v4;
	v4 =	vld [tilespmem:s8+$0x2020]  }
0x7e: {  	[tilespmem:s6+$0x10] =	vst v9;
	v8 =	vsel vm0, $0x2710, v8;
	vm0 =	veq.s32 v7, v3;
	v3 =	vld [tilespmem:s8+$0x2030]  }
.Ltmp2:
0x7f: {  	[tilespmem:s6+$0x20] =	vst v8;
	v7 =	vsel vm0, $0x2710, v7;
	vm0 =	veq.s32 v11, v2;
	v2 =	vld [tilespmem:s8+$0x2040];
	(pc) =	sbr.rel @p0 .LBB2_6-.Ltmp2, $4  }
0x80: {  	v10 =	vld [tilespmem:s8+$0x0];
	[tilespmem:s6+$0x30] =	vst v7;
	v7 =	vsel vm0, $0x2710, v11  }
0x81: {  	v9 =	vld [tilespmem:s8+$0x10];
	[tilespmem:s6+$0x40] =	vst v7;
	s6 =	smov.u32 s8  }
0x82: {  	v8 =	vld [tilespmem:s6+$0x20]  }
0x83: {  	s7 =	sadd.s32 $0x200, s7;
	v7 =	vld [tilespmem:s6+$0x30]  }
0x84: {  	v11 =	vld [tilespmem:s6+$0x40]  }
0x85: {  	vm0 =	veq.s32 v10, v6  }
0x86: {  	v6 =	vsel vm0, $0x2710, v10;
	vm12 =	veq.s32 v9, v5  }
0x87: {  	[tilespmem:s6+$0x0] =	vst v6;
	v5 =	vsel vm12, $0x2710, v9;
	vm13 =	veq.s32 v8, v4  }
0x88: {  	[tilespmem:s6+$0x10] =	vst v5;
	v4 =	vsel vm13, $0x2710, v8;
	vm14 =	veq.s32 v7, v3  }
0x89: {  	[tilespmem:s6+$0x20] =	vst v4;
	v3 =	vsel vm14, $0x2710, v7;
	vm15 =	veq.s32 v11, v2  }
0x8a: {  	[tilespmem:s6+$0x30] =	vst v3;
	v2 =	vsel vm15, $0x2710, v11  }
0x8b: {  	s7 =	rddreg [dreg:$0x9];
	[tilespmem:s6+$0x40] =	vst v2;
	s6 =	simm.s32 $0x0  }
0x8c: {  	[hbm4b:s7+s6] =	stream.linear.scatter [tilespmem:s6], [sflag:$0x2], $0xC80, $0x38;
	[tilespmem:$0x19400] =	vst v63  }
0x8d: {  	_ =	swait.ge [sflag:s31], $0xC80  }
0x8e: {  	[sflag:s31] =	ssyncset.done $0x0  }
0x8f: {  	[sflag:s31] =	ssyncadd.s32 $0xFFFFF380  }
0x90: {  	[spmem:s1] =	stream.indirect.scatter.add.f32 [tilespmem:s30], [sflag:$0x1], $0x80, s6, s2, $0xb8;
	[tilespmem:$0x19400] =	vst v63  }
0x91: {  	s8 =	simm.s32 $0x80  }
0x92: {  	[spmem:s1] =	stream.indirect.scatter.add.f32 [tilespmem:s30], [sflag:$0x1], $0x80, s8, s2, $0xb8;
	[tilespmem:$0x19400] =	vst v63  }
0x93: {  	s8 =	simm.s32 $0x100  }
0x94: {  	[spmem:s1] =	stream.indirect.scatter.add.f32 [tilespmem:s30], [sflag:$0x1], $0x80, s8, s2, $0xb8;
	[tilespmem:$0x19400] =	vst v63  }
0x95: {  	s8 =	simm.s32 $0x180  }
0x96: {  	[spmem:s1] =	stream.indirect.scatter.add.f32 [tilespmem:s30], [sflag:$0x1], $0x80, s8, s2, $0xb8;
	[tilespmem:$0x19400] =	vst v63  }
0x97: {  	s8 =	simm.s32 $0x200  }
0x98: {  	[spmem:s1] =	stream.indirect.scatter.add.f32 [tilespmem:s30], [sflag:$0x1], $0x80, s8, s2, $0xb8;
	[tilespmem:$0x19400] =	vst v63  }
0x99: {  	s8 =	simm.s32 $0x280  }
0x9a: {  	[spmem:s1] =	stream.indirect.scatter.add.f32 [tilespmem:s30], [sflag:$0x1], $0x80, s8, s2, $0xb8;
	[tilespmem:$0x19400] =	vst v63  }
0x9b: {  	_ = 	snop  }
0x9c: {  	[spmem:s1] =	stream.indirect.scatter.add.f32 [tilespmem:s30], [sflag:$0x1], $0x80, s9, s2, $0xb8;
	[tilespmem:$0x19400] =	vst v63  }
0x9d: {  	_ = 	snop  }
0x9e: {  	[spmem:s1] =	stream.indirect.scatter.add.f32 [tilespmem:s30], [sflag:$0x1], $0x80, s10, s2, $0xb8;
	[tilespmem:$0x19400] =	vst v63  }
0x9f: {  	_ = 	snop  }
0xa0: {  	[spmem:s1] =	stream.indirect.scatter.add.f32 [tilespmem:s30], [sflag:$0x1], $0x80, s11, s2, $0xb8;
	[tilespmem:$0x19400] =	vst v63  }
0xa1: {  	_ = 	snop  }
0xa2: {  	[spmem:s1] =	stream.indirect.scatter.add.f32 [tilespmem:s30], [sflag:$0x1], $0x80, s12, s2, $0xb8;
	[tilespmem:$0x19400] =	vst v63  }
0xa3: {  	_ = 	snop  }
0xa4: {  	[spmem:s1] =	stream.indirect.scatter.add.f32 [tilespmem:s30], [sflag:$0x1], $0x80, s13, s2, $0xb8;
	[tilespmem:$0x19400] =	vst v63  }
0xa5: {  	_ = 	snop  }
0xa6: {  	[spmem:s1] =	stream.indirect.scatter.add.f32 [tilespmem:s30], [sflag:$0x1], $0x80, s14, s2, $0xb8;
	[tilespmem:$0x19400] =	vst v63  }
0xa7: {  	_ = 	snop  }
0xa8: {  	[spmem:s1] =	stream.indirect.scatter.add.f32 [tilespmem:s30], [sflag:$0x1], $0x80, s15, s2, $0xb8;
	[tilespmem:$0x19400] =	vst v63  }
0xa9: {  	_ = 	snop  }
0xaa: {  	[spmem:s1] =	stream.indirect.scatter.add.f32 [tilespmem:s30], [sflag:$0x1], $0x80, s16, s2, $0xb8;
	[tilespmem:$0x19400] =	vst v63  }
0xab: {  	_ = 	snop  }
0xac: {  	[spmem:s1] =	stream.indirect.scatter.add.f32 [tilespmem:s30], [sflag:$0x1], $0x80, s17, s2, $0xb8;
	[tilespmem:$0x19400] =	vst v63  }
0xad: {  	_ = 	snop  }
0xae: {  	[spmem:s1] =	stream.indirect.scatter.add.f32 [tilespmem:s30], [sflag:$0x1], $0x80, s18, s2, $0xb8;
	[tilespmem:$0x19400] =	vst v63  }
0xaf: {  	_ = 	snop  }
0xb0: {  	[spmem:s1] =	stream.indirect.scatter.add.f32 [tilespmem:s30], [sflag:$0x1], $0x80, s19, s2, $0xb8;
	[tilespmem:$0x19400] =	vst v63  }
0xb1: {  	_ = 	snop  }
0xb2: {  	[spmem:s1] =	stream.indirect.scatter.add.f32 [tilespmem:s30], [sflag:$0x1], $0x80, s20, s2, $0xb8;
	[tilespmem:$0x19400] =	vst v63  }
0xb3: {  	_ = 	snop  }
0xb4: {  	[spmem:s1] =	stream.indirect.scatter.add.f32 [tilespmem:s30], [sflag:$0x1], $0x80, s21, s2, $0xb8;
	[tilespmem:$0x19400] =	vst v63  }
0xb5: {  	_ = 	snop  }
0xb6: {  	[spmem:s1] =	stream.indirect.scatter.add.f32 [tilespmem:s30], [sflag:$0x1], $0x80, s22, s2, $0xb8;
	[tilespmem:$0x19400] =	vst v63  }
0xb7: {  	_ = 	snop  }
0xb8: {  	[spmem:s1] =	stream.indirect.scatter.add.f32 [tilespmem:s30], [sflag:$0x1], $0x80, s23, s2, $0xb8;
	[tilespmem:$0x19400] =	vst v63  }
0xb9: {  	_ = 	snop  }
0xba: {  	[spmem:s1] =	stream.indirect.scatter.add.f32 [tilespmem:s30], [sflag:$0x1], $0x80, s24, s2, $0xb8;
	[tilespmem:$0x19400] =	vst v63  }
0xbb: {  	_ = 	snop  }
0xbc: {  	[spmem:s1] =	stream.indirect.scatter.add.f32 [tilespmem:s30], [sflag:$0x1], $0x80, s25, s2, $0xb8;
	[tilespmem:$0x19400] =	vst v63  }
0xbd: {  	_ = 	snop  }
0xbe: {  	[spmem:s1] =	stream.indirect.scatter.add.f32 [tilespmem:s30], [sflag:$0x1], $0x80, s26, s2, $0xb8;
	[tilespmem:$0x19400] =	vst v63  }
0xbf: {  	_ = 	snop  }
0xc0: {  	[spmem:s1] =	stream.indirect.scatter.add.f32 [tilespmem:s30], [sflag:$0x1], $0x80, s28, s2, $0xb8;
	[tilespmem:$0x19400] =	vst v63  }
0xc1: {  	s8 =	rddreg [dreg:$0xa]  }
0xc2: {  	[tilespmem:s29], [sflag:$0x2] =	stream.linear.gather [hbm4b:s8+s6], $0xC80, $0x38;
	[tilespmem:$0x19400] =	vst v63  }
0xc3: {  	_ =	swait.ge [sflag:s31], $0xC80  }
0xc4: {  	[sflag:s31] =	ssyncset.done $0x0  }
0xc5: {  	s8 =	rddreg [dreg:$0xb];
	[sflag:s31] =	ssyncadd.s32 $0xFFFFF380  }
0xc6: {  	[tilespmem:s0], [sflag:$0x2] =	stream.linear.gather [hbm4b:s8+s6], $0xC80, $0x38;
	[tilespmem:$0x19400] =	vst v63  }
0xc7: {  	_ =	swait.ge [sflag:s31], $0xC80  }
0xc8: {  	[sflag:s31] =	ssyncset.done $0x0  }
0xc9: {  	s6 =	simm.s32 $0x0;
	[sflag:s31] =	ssyncadd.s32 $0xFFFFF380  }
0xca: {  	v6 =	vld [tilespmem:s6+$0x2000]  }
0xcb: {  	v5 =	vld [tilespmem:s6+$0x2010]  }
0xcc: {  	v4 =	vld [tilespmem:s6+$0x2020]  }
0xcd: {  	v3 =	vld [tilespmem:s6+$0x2030]  }
0xce: {  	v2 =	vld [tilespmem:s6+$0x2040]  }
0xcf: {  	v10 =	vld [tilespmem:s6+$0x1000]  }
0xd0: {  	v9 =	vld [tilespmem:s6+$0x1010]  }
0xd1: {  	v8 =	vld [tilespmem:s6+$0x1020]  }
0xd2: {  	s7 =	simm.s32 $0x200;
	v7 =	vld [tilespmem:s6+$0x1030]  }
.LBB2_8:
0xd3: {  	s8 =	sshra.s32 s7, $0x2;
	p0 =	sne.s32 s7, $0x3000;
	v11 =	vld [tilespmem:s6+$0x1040]  }
0xd4: {  	vm0 =	veq.s32 v10, v6;
	v6 =	vld [tilespmem:s8+$0x2000]  }
0xd5: {  	v10 =	vsel vm0, $0x2710, v10;
	vm0 =	veq.s32 v9, v5;
	v5 =	vld [tilespmem:s8+$0x2010]  }
0xd6: {  	[tilespmem:s6+$0x1000] =	vst v10;
	v9 =	vsel vm0, $0x2710, v9;
	vm0 =	veq.s32 v8, v4;
	v4 =	vld [tilespmem:s8+$0x2020]  }
0xd7: {  	[tilespmem:s6+$0x1010] =	vst v9;
	v8 =	vsel vm0, $0x2710, v8;
	vm0 =	veq.s32 v7, v3;
	v3 =	vld [tilespmem:s8+$0x2030]  }
.Ltmp3:
0xd8: {  	[tilespmem:s6+$0x1020] =	vst v8;
	v7 =	vsel vm0, $0x2710, v7;
	vm0 =	veq.s32 v11, v2;
	v2 =	vld [tilespmem:s8+$0x2040];
	(pc) =	sbr.rel @p0 .LBB2_8-.Ltmp3, $4  }
0xd9: {  	v10 =	vld [tilespmem:s8+$0x1000];
	[tilespmem:s6+$0x1030] =	vst v7;
	v7 =	vsel vm0, $0x2710, v11  }
0xda: {  	v9 =	vld [tilespmem:s8+$0x1010];
	[tilespmem:s6+$0x1040] =	vst v7;
	s6 =	smov.u32 s8  }
0xdb: {  	v8 =	vld [tilespmem:s6+$0x1020]  }
0xdc: {  	s7 =	sadd.s32 $0x200, s7;
	v7 =	vld [tilespmem:s6+$0x1030]  }
0xdd: {  	v11 =	vld [tilespmem:s6+$0x1040]  }
0xde: {  	vm0 =	veq.s32 v10, v6  }
0xdf: {  	v6 =	vsel vm0, $0x2710, v10;
	vm12 =	veq.s32 v9, v5  }
0xe0: {  	[tilespmem:s6+$0x1000] =	vst v6;
	v5 =	vsel vm12, $0x2710, v9;
	vm13 =	veq.s32 v8, v4  }
0xe1: {  	[tilespmem:s6+$0x1010] =	vst v5;
	v4 =	vsel vm13, $0x2710, v8;
	vm14 =	veq.s32 v7, v3  }
0xe2: {  	[tilespmem:s6+$0x1020] =	vst v4;
	v3 =	vsel vm14, $0x2710, v7;
	vm15 =	veq.s32 v11, v2  }
0xe3: {  	[tilespmem:s6+$0x1030] =	vst v3;
	v2 =	vsel vm15, $0x2710, v11  }
0xe4: {  	s7 =	rddreg [dreg:$0xc];
	[tilespmem:s6+$0x1040] =	vst v2;
	s6 =	simm.s32 $0x0  }
0xe5: {  	[hbm4b:s7+s6] =	stream.linear.scatter [tilespmem:s29], [sflag:$0x2], $0xC80, $0x38;
	[tilespmem:$0x19400] =	vst v63  }
0xe6: {  	_ =	swait.ge [sflag:s31], $0xC80  }
0xe7: {  	[sflag:s31] =	ssyncset.done $0x0  }
0xe8: {  	[sflag:s31] =	ssyncadd.s32 $0xFFFFF380  }
0xe9: {  	_ =	swait.ge [sflag:s3], $0x2800  }
0xea: {  	[sflag:s3] =	ssyncset.done $0x0  }
0xeb: {  	[sflag:s3] =	ssyncadd.s32 $0xFFFFD800  }
0xec: {  	_ =	swait.ge [sflag:s3], $0x2800  }
0xed: {  	[sflag:s3] =	ssyncset.done $0x0  }
0xee: {  	[sflag:s3] =	ssyncadd.s32 $0xFFFFD800  }
0xef: {  	_ =	swait.ge [sflag:s3], $0x2800  }
0xf0: {  	[sflag:s3] =	ssyncset.done $0x0  }
0xf1: {  	[sflag:s3] =	ssyncadd.s32 $0xFFFFD800  }
0xf2: {  	_ =	swait.ge [sflag:s3], $0x2800  }
0xf3: {  	[sflag:s3] =	ssyncset.done $0x0  }
0xf4: {  	[sflag:s3] =	ssyncadd.s32 $0xFFFFD800  }
0xf5: {  	_ =	swait.ge [sflag:s3], $0x2800  }
0xf6: {  	[sflag:s3] =	ssyncset.done $0x0  }
0xf7: {  	[sflag:s3] =	ssyncadd.s32 $0xFFFFD800  }
0xf8: {  	_ =	swait.ge [sflag:s3], $0x2800  }
0xf9: {  	[sflag:s3] =	ssyncset.done $0x0  }
0xfa: {  	[sflag:s3] =	ssyncadd.s32 $0xFFFFD800  }
0xfb: {  	_ =	swait.ge [sflag:s3], $0x2800  }
0xfc: {  	[sflag:s3] =	ssyncset.done $0x0  }
0xfd: {  	[sflag:s3] =	ssyncadd.s32 $0xFFFFD800  }
0xfe: {  	_ =	swait.ge [sflag:s3], $0x2800  }
0xff: {  	[sflag:s3] =	ssyncset.done $0x0  }
0x100: {  	[sflag:s3] =	ssyncadd.s32 $0xFFFFD800  }
0x101: {  	_ =	swait.ge [sflag:s3], $0x2800  }
0x102: {  	[sflag:s3] =	ssyncset.done $0x0  }
0x103: {  	[sflag:s3] =	ssyncadd.s32 $0xFFFFD800  }
0x104: {  	_ =	swait.ge [sflag:s3], $0x2800  }
0x105: {  	[sflag:s3] =	ssyncset.done $0x0  }
0x106: {  	[sflag:s3] =	ssyncadd.s32 $0xFFFFD800  }
0x107: {  	_ =	swait.ge [sflag:s3], $0x2800  }
0x108: {  	[sflag:s3] =	ssyncset.done $0x0  }
0x109: {  	[sflag:s3] =	ssyncadd.s32 $0xFFFFD800  }
0x10a: {  	_ =	swait.ge [sflag:s3], $0x2800  }
0x10b: {  	[sflag:s3] =	ssyncset.done $0x0  }
0x10c: {  	[sflag:s3] =	ssyncadd.s32 $0xFFFFD800  }
0x10d: {  	_ =	swait.ge [sflag:s3], $0x2800  }
0x10e: {  	[sflag:s3] =	ssyncset.done $0x0  }
0x10f: {  	[sflag:s3] =	ssyncadd.s32 $0xFFFFD800  }
0x110: {  	_ =	swait.ge [sflag:s3], $0x2800  }
0x111: {  	[sflag:s3] =	ssyncset.done $0x0  }
0x112: {  	[sflag:s3] =	ssyncadd.s32 $0xFFFFD800  }
0x113: {  	_ =	swait.ge [sflag:s3], $0x2800  }
0x114: {  	[sflag:s3] =	ssyncset.done $0x0  }
0x115: {  	[sflag:s3] =	ssyncadd.s32 $0xFFFFD800  }
0x116: {  	_ =	swait.ge [sflag:s3], $0x2800  }
0x117: {  	[sflag:s3] =	ssyncset.done $0x0  }
0x118: {  	[sflag:s3] =	ssyncadd.s32 $0xFFFFD800  }
0x119: {  	_ =	swait.ge [sflag:s3], $0x2800  }
0x11a: {  	[sflag:s3] =	ssyncset.done $0x0  }
0x11b: {  	[sflag:s3] =	ssyncadd.s32 $0xFFFFD800  }
0x11c: {  	_ =	swait.ge [sflag:s3], $0x2800  }
0x11d: {  	[sflag:s3] =	ssyncset.done $0x0  }
0x11e: {  	[sflag:s3] =	ssyncadd.s32 $0xFFFFD800  }
0x11f: {  	_ =	swait.ge [sflag:s3], $0x2800  }
0x120: {  	[sflag:s3] =	ssyncset.done $0x0  }
0x121: {  	[sflag:s3] =	ssyncadd.s32 $0xFFFFD800  }
0x122: {  	_ =	swait.ge [sflag:s3], $0x2800  }
0x123: {  	[sflag:s3] =	ssyncset.done $0x0  }
0x124: {  	[sflag:s3] =	ssyncadd.s32 $0xFFFFD800  }
0x125: {  	_ =	swait.ge [sflag:s3], $0x2800  }
0x126: {  	[sflag:s3] =	ssyncset.done $0x0  }
0x127: {  	[sflag:s3] =	ssyncadd.s32 $0xFFFFD800  }
0x128: {  	_ =	swait.ge [sflag:s3], $0x2800  }
0x129: {  	[sflag:s3] =	ssyncset.done $0x0  }
0x12a: {  	[sflag:s3] =	ssyncadd.s32 $0xFFFFD800  }
0x12b: {  	_ =	swait.ge [sflag:s3], $0x2800  }
0x12c: {  	[sflag:s3] =	ssyncset.done $0x0  }
0x12d: {  	[sflag:s3] =	ssyncadd.s32 $0xFFFFD800  }
0x12e: {  	_ =	swait.ge [sflag:s3], $0x2800  }
0x12f: {  	[sflag:s3] =	ssyncset.done $0x0  }
0x130: {  	[sflag:s3] =	ssyncadd.s32 $0xFFFFD800  }
0x131: {  	_ =	swait.ge [sflag:s3], $0x2800  }
0x132: {  	[sflag:s3] =	ssyncset.done $0x0  }
0x133: {  	[sflag:s3] =	ssyncadd.s32 $0xFFFFD800  }
0x134: {  	[spmem:s1] =	stream.indirect.scatter.add.f32 [tilespmem:s30], [sflag:$0x1], $0x80, s29, s2, $0xb8;
	[tilespmem:$0x19400] =	vst v63  }
0x135: {  	s8 =	simm.s32 $0x1080  }
0x136: {  	[spmem:s1] =	stream.indirect.scatter.add.f32 [tilespmem:s30], [sflag:$0x1], $0x80, s8, s2, $0xb8;
	[tilespmem:$0x19400] =	vst v63  }
0x137: {  	s8 =	simm.s32 $0x1100  }
0x138: {  	[spmem:s1] =	stream.indirect.scatter.add.f32 [tilespmem:s30], [sflag:$0x1], $0x80, s8, s2, $0xb8;
	[tilespmem:$0x19400] =	vst v63  }
0x139: {  	s8 =	simm.s32 $0x1180  }
0x13a: {  	[spmem:s1] =	stream.indirect.scatter.add.f32 [tilespmem:s30], [sflag:$0x1], $0x80, s8, s2, $0xb8;
	[tilespmem:$0x19400] =	vst v63  }
0x13b: {  	s8 =	simm.s32 $0x1200  }
0x13c: {  	[spmem:s1] =	stream.indirect.scatter.add.f32 [tilespmem:s30], [sflag:$0x1], $0x80, s8, s2, $0xb8;
	[tilespmem:$0x19400] =	vst v63  }
0x13d: {  	s8 =	simm.s32 $0x1280  }
0x13e: {  	[spmem:s1] =	stream.indirect.scatter.add.f32 [tilespmem:s30], [sflag:$0x1], $0x80, s8, s2, $0xb8;
	[tilespmem:$0x19400] =	vst v63  }
0x13f: {  	s8 =	simm.s32 $0x1300  }
0x140: {  	[spmem:s1] =	stream.indirect.scatter.add.f32 [tilespmem:s30], [sflag:$0x1], $0x80, s8, s2, $0xb8;
	[tilespmem:$0x19400] =	vst v63  }
0x141: {  	s8 =	simm.s32 $0x1380  }
0x142: {  	[spmem:s1] =	stream.indirect.scatter.add.f32 [tilespmem:s30], [sflag:$0x1], $0x80, s8, s2, $0xb8;
	[tilespmem:$0x19400] =	vst v63  }
0x143: {  	s8 =	simm.s32 $0x1400  }
0x144: {  	[spmem:s1] =	stream.indirect.scatter.add.f32 [tilespmem:s30], [sflag:$0x1], $0x80, s8, s2, $0xb8;
	[tilespmem:$0x19400] =	vst v63  }
0x145: {  	s8 =	simm.s32 $0x1480  }
0x146: {  	[spmem:s1] =	stream.indirect.scatter.add.f32 [tilespmem:s30], [sflag:$0x1], $0x80, s8, s2, $0xb8;
	[tilespmem:$0x19400] =	vst v63  }
0x147: {  	s8 =	simm.s32 $0x1500  }
0x148: {  	[spmem:s1] =	stream.indirect.scatter.add.f32 [tilespmem:s30], [sflag:$0x1], $0x80, s8, s2, $0xb8;
	[tilespmem:$0x19400] =	vst v63  }
0x149: {  	s8 =	simm.s32 $0x1580  }
0x14a: {  	[spmem:s1] =	stream.indirect.scatter.add.f32 [tilespmem:s30], [sflag:$0x1], $0x80, s8, s2, $0xb8;
	[tilespmem:$0x19400] =	vst v63  }
0x14b: {  	s8 =	simm.s32 $0x1600  }
0x14c: {  	[spmem:s1] =	stream.indirect.scatter.add.f32 [tilespmem:s30], [sflag:$0x1], $0x80, s8, s2, $0xb8;
	[tilespmem:$0x19400] =	vst v63  }
0x14d: {  	s8 =	simm.s32 $0x1680  }
0x14e: {  	[spmem:s1] =	stream.indirect.scatter.add.f32 [tilespmem:s30], [sflag:$0x1], $0x80, s8, s2, $0xb8;
	[tilespmem:$0x19400] =	vst v63  }
0x14f: {  	s8 =	simm.s32 $0x1700  }
0x150: {  	[spmem:s1] =	stream.indirect.scatter.add.f32 [tilespmem:s30], [sflag:$0x1], $0x80, s8, s2, $0xb8;
	[tilespmem:$0x19400] =	vst v63  }
0x151: {  	s8 =	simm.s32 $0x1780  }
0x152: {  	[spmem:s1] =	stream.indirect.scatter.add.f32 [tilespmem:s30], [sflag:$0x1], $0x80, s8, s2, $0xb8;
	[tilespmem:$0x19400] =	vst v63  }
0x153: {  	s8 =	simm.s32 $0x1800  }
0x154: {  	[spmem:s1] =	stream.indirect.scatter.add.f32 [tilespmem:s30], [sflag:$0x1], $0x80, s8, s2, $0xb8;
	[tilespmem:$0x19400] =	vst v63  }
0x155: {  	s8 =	simm.s32 $0x1880  }
0x156: {  	[spmem:s1] =	stream.indirect.scatter.add.f32 [tilespmem:s30], [sflag:$0x1], $0x80, s8, s2, $0xb8;
	[tilespmem:$0x19400] =	vst v63  }
0x157: {  	s8 =	simm.s32 $0x1900  }
0x158: {  	[spmem:s1] =	stream.indirect.scatter.add.f32 [tilespmem:s30], [sflag:$0x1], $0x80, s8, s2, $0xb8;
	[tilespmem:$0x19400] =	vst v63  }
0x159: {  	s8 =	simm.s32 $0x1980  }
0x15a: {  	[spmem:s1] =	stream.indirect.scatter.add.f32 [tilespmem:s30], [sflag:$0x1], $0x80, s8, s2, $0xb8;
	[tilespmem:$0x19400] =	vst v63  }
0x15b: {  	s8 =	simm.s32 $0x1A00  }
0x15c: {  	[spmem:s1] =	stream.indirect.scatter.add.f32 [tilespmem:s30], [sflag:$0x1], $0x80, s8, s2, $0xb8;
	[tilespmem:$0x19400] =	vst v63  }
0x15d: {  	s8 =	simm.s32 $0x1A80  }
0x15e: {  	[spmem:s1] =	stream.indirect.scatter.add.f32 [tilespmem:s30], [sflag:$0x1], $0x80, s8, s2, $0xb8;
	[tilespmem:$0x19400] =	vst v63  }
0x15f: {  	s8 =	simm.s32 $0x1B00  }
0x160: {  	[spmem:s1] =	stream.indirect.scatter.add.f32 [tilespmem:s30], [sflag:$0x1], $0x80, s8, s2, $0xb8;
	[tilespmem:$0x19400] =	vst v63  }
0x161: {  	s8 =	simm.s32 $0x1B80  }
0x162: {  	[spmem:s1] =	stream.indirect.scatter.add.f32 [tilespmem:s30], [sflag:$0x1], $0x80, s8, s2, $0xb8;
	[tilespmem:$0x19400] =	vst v63  }
0x163: {  	s8 =	simm.s32 $0x1C00  }
0x164: {  	[spmem:s1] =	stream.indirect.scatter.add.f32 [tilespmem:s30], [sflag:$0x1], $0x80, s8, s2, $0xb8;
	[tilespmem:$0x19400] =	vst v63  }
0x165: {  	s8 =	rddreg [dreg:$0xd]  }
0x166: {  	[tilespmem:s6], [sflag:$0x2] =	stream.linear.gather [hbm4b:s8+s6], $0xC80, $0x38;
	[tilespmem:$0x19400] =	vst v63  }
0x167: {  	_ =	swait.ge [sflag:s31], $0xC80  }
0x168: {  	[sflag:s31] =	ssyncset.done $0x0  }
0x169: {  	s8 =	rddreg [dreg:$0xe];
	[sflag:s31] =	ssyncadd.s32 $0xFFFFF380  }
0x16a: {  	[tilespmem:s0], [sflag:$0x2] =	stream.linear.gather [hbm4b:s8+s6], $0xC80, $0x38;
	[tilespmem:$0x19400] =	vst v63  }
0x16b: {  	_ =	swait.ge [sflag:s31], $0xC80  }
0x16c: {  	[sflag:s31] =	ssyncset.done $0x0  }
0x16d: {  	s6 =	simm.s32 $0x0;
	[sflag:s31] =	ssyncadd.s32 $0xFFFFF380  }
0x16e: {  	v6 =	vld [tilespmem:s6+$0x2000]  }
0x16f: {  	v5 =	vld [tilespmem:s6+$0x2010]  }
0x170: {  	v4 =	vld [tilespmem:s6+$0x2020]  }
0x171: {  	v3 =	vld [tilespmem:s6+$0x2030]  }
0x172: {  	v2 =	vld [tilespmem:s6+$0x2040]  }
0x173: {  	v10 =	vld [tilespmem:s6+$0x0]  }
0x174: {  	v9 =	vld [tilespmem:s6+$0x10]  }
0x175: {  	v8 =	vld [tilespmem:s6+$0x20]  }
0x176: {  	s7 =	simm.s32 $0x200;
	v7 =	vld [tilespmem:s6+$0x30]  }
.LBB2_10:
0x177: {  	s8 =	sshra.s32 s7, $0x2;
	p0 =	sne.s32 s7, $0x3000;
	v11 =	vld [tilespmem:s6+$0x40]  }
0x178: {  	vm0 =	veq.s32 v10, v6;
	v6 =	vld [tilespmem:s8+$0x2000]  }
0x179: {  	v10 =	vsel vm0, $0x2710, v10;
	vm0 =	veq.s32 v9, v5;
	v5 =	vld [tilespmem:s8+$0x2010]  }
0x17a: {  	[tilespmem:s6+$0x0] =	vst v10;
	v9 =	vsel vm0, $0x2710, v9;
	vm0 =	veq.s32 v8, v4;
	v4 =	vld [tilespmem:s8+$0x2020]  }
0x17b: {  	[tilespmem:s6+$0x10] =	vst v9;
	v8 =	vsel vm0, $0x2710, v8;
	vm0 =	veq.s32 v7, v3;
	v3 =	vld [tilespmem:s8+$0x2030]  }
.Ltmp4:
0x17c: {  	[tilespmem:s6+$0x20] =	vst v8;
	v7 =	vsel vm0, $0x2710, v7;
	vm0 =	veq.s32 v11, v2;
	v2 =	vld [tilespmem:s8+$0x2040];
	(pc) =	sbr.rel @p0 .LBB2_10-.Ltmp4, $4  }
0x17d: {  	v10 =	vld [tilespmem:s8+$0x0];
	[tilespmem:s6+$0x30] =	vst v7;
	v7 =	vsel vm0, $0x2710, v11  }
0x17e: {  	v9 =	vld [tilespmem:s8+$0x10];
	[tilespmem:s6+$0x40] =	vst v7;
	s6 =	smov.u32 s8  }
0x17f: {  	v8 =	vld [tilespmem:s6+$0x20]  }
0x180: {  	s7 =	sadd.s32 $0x200, s7;
	v7 =	vld [tilespmem:s6+$0x30]  }
0x181: {  	v11 =	vld [tilespmem:s6+$0x40]  }
0x182: {  	vm0 =	veq.s32 v10, v6  }
0x183: {  	v6 =	vsel vm0, $0x2710, v10;
	vm12 =	veq.s32 v9, v5  }
0x184: {  	[tilespmem:s6+$0x0] =	vst v6;
	v5 =	vsel vm12, $0x2710, v9;
	vm13 =	veq.s32 v8, v4  }
0x185: {  	[tilespmem:s6+$0x10] =	vst v5;
	v4 =	vsel vm13, $0x2710, v8;
	vm14 =	veq.s32 v7, v3  }
0x186: {  	[tilespmem:s6+$0x20] =	vst v4;
	v3 =	vsel vm14, $0x2710, v7;
	vm15 =	veq.s32 v11, v2  }
0x187: {  	[tilespmem:s6+$0x30] =	vst v3;
	v2 =	vsel vm15, $0x2710, v11  }
0x188: {  	s7 =	rddreg [dreg:$0xf];
	[tilespmem:s6+$0x40] =	vst v2;
	s6 =	simm.s32 $0x0  }
0x189: {  	[hbm4b:s7+s6] =	stream.linear.scatter [tilespmem:s6], [sflag:$0x2], $0xC80, $0x38;
	[tilespmem:$0x19400] =	vst v63  }
0x18a: {  	_ =	swait.ge [sflag:s31], $0xC80  }
0x18b: {  	[sflag:s31] =	ssyncset.done $0x0  }
0x18c: {  	[sflag:s31] =	ssyncadd.s32 $0xFFFFF380  }
0x18d: {  	_ =	swait.ge [sflag:s3], $0x2800  }
0x18e: {  	[sflag:s3] =	ssyncset.done $0x0  }
0x18f: {  	[sflag:s3] =	ssyncadd.s32 $0xFFFFD800  }
0x190: {  	_ =	swait.ge [sflag:s3], $0x2800  }
0x191: {  	[sflag:s3] =	ssyncset.done $0x0  }
0x192: {  	[sflag:s3] =	ssyncadd.s32 $0xFFFFD800  }
0x193: {  	_ =	swait.ge [sflag:s3], $0x2800  }
0x194: {  	[sflag:s3] =	ssyncset.done $0x0  }
0x195: {  	[sflag:s3] =	ssyncadd.s32 $0xFFFFD800  }
0x196: {  	_ =	swait.ge [sflag:s3], $0x2800  }
0x197: {  	[sflag:s3] =	ssyncset.done $0x0  }
0x198: {  	[sflag:s3] =	ssyncadd.s32 $0xFFFFD800  }
0x199: {  	_ =	swait.ge [sflag:s3], $0x2800  }
0x19a: {  	[sflag:s3] =	ssyncset.done $0x0  }
0x19b: {  	[sflag:s3] =	ssyncadd.s32 $0xFFFFD800  }
0x19c: {  	_ =	swait.ge [sflag:s3], $0x2800  }
0x19d: {  	[sflag:s3] =	ssyncset.done $0x0  }
0x19e: {  	[sflag:s3] =	ssyncadd.s32 $0xFFFFD800  }
0x19f: {  	_ =	swait.ge [sflag:s3], $0x2800  }
0x1a0: {  	[sflag:s3] =	ssyncset.done $0x0  }
0x1a1: {  	[sflag:s3] =	ssyncadd.s32 $0xFFFFD800  }
0x1a2: {  	_ =	swait.ge [sflag:s3], $0x2800  }
0x1a3: {  	[sflag:s3] =	ssyncset.done $0x0  }
0x1a4: {  	[sflag:s3] =	ssyncadd.s32 $0xFFFFD800  }
0x1a5: {  	_ =	swait.ge [sflag:s3], $0x2800  }
0x1a6: {  	[sflag:s3] =	ssyncset.done $0x0  }
0x1a7: {  	[sflag:s3] =	ssyncadd.s32 $0xFFFFD800  }
0x1a8: {  	_ =	swait.ge [sflag:s3], $0x2800  }
0x1a9: {  	[sflag:s3] =	ssyncset.done $0x0  }
0x1aa: {  	[sflag:s3] =	ssyncadd.s32 $0xFFFFD800  }
0x1ab: {  	_ =	swait.ge [sflag:s3], $0x2800  }
0x1ac: {  	[sflag:s3] =	ssyncset.done $0x0  }
0x1ad: {  	[sflag:s3] =	ssyncadd.s32 $0xFFFFD800  }
0x1ae: {  	_ =	swait.ge [sflag:s3], $0x2800  }
0x1af: {  	[sflag:s3] =	ssyncset.done $0x0  }
0x1b0: {  	[sflag:s3] =	ssyncadd.s32 $0xFFFFD800  }
0x1b1: {  	_ =	swait.ge [sflag:s3], $0x2800  }
0x1b2: {  	[sflag:s3] =	ssyncset.done $0x0  }
0x1b3: {  	[sflag:s3] =	ssyncadd.s32 $0xFFFFD800  }
0x1b4: {  	_ =	swait.ge [sflag:s3], $0x2800  }
0x1b5: {  	[sflag:s3] =	ssyncset.done $0x0  }
0x1b6: {  	[sflag:s3] =	ssyncadd.s32 $0xFFFFD800  }
0x1b7: {  	_ =	swait.ge [sflag:s3], $0x2800  }
0x1b8: {  	[sflag:s3] =	ssyncset.done $0x0  }
0x1b9: {  	[sflag:s3] =	ssyncadd.s32 $0xFFFFD800  }
0x1ba: {  	_ =	swait.ge [sflag:s3], $0x2800  }
0x1bb: {  	[sflag:s3] =	ssyncset.done $0x0  }
0x1bc: {  	[sflag:s3] =	ssyncadd.s32 $0xFFFFD800  }
0x1bd: {  	_ =	swait.ge [sflag:s3], $0x2800  }
0x1be: {  	[sflag:s3] =	ssyncset.done $0x0  }
0x1bf: {  	[sflag:s3] =	ssyncadd.s32 $0xFFFFD800  }
0x1c0: {  	_ =	swait.ge [sflag:s3], $0x2800  }
0x1c1: {  	[sflag:s3] =	ssyncset.done $0x0  }
0x1c2: {  	[sflag:s3] =	ssyncadd.s32 $0xFFFFD800  }
0x1c3: {  	_ =	swait.ge [sflag:s3], $0x2800  }
0x1c4: {  	[sflag:s3] =	ssyncset.done $0x0  }
0x1c5: {  	[sflag:s3] =	ssyncadd.s32 $0xFFFFD800  }
0x1c6: {  	_ =	swait.ge [sflag:s3], $0x2800  }
0x1c7: {  	[sflag:s3] =	ssyncset.done $0x0  }
0x1c8: {  	[sflag:s3] =	ssyncadd.s32 $0xFFFFD800  }
0x1c9: {  	_ =	swait.ge [sflag:s3], $0x2800  }
0x1ca: {  	[sflag:s3] =	ssyncset.done $0x0  }
0x1cb: {  	[sflag:s3] =	ssyncadd.s32 $0xFFFFD800  }
0x1cc: {  	_ =	swait.ge [sflag:s3], $0x2800  }
0x1cd: {  	[sflag:s3] =	ssyncset.done $0x0  }
0x1ce: {  	[sflag:s3] =	ssyncadd.s32 $0xFFFFD800  }
0x1cf: {  	_ =	swait.ge [sflag:s3], $0x2800  }
0x1d0: {  	[sflag:s3] =	ssyncset.done $0x0  }
0x1d1: {  	[sflag:s3] =	ssyncadd.s32 $0xFFFFD800  }
0x1d2: {  	_ =	swait.ge [sflag:s3], $0x2800  }
0x1d3: {  	[sflag:s3] =	ssyncset.done $0x0  }
0x1d4: {  	[sflag:s3] =	ssyncadd.s32 $0xFFFFD800  }
0x1d5: {  	_ =	swait.ge [sflag:s3], $0x2800  }
0x1d6: {  	[sflag:s3] =	ssyncset.done $0x0  }
0x1d7: {  	[sflag:s3] =	ssyncadd.s32 $0xFFFFD800  }
0x1d8: {  	[spmem:s1] =	stream.indirect.scatter.add.f32 [tilespmem:s30], [sflag:$0x1], $0x80, s6, s2, $0xb8;
	[tilespmem:$0x19400] =	vst v63  }
0x1d9: {  	s8 =	simm.s32 $0x80  }
0x1da: {  	[spmem:s1] =	stream.indirect.scatter.add.f32 [tilespmem:s30], [sflag:$0x1], $0x80, s8, s2, $0xb8;
	[tilespmem:$0x19400] =	vst v63  }
0x1db: {  	s8 =	simm.s32 $0x100  }
0x1dc: {  	[spmem:s1] =	stream.indirect.scatter.add.f32 [tilespmem:s30], [sflag:$0x1], $0x80, s8, s2, $0xb8;
	[tilespmem:$0x19400] =	vst v63  }
0x1dd: {  	s8 =	simm.s32 $0x180  }
0x1de: {  	[spmem:s1] =	stream.indirect.scatter.add.f32 [tilespmem:s30], [sflag:$0x1], $0x80, s8, s2, $0xb8;
	[tilespmem:$0x19400] =	vst v63  }
0x1df: {  	s8 =	simm.s32 $0x200  }
0x1e0: {  	[spmem:s1] =	stream.indirect.scatter.add.f32 [tilespmem:s30], [sflag:$0x1], $0x80, s8, s2, $0xb8;
	[tilespmem:$0x19400] =	vst v63  }
0x1e1: {  	s8 =	simm.s32 $0x280  }
0x1e2: {  	[spmem:s1] =	stream.indirect.scatter.add.f32 [tilespmem:s30], [sflag:$0x1], $0x80, s8, s2, $0xb8;
	[tilespmem:$0x19400] =	vst v63  }
0x1e3: {  	_ = 	snop  }
0x1e4: {  	[spmem:s1] =	stream.indirect.scatter.add.f32 [tilespmem:s30], [sflag:$0x1], $0x80, s9, s2, $0xb8;
	[tilespmem:$0x19400] =	vst v63  }
0x1e5: {  	_ = 	snop  }
0x1e6: {  	[spmem:s1] =	stream.indirect.scatter.add.f32 [tilespmem:s30], [sflag:$0x1], $0x80, s10, s2, $0xb8;
	[tilespmem:$0x19400] =	vst v63  }
0x1e7: {  	_ = 	snop  }
0x1e8: {  	[spmem:s1] =	stream.indirect.scatter.add.f32 [tilespmem:s30], [sflag:$0x1], $0x80, s11, s2, $0xb8;
	[tilespmem:$0x19400] =	vst v63  }
0x1e9: {  	_ = 	snop  }
0x1ea: {  	[spmem:s1] =	stream.indirect.scatter.add.f32 [tilespmem:s30], [sflag:$0x1], $0x80, s12, s2, $0xb8;
	[tilespmem:$0x19400] =	vst v63  }
0x1eb: {  	_ = 	snop  }
0x1ec: {  	[spmem:s1] =	stream.indirect.scatter.add.f32 [tilespmem:s30], [sflag:$0x1], $0x80, s13, s2, $0xb8;
	[tilespmem:$0x19400] =	vst v63  }
0x1ed: {  	_ = 	snop  }
0x1ee: {  	[spmem:s1] =	stream.indirect.scatter.add.f32 [tilespmem:s30], [sflag:$0x1], $0x80, s14, s2, $0xb8;
	[tilespmem:$0x19400] =	vst v63  }
0x1ef: {  	_ = 	snop  }
0x1f0: {  	[spmem:s1] =	stream.indirect.scatter.add.f32 [tilespmem:s30], [sflag:$0x1], $0x80, s15, s2, $0xb8;
	[tilespmem:$0x19400] =	vst v63  }
0x1f1: {  	_ = 	snop  }
0x1f2: {  	[spmem:s1] =	stream.indirect.scatter.add.f32 [tilespmem:s30], [sflag:$0x1], $0x80, s16, s2, $0xb8;
	[tilespmem:$0x19400] =	vst v63  }
0x1f3: {  	_ = 	snop  }
0x1f4: {  	[spmem:s1] =	stream.indirect.scatter.add.f32 [tilespmem:s30], [sflag:$0x1], $0x80, s17, s2, $0xb8;
	[tilespmem:$0x19400] =	vst v63  }
0x1f5: {  	_ = 	snop  }
0x1f6: {  	[spmem:s1] =	stream.indirect.scatter.add.f32 [tilespmem:s30], [sflag:$0x1], $0x80, s18, s2, $0xb8;
	[tilespmem:$0x19400] =	vst v63  }
0x1f7: {  	_ = 	snop  }
0x1f8: {  	[spmem:s1] =	stream.indirect.scatter.add.f32 [tilespmem:s30], [sflag:$0x1], $0x80, s19, s2, $0xb8;
	[tilespmem:$0x19400] =	vst v63  }
0x1f9: {  	_ = 	snop  }
0x1fa: {  	[spmem:s1] =	stream.indirect.scatter.add.f32 [tilespmem:s30], [sflag:$0x1], $0x80, s20, s2, $0xb8;
	[tilespmem:$0x19400] =	vst v63  }
0x1fb: {  	_ = 	snop  }
0x1fc: {  	[spmem:s1] =	stream.indirect.scatter.add.f32 [tilespmem:s30], [sflag:$0x1], $0x80, s21, s2, $0xb8;
	[tilespmem:$0x19400] =	vst v63  }
0x1fd: {  	_ = 	snop  }
0x1fe: {  	[spmem:s1] =	stream.indirect.scatter.add.f32 [tilespmem:s30], [sflag:$0x1], $0x80, s22, s2, $0xb8;
	[tilespmem:$0x19400] =	vst v63  }
0x1ff: {  	_ = 	snop  }
0x200: {  	[spmem:s1] =	stream.indirect.scatter.add.f32 [tilespmem:s30], [sflag:$0x1], $0x80, s23, s2, $0xb8;
	[tilespmem:$0x19400] =	vst v63  }
0x201: {  	_ = 	snop  }
0x202: {  	[spmem:s1] =	stream.indirect.scatter.add.f32 [tilespmem:s30], [sflag:$0x1], $0x80, s24, s2, $0xb8;
	[tilespmem:$0x19400] =	vst v63  }
0x203: {  	_ = 	snop  }
0x204: {  	[spmem:s1] =	stream.indirect.scatter.add.f32 [tilespmem:s30], [sflag:$0x1], $0x80, s25, s2, $0xb8;
	[tilespmem:$0x19400] =	vst v63  }
0x205: {  	_ = 	snop  }
0x206: {  	[spmem:s1] =	stream.indirect.scatter.add.f32 [tilespmem:s30], [sflag:$0x1], $0x80, s26, s2, $0xb8;
	[tilespmem:$0x19400] =	vst v63  }
0x207: {  	_ = 	snop  }
0x208: {  	[spmem:s1] =	stream.indirect.scatter.add.f32 [tilespmem:s30], [sflag:$0x1], $0x80, s28, s2, $0xb8;
	[tilespmem:$0x19400] =	vst v63  }
0x209: {  	s8 =	rddreg [dreg:$0x10]  }
0x20a: {  	[tilespmem:s29], [sflag:$0x2] =	stream.linear.gather [hbm4b:s8+s6], $0xC80, $0x38;
	[tilespmem:$0x19400] =	vst v63  }
0x20b: {  	_ =	swait.ge [sflag:s31], $0xC80  }
0x20c: {  	[sflag:s31] =	ssyncset.done $0x0  }
0x20d: {  	s8 =	rddreg [dreg:$0x11];
	[sflag:s31] =	ssyncadd.s32 $0xFFFFF380  }
0x20e: {  	[tilespmem:s0], [sflag:$0x2] =	stream.linear.gather [hbm4b:s8+s6], $0xC80, $0x38;
	[tilespmem:$0x19400] =	vst v63  }
0x20f: {  	_ =	swait.ge [sflag:s31], $0xC80  }
0x210: {  	[sflag:s31] =	ssyncset.done $0x0  }
0x211: {  	s6 =	simm.s32 $0x0;
	[sflag:s31] =	ssyncadd.s32 $0xFFFFF380  }
0x212: {  	v6 =	vld [tilespmem:s6+$0x2000]  }
0x213: {  	v5 =	vld [tilespmem:s6+$0x2010]  }
0x214: {  	v4 =	vld [tilespmem:s6+$0x2020]  }
0x215: {  	v3 =	vld [tilespmem:s6+$0x2030]  }
0x216: {  	v2 =	vld [tilespmem:s6+$0x2040]  }
0x217: {  	v10 =	vld [tilespmem:s6+$0x1000]  }
0x218: {  	v9 =	vld [tilespmem:s6+$0x1010]  }
0x219: {  	v8 =	vld [tilespmem:s6+$0x1020]  }
0x21a: {  	s7 =	simm.s32 $0x200;
	v7 =	vld [tilespmem:s6+$0x1030]  }
.LBB2_12:
0x21b: {  	s8 =	sshra.s32 s7, $0x2;
	p0 =	sne.s32 s7, $0x3000;
	v11 =	vld [tilespmem:s6+$0x1040]  }
0x21c: {  	vm0 =	veq.s32 v10, v6;
	v6 =	vld [tilespmem:s8+$0x2000]  }
0x21d: {  	v10 =	vsel vm0, $0x2710, v10;
	vm0 =	veq.s32 v9, v5;
	v5 =	vld [tilespmem:s8+$0x2010]  }
0x21e: {  	[tilespmem:s6+$0x1000] =	vst v10;
	v9 =	vsel vm0, $0x2710, v9;
	vm0 =	veq.s32 v8, v4;
	v4 =	vld [tilespmem:s8+$0x2020]  }
0x21f: {  	[tilespmem:s6+$0x1010] =	vst v9;
	v8 =	vsel vm0, $0x2710, v8;
	vm0 =	veq.s32 v7, v3;
	v3 =	vld [tilespmem:s8+$0x2030]  }
.Ltmp5:
0x220: {  	[tilespmem:s6+$0x1020] =	vst v8;
	v7 =	vsel vm0, $0x2710, v7;
	vm0 =	veq.s32 v11, v2;
	v2 =	vld [tilespmem:s8+$0x2040];
	(pc) =	sbr.rel @p0 .LBB2_12-.Ltmp5, $4  }
0x221: {  	v10 =	vld [tilespmem:s8+$0x1000];
	[tilespmem:s6+$0x1030] =	vst v7;
	v7 =	vsel vm0, $0x2710, v11  }
0x222: {  	v9 =	vld [tilespmem:s8+$0x1010];
	[tilespmem:s6+$0x1040] =	vst v7;
	s6 =	smov.u32 s8  }
0x223: {  	v8 =	vld [tilespmem:s6+$0x1020]  }
0x224: {  	s7 =	sadd.s32 $0x200, s7;
	v7 =	vld [tilespmem:s6+$0x1030]  }
0x225: {  	v11 =	vld [tilespmem:s6+$0x1040]  }
0x226: {  	vm0 =	veq.s32 v10, v6  }
0x227: {  	v6 =	vsel vm0, $0x2710, v10;
	vm12 =	veq.s32 v9, v5  }
0x228: {  	[tilespmem:s6+$0x1000] =	vst v6;
	v5 =	vsel vm12, $0x2710, v9;
	vm13 =	veq.s32 v8, v4  }
0x229: {  	[tilespmem:s6+$0x1010] =	vst v5;
	v4 =	vsel vm13, $0x2710, v8;
	vm14 =	veq.s32 v7, v3  }
0x22a: {  	[tilespmem:s6+$0x1020] =	vst v4;
	v3 =	vsel vm14, $0x2710, v7;
	vm15 =	veq.s32 v11, v2  }
0x22b: {  	[tilespmem:s6+$0x1030] =	vst v3;
	v2 =	vsel vm15, $0x2710, v11  }
0x22c: {  	s7 =	rddreg [dreg:$0x12];
	[tilespmem:s6+$0x1040] =	vst v2;
	s6 =	simm.s32 $0x0  }
0x22d: {  	[hbm4b:s7+s6] =	stream.linear.scatter [tilespmem:s29], [sflag:$0x2], $0xC80, $0x38;
	[tilespmem:$0x19400] =	vst v63  }
0x22e: {  	_ =	swait.ge [sflag:s31], $0xC80  }
0x22f: {  	[sflag:s31] =	ssyncset.done $0x0  }
0x230: {  	[sflag:s31] =	ssyncadd.s32 $0xFFFFF380  }
0x231: {  	_ =	swait.ge [sflag:s3], $0x2800  }
0x232: {  	[sflag:s3] =	ssyncset.done $0x0  }
0x233: {  	[sflag:s3] =	ssyncadd.s32 $0xFFFFD800  }
0x234: {  	_ =	swait.ge [sflag:s3], $0x2800  }
0x235: {  	[sflag:s3] =	ssyncset.done $0x0  }
0x236: {  	[sflag:s3] =	ssyncadd.s32 $0xFFFFD800  }
0x237: {  	_ =	swait.ge [sflag:s3], $0x2800  }
0x238: {  	[sflag:s3] =	ssyncset.done $0x0  }
0x239: {  	[sflag:s3] =	ssyncadd.s32 $0xFFFFD800  }
0x23a: {  	_ =	swait.ge [sflag:s3], $0x2800  }
0x23b: {  	[sflag:s3] =	ssyncset.done $0x0  }
0x23c: {  	[sflag:s3] =	ssyncadd.s32 $0xFFFFD800  }
0x23d: {  	_ =	swait.ge [sflag:s3], $0x2800  }
0x23e: {  	[sflag:s3] =	ssyncset.done $0x0  }
0x23f: {  	[sflag:s3] =	ssyncadd.s32 $0xFFFFD800  }
0x240: {  	_ =	swait.ge [sflag:s3], $0x2800  }
0x241: {  	[sflag:s3] =	ssyncset.done $0x0  }
0x242: {  	[sflag:s3] =	ssyncadd.s32 $0xFFFFD800  }
0x243: {  	_ =	swait.ge [sflag:s3], $0x2800  }
0x244: {  	[sflag:s3] =	ssyncset.done $0x0  }
0x245: {  	[sflag:s3] =	ssyncadd.s32 $0xFFFFD800  }
0x246: {  	_ =	swait.ge [sflag:s3], $0x2800  }
0x247: {  	[sflag:s3] =	ssyncset.done $0x0  }
0x248: {  	[sflag:s3] =	ssyncadd.s32 $0xFFFFD800  }
0x249: {  	_ =	swait.ge [sflag:s3], $0x2800  }
0x24a: {  	[sflag:s3] =	ssyncset.done $0x0  }
0x24b: {  	[sflag:s3] =	ssyncadd.s32 $0xFFFFD800  }
0x24c: {  	_ =	swait.ge [sflag:s3], $0x2800  }
0x24d: {  	[sflag:s3] =	ssyncset.done $0x0  }
0x24e: {  	[sflag:s3] =	ssyncadd.s32 $0xFFFFD800  }
0x24f: {  	_ =	swait.ge [sflag:s3], $0x2800  }
0x250: {  	[sflag:s3] =	ssyncset.done $0x0  }
0x251: {  	[sflag:s3] =	ssyncadd.s32 $0xFFFFD800  }
0x252: {  	_ =	swait.ge [sflag:s3], $0x2800  }
0x253: {  	[sflag:s3] =	ssyncset.done $0x0  }
0x254: {  	[sflag:s3] =	ssyncadd.s32 $0xFFFFD800  }
0x255: {  	_ =	swait.ge [sflag:s3], $0x2800  }
0x256: {  	[sflag:s3] =	ssyncset.done $0x0  }
0x257: {  	[sflag:s3] =	ssyncadd.s32 $0xFFFFD800  }
0x258: {  	_ =	swait.ge [sflag:s3], $0x2800  }
0x259: {  	[sflag:s3] =	ssyncset.done $0x0  }
0x25a: {  	[sflag:s3] =	ssyncadd.s32 $0xFFFFD800  }
0x25b: {  	_ =	swait.ge [sflag:s3], $0x2800  }
0x25c: {  	[sflag:s3] =	ssyncset.done $0x0  }
0x25d: {  	[sflag:s3] =	ssyncadd.s32 $0xFFFFD800  }
0x25e: {  	_ =	swait.ge [sflag:s3], $0x2800  }
0x25f: {  	[sflag:s3] =	ssyncset.done $0x0  }
0x260: {  	[sflag:s3] =	ssyncadd.s32 $0xFFFFD800  }
0x261: {  	_ =	swait.ge [sflag:s3], $0x2800  }
0x262: {  	[sflag:s3] =	ssyncset.done $0x0  }
0x263: {  	[sflag:s3] =	ssyncadd.s32 $0xFFFFD800  }
0x264: {  	_ =	swait.ge [sflag:s3], $0x2800  }
0x265: {  	[sflag:s3] =	ssyncset.done $0x0  }
0x266: {  	[sflag:s3] =	ssyncadd.s32 $0xFFFFD800  }
0x267: {  	_ =	swait.ge [sflag:s3], $0x2800  }
0x268: {  	[sflag:s3] =	ssyncset.done $0x0  }
0x269: {  	[sflag:s3] =	ssyncadd.s32 $0xFFFFD800  }
0x26a: {  	_ =	swait.ge [sflag:s3], $0x2800  }
0x26b: {  	[sflag:s3] =	ssyncset.done $0x0  }
0x26c: {  	[sflag:s3] =	ssyncadd.s32 $0xFFFFD800  }
0x26d: {  	_ =	swait.ge [sflag:s3], $0x2800  }
0x26e: {  	[sflag:s3] =	ssyncset.done $0x0  }
0x26f: {  	[sflag:s3] =	ssyncadd.s32 $0xFFFFD800  }
0x270: {  	_ =	swait.ge [sflag:s3], $0x2800  }
0x271: {  	[sflag:s3] =	ssyncset.done $0x0  }
0x272: {  	[sflag:s3] =	ssyncadd.s32 $0xFFFFD800  }
0x273: {  	_ =	swait.ge [sflag:s3], $0x2800  }
0x274: {  	[sflag:s3] =	ssyncset.done $0x0  }
0x275: {  	[sflag:s3] =	ssyncadd.s32 $0xFFFFD800  }
0x276: {  	_ =	swait.ge [sflag:s3], $0x2800  }
0x277: {  	[sflag:s3] =	ssyncset.done $0x0  }
0x278: {  	[sflag:s3] =	ssyncadd.s32 $0xFFFFD800  }
0x279: {  	_ =	swait.ge [sflag:s3], $0x2800  }
0x27a: {  	[sflag:s3] =	ssyncset.done $0x0  }
0x27b: {  	[sflag:s3] =	ssyncadd.s32 $0xFFFFD800  }
0x27c: {  	[spmem:s1] =	stream.indirect.scatter.add.f32 [tilespmem:s30], [sflag:$0x1], $0x80, s29, s2, $0xb8;
	[tilespmem:$0x19400] =	vst v63  }
0x27d: {  	s8 =	simm.s32 $0x1080  }
0x27e: {  	[spmem:s1] =	stream.indirect.scatter.add.f32 [tilespmem:s30], [sflag:$0x1], $0x80, s8, s2, $0xb8;
	[tilespmem:$0x19400] =	vst v63  }
0x27f: {  	s8 =	simm.s32 $0x1100  }
0x280: {  	[spmem:s1] =	stream.indirect.scatter.add.f32 [tilespmem:s30], [sflag:$0x1], $0x80, s8, s2, $0xb8;
	[tilespmem:$0x19400] =	vst v63  }
0x281: {  	s8 =	simm.s32 $0x1180  }
0x282: {  	[spmem:s1] =	stream.indirect.scatter.add.f32 [tilespmem:s30], [sflag:$0x1], $0x80, s8, s2, $0xb8;
	[tilespmem:$0x19400] =	vst v63  }
0x283: {  	s8 =	simm.s32 $0x1200  }
0x284: {  	[spmem:s1] =	stream.indirect.scatter.add.f32 [tilespmem:s30], [sflag:$0x1], $0x80, s8, s2, $0xb8;
	[tilespmem:$0x19400] =	vst v63  }
0x285: {  	s8 =	simm.s32 $0x1280  }
0x286: {  	[spmem:s1] =	stream.indirect.scatter.add.f32 [tilespmem:s30], [sflag:$0x1], $0x80, s8, s2, $0xb8;
	[tilespmem:$0x19400] =	vst v63  }
0x287: {  	s8 =	simm.s32 $0x1300  }
0x288: {  	[spmem:s1] =	stream.indirect.scatter.add.f32 [tilespmem:s30], [sflag:$0x1], $0x80, s8, s2, $0xb8;
	[tilespmem:$0x19400] =	vst v63  }
0x289: {  	s8 =	simm.s32 $0x1380  }
0x28a: {  	[spmem:s1] =	stream.indirect.scatter.add.f32 [tilespmem:s30], [sflag:$0x1], $0x80, s8, s2, $0xb8;
	[tilespmem:$0x19400] =	vst v63  }
0x28b: {  	s8 =	simm.s32 $0x1400  }
0x28c: {  	[spmem:s1] =	stream.indirect.scatter.add.f32 [tilespmem:s30], [sflag:$0x1], $0x80, s8, s2, $0xb8;
	[tilespmem:$0x19400] =	vst v63  }
0x28d: {  	s8 =	simm.s32 $0x1480  }
0x28e: {  	[spmem:s1] =	stream.indirect.scatter.add.f32 [tilespmem:s30], [sflag:$0x1], $0x80, s8, s2, $0xb8;
	[tilespmem:$0x19400] =	vst v63  }
0x28f: {  	s8 =	simm.s32 $0x1500  }
0x290: {  	[spmem:s1] =	stream.indirect.scatter.add.f32 [tilespmem:s30], [sflag:$0x1], $0x80, s8, s2, $0xb8;
	[tilespmem:$0x19400] =	vst v63  }
0x291: {  	s8 =	simm.s32 $0x1580  }
0x292: {  	[spmem:s1] =	stream.indirect.scatter.add.f32 [tilespmem:s30], [sflag:$0x1], $0x80, s8, s2, $0xb8;
	[tilespmem:$0x19400] =	vst v63  }
0x293: {  	s8 =	simm.s32 $0x1600  }
0x294: {  	[spmem:s1] =	stream.indirect.scatter.add.f32 [tilespmem:s30], [sflag:$0x1], $0x80, s8, s2, $0xb8;
	[tilespmem:$0x19400] =	vst v63  }
0x295: {  	s8 =	simm.s32 $0x1680  }
0x296: {  	[spmem:s1] =	stream.indirect.scatter.add.f32 [tilespmem:s30], [sflag:$0x1], $0x80, s8, s2, $0xb8;
	[tilespmem:$0x19400] =	vst v63  }
0x297: {  	s8 =	simm.s32 $0x1700  }
0x298: {  	[spmem:s1] =	stream.indirect.scatter.add.f32 [tilespmem:s30], [sflag:$0x1], $0x80, s8, s2, $0xb8;
	[tilespmem:$0x19400] =	vst v63  }
0x299: {  	s8 =	simm.s32 $0x1780  }
0x29a: {  	[spmem:s1] =	stream.indirect.scatter.add.f32 [tilespmem:s30], [sflag:$0x1], $0x80, s8, s2, $0xb8;
	[tilespmem:$0x19400] =	vst v63  }
0x29b: {  	s8 =	simm.s32 $0x1800  }
0x29c: {  	[spmem:s1] =	stream.indirect.scatter.add.f32 [tilespmem:s30], [sflag:$0x1], $0x80, s8, s2, $0xb8;
	[tilespmem:$0x19400] =	vst v63  }
0x29d: {  	s8 =	simm.s32 $0x1880  }
0x29e: {  	[spmem:s1] =	stream.indirect.scatter.add.f32 [tilespmem:s30], [sflag:$0x1], $0x80, s8, s2, $0xb8;
	[tilespmem:$0x19400] =	vst v63  }
0x29f: {  	s8 =	simm.s32 $0x1900  }
0x2a0: {  	[spmem:s1] =	stream.indirect.scatter.add.f32 [tilespmem:s30], [sflag:$0x1], $0x80, s8, s2, $0xb8;
	[tilespmem:$0x19400] =	vst v63  }
0x2a1: {  	s8 =	simm.s32 $0x1980  }
0x2a2: {  	[spmem:s1] =	stream.indirect.scatter.add.f32 [tilespmem:s30], [sflag:$0x1], $0x80, s8, s2, $0xb8;
	[tilespmem:$0x19400] =	vst v63  }
0x2a3: {  	s8 =	simm.s32 $0x1A00  }
0x2a4: {  	[spmem:s1] =	stream.indirect.scatter.add.f32 [tilespmem:s30], [sflag:$0x1], $0x80, s8, s2, $0xb8;
	[tilespmem:$0x19400] =	vst v63  }
0x2a5: {  	s8 =	simm.s32 $0x1A80  }
0x2a6: {  	[spmem:s1] =	stream.indirect.scatter.add.f32 [tilespmem:s30], [sflag:$0x1], $0x80, s8, s2, $0xb8;
	[tilespmem:$0x19400] =	vst v63  }
0x2a7: {  	s8 =	simm.s32 $0x1B00  }
0x2a8: {  	[spmem:s1] =	stream.indirect.scatter.add.f32 [tilespmem:s30], [sflag:$0x1], $0x80, s8, s2, $0xb8;
	[tilespmem:$0x19400] =	vst v63  }
0x2a9: {  	s8 =	simm.s32 $0x1B80  }
0x2aa: {  	[spmem:s1] =	stream.indirect.scatter.add.f32 [tilespmem:s30], [sflag:$0x1], $0x80, s8, s2, $0xb8;
	[tilespmem:$0x19400] =	vst v63  }
0x2ab: {  	s8 =	simm.s32 $0x1C00  }
0x2ac: {  	[spmem:s1] =	stream.indirect.scatter.add.f32 [tilespmem:s30], [sflag:$0x1], $0x80, s8, s2, $0xb8;
	[tilespmem:$0x19400] =	vst v63  }
0x2ad: {  	s8 =	rddreg [dreg:$0x13]  }
0x2ae: {  	[tilespmem:s6], [sflag:$0x2] =	stream.linear.gather [hbm4b:s8+s6], $0xC80, $0x38;
	[tilespmem:$0x19400] =	vst v63  }
0x2af: {  	_ =	swait.ge [sflag:s31], $0xC80  }
0x2b0: {  	[sflag:s31] =	ssyncset.done $0x0  }
0x2b1: {  	s8 =	rddreg [dreg:$0x14];
	[sflag:s31] =	ssyncadd.s32 $0xFFFFF380  }
0x2b2: {  	[tilespmem:s0], [sflag:$0x2] =	stream.linear.gather [hbm4b:s8+s6], $0xC80, $0x38;
	[tilespmem:$0x19400] =	vst v63  }
0x2b3: {  	_ =	swait.ge [sflag:s31], $0xC80  }
0x2b4: {  	[sflag:s31] =	ssyncset.done $0x0  }
0x2b5: {  	s6 =	simm.s32 $0x0;
	[sflag:s31] =	ssyncadd.s32 $0xFFFFF380  }
0x2b6: {  	v6 =	vld [tilespmem:s6+$0x2000]  }
0x2b7: {  	v5 =	vld [tilespmem:s6+$0x2010]  }
0x2b8: {  	v4 =	vld [tilespmem:s6+$0x2020]  }
0x2b9: {  	v3 =	vld [tilespmem:s6+$0x2030]  }
0x2ba: {  	v2 =	vld [tilespmem:s6+$0x2040]  }
0x2bb: {  	v10 =	vld [tilespmem:s6+$0x0]  }
0x2bc: {  	v9 =	vld [tilespmem:s6+$0x10]  }
0x2bd: {  	v8 =	vld [tilespmem:s6+$0x20]  }
0x2be: {  	s7 =	simm.s32 $0x200;
	v7 =	vld [tilespmem:s6+$0x30]  }
.LBB2_14:
0x2bf: {  	s8 =	sshra.s32 s7, $0x2;
	p0 =	sne.s32 s7, $0x3000;
	v11 =	vld [tilespmem:s6+$0x40]  }
0x2c0: {  	vm0 =	veq.s32 v10, v6;
	v6 =	vld [tilespmem:s8+$0x2000]  }
0x2c1: {  	v10 =	vsel vm0, $0x2710, v10;
	vm0 =	veq.s32 v9, v5;
	v5 =	vld [tilespmem:s8+$0x2010]  }
0x2c2: {  	[tilespmem:s6+$0x0] =	vst v10;
	v9 =	vsel vm0, $0x2710, v9;
	vm0 =	veq.s32 v8, v4;
	v4 =	vld [tilespmem:s8+$0x2020]  }
0x2c3: {  	[tilespmem:s6+$0x10] =	vst v9;
	v8 =	vsel vm0, $0x2710, v8;
	vm0 =	veq.s32 v7, v3;
	v3 =	vld [tilespmem:s8+$0x2030]  }
.Ltmp6:
0x2c4: {  	[tilespmem:s6+$0x20] =	vst v8;
	v7 =	vsel vm0, $0x2710, v7;
	vm0 =	veq.s32 v11, v2;
	v2 =	vld [tilespmem:s8+$0x2040];
	(pc) =	sbr.rel @p0 .LBB2_14-.Ltmp6, $4  }
0x2c5: {  	v10 =	vld [tilespmem:s8+$0x0];
	[tilespmem:s6+$0x30] =	vst v7;
	v7 =	vsel vm0, $0x2710, v11  }
0x2c6: {  	v9 =	vld [tilespmem:s8+$0x10];
	[tilespmem:s6+$0x40] =	vst v7;
	s6 =	smov.u32 s8  }
0x2c7: {  	v8 =	vld [tilespmem:s6+$0x20]  }
0x2c8: {  	s7 =	sadd.s32 $0x200, s7;
	v7 =	vld [tilespmem:s6+$0x30]  }
0x2c9: {  	v11 =	vld [tilespmem:s6+$0x40]  }
0x2ca: {  	vm0 =	veq.s32 v10, v6  }
0x2cb: {  	v6 =	vsel vm0, $0x2710, v10;
	vm12 =	veq.s32 v9, v5  }
0x2cc: {  	[tilespmem:s6+$0x0] =	vst v6;
	v5 =	vsel vm12, $0x2710, v9;
	vm13 =	veq.s32 v8, v4  }
0x2cd: {  	[tilespmem:s6+$0x10] =	vst v5;
	v4 =	vsel vm13, $0x2710, v8;
	vm14 =	veq.s32 v7, v3  }
0x2ce: {  	[tilespmem:s6+$0x20] =	vst v4;
	v3 =	vsel vm14, $0x2710, v7;
	vm15 =	veq.s32 v11, v2  }
0x2cf: {  	[tilespmem:s6+$0x30] =	vst v3;
	v2 =	vsel vm15, $0x2710, v11  }
0x2d0: {  	s8 =	simm.s32 $0x0;
	s7 =	rddreg [dreg:$0x15];
	[tilespmem:s6+$0x40] =	vst v2  }
0x2d1: {  	[hbm4b:s7+s8] =	stream.linear.scatter [tilespmem:s8], [sflag:$0x2], $0xC80, $0x38;
	[tilespmem:$0x19400] =	vst v63  }
0x2d2: {  	_ =	swait.ge [sflag:s31], $0xC80  }
0x2d3: {  	[sflag:s31] =	ssyncset.done $0x0  }
0x2d4: {  	[sflag:s31] =	ssyncadd.s32 $0xFFFFF380  }
0x2d5: {  	_ =	swait.ge [sflag:s3], $0x2800  }
0x2d6: {  	[sflag:s3] =	ssyncset.done $0x0  }
0x2d7: {  	[sflag:s3] =	ssyncadd.s32 $0xFFFFD800  }
0x2d8: {  	_ =	swait.ge [sflag:s3], $0x2800  }
0x2d9: {  	[sflag:s3] =	ssyncset.done $0x0  }
0x2da: {  	[sflag:s3] =	ssyncadd.s32 $0xFFFFD800  }
0x2db: {  	_ =	swait.ge [sflag:s3], $0x2800  }
0x2dc: {  	[sflag:s3] =	ssyncset.done $0x0  }
0x2dd: {  	[sflag:s3] =	ssyncadd.s32 $0xFFFFD800  }
0x2de: {  	_ =	swait.ge [sflag:s3], $0x2800  }
0x2df: {  	[sflag:s3] =	ssyncset.done $0x0  }
0x2e0: {  	[sflag:s3] =	ssyncadd.s32 $0xFFFFD800  }
0x2e1: {  	_ =	swait.ge [sflag:s3], $0x2800  }
0x2e2: {  	[sflag:s3] =	ssyncset.done $0x0  }
0x2e3: {  	[sflag:s3] =	ssyncadd.s32 $0xFFFFD800  }
0x2e4: {  	_ =	swait.ge [sflag:s3], $0x2800  }
0x2e5: {  	[sflag:s3] =	ssyncset.done $0x0  }
0x2e6: {  	[sflag:s3] =	ssyncadd.s32 $0xFFFFD800  }
0x2e7: {  	_ =	swait.ge [sflag:s3], $0x2800  }
0x2e8: {  	[sflag:s3] =	ssyncset.done $0x0  }
0x2e9: {  	[sflag:s3] =	ssyncadd.s32 $0xFFFFD800  }
0x2ea: {  	_ =	swait.ge [sflag:s3], $0x2800  }
0x2eb: {  	[sflag:s3] =	ssyncset.done $0x0  }
0x2ec: {  	[sflag:s3] =	ssyncadd.s32 $0xFFFFD800  }
0x2ed: {  	_ =	swait.ge [sflag:s3], $0x2800  }
0x2ee: {  	[sflag:s3] =	ssyncset.done $0x0  }
0x2ef: {  	[sflag:s3] =	ssyncadd.s32 $0xFFFFD800  }
0x2f0: {  	_ =	swait.ge [sflag:s3], $0x2800  }
0x2f1: {  	[sflag:s3] =	ssyncset.done $0x0  }
0x2f2: {  	[sflag:s3] =	ssyncadd.s32 $0xFFFFD800  }
0x2f3: {  	_ =	swait.ge [sflag:s3], $0x2800  }
0x2f4: {  	[sflag:s3] =	ssyncset.done $0x0  }
0x2f5: {  	[sflag:s3] =	ssyncadd.s32 $0xFFFFD800  }
0x2f6: {  	_ =	swait.ge [sflag:s3], $0x2800  }
0x2f7: {  	[sflag:s3] =	ssyncset.done $0x0  }
0x2f8: {  	[sflag:s3] =	ssyncadd.s32 $0xFFFFD800  }
0x2f9: {  	_ =	swait.ge [sflag:s3], $0x2800  }
0x2fa: {  	[sflag:s3] =	ssyncset.done $0x0  }
0x2fb: {  	[sflag:s3] =	ssyncadd.s32 $0xFFFFD800  }
0x2fc: {  	_ =	swait.ge [sflag:s3], $0x2800  }
0x2fd: {  	[sflag:s3] =	ssyncset.done $0x0  }
0x2fe: {  	[sflag:s3] =	ssyncadd.s32 $0xFFFFD800  }
0x2ff: {  	_ =	swait.ge [sflag:s3], $0x2800  }
0x300: {  	[sflag:s3] =	ssyncset.done $0x0  }
0x301: {  	[sflag:s3] =	ssyncadd.s32 $0xFFFFD800  }
0x302: {  	_ =	swait.ge [sflag:s3], $0x2800  }
0x303: {  	[sflag:s3] =	ssyncset.done $0x0  }
0x304: {  	[sflag:s3] =	ssyncadd.s32 $0xFFFFD800  }
0x305: {  	_ =	swait.ge [sflag:s3], $0x2800  }
0x306: {  	[sflag:s3] =	ssyncset.done $0x0  }
0x307: {  	[sflag:s3] =	ssyncadd.s32 $0xFFFFD800  }
0x308: {  	_ =	swait.ge [sflag:s3], $0x2800  }
0x309: {  	[sflag:s3] =	ssyncset.done $0x0  }
0x30a: {  	[sflag:s3] =	ssyncadd.s32 $0xFFFFD800  }
0x30b: {  	_ =	swait.ge [sflag:s3], $0x2800  }
0x30c: {  	[sflag:s3] =	ssyncset.done $0x0  }
0x30d: {  	[sflag:s3] =	ssyncadd.s32 $0xFFFFD800  }
0x30e: {  	_ =	swait.ge [sflag:s3], $0x2800  }
0x30f: {  	[sflag:s3] =	ssyncset.done $0x0  }
0x310: {  	[sflag:s3] =	ssyncadd.s32 $0xFFFFD800  }
0x311: {  	_ =	swait.ge [sflag:s3], $0x2800  }
0x312: {  	[sflag:s3] =	ssyncset.done $0x0  }
0x313: {  	[sflag:s3] =	ssyncadd.s32 $0xFFFFD800  }
0x314: {  	_ =	swait.ge [sflag:s3], $0x2800  }
0x315: {  	[sflag:s3] =	ssyncset.done $0x0  }
0x316: {  	[sflag:s3] =	ssyncadd.s32 $0xFFFFD800  }
0x317: {  	_ =	swait.ge [sflag:s3], $0x2800  }
0x318: {  	[sflag:s3] =	ssyncset.done $0x0  }
0x319: {  	[sflag:s3] =	ssyncadd.s32 $0xFFFFD800  }
0x31a: {  	_ =	swait.ge [sflag:s3], $0x2800  }
0x31b: {  	[sflag:s3] =	ssyncset.done $0x0  }
0x31c: {  	[sflag:s3] =	ssyncadd.s32 $0xFFFFD800  }
0x31d: {  	_ =	swait.ge [sflag:s3], $0x2800  }
0x31e: {  	[sflag:s3] =	ssyncset.done $0x0  }
0x31f: {  	[sflag:s3] =	ssyncadd.s32 $0xFFFFD800  }
0x320: {  	[spmem:s1] =	stream.indirect.scatter.add.f32 [tilespmem:s30], [sflag:$0x1], $0x80, s8, s2, $0xb8;
	[tilespmem:$0x19400] =	vst v63  }
0x321: {  	s8 =	simm.s32 $0x80  }
0x322: {  	[spmem:s1] =	stream.indirect.scatter.add.f32 [tilespmem:s30], [sflag:$0x1], $0x80, s8, s2, $0xb8;
	[tilespmem:$0x19400] =	vst v63  }
0x323: {  	s7 =	simm.s32 $0x100  }
0x324: {  	[spmem:s1] =	stream.indirect.scatter.add.f32 [tilespmem:s30], [sflag:$0x1], $0x80, s7, s2, $0xb8;
	[tilespmem:$0x19400] =	vst v63  }
0x325: {  	s8 =	simm.s32 $0x180  }
0x326: {  	[spmem:s1] =	stream.indirect.scatter.add.f32 [tilespmem:s30], [sflag:$0x1], $0x80, s8, s2, $0xb8;
	[tilespmem:$0x19400] =	vst v63  }
0x327: {  	s7 =	simm.s32 $0x200  }
0x328: {  	[spmem:s1] =	stream.indirect.scatter.add.f32 [tilespmem:s30], [sflag:$0x1], $0x80, s7, s2, $0xb8;
	[tilespmem:$0x19400] =	vst v63  }
0x329: {  	s8 =	simm.s32 $0x280  }
0x32a: {  	[spmem:s1] =	stream.indirect.scatter.add.f32 [tilespmem:s30], [sflag:$0x1], $0x80, s8, s2, $0xb8;
	[tilespmem:$0x19400] =	vst v63  }
0x32b: {  	_ = 	snop  }
0x32c: {  	[spmem:s1] =	stream.indirect.scatter.add.f32 [tilespmem:s30], [sflag:$0x1], $0x80, s9, s2, $0xb8;
	[tilespmem:$0x19400] =	vst v63  }
0x32d: {  	_ = 	snop  }
0x32e: {  	[spmem:s1] =	stream.indirect.scatter.add.f32 [tilespmem:s30], [sflag:$0x1], $0x80, s10, s2, $0xb8;
	[tilespmem:$0x19400] =	vst v63  }
0x32f: {  	_ = 	snop  }
0x330: {  	[spmem:s1] =	stream.indirect.scatter.add.f32 [tilespmem:s30], [sflag:$0x1], $0x80, s11, s2, $0xb8;
	[tilespmem:$0x19400] =	vst v63  }
0x331: {  	_ = 	snop  }
0x332: {  	[spmem:s1] =	stream.indirect.scatter.add.f32 [tilespmem:s30], [sflag:$0x1], $0x80, s12, s2, $0xb8;
	[tilespmem:$0x19400] =	vst v63  }
0x333: {  	_ = 	snop  }
0x334: {  	[spmem:s1] =	stream.indirect.scatter.add.f32 [tilespmem:s30], [sflag:$0x1], $0x80, s13, s2, $0xb8;
	[tilespmem:$0x19400] =	vst v63  }
0x335: {  	_ = 	snop  }
0x336: {  	[spmem:s1] =	stream.indirect.scatter.add.f32 [tilespmem:s30], [sflag:$0x1], $0x80, s14, s2, $0xb8;
	[tilespmem:$0x19400] =	vst v63  }
0x337: {  	_ = 	snop  }
0x338: {  	[spmem:s1] =	stream.indirect.scatter.add.f32 [tilespmem:s30], [sflag:$0x1], $0x80, s15, s2, $0xb8;
	[tilespmem:$0x19400] =	vst v63  }
0x339: {  	_ = 	snop  }
0x33a: {  	[spmem:s1] =	stream.indirect.scatter.add.f32 [tilespmem:s30], [sflag:$0x1], $0x80, s16, s2, $0xb8;
	[tilespmem:$0x19400] =	vst v63  }
0x33b: {  	_ = 	snop  }
0x33c: {  	[spmem:s1] =	stream.indirect.scatter.add.f32 [tilespmem:s30], [sflag:$0x1], $0x80, s17, s2, $0xb8;
	[tilespmem:$0x19400] =	vst v63  }
0x33d: {  	_ = 	snop  }
0x33e: {  	[spmem:s1] =	stream.indirect.scatter.add.f32 [tilespmem:s30], [sflag:$0x1], $0x80, s18, s2, $0xb8;
	[tilespmem:$0x19400] =	vst v63  }
0x33f: {  	_ = 	snop  }
0x340: {  	[spmem:s1] =	stream.indirect.scatter.add.f32 [tilespmem:s30], [sflag:$0x1], $0x80, s19, s2, $0xb8;
	[tilespmem:$0x19400] =	vst v63  }
0x341: {  	_ = 	snop  }
0x342: {  	[spmem:s1] =	stream.indirect.scatter.add.f32 [tilespmem:s30], [sflag:$0x1], $0x80, s20, s2, $0xb8;
	[tilespmem:$0x19400] =	vst v63  }
0x343: {  	_ = 	snop  }
0x344: {  	[spmem:s1] =	stream.indirect.scatter.add.f32 [tilespmem:s30], [sflag:$0x1], $0x80, s21, s2, $0xb8;
	[tilespmem:$0x19400] =	vst v63  }
0x345: {  	_ = 	snop  }
0x346: {  	[spmem:s1] =	stream.indirect.scatter.add.f32 [tilespmem:s30], [sflag:$0x1], $0x80, s22, s2, $0xb8;
	[tilespmem:$0x19400] =	vst v63  }
0x347: {  	_ = 	snop  }
0x348: {  	[spmem:s1] =	stream.indirect.scatter.add.f32 [tilespmem:s30], [sflag:$0x1], $0x80, s23, s2, $0xb8;
	[tilespmem:$0x19400] =	vst v63  }
0x349: {  	_ = 	snop  }
0x34a: {  	[spmem:s1] =	stream.indirect.scatter.add.f32 [tilespmem:s30], [sflag:$0x1], $0x80, s24, s2, $0xb8;
	[tilespmem:$0x19400] =	vst v63  }
0x34b: {  	_ = 	snop  }
0x34c: {  	[spmem:s1] =	stream.indirect.scatter.add.f32 [tilespmem:s30], [sflag:$0x1], $0x80, s25, s2, $0xb8;
	[tilespmem:$0x19400] =	vst v63  }
0x34d: {  	_ = 	snop  }
0x34e: {  	[spmem:s1] =	stream.indirect.scatter.add.f32 [tilespmem:s30], [sflag:$0x1], $0x80, s26, s2, $0xb8;
	[tilespmem:$0x19400] =	vst v63  }
0x34f: {  	_ = 	snop  }
0x350: {  	[spmem:s1] =	stream.indirect.scatter.add.f32 [tilespmem:s30], [sflag:$0x1], $0x80, s28, s2, $0xb8;
	[tilespmem:$0x19400] =	vst v63  }
0x351: {  	_ =	swait.ge [sflag:s3], $0x2800  }
0x352: {  	[sflag:s3] =	ssyncset.done $0x0  }
0x353: {  	[sflag:s3] =	ssyncadd.s32 $0xFFFFD800  }
0x354: {  	_ =	swait.ge [sflag:s3], $0x2800  }
0x355: {  	[sflag:s3] =	ssyncset.done $0x0  }
0x356: {  	[sflag:s3] =	ssyncadd.s32 $0xFFFFD800  }
0x357: {  	_ =	swait.ge [sflag:s3], $0x2800  }
0x358: {  	[sflag:s3] =	ssyncset.done $0x0  }
0x359: {  	[sflag:s3] =	ssyncadd.s32 $0xFFFFD800  }
0x35a: {  	_ =	swait.ge [sflag:s3], $0x2800  }
0x35b: {  	[sflag:s3] =	ssyncset.done $0x0  }
0x35c: {  	[sflag:s3] =	ssyncadd.s32 $0xFFFFD800  }
0x35d: {  	_ =	swait.ge [sflag:s3], $0x2800  }
0x35e: {  	[sflag:s3] =	ssyncset.done $0x0  }
0x35f: {  	[sflag:s3] =	ssyncadd.s32 $0xFFFFD800  }
0x360: {  	_ =	swait.ge [sflag:s3], $0x2800  }
0x361: {  	[sflag:s3] =	ssyncset.done $0x0  }
0x362: {  	[sflag:s3] =	ssyncadd.s32 $0xFFFFD800  }
0x363: {  	_ =	swait.ge [sflag:s3], $0x2800  }
0x364: {  	[sflag:s3] =	ssyncset.done $0x0  }
0x365: {  	[sflag:s3] =	ssyncadd.s32 $0xFFFFD800  }
0x366: {  	_ =	swait.ge [sflag:s3], $0x2800  }
0x367: {  	[sflag:s3] =	ssyncset.done $0x0  }
0x368: {  	[sflag:s3] =	ssyncadd.s32 $0xFFFFD800  }
0x369: {  	_ =	swait.ge [sflag:s3], $0x2800  }
0x36a: {  	[sflag:s3] =	ssyncset.done $0x0  }
0x36b: {  	[sflag:s3] =	ssyncadd.s32 $0xFFFFD800  }
0x36c: {  	_ =	swait.ge [sflag:s3], $0x2800  }
0x36d: {  	[sflag:s3] =	ssyncset.done $0x0  }
0x36e: {  	[sflag:s3] =	ssyncadd.s32 $0xFFFFD800  }
0x36f: {  	_ =	swait.ge [sflag:s3], $0x2800  }
0x370: {  	[sflag:s3] =	ssyncset.done $0x0  }
0x371: {  	[sflag:s3] =	ssyncadd.s32 $0xFFFFD800  }
0x372: {  	_ =	swait.ge [sflag:s3], $0x2800  }
0x373: {  	[sflag:s3] =	ssyncset.done $0x0  }
0x374: {  	[sflag:s3] =	ssyncadd.s32 $0xFFFFD800  }
0x375: {  	_ =	swait.ge [sflag:s3], $0x2800  }
0x376: {  	[sflag:s3] =	ssyncset.done $0x0  }
0x377: {  	[sflag:s3] =	ssyncadd.s32 $0xFFFFD800  }
0x378: {  	_ =	swait.ge [sflag:s3], $0x2800  }
0x379: {  	[sflag:s3] =	ssyncset.done $0x0  }
0x37a: {  	[sflag:s3] =	ssyncadd.s32 $0xFFFFD800  }
0x37b: {  	_ =	swait.ge [sflag:s3], $0x2800  }
0x37c: {  	[sflag:s3] =	ssyncset.done $0x0  }
0x37d: {  	[sflag:s3] =	ssyncadd.s32 $0xFFFFD800  }
0x37e: {  	_ =	swait.ge [sflag:s3], $0x2800  }
0x37f: {  	[sflag:s3] =	ssyncset.done $0x0  }
0x380: {  	[sflag:s3] =	ssyncadd.s32 $0xFFFFD800  }
0x381: {  	_ =	swait.ge [sflag:s3], $0x2800  }
0x382: {  	[sflag:s3] =	ssyncset.done $0x0  }
0x383: {  	[sflag:s3] =	ssyncadd.s32 $0xFFFFD800  }
0x384: {  	_ =	swait.ge [sflag:s3], $0x2800  }
0x385: {  	[sflag:s3] =	ssyncset.done $0x0  }
0x386: {  	[sflag:s3] =	ssyncadd.s32 $0xFFFFD800  }
0x387: {  	_ =	swait.ge [sflag:s3], $0x2800  }
0x388: {  	[sflag:s3] =	ssyncset.done $0x0  }
0x389: {  	[sflag:s3] =	ssyncadd.s32 $0xFFFFD800  }
0x38a: {  	_ =	swait.ge [sflag:s3], $0x2800  }
0x38b: {  	[sflag:s3] =	ssyncset.done $0x0  }
0x38c: {  	[sflag:s3] =	ssyncadd.s32 $0xFFFFD800  }
0x38d: {  	_ =	swait.ge [sflag:s3], $0x2800  }
0x38e: {  	[sflag:s3] =	ssyncset.done $0x0  }
0x38f: {  	[sflag:s3] =	ssyncadd.s32 $0xFFFFD800  }
0x390: {  	_ =	swait.ge [sflag:s3], $0x2800  }
0x391: {  	[sflag:s3] =	ssyncset.done $0x0  }
0x392: {  	[sflag:s3] =	ssyncadd.s32 $0xFFFFD800  }
0x393: {  	_ =	swait.ge [sflag:s3], $0x2800  }
0x394: {  	[sflag:s3] =	ssyncset.done $0x0  }
0x395: {  	[sflag:s3] =	ssyncadd.s32 $0xFFFFD800  }
0x396: {  	_ =	swait.ge [sflag:s3], $0x2800  }
0x397: {  	[sflag:s3] =	ssyncset.done $0x0  }
0x398: {  	[sflag:s3] =	ssyncadd.s32 $0xFFFFD800  }
0x399: {  	_ =	swait.ge [sflag:s3], $0x2800  }
0x39a: {  	[sflag:s3] =	ssyncset.done $0x0  }
0x39b: {  	s7 =	stileid.u32;
	[sflag:s3] =	ssyncadd.s32 $0xFFFFD800  }
0x39c: {  	s6 =	sshll.u32 s7, $0x6;
	[bflag:$0x0] =	sbarrier.arrive $0xFFFF  }
0x39d: {  	s7 =	sshrl.u32 s4, $0x3;
	s6 =	sor.u32 $0x1C02, s6;
	s8 =	rddreg [dreg:$0x17]  }
0x39e: {  	[hbm:s8], [sflag:s6] =	dma.local [spmem:s7], $0x2780  }
0x39f: {  	_ =	swait.ge [sflag:s31], $0x2780  }
0x3a0: {  	s5 =	sadd.s32 $0x1, s5;
	s8 =	rddreg [dreg:$0x18]  }
0x3a1: {  	p0 =	sne.s32 s5, s8  }
.Ltmp7:
0x3a2: {  	_ = 	snop;
	(pc) =	sbr.rel @p0 .LBB2_1-.Ltmp7, $3  }
0x3a3: {  	_ =	sdelay $0x1  }
0x3a4: {  	[sflag:s31] =	ssyncset.done $0x0  }
0x3a5: {  	[sflag:s31] =	ssyncadd.s32 $0xFFFFD880  }
0x3a6: {  	_ =	sfence.sel $0x180000  }
0x3a7: {  	[bflag:$0x0] =	sbarrier.arrive $0xFFFF  }
0x3a8: {  	_ =	strace $0x90000047  }
0x3a9: {  	s0 =	stileid.u32;
	[bflag:$0x2] =	sbarrier.arrive $0xFFFF  }
0x3aa: {  	p0 =	sne.s32 s0, $0x0;
	s0 =	rddreg [dreg:$0x3]  }
0x3ab: {  	s0 =	sadd.s32 @!p0 $0x100000, s0  }
0x3ac: {  	[sflag:s0] =	ssyncadd.tile.s32 @!p0 $0x1;
	_ =	shalt  }
.Lfunc_end2:
_tile_overlayer_lowered:
.L_overlay_start_2:
0x3ad: {  	(tag) =	ssettag $0x2  }
0x3ae: {  	s0 =	rddreg [dreg:$0x0];
	s2 =	stileid.u32  }
0x3af: {  	s1 =	rddreg [dreg:$0x1];
	p0 =	sne.s32 s2, $0x0  }
0x3b0: {  	s3 =	rddreg [dreg:$0x2];
	[bflag:$0x3] =	sbarrier.arrive $0xFFFF;
	s2 =	simm.s32 @!p0 $0x1C02  }
0x3b1: {  	[timem:s3], [sflag:s2] =	dma.local @!p0 [hbm:s0], s1  }
0x3b2: {  	s0 =	simm.s32 @!p0 $0x2  }
0x3b3: {  	_ =	swait.ge @!p0 [sflag:s0], s1  }
0x3b4: {  	s1 =	ssub.s32 @!p0 $0x0, s1;
	[sflag:s0] =	ssyncset.done @!p0 $0x0  }
0x3b5: {  	[sflag:s0] =	ssyncadd.s32 @!p0 s1  }
0x3b6: {  	[bflag:$0x3] =	sbarrier.arrive $0xFFFF  }
0x3b7: {  	_ =	shalt  }

</sc_bundles>
